<compile_context>
chip_gen: v7x
topology: tpu7x:2x2x1
jax: 0.10.2.dev20260603
libtpu: 0.0.44.dev20260713+nightly
codegen_flags: <defaults>
</compile_context>

<pallas_src>
import functools

import jax
import jax.numpy as jnp
from jax import lax
from jax.experimental import pallas as pl
from jax.experimental.pallas import tpu as pltpu
from jax.experimental.pallas import tpu_sc as plsc

N = 100000
E = 6400000
N_PAD = 100352
ROWS_PER_TILE = N_PAD // 16

NW = 32
B = 128
CH = 16
PER_W = E // NW
N_SUPER = PER_W // (CH * B)
REM = PER_W - N_SUPER * CH * B
REM_FULL = REM // B
TAIL = REM - REM_FULL * B

_F = 8


@functools.lru_cache(maxsize=None)
def _sc_mesh():
    return plsc.VectorSubcoreMesh(core_axis_name="c", subcore_axis_name="s")


def _deg_body(dst, ones, zeros, out, dst_v, ones_v, acc_sh, ssem):
    cid = lax.axis_index("c")
    sid = lax.axis_index("s")
    w = cid * 16 + sid
    sl = pl.ds(sid * ROWS_PER_TILE, ROWS_PER_TILE)
    pltpu.sync_copy(zeros, acc_sh.at[sl])
    pltpu.sync_copy(ones, ones_v)
    plsc.subcore_barrier()
    base = w * PER_W

    def scatter_block(ndma, tail):
        def go(off):
            n = ndma * B + tail
            pltpu.sync_copy(dst.at[pl.ds(off, n)], dst_v.at[pl.ds(0, n)])
            sps = [
                pltpu.async_copy(
                    ones_v, acc_sh.at[dst_v.at[pl.ds(j * B, B)]], ssem, add=True
                )
                for j in range(ndma)
            ]
            if tail:
                sps.append(
                    pltpu.async_copy(
                        ones_v.at[pl.ds(0, tail)],
                        acc_sh.at[dst_v.at[pl.ds(ndma * B, tail)]],
                        ssem, add=True,
                    )
                )
            for s in sps:
                s.wait()
        return go

    full = scatter_block(CH, 0)

    def body(i, _):
        full(base + i * (CH * B))
        return 0

    lax.fori_loop(0, N_SUPER, body, 0)
    scatter_block(REM_FULL, TAIL)(base + N_SUPER * CH * B)
    plsc.subcore_barrier()
    pltpu.sync_copy(acc_sh.at[sl], out.at[cid, sl])


@functools.lru_cache(maxsize=None)
def _deg_call():
    return pl.kernel(
        _deg_body,
        out_type=jax.ShapeDtypeStruct((2, N_PAD), jnp.float32),
        mesh=_sc_mesh(),
        compiler_params=pltpu.CompilerParams(use_tc_tiling_on_sc=False),
        scratch_types=[
            pltpu.VMEM((CH * B,), jnp.int32),
            pltpu.VMEM((B,), jnp.float32),
            pltpu.VMEM_SHARED((N_PAD,), jnp.float32),
            pltpu.SemaphoreType.DMA,
        ],
    )


def _scatter_body(
    src, dst, p, zeros, out,
    src_v, dst_v, rows_v, tab_sh, acc_sh, gsem, ssem,
):
    cid = lax.axis_index("c")
    sid = lax.axis_index("s")
    w = cid * 16 + sid
    sl = pl.ds(sid * ROWS_PER_TILE, ROWS_PER_TILE)
    pltpu.sync_copy(zeros, acc_sh.at[sl])
    pltpu.sync_copy(p.at[sl], tab_sh.at[sl])
    plsc.subcore_barrier()
    base = w * PER_W

    def block(ndma, tail):
        def go(off):
            n = ndma * B + tail
            i0 = pltpu.async_copy(src.at[pl.ds(off, n)], src_v.at[pl.ds(0, n)], gsem)
            i1 = pltpu.async_copy(dst.at[pl.ds(off, n)], dst_v.at[pl.ds(0, n)], gsem)
            i0.wait()
            i1.wait()
            sizes = [B] * ndma + ([tail] if tail else [])
            cps = [
                pltpu.async_copy(
                    tab_sh.at[src_v.at[pl.ds(j * B, s)]],
                    rows_v.at[pl.ds(j * B, s)], gsem,
                )
                for j, s in enumerate(sizes)
            ]
            for c in cps:
                c.wait()
            sps = [
                pltpu.async_copy(
                    rows_v.at[pl.ds(j * B, s)],
                    acc_sh.at[dst_v.at[pl.ds(j * B, s)]], ssem, add=True,
                )
                for j, s in enumerate(sizes)
            ]
            for s_ in sps:
                s_.wait()
        return go

    full = block(CH, 0)

    def body(i, _):
        full(base + i * (CH * B))
        return 0

    lax.fori_loop(0, N_SUPER, body, 0)
    block(REM_FULL, TAIL)(base + N_SUPER * CH * B)
    plsc.subcore_barrier()
    pltpu.sync_copy(acc_sh.at[sl], out.at[cid, sl])


@functools.lru_cache(maxsize=None)
def _scatter_call():
    return pl.kernel(
        _scatter_body,
        out_type=jax.ShapeDtypeStruct((2, N_PAD, _F), jnp.float32),
        mesh=_sc_mesh(),
        compiler_params=pltpu.CompilerParams(use_tc_tiling_on_sc=False),
        scratch_types=[
            pltpu.VMEM((CH * B,), jnp.int32),
            pltpu.VMEM((CH * B,), jnp.int32),
            pltpu.VMEM((CH * B, _F), jnp.float32),
            pltpu.VMEM_SHARED((N_PAD, _F), jnp.float32),
            pltpu.VMEM_SHARED((N_PAD, _F), jnp.float32),
            pltpu.SemaphoreType.DMA,
            pltpu.SemaphoreType.DMA,
        ],
    )


BN = 2048
G = N_PAD // BN


def _dinv_of(degs_ref):
    deg = degs_ref[0:1, :] + degs_ref[1:2, :] + 1.0
    return lax.rsqrt(deg)


def _matmul_t(wt, a):
    acc = wt[:, 0:1] * a[0:1, :]
    for k in range(1, wt.shape[1]):
        acc = acc + wt[:, k : k + 1] * a[k : k + 1, :]
    return acc


def _tc1_body(degs_ref, x_ref, w1t_ref, h1_ref, p1_ref):
    dinv = _dinv_of(degs_ref)
    h1 = _matmul_t(w1t_ref[...], x_ref[...])
    h1_ref[...] = h1
    p1_ref[...] = dinv * h1


def _tc2_body(acc_ref, degs_ref, h1_ref, w2t_ref, b1_ref, h2_ref, p2_ref):
    dinv = _dinv_of(degs_ref)
    accs = acc_ref[0] + acc_ref[1]
    z1 = dinv * accs + dinv * dinv * h1_ref[...] + b1_ref[...]
    a = jnp.maximum(z1, 0.0)
    h2 = _matmul_t(w2t_ref[...], a)
    h2_ref[...] = h2
    p2 = dinv * h2
    p2_ref[...] = jnp.concatenate([p2, jnp.zeros((6, BN), jnp.float32)], axis=0)


def _tc3_body(acc_ref, degs_ref, h2_ref, b2_ref, out_ref):
    dinv = _dinv_of(degs_ref)
    accs = acc_ref[0, :2, :] + acc_ref[1, :2, :]
    z = dinv * accs + dinv * dinv * h2_ref[...] + b2_ref[...]
    m = jnp.max(z, axis=0, keepdims=True)
    out_ref[...] = z - m - jnp.log(jnp.sum(jnp.exp(z - m), axis=0, keepdims=True))


def _col_spec(f):
    return pl.BlockSpec((f, BN), lambda i: (0, i))


def _acc_spec():
    return pl.BlockSpec((2, _F, BN), lambda i: (0, 0, i))


def _const_spec(shape):
    return pl.BlockSpec(shape, lambda i: tuple(0 for _ in shape))


def _tc1(degs, x_t, w1t):
    return pl.pallas_call(
        _tc1_body,
        grid=(G,),
        in_specs=[_col_spec(2), _col_spec(3), _const_spec((8, 3))],
        out_specs=[_col_spec(8), _col_spec(8)],
        out_shape=[
            jax.ShapeDtypeStruct((8, N_PAD), jnp.float32),
            jax.ShapeDtypeStruct((8, N_PAD), jnp.float32),
        ],
    )(degs, x_t, w1t)


def _tc2(acc, degs, h1, w2t, b1c):
    return pl.pallas_call(
        _tc2_body,
        grid=(G,),
        in_specs=[
            _acc_spec(), _col_spec(2), _col_spec(8),
            _const_spec((2, 8)), _const_spec((8, 1)),
        ],
        out_specs=[_col_spec(2), _col_spec(8)],
        out_shape=[
            jax.ShapeDtypeStruct((2, N_PAD), jnp.float32),
            jax.ShapeDtypeStruct((8, N_PAD), jnp.float32),
        ],
    )(acc, degs, h1, w2t, b1c)


def _tc3(acc, degs, h2, b2c):
    return pl.pallas_call(
        _tc3_body,
        grid=(G,),
        in_specs=[
            _acc_spec(), _col_spec(2), _col_spec(2), _const_spec((2, 1)),
        ],
        out_specs=_col_spec(2),
        out_shape=jax.ShapeDtypeStruct((2, N_PAD), jnp.float32),
    )(acc, degs, h2, b2c)


@jax.jit
def kernel(x, edge_index, W1, b1, W2, b2):
    ei = edge_index.astype(jnp.int32)
    src = ei[0]
    dst = ei[1]
    x_t = x.T
    zeros1 = jnp.zeros((ROWS_PER_TILE,), jnp.float32)
    zeros8 = jnp.zeros((ROWS_PER_TILE, _F), jnp.float32)
    ones = jnp.ones((B,), jnp.float32)

    degs = _deg_call()(dst, ones, zeros1)
    h1, p1 = _tc1(degs, x_t, W1.T)
    acc1 = _scatter_call()(src, dst, p1.T, zeros8)
    acc1_t = jnp.transpose(acc1, (0, 2, 1))
    h2, p2 = _tc2(acc1_t, degs, h1, W2.T, b1.reshape(8, 1))
    acc2 = _scatter_call()(src, dst, p2.T, zeros8)
    acc2_t = jnp.transpose(acc2, (0, 2, 1))
    out_t = _tc3(acc2_t, degs, h2, b2.reshape(2, 1))
    return out_t[:, :N].T

# --- scband reference (transcript-rebuilt; emitter-appended) ---
"""Pipeline reference for scband-gcn-66357244723265 (READ-ONLY COPY).

The authoritative reference and input builder live on the scoring server;
editing this copy changes nothing except your own understanding.
"""

import jax, jax.numpy as jnp
import numpy as np

N_NODES = 100000
N_EDGES = 6400000


def gcn_conv(x, edge_index, W, b, num_nodes):
    src = edge_index[0]
    dst = edge_index[1]
    # add self-loops (PyG GCNConv default)
    loop = jnp.arange(num_nodes, dtype=src.dtype)
    src = jnp.concatenate([src, loop])
    dst = jnp.concatenate([dst, loop])
    # symmetric normalization D^-1/2 (A+I) D^-1/2
    deg = jnp.zeros((num_nodes,), dtype=x.dtype).at[dst].add(1.0)
    dinv = jnp.where(deg > 0, deg ** -0.5, 0.0)
    norm = dinv[src] * dinv[dst]
    h = x @ W
    msg = h[src] * norm[:, None]
    out = jnp.zeros((num_nodes, W.shape[1]), dtype=x.dtype).at[dst].add(msg)
    return out + b


def setup_inputs(seed: int = 0) -> dict:
    key = jax.random.key(seed)
    k1, k2, k3, k4, k5, k6 = jax.random.split(key, 6)
    x = jax.random.normal(k1, (N_NODES, 3), dtype=jnp.float32)
    edge_index = jax.random.randint(k2, (2, N_EDGES), 0, N_NODES, dtype=jnp.int64)
    W1 = jax.random.normal(k3, (3, 8), dtype=jnp.float32) * (1.0 / np.sqrt(3))
    b1 = jnp.zeros((8,), dtype=jnp.float32)
    W2 = jax.random.normal(k4, (8, 2), dtype=jnp.float32) * (1.0 / np.sqrt(8))
    b2 = jnp.zeros((2,), dtype=jnp.float32)
    return {"x": x, "edge_index": edge_index, "W1": W1, "b1": b1, "W2": W2, "b2": b2}


def reference(x, edge_index, W1, b1, W2, b2):
    num_nodes = x.shape[0]
    h = gcn_conv(x, edge_index, W1, b1, num_nodes)
    h = jax.nn.relu(h)
    # dropout is identity in eval mode
    h = gcn_conv(h, edge_index, W2, b2, num_nodes)
    return jax.nn.log_softmax(h, axis=1)

if __name__ == "__main__":
    import jax
    _d = setup_inputs()
    print(jax.jit(kernel)(*tuple(_d.values())))

</pallas_src>

<mosaic_0001>
#map = affine_map<(d0, d1) -> (0)>
#map1 = affine_map<(d0, d1) -> (0, 0)>
#map2 = affine_map<(d0, d1) -> (0, 0, 0)>
module attributes {stable_mosaic.version = 14 : i64} {
  func.func @_scatter_body(%arg0: i32, %arg1: i32, %arg2: memref<6400000xi32, #tpu.memory_space<hbm>>, %arg3: memref<6400000xi32, #tpu.memory_space<hbm>>, %arg4: memref<100352x8xf32, #tpu.memory_space<hbm>>, %arg5: memref<6272x8xf32, #tpu.memory_space<hbm>>, %arg6: memref<2x100352x8xf32, #tpu.memory_space<hbm>>, %arg7: memref<2048xi32, #tpu.memory_space<vmem>>, %arg8: memref<2048xi32, #tpu.memory_space<vmem>>, %arg9: memref<2048x8xf32, #tpu.memory_space<vmem>>, %arg10: memref<100352x8xf32, #tpu.memory_space<vmem_shared>>, %arg11: memref<100352x8xf32, #tpu.memory_space<vmem_shared>>, %arg12: memref<!tpu.dma_semaphore, #tpu.memory_space<semaphore_mem>>, %arg13: memref<!tpu.dma_semaphore, #tpu.memory_space<semaphore_mem>>) attributes {dimension_semantics = [#tpu.dimension_semantics<core_parallel>, #tpu.dimension_semantics<subcore_parallel>], iteration_bounds = array<i64: 2, 16>, scalar_prefetch = 0 : i64, scratch_operands = 7 : i64, tpu.core_type = #tpu.core_type<sc_vector_subcore>, window_params = [{transform_indices = #map}, {transform_indices = #map}, {transform_indices = #map1}, {transform_indices = #map1}, {transform_indices = #map2}]} {
    %mul3A = arith.constant 16 : i32
    %mul3A_0 = arith.muli %arg0, %mul3A : i32
    %add3A = arith.addi %mul3A_0, %arg1 : i32
    %mul3A_1 = arith.constant 6272 : i32
    %mul3A_2 = arith.muli %arg1, %mul3A_1 : i32
    "tpu.region"() ({
      %run_scoped3A = tpu.sem_alloc : memref<!tpu.dma_semaphore, #tpu.memory_space<semaphore_mem>>
      %dma_start3A_388 = arith.constant 0 : i32
      %dma_start3A_389 = tpu.memref_slice %arg11[%mul3A_2, %dma_start3A_388] : memref<100352x8xf32, #tpu.memory_space<vmem_shared>> -> memref<6272x8xf32, #tpu.memory_space<vmem_shared>>
      tpu.enqueue_dma source(%arg5 : memref<6272x8xf32, #tpu.memory_space<hbm>>) target(%dma_start3A_389 : memref<6272x8xf32, #tpu.memory_space<vmem_shared>>) target_semaphore(%run_scoped3A : memref<!tpu.dma_semaphore, #tpu.memory_space<semaphore_mem>>)
      %dma_wait3A_390 = arith.constant 0 : i32
      %dma_wait3A_391 = tpu.memref_slice %arg11[%mul3A_2, %dma_wait3A_390] : memref<100352x8xf32, #tpu.memory_space<vmem_shared>> -> memref<6272x8xf32, #tpu.memory_space<vmem_shared>>
      tpu.wait_dma2 semaphore(%run_scoped3A : memref<!tpu.dma_semaphore, #tpu.memory_space<semaphore_mem>>) src(%arg5 : memref<6272x8xf32, #tpu.memory_space<hbm>>) dst(%dma_wait3A_391 : memref<6272x8xf32, #tpu.memory_space<vmem_shared>>)
      tpu.yield
    }) : () -> ()
    "tpu.region"() ({
      %run_scoped3A = tpu.sem_alloc : memref<!tpu.dma_semaphore, #tpu.memory_space<semaphore_mem>>
      %dma_start3A_388 = arith.constant 0 : i32
      %dma_start3A_389 = tpu.memref_slice %arg10[%mul3A_2, %dma_start3A_388] : memref<100352x8xf32, #tpu.memory_space<vmem_shared>> -> memref<6272x8xf32, #tpu.memory_space<vmem_shared>>
      %dma_start3A_390 = arith.constant 0 : i32
      %dma_start3A_391 = tpu.memref_slice %arg4[%mul3A_2, %dma_start3A_390] : memref<100352x8xf32, #tpu.memory_space<hbm>> -> memref<6272x8xf32, #tpu.memory_space<hbm>>
      tpu.enqueue_dma source(%dma_start3A_391 : memref<6272x8xf32, #tpu.memory_space<hbm>>) target(%dma_start3A_389 : memref<6272x8xf32, #tpu.memory_space<vmem_shared>>) target_semaphore(%run_scoped3A : memref<!tpu.dma_semaphore, #tpu.memory_space<semaphore_mem>>)
      %dma_wait3A_392 = arith.constant 0 : i32
      %dma_wait3A_393 = tpu.memref_slice %arg10[%mul3A_2, %dma_wait3A_392] : memref<100352x8xf32, #tpu.memory_space<vmem_shared>> -> memref<6272x8xf32, #tpu.memory_space<vmem_shared>>
      %dma_wait3A_394 = arith.constant 0 : i32
      %dma_wait3A_395 = tpu.memref_slice %arg4[%mul3A_2, %dma_wait3A_394] : memref<100352x8xf32, #tpu.memory_space<hbm>> -> memref<6272x8xf32, #tpu.memory_space<hbm>>
      tpu.wait_dma2 semaphore(%run_scoped3A : memref<!tpu.dma_semaphore, #tpu.memory_space<semaphore_mem>>) src(%dma_wait3A_395 : memref<6272x8xf32, #tpu.memory_space<hbm>>) dst(%dma_wait3A_393 : memref<6272x8xf32, #tpu.memory_space<vmem_shared>>)
      tpu.yield
    }) : () -> ()
    %barrier3A = arith.constant 0 : index
    tpu.barrier barrier_id(%barrier3A)
    %mul3A_3 = arith.constant 200000 : i32
    %mul3A_4 = arith.muli %add3A, %mul3A_3 : i32
    %scan3A = arith.constant 0 : i32
    %scan3A_5 = arith.constant 0 : i32
    %scan3A_6 = arith.constant 97 : i32
    %scan3A_7 = arith.addi %scan3A_5, %scan3A_6 : i32
    %scan3A_8 = arith.constant 1 : i32
    %scan3A_9 = scf.for %scan3A_388 = %scan3A_5 to %scan3A_7 step %scan3A_8 iter_args(%scan3A_389 = %scan3A) -> (i32)  : i32 {
      %mul3A_390 = arith.constant 2048 : i32
      %mul3A_391 = arith.muli %scan3A_388, %mul3A_390 : i32
      %add3A_392 = arith.addi %mul3A_4, %mul3A_391 : i32
      %dma_start3A_393 = arith.constant 0 : i32
      %dma_start3A_394 = tpu.memref_slice %arg7[%dma_start3A_393] : memref<2048xi32, #tpu.memory_space<vmem>> -> memref<2048xi32, #tpu.memory_space<vmem>>
      %dma_start3A_395 = tpu.memref_slice %arg2[%add3A_392] : memref<6400000xi32, #tpu.memory_space<hbm>> -> memref<2048xi32, #tpu.memory_space<hbm>>
      %dma_start3A_396 = arith.constant 0 : i32
      %dma_start3A_397 = tpu.memref_slice %arg7[%dma_start3A_396] : memref<2048xi32, #tpu.memory_space<vmem>> -> memref<2048xi32, #tpu.memory_space<vmem>>
      %dma_start3A_398 = tpu.memref_slice %arg2[%add3A_392] : memref<6400000xi32, #tpu.memory_space<hbm>> -> memref<2048xi32, #tpu.memory_space<hbm>>
      tpu.enqueue_dma source(%dma_start3A_398 : memref<2048xi32, #tpu.memory_space<hbm>>) target(%dma_start3A_397 : memref<2048xi32, #tpu.memory_space<vmem>>) target_semaphore(%arg12 : memref<!tpu.dma_semaphore, #tpu.memory_space<semaphore_mem>>)
      %dma_start3A_399 = arith.constant 0 : i32
      %dma_start3A_400 = tpu.memref_slice %arg8[%dma_start3A_399] : memref<2048xi32, #tpu.memory_space<vmem>> -> memref<2048xi32, #tpu.memory_space<vmem>>
      %dma_start3A_401 = tpu.memref_slice %arg3[%add3A_392] : memref<6400000xi32, #tpu.memory_space<hbm>> -> memref<2048xi32, #tpu.memory_space<hbm>>
      %dma_start3A_402 = arith.constant 0 : i32
      %dma_start3A_403 = tpu.memref_slice %arg8[%dma_start3A_402] : memref<2048xi32, #tpu.memory_space<vmem>> -> memref<2048xi32, #tpu.memory_space<vmem>>
      %dma_start3A_404 = tpu.memref_slice %arg3[%add3A_392] : memref<6400000xi32, #tpu.memory_space<hbm>> -> memref<2048xi32, #tpu.memory_space<hbm>>
      tpu.enqueue_dma source(%dma_start3A_404 : memref<2048xi32, #tpu.memory_space<hbm>>) target(%dma_start3A_403 : memref<2048xi32, #tpu.memory_space<vmem>>) target_semaphore(%arg12 : memref<!tpu.dma_semaphore, #tpu.memory_space<semaphore_mem>>)
      %dma_wait3A_405 = arith.constant 0 : i32
      %dma_wait3A_406 = tpu.memref_slice %arg7[%dma_wait3A_405] : memref<2048xi32, #tpu.memory_space<vmem>> -> memref<2048xi32, #tpu.memory_space<vmem>>
      %dma_wait3A_407 = tpu.memref_slice %arg2[%add3A_392] : memref<6400000xi32, #tpu.memory_space<hbm>> -> memref<2048xi32, #tpu.memory_space<hbm>>
      %dma_wait3A_408 = arith.constant 0 : i32
      %dma_wait3A_409 = tpu.memref_slice %arg7[%dma_wait3A_408] : memref<2048xi32, #tpu.memory_space<vmem>> -> memref<2048xi32, #tpu.memory_space<vmem>>
      %dma_wait3A_410 = tpu.memref_slice %arg2[%add3A_392] : memref<6400000xi32, #tpu.memory_space<hbm>> -> memref<2048xi32, #tpu.memory_space<hbm>>
      tpu.wait_dma2 semaphore(%arg12 : memref<!tpu.dma_semaphore, #tpu.memory_space<semaphore_mem>>) src(%dma_wait3A_410 : memref<2048xi32, #tpu.memory_space<hbm>>) dst(%dma_wait3A_409 : memref<2048xi32, #tpu.memory_space<vmem>>)
      %dma_wait3A_411 = arith.constant 0 : i32
      %dma_wait3A_412 = tpu.memref_slice %arg8[%dma_wait3A_411] : memref<2048xi32, #tpu.memory_space<vmem>> -> memref<2048xi32, #tpu.memory_space<vmem>>
      %dma_wait3A_413 = tpu.memref_slice %arg3[%add3A_392] : memref<6400000xi32, #tpu.memory_space<hbm>> -> memref<2048xi32, #tpu.memory_space<hbm>>
      %dma_wait3A_414 = arith.constant 0 : i32
      %dma_wait3A_415 = tpu.memref_slice %arg8[%dma_wait3A_414] : memref<2048xi32, #tpu.memory_space<vmem>> -> memref<2048xi32, #tpu.memory_space<vmem>>
      %dma_wait3A_416 = tpu.memref_slice %arg3[%add3A_392] : memref<6400000xi32, #tpu.memory_space<hbm>> -> memref<2048xi32, #tpu.memory_space<hbm>>
      tpu.wait_dma2 semaphore(%arg12 : memref<!tpu.dma_semaphore, #tpu.memory_space<semaphore_mem>>) src(%dma_wait3A_416 : memref<2048xi32, #tpu.memory_space<hbm>>) dst(%dma_wait3A_415 : memref<2048xi32, #tpu.memory_space<vmem>>)
      %dma_start3A_417 = arith.constant 0 : i32
      %dma_start3A_418 = arith.constant 0 : i32
      %dma_start3A_419 = tpu.memref_slice %arg9[%dma_start3A_417, %dma_start3A_418] : memref<2048x8xf32, #tpu.memory_space<vmem>> -> memref<128x8xf32, #tpu.memory_space<vmem>>
      %dma_start3A_420 = arith.constant 0 : i32
      %dma_start3A_421 = tpu.memref_slice %arg7[%dma_start3A_420] : memref<2048xi32, #tpu.memory_space<vmem>> -> memref<128xi32, #tpu.memory_space<vmem>>
      %dma_start3A_422 = arith.constant 0 : i32
      %dma_start3A_423 = arith.constant 0 : i32
      %dma_start3A_424 = tpu.memref_slice %arg10[%dma_start3A_422, %dma_start3A_423] : memref<100352x8xf32, #tpu.memory_space<vmem_shared>> -> memref<100352x8xf32, #tpu.memory_space<vmem_shared>>
      tpu.enqueue_indirect_dma source(%dma_start3A_424 : memref<100352x8xf32, #tpu.memory_space<vmem_shared>>) target(%dma_start3A_419 : memref<128x8xf32, #tpu.memory_space<vmem>>) offsets(%dma_start3A_421 : memref<128xi32, #tpu.memory_space<vmem>>) semaphore(%arg12 : memref<!tpu.dma_semaphore, #tpu.memory_space<semaphore_mem>>)
      %dma_start3A_425 = arith.constant 128 : i32
      %dma_start3A_426 = arith.constant 0 : i32
      %dma_start3A_427 = tpu.memref_slice %arg9[%dma_start3A_425, %dma_start3A_426] : memref<2048x8xf32, #tpu.memory_space<vmem>> -> memref<128x8xf32, #tpu.memory_space<vmem>>
      %dma_start3A_428 = arith.constant 128 : i32
      %dma_start3A_429 = tpu.memref_slice %arg7[%dma_start3A_428] : memref<2048xi32, #tpu.memory_space<vmem>> -> memref<128xi32, #tpu.memory_space<vmem>>
      %dma_start3A_430 = arith.constant 0 : i32
      %dma_start3A_431 = arith.constant 0 : i32
      %dma_start3A_432 = tpu.memref_slice %arg10[%dma_start3A_430, %dma_start3A_431] : memref<100352x8xf32, #tpu.memory_space<vmem_shared>> -> memref<100352x8xf32, #tpu.memory_space<vmem_shared>>
      tpu.enqueue_indirect_dma source(%dma_start3A_432 : memref<100352x8xf32, #tpu.memory_space<vmem_shared>>) target(%dma_start3A_427 : memref<128x8xf32, #tpu.memory_space<vmem>>) offsets(%dma_start3A_429 : memref<128xi32, #tpu.memory_space<vmem>>) semaphore(%arg12 : memref<!tpu.dma_semaphore, #tpu.memory_space<semaphore_mem>>)
      %dma_start3A_433 = arith.constant 256 : i32
      %dma_start3A_434 = arith.constant 0 : i32
      %dma_start3A_435 = tpu.memref_slice %arg9[%dma_start3A_433, %dma_start3A_434] : memref<2048x8xf32, #tpu.memory_space<vmem>> -> memref<128x8xf32, #tpu.memory_space<vmem>>
      %dma_start3A_436 = arith.constant 256 : i32
      %dma_start3A_437 = tpu.memref_slice %arg7[%dma_start3A_436] : memref<2048xi32, #tpu.memory_space<vmem>> -> memref<128xi32, #tpu.memory_space<vmem>>
      %dma_start3A_438 = arith.constant 0 : i32
      %dma_start3A_439 = arith.constant 0 : i32
      %dma_start3A_440 = tpu.memref_slice %arg10[%dma_start3A_438, %dma_start3A_439] : memref<100352x8xf32, #tpu.memory_space<vmem_shared>> -> memref<100352x8xf32, #tpu.memory_space<vmem_shared>>
      tpu.enqueue_indirect_dma source(%dma_start3A_440 : memref<100352x8xf32, #tpu.memory_space<vmem_shared>>) target(%dma_start3A_435 : memref<128x8xf32, #tpu.memory_space<vmem>>) offsets(%dma_start3A_437 : memref<128xi32, #tpu.memory_space<vmem>>) semaphore(%arg12 : memref<!tpu.dma_semaphore, #tpu.memory_space<semaphore_mem>>)
      %dma_start3A_441 = arith.constant 384 : i32
      %dma_start3A_442 = arith.constant 0 : i32
      %dma_start3A_443 = tpu.memref_slice %arg9[%dma_start3A_441, %dma_start3A_442] : memref<2048x8xf32, #tpu.memory_space<vmem>> -> memref<128x8xf32, #tpu.memory_space<vmem>>
      %dma_start3A_444 = arith.constant 384 : i32
      %dma_start3A_445 = tpu.memref_slice %arg7[%dma_start3A_444] : memref<2048xi32, #tpu.memory_space<vmem>> -> memref<128xi32, #tpu.memory_space<vmem>>
      %dma_start3A_446 = arith.constant 0 : i32
      %dma_start3A_447 = arith.constant 0 : i32
      %dma_start3A_448 = tpu.memref_slice %arg10[%dma_start3A_446, %dma_start3A_447] : memref<100352x8xf32, #tpu.memory_space<vmem_shared>> -> memref<100352x8xf32, #tpu.memory_space<vmem_shared>>
      tpu.enqueue_indirect_dma source(%dma_start3A_448 : memref<100352x8xf32, #tpu.memory_space<vmem_shared>>) target(%dma_start3A_443 : memref<128x8xf32, #tpu.memory_space<vmem>>) offsets(%dma_start3A_445 : memref<128xi32, #tpu.memory_space<vmem>>) semaphore(%arg12 : memref<!tpu.dma_semaphore, #tpu.memory_space<semaphore_mem>>)
      %dma_start3A_449 = arith.constant 512 : i32
      %dma_start3A_450 = arith.constant 0 : i32
      %dma_start3A_451 = tpu.memref_slice %arg9[%dma_start3A_449, %dma_start3A_450] : memref<2048x8xf32, #tpu.memory_space<vmem>> -> memref<128x8xf32, #tpu.memory_space<vmem>>
      %dma_start3A_452 = arith.constant 512 : i32
      %dma_start3A_453 = tpu.memref_slice %arg7[%dma_start3A_452] : memref<2048xi32, #tpu.memory_space<vmem>> -> memref<128xi32, #tpu.memory_space<vmem>>
      %dma_start3A_454 = arith.constant 0 : i32
      %dma_start3A_455 = arith.constant 0 : i32
      %dma_start3A_456 = tpu.memref_slice %arg10[%dma_start3A_454, %dma_start3A_455] : memref<100352x8xf32, #tpu.memory_space<vmem_shared>> -> memref<100352x8xf32, #tpu.memory_space<vmem_shared>>
      tpu.enqueue_indirect_dma source(%dma_start3A_456 : memref<100352x8xf32, #tpu.memory_space<vmem_shared>>) target(%dma_start3A_451 : memref<128x8xf32, #tpu.memory_space<vmem>>) offsets(%dma_start3A_453 : memref<128xi32, #tpu.memory_space<vmem>>) semaphore(%arg12 : memref<!tpu.dma_semaphore, #tpu.memory_space<semaphore_mem>>)
      %dma_start3A_457 = arith.constant 640 : i32
      %dma_start3A_458 = arith.constant 0 : i32
      %dma_start3A_459 = tpu.memref_slice %arg9[%dma_start3A_457, %dma_start3A_458] : memref<2048x8xf32, #tpu.memory_space<vmem>> -> memref<128x8xf32, #tpu.memory_space<vmem>>
      %dma_start3A_460 = arith.constant 640 : i32
      %dma_start3A_461 = tpu.memref_slice %arg7[%dma_start3A_460] : memref<2048xi32, #tpu.memory_space<vmem>> -> memref<128xi32, #tpu.memory_space<vmem>>
      %dma_start3A_462 = arith.constant 0 : i32
      %dma_start3A_463 = arith.constant 0 : i32
      %dma_start3A_464 = tpu.memref_slice %arg10[%dma_start3A_462, %dma_start3A_463] : memref<100352x8xf32, #tpu.memory_space<vmem_shared>> -> memref<100352x8xf32, #tpu.memory_space<vmem_shared>>
      tpu.enqueue_indirect_dma source(%dma_start3A_464 : memref<100352x8xf32, #tpu.memory_space<vmem_shared>>) target(%dma_start3A_459 : memref<128x8xf32, #tpu.memory_space<vmem>>) offsets(%dma_start3A_461 : memref<128xi32, #tpu.memory_space<vmem>>) semaphore(%arg12 : memref<!tpu.dma_semaphore, #tpu.memory_space<semaphore_mem>>)
      %dma_start3A_465 = arith.constant 768 : i32
      %dma_start3A_466 = arith.constant 0 : i32
      %dma_start3A_467 = tpu.memref_slice %arg9[%dma_start3A_465, %dma_start3A_466] : memref<2048x8xf32, #tpu.memory_space<vmem>> -> memref<128x8xf32, #tpu.memory_space<vmem>>
      %dma_start3A_468 = arith.constant 768 : i32
      %dma_start3A_469 = tpu.memref_slice %arg7[%dma_start3A_468] : memref<2048xi32, #tpu.memory_space<vmem>> -> memref<128xi32, #tpu.memory_space<vmem>>
      %dma_start3A_470 = arith.constant 0 : i32
      %dma_start3A_471 = arith.constant 0 : i32
      %dma_start3A_472 = tpu.memref_slice %arg10[%dma_start3A_470, %dma_start3A_471] : memref<100352x8xf32, #tpu.memory_space<vmem_shared>> -> memref<100352x8xf32, #tpu.memory_space<vmem_shared>>
      tpu.enqueue_indirect_dma source(%dma_start3A_472 : memref<100352x8xf32, #tpu.memory_space<vmem_shared>>) target(%dma_start3A_467 : memref<128x8xf32, #tpu.memory_space<vmem>>) offsets(%dma_start3A_469 : memref<128xi32, #tpu.memory_space<vmem>>) semaphore(%arg12 : memref<!tpu.dma_semaphore, #tpu.memory_space<semaphore_mem>>)
      %dma_start3A_473 = arith.constant 896 : i32
      %dma_start3A_474 = arith.constant 0 : i32
      %dma_start3A_475 = tpu.memref_slice %arg9[%dma_start3A_473, %dma_start3A_474] : memref<2048x8xf32, #tpu.memory_space<vmem>> -> memref<128x8xf32, #tpu.memory_space<vmem>>
      %dma_start3A_476 = arith.constant 896 : i32
      %dma_start3A_477 = tpu.memref_slice %arg7[%dma_start3A_476] : memref<2048xi32, #tpu.memory_space<vmem>> -> memref<128xi32, #tpu.memory_space<vmem>>
      %dma_start3A_478 = arith.constant 0 : i32
      %dma_start3A_479 = arith.constant 0 : i32
      %dma_start3A_480 = tpu.memref_slice %arg10[%dma_start3A_478, %dma_start3A_479] : memref<100352x8xf32, #tpu.memory_space<vmem_shared>> -> memref<100352x8xf32, #tpu.memory_space<vmem_shared>>
      tpu.enqueue_indirect_dma source(%dma_start3A_480 : memref<100352x8xf32, #tpu.memory_space<vmem_shared>>) target(%dma_start3A_475 : memref<128x8xf32, #tpu.memory_space<vmem>>) offsets(%dma_start3A_477 : memref<128xi32, #tpu.memory_space<vmem>>) semaphore(%arg12 : memref<!tpu.dma_semaphore, #tpu.memory_space<semaphore_mem>>)
      %dma_start3A_481 = arith.constant 1024 : i32
      %dma_start3A_482 = arith.constant 0 : i32
      %dma_start3A_483 = tpu.memref_slice %arg9[%dma_start3A_481, %dma_start3A_482] : memref<2048x8xf32, #tpu.memory_space<vmem>> -> memref<128x8xf32, #tpu.memory_space<vmem>>
      %dma_start3A_484 = arith.constant 1024 : i32
      %dma_start3A_485 = tpu.memref_slice %arg7[%dma_start3A_484] : memref<2048xi32, #tpu.memory_space<vmem>> -> memref<128xi32, #tpu.memory_space<vmem>>
      %dma_start3A_486 = arith.constant 0 : i32
      %dma_start3A_487 = arith.constant 0 : i32
      %dma_start3A_488 = tpu.memref_slice %arg10[%dma_start3A_486, %dma_start3A_487] : memref<100352x8xf32, #tpu.memory_space<vmem_shared>> -> memref<100352x8xf32, #tpu.memory_space<vmem_shared>>
      tpu.enqueue_indirect_dma source(%dma_start3A_488 : memref<100352x8xf32, #tpu.memory_space<vmem_shared>>) target(%dma_start3A_483 : memref<128x8xf32, #tpu.memory_space<vmem>>) offsets(%dma_start3A_485 : memref<128xi32, #tpu.memory_space<vmem>>) semaphore(%arg12 : memref<!tpu.dma_semaphore, #tpu.memory_space<semaphore_mem>>)
      %dma_start3A_489 = arith.constant 1152 : i32
      %dma_start3A_490 = arith.constant 0 : i32
      %dma_start3A_491 = tpu.memref_slice %arg9[%dma_start3A_489, %dma_start3A_490] : memref<2048x8xf32, #tpu.memory_space<vmem>> -> memref<128x8xf32, #tpu.memory_space<vmem>>
      %dma_start3A_492 = arith.constant 1152 : i32
      %dma_start3A_493 = tpu.memref_slice %arg7[%dma_start3A_492] : memref<2048xi32, #tpu.memory_space<vmem>> -> memref<128xi32, #tpu.memory_space<vmem>>
      %dma_start3A_494 = arith.constant 0 : i32
      %dma_start3A_495 = arith.constant 0 : i32
      %dma_start3A_496 = tpu.memref_slice %arg10[%dma_start3A_494, %dma_start3A_495] : memref<100352x8xf32, #tpu.memory_space<vmem_shared>> -> memref<100352x8xf32, #tpu.memory_space<vmem_shared>>
      tpu.enqueue_indirect_dma source(%dma_start3A_496 : memref<100352x8xf32, #tpu.memory_space<vmem_shared>>) target(%dma_start3A_491 : memref<128x8xf32, #tpu.memory_space<vmem>>) offsets(%dma_start3A_493 : memref<128xi32, #tpu.memory_space<vmem>>) semaphore(%arg12 : memref<!tpu.dma_semaphore, #tpu.memory_space<semaphore_mem>>)
      %dma_start3A_497 = arith.constant 1280 : i32
      %dma_start3A_498 = arith.constant 0 : i32
      %dma_start3A_499 = tpu.memref_slice %arg9[%dma_start3A_497, %dma_start3A_498] : memref<2048x8xf32, #tpu.memory_space<vmem>> -> memref<128x8xf32, #tpu.memory_space<vmem>>
      %dma_start3A_500 = arith.constant 1280 : i32
      %dma_start3A_501 = tpu.memref_slice %arg7[%dma_start3A_500] : memref<2048xi32, #tpu.memory_space<vmem>> -> memref<128xi32, #tpu.memory_space<vmem>>
      %dma_start3A_502 = arith.constant 0 : i32
      %dma_start3A_503 = arith.constant 0 : i32
      %dma_start3A_504 = tpu.memref_slice %arg10[%dma_start3A_502, %dma_start3A_503] : memref<100352x8xf32, #tpu.memory_space<vmem_shared>> -> memref<100352x8xf32, #tpu.memory_space<vmem_shared>>
      tpu.enqueue_indirect_dma source(%dma_start3A_504 : memref<100352x8xf32, #tpu.memory_space<vmem_shared>>) target(%dma_start3A_499 : memref<128x8xf32, #tpu.memory_space<vmem>>) offsets(%dma_start3A_501 : memref<128xi32, #tpu.memory_space<vmem>>) semaphore(%arg12 : memref<!tpu.dma_semaphore, #tpu.memory_space<semaphore_mem>>)
      %dma_start3A_505 = arith.constant 1408 : i32
      %dma_start3A_506 = arith.constant 0 : i32
      %dma_start3A_507 = tpu.memref_slice %arg9[%dma_start3A_505, %dma_start3A_506] : memref<2048x8xf32, #tpu.memory_space<vmem>> -> memref<128x8xf32, #tpu.memory_space<vmem>>
      %dma_start3A_508 = arith.constant 1408 : i32
      %dma_start3A_509 = tpu.memref_slice %arg7[%dma_start3A_508] : memref<2048xi32, #tpu.memory_space<vmem>> -> memref<128xi32, #tpu.memory_space<vmem>>
      %dma_start3A_510 = arith.constant 0 : i32
      %dma_start3A_511 = arith.constant 0 : i32
      %dma_start3A_512 = tpu.memref_slice %arg10[%dma_start3A_510, %dma_start3A_511] : memref<100352x8xf32, #tpu.memory_space<vmem_shared>> -> memref<100352x8xf32, #tpu.memory_space<vmem_shared>>
      tpu.enqueue_indirect_dma source(%dma_start3A_512 : memref<100352x8xf32, #tpu.memory_space<vmem_shared>>) target(%dma_start3A_507 : memref<128x8xf32, #tpu.memory_space<vmem>>) offsets(%dma_start3A_509 : memref<128xi32, #tpu.memory_space<vmem>>) semaphore(%arg12 : memref<!tpu.dma_semaphore, #tpu.memory_space<semaphore_mem>>)
      %dma_start3A_513 = arith.constant 1536 : i32
      %dma_start3A_514 = arith.constant 0 : i32
      %dma_start3A_515 = tpu.memref_slice %arg9[%dma_start3A_513, %dma_start3A_514] : memref<2048x8xf32, #tpu.memory_space<vmem>> -> memref<128x8xf32, #tpu.memory_space<vmem>>
      %dma_start3A_516 = arith.constant 1536 : i32
      %dma_start3A_517 = tpu.memref_slice %arg7[%dma_start3A_516] : memref<2048xi32, #tpu.memory_space<vmem>> -> memref<128xi32, #tpu.memory_space<vmem>>
      %dma_start3A_518 = arith.constant 0 : i32
      %dma_start3A_519 = arith.constant 0 : i32
      %dma_start3A_520 = tpu.memref_slice %arg10[%dma_start3A_518, %dma_start3A_519] : memref<100352x8xf32, #tpu.memory_space<vmem_shared>> -> memref<100352x8xf32, #tpu.memory_space<vmem_shared>>
      tpu.enqueue_indirect_dma source(%dma_start3A_520 : memref<100352x8xf32, #tpu.memory_space<vmem_shared>>) target(%dma_start3A_515 : memref<128x8xf32, #tpu.memory_space<vmem>>) offsets(%dma_start3A_517 : memref<128xi32, #tpu.memory_space<vmem>>) semaphore(%arg12 : memref<!tpu.dma_semaphore, #tpu.memory_space<semaphore_mem>>)
      %dma_start3A_521 = arith.constant 1664 : i32
      %dma_start3A_522 = arith.constant 0 : i32
      %dma_start3A_523 = tpu.memref_slice %arg9[%dma_start3A_521, %dma_start3A_522] : memref<2048x8xf32, #tpu.memory_space<vmem>> -> memref<128x8xf32, #tpu.memory_space<vmem>>
      %dma_start3A_524 = arith.constant 1664 : i32
      %dma_start3A_525 = tpu.memref_slice %arg7[%dma_start3A_524] : memref<2048xi32, #tpu.memory_space<vmem>> -> memref<128xi32, #tpu.memory_space<vmem>>
      %dma_start3A_526 = arith.constant 0 : i32
      %dma_start3A_527 = arith.constant 0 : i32
      %dma_start3A_528 = tpu.memref_slice %arg10[%dma_start3A_526, %dma_start3A_527] : memref<100352x8xf32, #tpu.memory_space<vmem_shared>> -> memref<100352x8xf32, #tpu.memory_space<vmem_shared>>
      tpu.enqueue_indirect_dma source(%dma_start3A_528 : memref<100352x8xf32, #tpu.memory_space<vmem_shared>>) target(%dma_start3A_523 : memref<128x8xf32, #tpu.memory_space<vmem>>) offsets(%dma_start3A_525 : memref<128xi32, #tpu.memory_space<vmem>>) semaphore(%arg12 : memref<!tpu.dma_semaphore, #tpu.memory_space<semaphore_mem>>)
      %dma_start3A_529 = arith.constant 1792 : i32
      %dma_start3A_530 = arith.constant 0 : i32
      %dma_start3A_531 = tpu.memref_slice %arg9[%dma_start3A_529, %dma_start3A_530] : memref<2048x8xf32, #tpu.memory_space<vmem>> -> memref<128x8xf32, #tpu.memory_space<vmem>>
      %dma_start3A_532 = arith.constant 1792 : i32
      %dma_start3A_533 = tpu.memref_slice %arg7[%dma_start3A_532] : memref<2048xi32, #tpu.memory_space<vmem>> -> memref<128xi32, #tpu.memory_space<vmem>>
      %dma_start3A_534 = arith.constant 0 : i32
      %dma_start3A_535 = arith.constant 0 : i32
      %dma_start3A_536 = tpu.memref_slice %arg10[%dma_start3A_534, %dma_start3A_535] : memref<100352x8xf32, #tpu.memory_space<vmem_shared>> -> memref<100352x8xf32, #tpu.memory_space<vmem_shared>>
      tpu.enqueue_indirect_dma source(%dma_start3A_536 : memref<100352x8xf32, #tpu.memory_space<vmem_shared>>) target(%dma_start3A_531 : memref<128x8xf32, #tpu.memory_space<vmem>>) offsets(%dma_start3A_533 : memref<128xi32, #tpu.memory_space<vmem>>) semaphore(%arg12 : memref<!tpu.dma_semaphore, #tpu.memory_space<semaphore_mem>>)
      %dma_start3A_537 = arith.constant 1920 : i32
      %dma_start3A_538 = arith.constant 0 : i32
      %dma_start3A_539 = tpu.memref_slice %arg9[%dma_start3A_537, %dma_start3A_538] : memref<2048x8xf32, #tpu.memory_space<vmem>> -> memref<128x8xf32, #tpu.memory_space<vmem>>
      %dma_start3A_540 = arith.constant 1920 : i32
      %dma_start3A_541 = tpu.memref_slice %arg7[%dma_start3A_540] : memref<2048xi32, #tpu.memory_space<vmem>> -> memref<128xi32, #tpu.memory_space<vmem>>
      %dma_start3A_542 = arith.constant 0 : i32
      %dma_start3A_543 = arith.constant 0 : i32
      %dma_start3A_544 = tpu.memref_slice %arg10[%dma_start3A_542, %dma_start3A_543] : memref<100352x8xf32, #tpu.memory_space<vmem_shared>> -> memref<100352x8xf32, #tpu.memory_space<vmem_shared>>
      tpu.enqueue_indirect_dma source(%dma_start3A_544 : memref<100352x8xf32, #tpu.memory_space<vmem_shared>>) target(%dma_start3A_539 : memref<128x8xf32, #tpu.memory_space<vmem>>) offsets(%dma_start3A_541 : memref<128xi32, #tpu.memory_space<vmem>>) semaphore(%arg12 : memref<!tpu.dma_semaphore, #tpu.memory_space<semaphore_mem>>)
      %dma_wait3A_545 = arith.constant 0 : i32
      %dma_wait3A_546 = arith.constant 0 : i32
      %dma_wait3A_547 = tpu.memref_slice %arg9[%dma_wait3A_545, %dma_wait3A_546] : memref<2048x8xf32, #tpu.memory_space<vmem>> -> memref<128x8xf32, #tpu.memory_space<vmem>>
      %dma_wait3A_548 = arith.constant 0 : i32
      %dma_wait3A_549 = tpu.memref_slice %arg7[%dma_wait3A_548] : memref<2048xi32, #tpu.memory_space<vmem>> -> memref<128xi32, #tpu.memory_space<vmem>>
      %dma_wait3A_550 = arith.constant 0 : i32
      %dma_wait3A_551 = arith.constant 0 : i32
      %dma_wait3A_552 = tpu.memref_slice %arg10[%dma_wait3A_550, %dma_wait3A_551] : memref<100352x8xf32, #tpu.memory_space<vmem_shared>> -> memref<100352x8xf32, #tpu.memory_space<vmem_shared>>
      tpu.wait_indirect_dma semaphore(%arg12 : memref<!tpu.dma_semaphore, #tpu.memory_space<semaphore_mem>>) src(%dma_wait3A_552 : memref<100352x8xf32, #tpu.memory_space<vmem_shared>>) dst(%dma_wait3A_547 : memref<128x8xf32, #tpu.memory_space<vmem>>)
      %dma_wait3A_553 = arith.constant 128 : i32
      %dma_wait3A_554 = arith.constant 0 : i32
      %dma_wait3A_555 = tpu.memref_slice %arg9[%dma_wait3A_553, %dma_wait3A_554] : memref<2048x8xf32, #tpu.memory_space<vmem>> -> memref<128x8xf32, #tpu.memory_space<vmem>>
      %dma_wait3A_556 = arith.constant 128 : i32
      %dma_wait3A_557 = tpu.memref_slice %arg7[%dma_wait3A_556] : memref<2048xi32, #tpu.memory_space<vmem>> -> memref<128xi32, #tpu.memory_space<vmem>>
      %dma_wait3A_558 = arith.constant 0 : i32
      %dma_wait3A_559 = arith.constant 0 : i32
      %dma_wait3A_560 = tpu.memref_slice %arg10[%dma_wait3A_558, %dma_wait3A_559] : memref<100352x8xf32, #tpu.memory_space<vmem_shared>> -> memref<100352x8xf32, #tpu.memory_space<vmem_shared>>
      tpu.wait_indirect_dma semaphore(%arg12 : memref<!tpu.dma_semaphore, #tpu.memory_space<semaphore_mem>>) src(%dma_wait3A_560 : memref<100352x8xf32, #tpu.memory_space<vmem_shared>>) dst(%dma_wait3A_555 : memref<128x8xf32, #tpu.memory_space<vmem>>)
      %dma_wait3A_561 = arith.constant 256 : i32
      %dma_wait3A_562 = arith.constant 0 : i32
      %dma_wait3A_563 = tpu.memref_slice %arg9[%dma_wait3A_561, %dma_wait3A_562] : memref<2048x8xf32, #tpu.memory_space<vmem>> -> memref<128x8xf32, #tpu.memory_space<vmem>>
      %dma_wait3A_564 = arith.constant 256 : i32
      %dma_wait3A_565 = tpu.memref_slice %arg7[%dma_wait3A_564] : memref<2048xi32, #tpu.memory_space<vmem>> -> memref<128xi32, #tpu.memory_space<vmem>>
      %dma_wait3A_566 = arith.constant 0 : i32
      %dma_wait3A_567 = arith.constant 0 : i32
      %dma_wait3A_568 = tpu.memref_slice %arg10[%dma_wait3A_566, %dma_wait3A_567] : memref<100352x8xf32, #tpu.memory_space<vmem_shared>> -> memref<100352x8xf32, #tpu.memory_space<vmem_shared>>
      tpu.wait_indirect_dma semaphore(%arg12 : memref<!tpu.dma_semaphore, #tpu.memory_space<semaphore_mem>>) src(%dma_wait3A_568 : memref<100352x8xf32, #tpu.memory_space<vmem_shared>>) dst(%dma_wait3A_563 : memref<128x8xf32, #tpu.memory_space<vmem>>)
      %dma_wait3A_569 = arith.constant 384 : i32
      %dma_wait3A_570 = arith.constant 0 : i32
      %dma_wait3A_571 = tpu.memref_slice %arg9[%dma_wait3A_569, %dma_wait3A_570] : memref<2048x8xf32, #tpu.memory_space<vmem>> -> memref<128x8xf32, #tpu.memory_space<vmem>>
      %dma_wait3A_572 = arith.constant 384 : i32
      %dma_wait3A_573 = tpu.memref_slice %arg7[%dma_wait3A_572] : memref<2048xi32, #tpu.memory_space<vmem>> -> memref<128xi32, #tpu.memory_space<vmem>>
      %dma_wait3A_574 = arith.constant 0 : i32
      %dma_wait3A_575 = arith.constant 0 : i32
      %dma_wait3A_576 = tpu.memref_slice %arg10[%dma_wait3A_574, %dma_wait3A_575] : memref<100352x8xf32, #tpu.memory_space<vmem_shared>> -> memref<100352x8xf32, #tpu.memory_space<vmem_shared>>
      tpu.wait_indirect_dma semaphore(%arg12 : memref<!tpu.dma_semaphore, #tpu.memory_space<semaphore_mem>>) src(%dma_wait3A_576 : memref<100352x8xf32, #tpu.memory_space<vmem_shared>>) dst(%dma_wait3A_571 : memref<128x8xf32, #tpu.memory_space<vmem>>)
      %dma_wait3A_577 = arith.constant 512 : i32
      %dma_wait3A_578 = arith.constant 0 : i32
      %dma_wait3A_579 = tpu.memref_slice %arg9[%dma_wait3A_577, %dma_wait3A_578] : memref<2048x8xf32, #tpu.memory_space<vmem>> -> memref<128x8xf32, #tpu.memory_space<vmem>>
      %dma_wait3A_580 = arith.constant 512 : i32
      %dma_wait3A_581 = tpu.memref_slice %arg7[%dma_wait3A_580] : memref<2048xi32, #tpu.memory_space<vmem>> -> memref<128xi32, #tpu.memory_space<vmem>>
      %dma_wait3A_582 = arith.constant 0 : i32
      %dma_wait3A_583 = arith.constant 0 : i32
      %dma_wait3A_584 = tpu.memref_slice %arg10[%dma_wait3A_582, %dma_wait3A_583] : memref<100352x8xf32, #tpu.memory_space<vmem_shared>> -> memref<100352x8xf32, #tpu.memory_space<vmem_shared>>
      tpu.wait_indirect_dma semaphore(%arg12 : memref<!tpu.dma_semaphore, #tpu.memory_space<semaphore_mem>>) src(%dma_wait3A_584 : memref<100352x8xf32, #tpu.memory_space<vmem_shared>>) dst(%dma_wait3A_579 : memref<128x8xf32, #tpu.memory_space<vmem>>)
      %dma_wait3A_585 = arith.constant 640 : i32
      %dma_wait3A_586 = arith.constant 0 : i32
      %dma_wait3A_587 = tpu.memref_slice %arg9[%dma_wait3A_585, %dma_wait3A_586] : memref<2048x8xf32, #tpu.memory_space<vmem>> -> memref<128x8xf32, #tpu.memory_space<vmem>>
      %dma_wait3A_588 = arith.constant 640 : i32
      %dma_wait3A_589 = tpu.memref_slice %arg7[%dma_wait3A_588] : memref<2048xi32, #tpu.memory_space<vmem>> -> memref<128xi32, #tpu.memory_space<vmem>>
      %dma_wait3A_590 = arith.constant 0 : i32
      %dma_wait3A_591 = arith.constant 0 : i32
      %dma_wait3A_592 = tpu.memref_slice %arg10[%dma_wait3A_590, %dma_wait3A_591] : memref<100352x8xf32, #tpu.memory_space<vmem_shared>> -> memref<100352x8xf32, #tpu.memory_space<vmem_shared>>
      tpu.wait_indirect_dma semaphore(%arg12 : memref<!tpu.dma_semaphore, #tpu.memory_space<semaphore_mem>>) src(%dma_wait3A_592 : memref<100352x8xf32, #tpu.memory_space<vmem_shared>>) dst(%dma_wait3A_587 : memref<128x8xf32, #tpu.memory_space<vmem>>)
      %dma_wait3A_593 = arith.constant 768 : i32
      %dma_wait3A_594 = arith.constant 0 : i32
      %dma_wait3A_595 = tpu.memref_slice %arg9[%dma_wait3A_593, %dma_wait3A_594] : memref<2048x8xf32, #tpu.memory_space<vmem>> -> memref<128x8xf32, #tpu.memory_space<vmem>>
      %dma_wait3A_596 = arith.constant 768 : i32
      %dma_wait3A_597 = tpu.memref_slice %arg7[%dma_wait3A_596] : memref<2048xi32, #tpu.memory_space<vmem>> -> memref<128xi32, #tpu.memory_space<vmem>>
      %dma_wait3A_598 = arith.constant 0 : i32
      %dma_wait3A_599 = arith.constant 0 : i32
      %dma_wait3A_600 = tpu.memref_slice %arg10[%dma_wait3A_598, %dma_wait3A_599] : memref<100352x8xf32, #tpu.memory_space<vmem_shared>> -> memref<100352x8xf32, #tpu.memory_space<vmem_shared>>
      tpu.wait_indirect_dma semaphore(%arg12 : memref<!tpu.dma_semaphore, #tpu.memory_space<semaphore_mem>>) src(%dma_wait3A_600 : memref<100352x8xf32, #tpu.memory_space<vmem_shared>>) dst(%dma_wait3A_595 : memref<128x8xf32, #tpu.memory_space<vmem>>)
      %dma_wait3A_601 = arith.constant 896 : i32
      %dma_wait3A_602 = arith.constant 0 : i32
      %dma_wait3A_603 = tpu.memref_slice %arg9[%dma_wait3A_601, %dma_wait3A_602] : memref<2048x8xf32, #tpu.memory_space<vmem>> -> memref<128x8xf32, #tpu.memory_space<vmem>>
      %dma_wait3A_604 = arith.constant 896 : i32
      %dma_wait3A_605 = tpu.memref_slice %arg7[%dma_wait3A_604] : memref<2048xi32, #tpu.memory_space<vmem>> -> memref<128xi32, #tpu.memory_space<vmem>>
      %dma_wait3A_606 = arith.constant 0 : i32
      %dma_wait3A_607 = arith.constant 0 : i32
      %dma_wait3A_608 = tpu.memref_slice %arg10[%dma_wait3A_606, %dma_wait3A_607] : memref<100352x8xf32, #tpu.memory_space<vmem_shared>> -> memref<100352x8xf32, #tpu.memory_space<vmem_shared>>
      tpu.wait_indirect_dma semaphore(%arg12 : memref<!tpu.dma_semaphore, #tpu.memory_space<semaphore_mem>>) src(%dma_wait3A_608 : memref<100352x8xf32, #tpu.memory_space<vmem_shared>>) dst(%dma_wait3A_603 : memref<128x8xf32, #tpu.memory_space<vmem>>)
      %dma_wait3A_609 = arith.constant 1024 : i32
      %dma_wait3A_610 = arith.constant 0 : i32
      %dma_wait3A_611 = tpu.memref_slice %arg9[%dma_wait3A_609, %dma_wait3A_610] : memref<2048x8xf32, #tpu.memory_space<vmem>> -> memref<128x8xf32, #tpu.memory_space<vmem>>
      %dma_wait3A_612 = arith.constant 1024 : i32
      %dma_wait3A_613 = tpu.memref_slice %arg7[%dma_wait3A_612] : memref<2048xi32, #tpu.memory_space<vmem>> -> memref<128xi32, #tpu.memory_space<vmem>>
      %dma_wait3A_614 = arith.constant 0 : i32
      %dma_wait3A_615 = arith.constant 0 : i32
      %dma_wait3A_616 = tpu.memref_slice %arg10[%dma_wait3A_614, %dma_wait3A_615] : memref<100352x8xf32, #tpu.memory_space<vmem_shared>> -> memref<100352x8xf32, #tpu.memory_space<vmem_shared>>
      tpu.wait_indirect_dma semaphore(%arg12 : memref<!tpu.dma_semaphore, #tpu.memory_space<semaphore_mem>>) src(%dma_wait3A_616 : memref<100352x8xf32, #tpu.memory_space<vmem_shared>>) dst(%dma_wait3A_611 : memref<128x8xf32, #tpu.memory_space<vmem>>)
      %dma_wait3A_617 = arith.constant 1152 : i32
      %dma_wait3A_618 = arith.constant 0 : i32
      %dma_wait3A_619 = tpu.memref_slice %arg9[%dma_wait3A_617, %dma_wait3A_618] : memref<2048x8xf32, #tpu.memory_space<vmem>> -> memref<128x8xf32, #tpu.memory_space<vmem>>
      %dma_wait3A_620 = arith.constant 1152 : i32
      %dma_wait3A_621 = tpu.memref_slice %arg7[%dma_wait3A_620] : memref<2048xi32, #tpu.memory_space<vmem>> -> memref<128xi32, #tpu.memory_space<vmem>>
      %dma_wait3A_622 = arith.constant 0 : i32
      %dma_wait3A_623 = arith.constant 0 : i32
      %dma_wait3A_624 = tpu.memref_slice %arg10[%dma_wait3A_622, %dma_wait3A_623] : memref<100352x8xf32, #tpu.memory_space<vmem_shared>> -> memref<100352x8xf32, #tpu.memory_space<vmem_shared>>
      tpu.wait_indirect_dma semaphore(%arg12 : memref<!tpu.dma_semaphore, #tpu.memory_space<semaphore_mem>>) src(%dma_wait3A_624 : memref<100352x8xf32, #tpu.memory_space<vmem_shared>>) dst(%dma_wait3A_619 : memref<128x8xf32, #tpu.memory_space<vmem>>)
      %dma_wait3A_625 = arith.constant 1280 : i32
      %dma_wait3A_626 = arith.constant 0 : i32
      %dma_wait3A_627 = tpu.memref_slice %arg9[%dma_wait3A_625, %dma_wait3A_626] : memref<2048x8xf32, #tpu.memory_space<vmem>> -> memref<128x8xf32, #tpu.memory_space<vmem>>
      %dma_wait3A_628 = arith.constant 1280 : i32
      %dma_wait3A_629 = tpu.memref_slice %arg7[%dma_wait3A_628] : memref<2048xi32, #tpu.memory_space<vmem>> -> memref<128xi32, #tpu.memory_space<vmem>>
      %dma_wait3A_630 = arith.constant 0 : i32
      %dma_wait3A_631 = arith.constant 0 : i32
      %dma_wait3A_632 = tpu.memref_slice %arg10[%dma_wait3A_630, %dma_wait3A_631] : memref<100352x8xf32, #tpu.memory_space<vmem_shared>> -> memref<100352x8xf32, #tpu.memory_space<vmem_shared>>
      tpu.wait_indirect_dma semaphore(%arg12 : memref<!tpu.dma_semaphore, #tpu.memory_space<semaphore_mem>>) src(%dma_wait3A_632 : memref<100352x8xf32, #tpu.memory_space<vmem_shared>>) dst(%dma_wait3A_627 : memref<128x8xf32, #tpu.memory_space<vmem>>)
      %dma_wait3A_633 = arith.constant 1408 : i32
      %dma_wait3A_634 = arith.constant 0 : i32
      %dma_wait3A_635 = tpu.memref_slice %arg9[%dma_wait3A_633, %dma_wait3A_634] : memref<2048x8xf32, #tpu.memory_space<vmem>> -> memref<128x8xf32, #tpu.memory_space<vmem>>
      %dma_wait3A_636 = arith.constant 1408 : i32
      %dma_wait3A_637 = tpu.memref_slice %arg7[%dma_wait3A_636] : memref<2048xi32, #tpu.memory_space<vmem>> -> memref<128xi32, #tpu.memory_space<vmem>>
      %dma_wait3A_638 = arith.constant 0 : i32
      %dma_wait3A_639 = arith.constant 0 : i32
      %dma_wait3A_640 = tpu.memref_slice %arg10[%dma_wait3A_638, %dma_wait3A_639] : memref<100352x8xf32, #tpu.memory_space<vmem_shared>> -> memref<100352x8xf32, #tpu.memory_space<vmem_shared>>
      tpu.wait_indirect_dma semaphore(%arg12 : memref<!tpu.dma_semaphore, #tpu.memory_space<semaphore_mem>>) src(%dma_wait3A_640 : memref<100352x8xf32, #tpu.memory_space<vmem_shared>>) dst(%dma_wait3A_635 : memref<128x8xf32, #tpu.memory_space<vmem>>)
      %dma_wait3A_641 = arith.constant 1536 : i32
      %dma_wait3A_642 = arith.constant 0 : i32
      %dma_wait3A_643 = tpu.memref_slice %arg9[%dma_wait3A_641, %dma_wait3A_642] : memref<2048x8xf32, #tpu.memory_space<vmem>> -> memref<128x8xf32, #tpu.memory_space<vmem>>
      %dma_wait3A_644 = arith.constant 1536 : i32
      %dma_wait3A_645 = tpu.memref_slice %arg7[%dma_wait3A_644] : memref<2048xi32, #tpu.memory_space<vmem>> -> memref<128xi32, #tpu.memory_space<vmem>>
      %dma_wait3A_646 = arith.constant 0 : i32
      %dma_wait3A_647 = arith.constant 0 : i32
      %dma_wait3A_648 = tpu.memref_slice %arg10[%dma_wait3A_646, %dma_wait3A_647] : memref<100352x8xf32, #tpu.memory_space<vmem_shared>> -> memref<100352x8xf32, #tpu.memory_space<vmem_shared>>
      tpu.wait_indirect_dma semaphore(%arg12 : memref<!tpu.dma_semaphore, #tpu.memory_space<semaphore_mem>>) src(%dma_wait3A_648 : memref<100352x8xf32, #tpu.memory_space<vmem_shared>>) dst(%dma_wait3A_643 : memref<128x8xf32, #tpu.memory_space<vmem>>)
      %dma_wait3A_649 = arith.constant 1664 : i32
      %dma_wait3A_650 = arith.constant 0 : i32
      %dma_wait3A_651 = tpu.memref_slice %arg9[%dma_wait3A_649, %dma_wait3A_650] : memref<2048x8xf32, #tpu.memory_space<vmem>> -> memref<128x8xf32, #tpu.memory_space<vmem>>
      %dma_wait3A_652 = arith.constant 1664 : i32
      %dma_wait3A_653 = tpu.memref_slice %arg7[%dma_wait3A_652] : memref<2048xi32, #tpu.memory_space<vmem>> -> memref<128xi32, #tpu.memory_space<vmem>>
      %dma_wait3A_654 = arith.constant 0 : i32
      %dma_wait3A_655 = arith.constant 0 : i32
      %dma_wait3A_656 = tpu.memref_slice %arg10[%dma_wait3A_654, %dma_wait3A_655] : memref<100352x8xf32, #tpu.memory_space<vmem_shared>> -> memref<100352x8xf32, #tpu.memory_space<vmem_shared>>
      tpu.wait_indirect_dma semaphore(%arg12 : memref<!tpu.dma_semaphore, #tpu.memory_space<semaphore_mem>>) src(%dma_wait3A_656 : memref<100352x8xf32, #tpu.memory_space<vmem_shared>>) dst(%dma_wait3A_651 : memref<128x8xf32, #tpu.memory_space<vmem>>)
      %dma_wait3A_657 = arith.constant 1792 : i32
      %dma_wait3A_658 = arith.constant 0 : i32
      %dma_wait3A_659 = tpu.memref_slice %arg9[%dma_wait3A_657, %dma_wait3A_658] : memref<2048x8xf32, #tpu.memory_space<vmem>> -> memref<128x8xf32, #tpu.memory_space<vmem>>
      %dma_wait3A_660 = arith.constant 1792 : i32
      %dma_wait3A_661 = tpu.memref_slice %arg7[%dma_wait3A_660] : memref<2048xi32, #tpu.memory_space<vmem>> -> memref<128xi32, #tpu.memory_space<vmem>>
      %dma_wait3A_662 = arith.constant 0 : i32
      %dma_wait3A_663 = arith.constant 0 : i32
      %dma_wait3A_664 = tpu.memref_slice %arg10[%dma_wait3A_662, %dma_wait3A_663] : memref<100352x8xf32, #tpu.memory_space<vmem_shared>> -> memref<100352x8xf32, #tpu.memory_space<vmem_shared>>
      tpu.wait_indirect_dma semaphore(%arg12 : memref<!tpu.dma_semaphore, #tpu.memory_space<semaphore_mem>>) src(%dma_wait3A_664 : memref<100352x8xf32, #tpu.memory_space<vmem_shared>>) dst(%dma_wait3A_659 : memref<128x8xf32, #tpu.memory_space<vmem>>)
      %dma_wait3A_665 = arith.constant 1920 : i32
      %dma_wait3A_666 = arith.constant 0 : i32
      %dma_wait3A_667 = tpu.memref_slice %arg9[%dma_wait3A_665, %dma_wait3A_666] : memref<2048x8xf32, #tpu.memory_space<vmem>> -> memref<128x8xf32, #tpu.memory_space<vmem>>
      %dma_wait3A_668 = arith.constant 1920 : i32
      %dma_wait3A_669 = tpu.memref_slice %arg7[%dma_wait3A_668] : memref<2048xi32, #tpu.memory_space<vmem>> -> memref<128xi32, #tpu.memory_space<vmem>>
      %dma_wait3A_670 = arith.constant 0 : i32
      %dma_wait3A_671 = arith.constant 0 : i32
      %dma_wait3A_672 = tpu.memref_slice %arg10[%dma_wait3A_670, %dma_wait3A_671] : memref<100352x8xf32, #tpu.memory_space<vmem_shared>> -> memref<100352x8xf32, #tpu.memory_space<vmem_shared>>
      tpu.wait_indirect_dma semaphore(%arg12 : memref<!tpu.dma_semaphore, #tpu.memory_space<semaphore_mem>>) src(%dma_wait3A_672 : memref<100352x8xf32, #tpu.memory_space<vmem_shared>>) dst(%dma_wait3A_667 : memref<128x8xf32, #tpu.memory_space<vmem>>)
      %dma_start3A_673 = arith.constant 0 : i32
      %dma_start3A_674 = arith.constant 0 : i32
      %dma_start3A_675 = tpu.memref_slice %arg9[%dma_start3A_673, %dma_start3A_674] : memref<2048x8xf32, #tpu.memory_space<vmem>> -> memref<128x8xf32, #tpu.memory_space<vmem>>
      %dma_start3A_676 = arith.constant 0 : i32
      %dma_start3A_677 = tpu.memref_slice %arg8[%dma_start3A_676] : memref<2048xi32, #tpu.memory_space<vmem>> -> memref<128xi32, #tpu.memory_space<vmem>>
      %dma_start3A_678 = arith.constant 0 : i32
      %dma_start3A_679 = arith.constant 0 : i32
      %dma_start3A_680 = tpu.memref_slice %arg11[%dma_start3A_678, %dma_start3A_679] : memref<100352x8xf32, #tpu.memory_space<vmem_shared>> -> memref<100352x8xf32, #tpu.memory_space<vmem_shared>>
      tpu.enqueue_indirect_dma source(%dma_start3A_675 : memref<128x8xf32, #tpu.memory_space<vmem>>) target(%dma_start3A_680 : memref<100352x8xf32, #tpu.memory_space<vmem_shared>>) offsets(%dma_start3A_677 : memref<128xi32, #tpu.memory_space<vmem>>) semaphore(%arg13 : memref<!tpu.dma_semaphore, #tpu.memory_space<semaphore_mem>>) {add = true}
      %dma_start3A_681 = arith.constant 128 : i32
      %dma_start3A_682 = arith.constant 0 : i32
      %dma_start3A_683 = tpu.memref_slice %arg9[%dma_start3A_681, %dma_start3A_682] : memref<2048x8xf32, #tpu.memory_space<vmem>> -> memref<128x8xf32, #tpu.memory_space<vmem>>
      %dma_start3A_684 = arith.constant 128 : i32
      %dma_start3A_685 = tpu.memref_slice %arg8[%dma_start3A_684] : memref<2048xi32, #tpu.memory_space<vmem>> -> memref<128xi32, #tpu.memory_space<vmem>>
      %dma_start3A_686 = arith.constant 0 : i32
      %dma_start3A_687 = arith.constant 0 : i32
      %dma_start3A_688 = tpu.memref_slice %arg11[%dma_start3A_686, %dma_start3A_687] : memref<100352x8xf32, #tpu.memory_space<vmem_shared>> -> memref<100352x8xf32, #tpu.memory_space<vmem_shared>>
      tpu.enqueue_indirect_dma source(%dma_start3A_683 : memref<128x8xf32, #tpu.memory_space<vmem>>) target(%dma_start3A_688 : memref<100352x8xf32, #tpu.memory_space<vmem_shared>>) offsets(%dma_start3A_685 : memref<128xi32, #tpu.memory_space<vmem>>) semaphore(%arg13 : memref<!tpu.dma_semaphore, #tpu.memory_space<semaphore_mem>>) {add = true}
      %dma_start3A_689 = arith.constant 256 : i32
      %dma_start3A_690 = arith.constant 0 : i32
      %dma_start3A_691 = tpu.memref_slice %arg9[%dma_start3A_689, %dma_start3A_690] : memref<2048x8xf32, #tpu.memory_space<vmem>> -> memref<128x8xf32, #tpu.memory_space<vmem>>
      %dma_start3A_692 = arith.constant 256 : i32
      %dma_start3A_693 = tpu.memref_slice %arg8[%dma_start3A_692] : memref<2048xi32, #tpu.memory_space<vmem>> -> memref<128xi32, #tpu.memory_space<vmem>>
      %dma_start3A_694 = arith.constant 0 : i32
      %dma_start3A_695 = arith.constant 0 : i32
      %dma_start3A_696 = tpu.memref_slice %arg11[%dma_start3A_694, %dma_start3A_695] : memref<100352x8xf32, #tpu.memory_space<vmem_shared>> -> memref<100352x8xf32, #tpu.memory_space<vmem_shared>>
      tpu.enqueue_indirect_dma source(%dma_start3A_691 : memref<128x8xf32, #tpu.memory_space<vmem>>) target(%dma_start3A_696 : memref<100352x8xf32, #tpu.memory_space<vmem_shared>>) offsets(%dma_start3A_693 : memref<128xi32, #tpu.memory_space<vmem>>) semaphore(%arg13 : memref<!tpu.dma_semaphore, #tpu.memory_space<semaphore_mem>>) {add = true}
      %dma_start3A_697 = arith.constant 384 : i32
      %dma_start3A_698 = arith.constant 0 : i32
      %dma_start3A_699 = tpu.memref_slice %arg9[%dma_start3A_697, %dma_start3A_698] : memref<2048x8xf32, #tpu.memory_space<vmem>> -> memref<128x8xf32, #tpu.memory_space<vmem>>
      %dma_start3A_700 = arith.constant 384 : i32
      %dma_start3A_701 = tpu.memref_slice %arg8[%dma_start3A_700] : memref<2048xi32, #tpu.memory_space<vmem>> -> memref<128xi32, #tpu.memory_space<vmem>>
      %dma_start3A_702 = arith.constant 0 : i32
      %dma_start3A_703 = arith.constant 0 : i32
      %dma_start3A_704 = tpu.memref_slice %arg11[%dma_start3A_702, %dma_start3A_703] : memref<100352x8xf32, #tpu.memory_space<vmem_shared>> -> memref<100352x8xf32, #tpu.memory_space<vmem_shared>>
      tpu.enqueue_indirect_dma source(%dma_start3A_699 : memref<128x8xf32, #tpu.memory_space<vmem>>) target(%dma_start3A_704 : memref<100352x8xf32, #tpu.memory_space<vmem_shared>>) offsets(%dma_start3A_701 : memref<128xi32, #tpu.memory_space<vmem>>) semaphore(%arg13 : memref<!tpu.dma_semaphore, #tpu.memory_space<semaphore_mem>>) {add = true}
      %dma_start3A_705 = arith.constant 512 : i32
      %dma_start3A_706 = arith.constant 0 : i32
      %dma_start3A_707 = tpu.memref_slice %arg9[%dma_start3A_705, %dma_start3A_706] : memref<2048x8xf32, #tpu.memory_space<vmem>> -> memref<128x8xf32, #tpu.memory_space<vmem>>
      %dma_start3A_708 = arith.constant 512 : i32
      %dma_start3A_709 = tpu.memref_slice %arg8[%dma_start3A_708] : memref<2048xi32, #tpu.memory_space<vmem>> -> memref<128xi32, #tpu.memory_space<vmem>>
      %dma_start3A_710 = arith.constant 0 : i32
      %dma_start3A_711 = arith.constant 0 : i32
      %dma_start3A_712 = tpu.memref_slice %arg11[%dma_start3A_710, %dma_start3A_711] : memref<100352x8xf32, #tpu.memory_space<vmem_shared>> -> memref<100352x8xf32, #tpu.memory_space<vmem_shared>>
      tpu.enqueue_indirect_dma source(%dma_start3A_707 : memref<128x8xf32, #tpu.memory_space<vmem>>) target(%dma_start3A_712 : memref<100352x8xf32, #tpu.memory_space<vmem_shared>>) offsets(%dma_start3A_709 : memref<128xi32, #tpu.memory_space<vmem>>) semaphore(%arg13 : memref<!tpu.dma_semaphore, #tpu.memory_space<semaphore_mem>>) {add = true}
      %dma_start3A_713 = arith.constant 640 : i32
      %dma_start3A_714 = arith.constant 0 : i32
      %dma_start3A_715 = tpu.memref_slice %arg9[%dma_start3A_713, %dma_start3A_714] : memref<2048x8xf32, #tpu.memory_space<vmem>> -> memref<128x8xf32, #tpu.memory_space<vmem>>
      %dma_start3A_716 = arith.constant 640 : i32
      %dma_start3A_717 = tpu.memref_slice %arg8[%dma_start3A_716] : memref<2048xi32, #tpu.memory_space<vmem>> -> memref<128xi32, #tpu.memory_space<vmem>>
      %dma_start3A_718 = arith.constant 0 : i32
      %dma_start3A_719 = arith.constant 0 : i32
      %dma_start3A_720 = tpu.memref_slice %arg11[%dma_start3A_718, %dma_start3A_719] : memref<100352x8xf32, #tpu.memory_space<vmem_shared>> -> memref<100352x8xf32, #tpu.memory_space<vmem_shared>>
      tpu.enqueue_indirect_dma source(%dma_start3A_715 : memref<128x8xf32, #tpu.memory_space<vmem>>) target(%dma_start3A_720 : memref<100352x8xf32, #tpu.memory_space<vmem_shared>>) offsets(%dma_start3A_717 : memref<128xi32, #tpu.memory_space<vmem>>) semaphore(%arg13 : memref<!tpu.dma_semaphore, #tpu.memory_space<semaphore_mem>>) {add = true}
      %dma_start3A_721 = arith.constant 768 : i32
      %dma_start3A_722 = arith.constant 0 : i32
      %dma_start3A_723 = tpu.memref_slice %arg9[%dma_start3A_721, %dma_start3A_722] : memref<2048x8xf32, #tpu.memory_space<vmem>> -> memref<128x8xf32, #tpu.memory_space<vmem>>
      %dma_start3A_724 = arith.constant 768 : i32
      %dma_start3A_725 = tpu.memref_slice %arg8[%dma_start3A_724] : memref<2048xi32, #tpu.memory_space<vmem>> -> memref<128xi32, #tpu.memory_space<vmem>>
      %dma_start3A_726 = arith.constant 0 : i32
      %dma_start3A_727 = arith.constant 0 : i32
      %dma_start3A_728 = tpu.memref_slice %arg11[%dma_start3A_726, %dma_start3A_727] : memref<100352x8xf32, #tpu.memory_space<vmem_shared>> -> memref<100352x8xf32, #tpu.memory_space<vmem_shared>>
      tpu.enqueue_indirect_dma source(%dma_start3A_723 : memref<128x8xf32, #tpu.memory_space<vmem>>) target(%dma_start3A_728 : memref<100352x8xf32, #tpu.memory_space<vmem_shared>>) offsets(%dma_start3A_725 : memref<128xi32, #tpu.memory_space<vmem>>) semaphore(%arg13 : memref<!tpu.dma_semaphore, #tpu.memory_space<semaphore_mem>>) {add = true}
      %dma_start3A_729 = arith.constant 896 : i32
      %dma_start3A_730 = arith.constant 0 : i32
      %dma_start3A_731 = tpu.memref_slice %arg9[%dma_start3A_729, %dma_start3A_730] : memref<2048x8xf32, #tpu.memory_space<vmem>> -> memref<128x8xf32, #tpu.memory_space<vmem>>
      %dma_start3A_732 = arith.constant 896 : i32
      %dma_start3A_733 = tpu.memref_slice %arg8[%dma_start3A_732] : memref<2048xi32, #tpu.memory_space<vmem>> -> memref<128xi32, #tpu.memory_space<vmem>>
      %dma_start3A_734 = arith.constant 0 : i32
      %dma_start3A_735 = arith.constant 0 : i32
      %dma_start3A_736 = tpu.memref_slice %arg11[%dma_start3A_734, %dma_start3A_735] : memref<100352x8xf32, #tpu.memory_space<vmem_shared>> -> memref<100352x8xf32, #tpu.memory_space<vmem_shared>>
      tpu.enqueue_indirect_dma source(%dma_start3A_731 : memref<128x8xf32, #tpu.memory_space<vmem>>) target(%dma_start3A_736 : memref<100352x8xf32, #tpu.memory_space<vmem_shared>>) offsets(%dma_start3A_733 : memref<128xi32, #tpu.memory_space<vmem>>) semaphore(%arg13 : memref<!tpu.dma_semaphore, #tpu.memory_space<semaphore_mem>>) {add = true}
      %dma_start3A_737 = arith.constant 1024 : i32
      %dma_start3A_738 = arith.constant 0 : i32
      %dma_start3A_739 = tpu.memref_slice %arg9[%dma_start3A_737, %dma_start3A_738] : memref<2048x8xf32, #tpu.memory_space<vmem>> -> memref<128x8xf32, #tpu.memory_space<vmem>>
      %dma_start3A_740 = arith.constant 1024 : i32
      %dma_start3A_741 = tpu.memref_slice %arg8[%dma_start3A_740] : memref<2048xi32, #tpu.memory_space<vmem>> -> memref<128xi32, #tpu.memory_space<vmem>>
      %dma_start3A_742 = arith.constant 0 : i32
      %dma_start3A_743 = arith.constant 0 : i32
      %dma_start3A_744 = tpu.memref_slice %arg11[%dma_start3A_742, %dma_start3A_743] : memref<100352x8xf32, #tpu.memory_space<vmem_shared>> -> memref<100352x8xf32, #tpu.memory_space<vmem_shared>>
      tpu.enqueue_indirect_dma source(%dma_start3A_739 : memref<128x8xf32, #tpu.memory_space<vmem>>) target(%dma_start3A_744 : memref<100352x8xf32, #tpu.memory_space<vmem_shared>>) offsets(%dma_start3A_741 : memref<128xi32, #tpu.memory_space<vmem>>) semaphore(%arg13 : memref<!tpu.dma_semaphore, #tpu.memory_space<semaphore_mem>>) {add = true}
      %dma_start3A_745 = arith.constant 1152 : i32
      %dma_start3A_746 = arith.constant 0 : i32
      %dma_start3A_747 = tpu.memref_slice %arg9[%dma_start3A_745, %dma_start3A_746] : memref<2048x8xf32, #tpu.memory_space<vmem>> -> memref<128x8xf32, #tpu.memory_space<vmem>>
      %dma_start3A_748 = arith.constant 1152 : i32
      %dma_start3A_749 = tpu.memref_slice %arg8[%dma_start3A_748] : memref<2048xi32, #tpu.memory_space<vmem>> -> memref<128xi32, #tpu.memory_space<vmem>>
      %dma_start3A_750 = arith.constant 0 : i32
      %dma_start3A_751 = arith.constant 0 : i32
      %dma_start3A_752 = tpu.memref_slice %arg11[%dma_start3A_750, %dma_start3A_751] : memref<100352x8xf32, #tpu.memory_space<vmem_shared>> -> memref<100352x8xf32, #tpu.memory_space<vmem_shared>>
      tpu.enqueue_indirect_dma source(%dma_start3A_747 : memref<128x8xf32, #tpu.memory_space<vmem>>) target(%dma_start3A_752 : memref<100352x8xf32, #tpu.memory_space<vmem_shared>>) offsets(%dma_start3A_749 : memref<128xi32, #tpu.memory_space<vmem>>) semaphore(%arg13 : memref<!tpu.dma_semaphore, #tpu.memory_space<semaphore_mem>>) {add = true}
      %dma_start3A_753 = arith.constant 1280 : i32
      %dma_start3A_754 = arith.constant 0 : i32
      %dma_start3A_755 = tpu.memref_slice %arg9[%dma_start3A_753, %dma_start3A_754] : memref<2048x8xf32, #tpu.memory_space<vmem>> -> memref<128x8xf32, #tpu.memory_space<vmem>>
      %dma_start3A_756 = arith.constant 1280 : i32
      %dma_start3A_757 = tpu.memref_slice %arg8[%dma_start3A_756] : memref<2048xi32, #tpu.memory_space<vmem>> -> memref<128xi32, #tpu.memory_space<vmem>>
      %dma_start3A_758 = arith.constant 0 : i32
      %dma_start3A_759 = arith.constant 0 : i32
      %dma_start3A_760 = tpu.memref_slice %arg11[%dma_start3A_758, %dma_start3A_759] : memref<100352x8xf32, #tpu.memory_space<vmem_shared>> -> memref<100352x8xf32, #tpu.memory_space<vmem_shared>>
      tpu.enqueue_indirect_dma source(%dma_start3A_755 : memref<128x8xf32, #tpu.memory_space<vmem>>) target(%dma_start3A_760 : memref<100352x8xf32, #tpu.memory_space<vmem_shared>>) offsets(%dma_start3A_757 : memref<128xi32, #tpu.memory_space<vmem>>) semaphore(%arg13 : memref<!tpu.dma_semaphore, #tpu.memory_space<semaphore_mem>>) {add = true}
      %dma_start3A_761 = arith.constant 1408 : i32
      %dma_start3A_762 = arith.constant 0 : i32
      %dma_start3A_763 = tpu.memref_slice %arg9[%dma_start3A_761, %dma_start3A_762] : memref<2048x8xf32, #tpu.memory_space<vmem>> -> memref<128x8xf32, #tpu.memory_space<vmem>>
      %dma_start3A_764 = arith.constant 1408 : i32
      %dma_start3A_765 = tpu.memref_slice %arg8[%dma_start3A_764] : memref<2048xi32, #tpu.memory_space<vmem>> -> memref<128xi32, #tpu.memory_space<vmem>>
      %dma_start3A_766 = arith.constant 0 : i32
      %dma_start3A_767 = arith.constant 0 : i32
      %dma_start3A_768 = tpu.memref_slice %arg11[%dma_start3A_766, %dma_start3A_767] : memref<100352x8xf32, #tpu.memory_space<vmem_shared>> -> memref<100352x8xf32, #tpu.memory_space<vmem_shared>>
      tpu.enqueue_indirect_dma source(%dma_start3A_763 : memref<128x8xf32, #tpu.memory_space<vmem>>) target(%dma_start3A_768 : memref<100352x8xf32, #tpu.memory_space<vmem_shared>>) offsets(%dma_start3A_765 : memref<128xi32, #tpu.memory_space<vmem>>) semaphore(%arg13 : memref<!tpu.dma_semaphore, #tpu.memory_space<semaphore_mem>>) {add = true}
      %dma_start3A_769 = arith.constant 1536 : i32
      %dma_start3A_770 = arith.constant 0 : i32
      %dma_start3A_771 = tpu.memref_slice %arg9[%dma_start3A_769, %dma_start3A_770] : memref<2048x8xf32, #tpu.memory_space<vmem>> -> memref<128x8xf32, #tpu.memory_space<vmem>>
      %dma_start3A_772 = arith.constant 1536 : i32
      %dma_start3A_773 = tpu.memref_slice %arg8[%dma_start3A_772] : memref<2048xi32, #tpu.memory_space<vmem>> -> memref<128xi32, #tpu.memory_space<vmem>>
      %dma_start3A_774 = arith.constant 0 : i32
      %dma_start3A_775 = arith.constant 0 : i32
      %dma_start3A_776 = tpu.memref_slice %arg11[%dma_start3A_774, %dma_start3A_775] : memref<100352x8xf32, #tpu.memory_space<vmem_shared>> -> memref<100352x8xf32, #tpu.memory_space<vmem_shared>>
      tpu.enqueue_indirect_dma source(%dma_start3A_771 : memref<128x8xf32, #tpu.memory_space<vmem>>) target(%dma_start3A_776 : memref<100352x8xf32, #tpu.memory_space<vmem_shared>>) offsets(%dma_start3A_773 : memref<128xi32, #tpu.memory_space<vmem>>) semaphore(%arg13 : memref<!tpu.dma_semaphore, #tpu.memory_space<semaphore_mem>>) {add = true}
      %dma_start3A_777 = arith.constant 1664 : i32
      %dma_start3A_778 = arith.constant 0 : i32
      %dma_start3A_779 = tpu.memref_slice %arg9[%dma_start3A_777, %dma_start3A_778] : memref<2048x8xf32, #tpu.memory_space<vmem>> -> memref<128x8xf32, #tpu.memory_space<vmem>>
      %dma_start3A_780 = arith.constant 1664 : i32
      %dma_start3A_781 = tpu.memref_slice %arg8[%dma_start3A_780] : memref<2048xi32, #tpu.memory_space<vmem>> -> memref<128xi32, #tpu.memory_space<vmem>>
      %dma_start3A_782 = arith.constant 0 : i32
      %dma_start3A_783 = arith.constant 0 : i32
      %dma_start3A_784 = tpu.memref_slice %arg11[%dma_start3A_782, %dma_start3A_783] : memref<100352x8xf32, #tpu.memory_space<vmem_shared>> -> memref<100352x8xf32, #tpu.memory_space<vmem_shared>>
      tpu.enqueue_indirect_dma source(%dma_start3A_779 : memref<128x8xf32, #tpu.memory_space<vmem>>) target(%dma_start3A_784 : memref<100352x8xf32, #tpu.memory_space<vmem_shared>>) offsets(%dma_start3A_781 : memref<128xi32, #tpu.memory_space<vmem>>) semaphore(%arg13 : memref<!tpu.dma_semaphore, #tpu.memory_space<semaphore_mem>>) {add = true}
      %dma_start3A_785 = arith.constant 1792 : i32
      %dma_start3A_786 = arith.constant 0 : i32
      %dma_start3A_787 = tpu.memref_slice %arg9[%dma_start3A_785, %dma_start3A_786] : memref<2048x8xf32, #tpu.memory_space<vmem>> -> memref<128x8xf32, #tpu.memory_space<vmem>>
      %dma_start3A_788 = arith.constant 1792 : i32
      %dma_start3A_789 = tpu.memref_slice %arg8[%dma_start3A_788] : memref<2048xi32, #tpu.memory_space<vmem>> -> memref<128xi32, #tpu.memory_space<vmem>>
      %dma_start3A_790 = arith.constant 0 : i32
      %dma_start3A_791 = arith.constant 0 : i32
      %dma_start3A_792 = tpu.memref_slice %arg11[%dma_start3A_790, %dma_start3A_791] : memref<100352x8xf32, #tpu.memory_space<vmem_shared>> -> memref<100352x8xf32, #tpu.memory_space<vmem_shared>>
      tpu.enqueue_indirect_dma source(%dma_start3A_787 : memref<128x8xf32, #tpu.memory_space<vmem>>) target(%dma_start3A_792 : memref<100352x8xf32, #tpu.memory_space<vmem_shared>>) offsets(%dma_start3A_789 : memref<128xi32, #tpu.memory_space<vmem>>) semaphore(%arg13 : memref<!tpu.dma_semaphore, #tpu.memory_space<semaphore_mem>>) {add = true}
      %dma_start3A_793 = arith.constant 1920 : i32
      %dma_start3A_794 = arith.constant 0 : i32
      %dma_start3A_795 = tpu.memref_slice %arg9[%dma_start3A_793, %dma_start3A_794] : memref<2048x8xf32, #tpu.memory_space<vmem>> -> memref<128x8xf32, #tpu.memory_space<vmem>>
      %dma_start3A_796 = arith.constant 1920 : i32
      %dma_start3A_797 = tpu.memref_slice %arg8[%dma_start3A_796] : memref<2048xi32, #tpu.memory_space<vmem>> -> memref<128xi32, #tpu.memory_space<vmem>>
      %dma_start3A_798 = arith.constant 0 : i32
      %dma_start3A_799 = arith.constant 0 : i32
      %dma_start3A_800 = tpu.memref_slice %arg11[%dma_start3A_798, %dma_start3A_799] : memref<100352x8xf32, #tpu.memory_space<vmem_shared>> -> memref<100352x8xf32, #tpu.memory_space<vmem_shared>>
      tpu.enqueue_indirect_dma source(%dma_start3A_795 : memref<128x8xf32, #tpu.memory_space<vmem>>) target(%dma_start3A_800 : memref<100352x8xf32, #tpu.memory_space<vmem_shared>>) offsets(%dma_start3A_797 : memref<128xi32, #tpu.memory_space<vmem>>) semaphore(%arg13 : memref<!tpu.dma_semaphore, #tpu.memory_space<semaphore_mem>>) {add = true}
      %dma_wait3A_801 = arith.constant 0 : i32
      %dma_wait3A_802 = arith.constant 0 : i32
      %dma_wait3A_803 = tpu.memref_slice %arg9[%dma_wait3A_801, %dma_wait3A_802] : memref<2048x8xf32, #tpu.memory_space<vmem>> -> memref<128x8xf32, #tpu.memory_space<vmem>>
      %dma_wait3A_804 = arith.constant 0 : i32
      %dma_wait3A_805 = tpu.memref_slice %arg8[%dma_wait3A_804] : memref<2048xi32, #tpu.memory_space<vmem>> -> memref<128xi32, #tpu.memory_space<vmem>>
      %dma_wait3A_806 = arith.constant 0 : i32
      %dma_wait3A_807 = arith.constant 0 : i32
      %dma_wait3A_808 = tpu.memref_slice %arg11[%dma_wait3A_806, %dma_wait3A_807] : memref<100352x8xf32, #tpu.memory_space<vmem_shared>> -> memref<100352x8xf32, #tpu.memory_space<vmem_shared>>
      tpu.wait_indirect_dma semaphore(%arg13 : memref<!tpu.dma_semaphore, #tpu.memory_space<semaphore_mem>>) src(%dma_wait3A_803 : memref<128x8xf32, #tpu.memory_space<vmem>>) dst(%dma_wait3A_808 : memref<100352x8xf32, #tpu.memory_space<vmem_shared>>)
      %dma_wait3A_809 = arith.constant 128 : i32
      %dma_wait3A_810 = arith.constant 0 : i32
      %dma_wait3A_811 = tpu.memref_slice %arg9[%dma_wait3A_809, %dma_wait3A_810] : memref<2048x8xf32, #tpu.memory_space<vmem>> -> memref<128x8xf32, #tpu.memory_space<vmem>>
      %dma_wait3A_812 = arith.constant 128 : i32
      %dma_wait3A_813 = tpu.memref_slice %arg8[%dma_wait3A_812] : memref<2048xi32, #tpu.memory_space<vmem>> -> memref<128xi32, #tpu.memory_space<vmem>>
      %dma_wait3A_814 = arith.constant 0 : i32
      %dma_wait3A_815 = arith.constant 0 : i32
      %dma_wait3A_816 = tpu.memref_slice %arg11[%dma_wait3A_814, %dma_wait3A_815] : memref<100352x8xf32, #tpu.memory_space<vmem_shared>> -> memref<100352x8xf32, #tpu.memory_space<vmem_shared>>
      tpu.wait_indirect_dma semaphore(%arg13 : memref<!tpu.dma_semaphore, #tpu.memory_space<semaphore_mem>>) src(%dma_wait3A_811 : memref<128x8xf32, #tpu.memory_space<vmem>>) dst(%dma_wait3A_816 : memref<100352x8xf32, #tpu.memory_space<vmem_shared>>)
      %dma_wait3A_817 = arith.constant 256 : i32
      %dma_wait3A_818 = arith.constant 0 : i32
      %dma_wait3A_819 = tpu.memref_slice %arg9[%dma_wait3A_817, %dma_wait3A_818] : memref<2048x8xf32, #tpu.memory_space<vmem>> -> memref<128x8xf32, #tpu.memory_space<vmem>>
      %dma_wait3A_820 = arith.constant 256 : i32
      %dma_wait3A_821 = tpu.memref_slice %arg8[%dma_wait3A_820] : memref<2048xi32, #tpu.memory_space<vmem>> -> memref<128xi32, #tpu.memory_space<vmem>>
      %dma_wait3A_822 = arith.constant 0 : i32
      %dma_wait3A_823 = arith.constant 0 : i32
      %dma_wait3A_824 = tpu.memref_slice %arg11[%dma_wait3A_822, %dma_wait3A_823] : memref<100352x8xf32, #tpu.memory_space<vmem_shared>> -> memref<100352x8xf32, #tpu.memory_space<vmem_shared>>
      tpu.wait_indirect_dma semaphore(%arg13 : memref<!tpu.dma_semaphore, #tpu.memory_space<semaphore_mem>>) src(%dma_wait3A_819 : memref<128x8xf32, #tpu.memory_space<vmem>>) dst(%dma_wait3A_824 : memref<100352x8xf32, #tpu.memory_space<vmem_shared>>)
      %dma_wait3A_825 = arith.constant 384 : i32
      %dma_wait3A_826 = arith.constant 0 : i32
      %dma_wait3A_827 = tpu.memref_slice %arg9[%dma_wait3A_825, %dma_wait3A_826] : memref<2048x8xf32, #tpu.memory_space<vmem>> -> memref<128x8xf32, #tpu.memory_space<vmem>>
      %dma_wait3A_828 = arith.constant 384 : i32
      %dma_wait3A_829 = tpu.memref_slice %arg8[%dma_wait3A_828] : memref<2048xi32, #tpu.memory_space<vmem>> -> memref<128xi32, #tpu.memory_space<vmem>>
      %dma_wait3A_830 = arith.constant 0 : i32
      %dma_wait3A_831 = arith.constant 0 : i32
      %dma_wait3A_832 = tpu.memref_slice %arg11[%dma_wait3A_830, %dma_wait3A_831] : memref<100352x8xf32, #tpu.memory_space<vmem_shared>> -> memref<100352x8xf32, #tpu.memory_space<vmem_shared>>
      tpu.wait_indirect_dma semaphore(%arg13 : memref<!tpu.dma_semaphore, #tpu.memory_space<semaphore_mem>>) src(%dma_wait3A_827 : memref<128x8xf32, #tpu.memory_space<vmem>>) dst(%dma_wait3A_832 : memref<100352x8xf32, #tpu.memory_space<vmem_shared>>)
      %dma_wait3A_833 = arith.constant 512 : i32
      %dma_wait3A_834 = arith.constant 0 : i32
      %dma_wait3A_835 = tpu.memref_slice %arg9[%dma_wait3A_833, %dma_wait3A_834] : memref<2048x8xf32, #tpu.memory_space<vmem>> -> memref<128x8xf32, #tpu.memory_space<vmem>>
      %dma_wait3A_836 = arith.constant 512 : i32
      %dma_wait3A_837 = tpu.memref_slice %arg8[%dma_wait3A_836] : memref<2048xi32, #tpu.memory_space<vmem>> -> memref<128xi32, #tpu.memory_space<vmem>>
      %dma_wait3A_838 = arith.constant 0 : i32
      %dma_wait3A_839 = arith.constant 0 : i32
      %dma_wait3A_840 = tpu.memref_slice %arg11[%dma_wait3A_838, %dma_wait3A_839] : memref<100352x8xf32, #tpu.memory_space<vmem_shared>> -> memref<100352x8xf32, #tpu.memory_space<vmem_shared>>
      tpu.wait_indirect_dma semaphore(%arg13 : memref<!tpu.dma_semaphore, #tpu.memory_space<semaphore_mem>>) src(%dma_wait3A_835 : memref<128x8xf32, #tpu.memory_space<vmem>>) dst(%dma_wait3A_840 : memref<100352x8xf32, #tpu.memory_space<vmem_shared>>)
      %dma_wait3A_841 = arith.constant 640 : i32
      %dma_wait3A_842 = arith.constant 0 : i32
      %dma_wait3A_843 = tpu.memref_slice %arg9[%dma_wait3A_841, %dma_wait3A_842] : memref<2048x8xf32, #tpu.memory_space<vmem>> -> memref<128x8xf32, #tpu.memory_space<vmem>>
      %dma_wait3A_844 = arith.constant 640 : i32
      %dma_wait3A_845 = tpu.memref_slice %arg8[%dma_wait3A_844] : memref<2048xi32, #tpu.memory_space<vmem>> -> memref<128xi32, #tpu.memory_space<vmem>>
      %dma_wait3A_846 = arith.constant 0 : i32
      %dma_wait3A_847 = arith.constant 0 : i32
      %dma_wait3A_848 = tpu.memref_slice %arg11[%dma_wait3A_846, %dma_wait3A_847] : memref<100352x8xf32, #tpu.memory_space<vmem_shared>> -> memref<100352x8xf32, #tpu.memory_space<vmem_shared>>
      tpu.wait_indirect_dma semaphore(%arg13 : memref<!tpu.dma_semaphore, #tpu.memory_space<semaphore_mem>>) src(%dma_wait3A_843 : memref<128x8xf32, #tpu.memory_space<vmem>>) dst(%dma_wait3A_848 : memref<100352x8xf32, #tpu.memory_space<vmem_shared>>)
      %dma_wait3A_849 = arith.constant 768 : i32
      %dma_wait3A_850 = arith.constant 0 : i32
      %dma_wait3A_851 = tpu.memref_slice %arg9[%dma_wait3A_849, %dma_wait3A_850] : memref<2048x8xf32, #tpu.memory_space<vmem>> -> memref<128x8xf32, #tpu.memory_space<vmem>>
      %dma_wait3A_852 = arith.constant 768 : i32
      %dma_wait3A_853 = tpu.memref_slice %arg8[%dma_wait3A_852] : memref<2048xi32, #tpu.memory_space<vmem>> -> memref<128xi32, #tpu.memory_space<vmem>>
      %dma_wait3A_854 = arith.constant 0 : i32
      %dma_wait3A_855 = arith.constant 0 : i32
      %dma_wait3A_856 = tpu.memref_slice %arg11[%dma_wait3A_854, %dma_wait3A_855] : memref<100352x8xf32, #tpu.memory_space<vmem_shared>> -> memref<100352x8xf32, #tpu.memory_space<vmem_shared>>
      tpu.wait_indirect_dma semaphore(%arg13 : memref<!tpu.dma_semaphore, #tpu.memory_space<semaphore_mem>>) src(%dma_wait3A_851 : memref<128x8xf32, #tpu.memory_space<vmem>>) dst(%dma_wait3A_856 : memref<100352x8xf32, #tpu.memory_space<vmem_shared>>)
      %dma_wait3A_857 = arith.constant 896 : i32
      %dma_wait3A_858 = arith.constant 0 : i32
      %dma_wait3A_859 = tpu.memref_slice %arg9[%dma_wait3A_857, %dma_wait3A_858] : memref<2048x8xf32, #tpu.memory_space<vmem>> -> memref<128x8xf32, #tpu.memory_space<vmem>>
      %dma_wait3A_860 = arith.constant 896 : i32
      %dma_wait3A_861 = tpu.memref_slice %arg8[%dma_wait3A_860] : memref<2048xi32, #tpu.memory_space<vmem>> -> memref<128xi32, #tpu.memory_space<vmem>>
      %dma_wait3A_862 = arith.constant 0 : i32
      %dma_wait3A_863 = arith.constant 0 : i32
      %dma_wait3A_864 = tpu.memref_slice %arg11[%dma_wait3A_862, %dma_wait3A_863] : memref<100352x8xf32, #tpu.memory_space<vmem_shared>> -> memref<100352x8xf32, #tpu.memory_space<vmem_shared>>
      tpu.wait_indirect_dma semaphore(%arg13 : memref<!tpu.dma_semaphore, #tpu.memory_space<semaphore_mem>>) src(%dma_wait3A_859 : memref<128x8xf32, #tpu.memory_space<vmem>>) dst(%dma_wait3A_864 : memref<100352x8xf32, #tpu.memory_space<vmem_shared>>)
      %dma_wait3A_865 = arith.constant 1024 : i32
      %dma_wait3A_866 = arith.constant 0 : i32
      %dma_wait3A_867 = tpu.memref_slice %arg9[%dma_wait3A_865, %dma_wait3A_866] : memref<2048x8xf32, #tpu.memory_space<vmem>> -> memref<128x8xf32, #tpu.memory_space<vmem>>
      %dma_wait3A_868 = arith.constant 1024 : i32
      %dma_wait3A_869 = tpu.memref_slice %arg8[%dma_wait3A_868] : memref<2048xi32, #tpu.memory_space<vmem>> -> memref<128xi32, #tpu.memory_space<vmem>>
      %dma_wait3A_870 = arith.constant 0 : i32
      %dma_wait3A_871 = arith.constant 0 : i32
      %dma_wait3A_872 = tpu.memref_slice %arg11[%dma_wait3A_870, %dma_wait3A_871] : memref<100352x8xf32, #tpu.memory_space<vmem_shared>> -> memref<100352x8xf32, #tpu.memory_space<vmem_shared>>
      tpu.wait_indirect_dma semaphore(%arg13 : memref<!tpu.dma_semaphore, #tpu.memory_space<semaphore_mem>>) src(%dma_wait3A_867 : memref<128x8xf32, #tpu.memory_space<vmem>>) dst(%dma_wait3A_872 : memref<100352x8xf32, #tpu.memory_space<vmem_shared>>)
      %dma_wait3A_873 = arith.constant 1152 : i32
      %dma_wait3A_874 = arith.constant 0 : i32
      %dma_wait3A_875 = tpu.memref_slice %arg9[%dma_wait3A_873, %dma_wait3A_874] : memref<2048x8xf32, #tpu.memory_space<vmem>> -> memref<128x8xf32, #tpu.memory_space<vmem>>
      %dma_wait3A_876 = arith.constant 1152 : i32
      %dma_wait3A_877 = tpu.memref_slice %arg8[%dma_wait3A_876] : memref<2048xi32, #tpu.memory_space<vmem>> -> memref<128xi32, #tpu.memory_space<vmem>>
      %dma_wait3A_878 = arith.constant 0 : i32
      %dma_wait3A_879 = arith.constant 0 : i32
      %dma_wait3A_880 = tpu.memref_slice %arg11[%dma_wait3A_878, %dma_wait3A_879] : memref<100352x8xf32, #tpu.memory_space<vmem_shared>> -> memref<100352x8xf32, #tpu.memory_space<vmem_shared>>
      tpu.wait_indirect_dma semaphore(%arg13 : memref<!tpu.dma_semaphore, #tpu.memory_space<semaphore_mem>>) src(%dma_wait3A_875 : memref<128x8xf32, #tpu.memory_space<vmem>>) dst(%dma_wait3A_880 : memref<100352x8xf32, #tpu.memory_space<vmem_shared>>)
      %dma_wait3A_881 = arith.constant 1280 : i32
      %dma_wait3A_882 = arith.constant 0 : i32
      %dma_wait3A_883 = tpu.memref_slice %arg9[%dma_wait3A_881, %dma_wait3A_882] : memref<2048x8xf32, #tpu.memory_space<vmem>> -> memref<128x8xf32, #tpu.memory_space<vmem>>
      %dma_wait3A_884 = arith.constant 1280 : i32
      %dma_wait3A_885 = tpu.memref_slice %arg8[%dma_wait3A_884] : memref<2048xi32, #tpu.memory_space<vmem>> -> memref<128xi32, #tpu.memory_space<vmem>>
      %dma_wait3A_886 = arith.constant 0 : i32
      %dma_wait3A_887 = arith.constant 0 : i32
      %dma_wait3A_888 = tpu.memref_slice %arg11[%dma_wait3A_886, %dma_wait3A_887] : memref<100352x8xf32, #tpu.memory_space<vmem_shared>> -> memref<100352x8xf32, #tpu.memory_space<vmem_shared>>
      tpu.wait_indirect_dma semaphore(%arg13 : memref<!tpu.dma_semaphore, #tpu.memory_space<semaphore_mem>>) src(%dma_wait3A_883 : memref<128x8xf32, #tpu.memory_space<vmem>>) dst(%dma_wait3A_888 : memref<100352x8xf32, #tpu.memory_space<vmem_shared>>)
      %dma_wait3A_889 = arith.constant 1408 : i32
      %dma_wait3A_890 = arith.constant 0 : i32
      %dma_wait3A_891 = tpu.memref_slice %arg9[%dma_wait3A_889, %dma_wait3A_890] : memref<2048x8xf32, #tpu.memory_space<vmem>> -> memref<128x8xf32, #tpu.memory_space<vmem>>
      %dma_wait3A_892 = arith.constant 1408 : i32
      %dma_wait3A_893 = tpu.memref_slice %arg8[%dma_wait3A_892] : memref<2048xi32, #tpu.memory_space<vmem>> -> memref<128xi32, #tpu.memory_space<vmem>>
      %dma_wait3A_894 = arith.constant 0 : i32
      %dma_wait3A_895 = arith.constant 0 : i32
      %dma_wait3A_896 = tpu.memref_slice %arg11[%dma_wait3A_894, %dma_wait3A_895] : memref<100352x8xf32, #tpu.memory_space<vmem_shared>> -> memref<100352x8xf32, #tpu.memory_space<vmem_shared>>
      tpu.wait_indirect_dma semaphore(%arg13 : memref<!tpu.dma_semaphore, #tpu.memory_space<semaphore_mem>>) src(%dma_wait3A_891 : memref<128x8xf32, #tpu.memory_space<vmem>>) dst(%dma_wait3A_896 : memref<100352x8xf32, #tpu.memory_space<vmem_shared>>)
      %dma_wait3A_897 = arith.constant 1536 : i32
      %dma_wait3A_898 = arith.constant 0 : i32
      %dma_wait3A_899 = tpu.memref_slice %arg9[%dma_wait3A_897, %dma_wait3A_898] : memref<2048x8xf32, #tpu.memory_space<vmem>> -> memref<128x8xf32, #tpu.memory_space<vmem>>
      %dma_wait3A_900 = arith.constant 1536 : i32
      %dma_wait3A_901 = tpu.memref_slice %arg8[%dma_wait3A_900] : memref<2048xi32, #tpu.memory_space<vmem>> -> memref<128xi32, #tpu.memory_space<vmem>>
      %dma_wait3A_902 = arith.constant 0 : i32
      %dma_wait3A_903 = arith.constant 0 : i32
      %dma_wait3A_904 = tpu.memref_slice %arg11[%dma_wait3A_902, %dma_wait3A_903] : memref<100352x8xf32, #tpu.memory_space<vmem_shared>> -> memref<100352x8xf32, #tpu.memory_space<vmem_shared>>
      tpu.wait_indirect_dma semaphore(%arg13 : memref<!tpu.dma_semaphore, #tpu.memory_space<semaphore_mem>>) src(%dma_wait3A_899 : memref<128x8xf32, #tpu.memory_space<vmem>>) dst(%dma_wait3A_904 : memref<100352x8xf32, #tpu.memory_space<vmem_shared>>)
      %dma_wait3A_905 = arith.constant 1664 : i32
      %dma_wait3A_906 = arith.constant 0 : i32
      %dma_wait3A_907 = tpu.memref_slice %arg9[%dma_wait3A_905, %dma_wait3A_906] : memref<2048x8xf32, #tpu.memory_space<vmem>> -> memref<128x8xf32, #tpu.memory_space<vmem>>
      %dma_wait3A_908 = arith.constant 1664 : i32
      %dma_wait3A_909 = tpu.memref_slice %arg8[%dma_wait3A_908] : memref<2048xi32, #tpu.memory_space<vmem>> -> memref<128xi32, #tpu.memory_space<vmem>>
      %dma_wait3A_910 = arith.constant 0 : i32
      %dma_wait3A_911 = arith.constant 0 : i32
      %dma_wait3A_912 = tpu.memref_slice %arg11[%dma_wait3A_910, %dma_wait3A_911] : memref<100352x8xf32, #tpu.memory_space<vmem_shared>> -> memref<100352x8xf32, #tpu.memory_space<vmem_shared>>
      tpu.wait_indirect_dma semaphore(%arg13 : memref<!tpu.dma_semaphore, #tpu.memory_space<semaphore_mem>>) src(%dma_wait3A_907 : memref<128x8xf32, #tpu.memory_space<vmem>>) dst(%dma_wait3A_912 : memref<100352x8xf32, #tpu.memory_space<vmem_shared>>)
      %dma_wait3A_913 = arith.constant 1792 : i32
      %dma_wait3A_914 = arith.constant 0 : i32
      %dma_wait3A_915 = tpu.memref_slice %arg9[%dma_wait3A_913, %dma_wait3A_914] : memref<2048x8xf32, #tpu.memory_space<vmem>> -> memref<128x8xf32, #tpu.memory_space<vmem>>
      %dma_wait3A_916 = arith.constant 1792 : i32
      %dma_wait3A_917 = tpu.memref_slice %arg8[%dma_wait3A_916] : memref<2048xi32, #tpu.memory_space<vmem>> -> memref<128xi32, #tpu.memory_space<vmem>>
      %dma_wait3A_918 = arith.constant 0 : i32
      %dma_wait3A_919 = arith.constant 0 : i32
      %dma_wait3A_920 = tpu.memref_slice %arg11[%dma_wait3A_918, %dma_wait3A_919] : memref<100352x8xf32, #tpu.memory_space<vmem_shared>> -> memref<100352x8xf32, #tpu.memory_space<vmem_shared>>
      tpu.wait_indirect_dma semaphore(%arg13 : memref<!tpu.dma_semaphore, #tpu.memory_space<semaphore_mem>>) src(%dma_wait3A_915 : memref<128x8xf32, #tpu.memory_space<vmem>>) dst(%dma_wait3A_920 : memref<100352x8xf32, #tpu.memory_space<vmem_shared>>)
      %dma_wait3A_921 = arith.constant 1920 : i32
      %dma_wait3A_922 = arith.constant 0 : i32
      %dma_wait3A_923 = tpu.memref_slice %arg9[%dma_wait3A_921, %dma_wait3A_922] : memref<2048x8xf32, #tpu.memory_space<vmem>> -> memref<128x8xf32, #tpu.memory_space<vmem>>
      %dma_wait3A_924 = arith.constant 1920 : i32
      %dma_wait3A_925 = tpu.memref_slice %arg8[%dma_wait3A_924] : memref<2048xi32, #tpu.memory_space<vmem>> -> memref<128xi32, #tpu.memory_space<vmem>>
      %dma_wait3A_926 = arith.constant 0 : i32
      %dma_wait3A_927 = arith.constant 0 : i32
      %dma_wait3A_928 = tpu.memref_slice %arg11[%dma_wait3A_926, %dma_wait3A_927] : memref<100352x8xf32, #tpu.memory_space<vmem_shared>> -> memref<100352x8xf32, #tpu.memory_space<vmem_shared>>
      tpu.wait_indirect_dma semaphore(%arg13 : memref<!tpu.dma_semaphore, #tpu.memory_space<semaphore_mem>>) src(%dma_wait3A_923 : memref<128x8xf32, #tpu.memory_space<vmem>>) dst(%dma_wait3A_928 : memref<100352x8xf32, #tpu.memory_space<vmem_shared>>)
      %scan3A_929 = arith.constant 0 : i32
      scf.yield %scan3A_929 : i32
    }
    %scan3A_10 = arith.constant 97 : i32
    %add3A_11 = arith.constant 198656 : i32
    %add3A_12 = arith.addi %mul3A_4, %add3A_11 : i32
    %dma_start3A = arith.constant 0 : i32
    %dma_start3A_13 = tpu.memref_slice %arg7[%dma_start3A] : memref<2048xi32, #tpu.memory_space<vmem>> -> memref<1344xi32, #tpu.memory_space<vmem>>
    %dma_start3A_14 = tpu.memref_slice %arg2[%add3A_12] : memref<6400000xi32, #tpu.memory_space<hbm>> -> memref<1344xi32, #tpu.memory_space<hbm>>
    %dma_start3A_15 = arith.constant 0 : i32
    %dma_start3A_16 = tpu.memref_slice %arg7[%dma_start3A_15] : memref<2048xi32, #tpu.memory_space<vmem>> -> memref<1344xi32, #tpu.memory_space<vmem>>
    %dma_start3A_17 = tpu.memref_slice %arg2[%add3A_12] : memref<6400000xi32, #tpu.memory_space<hbm>> -> memref<1344xi32, #tpu.memory_space<hbm>>
    tpu.enqueue_dma source(%dma_start3A_17 : memref<1344xi32, #tpu.memory_space<hbm>>) target(%dma_start3A_16 : memref<1344xi32, #tpu.memory_space<vmem>>) target_semaphore(%arg12 : memref<!tpu.dma_semaphore, #tpu.memory_space<semaphore_mem>>)
    %dma_start3A_18 = arith.constant 0 : i32
    %dma_start3A_19 = tpu.memref_slice %arg8[%dma_start3A_18] : memref<2048xi32, #tpu.memory_space<vmem>> -> memref<1344xi32, #tpu.memory_space<vmem>>
    %dma_start3A_20 = tpu.memref_slice %arg3[%add3A_12] : memref<6400000xi32, #tpu.memory_space<hbm>> -> memref<1344xi32, #tpu.memory_space<hbm>>
    %dma_start3A_21 = arith.constant 0 : i32
    %dma_start3A_22 = tpu.memref_slice %arg8[%dma_start3A_21] : memref<2048xi32, #tpu.memory_space<vmem>> -> memref<1344xi32, #tpu.memory_space<vmem>>
    %dma_start3A_23 = tpu.memref_slice %arg3[%add3A_12] : memref<6400000xi32, #tpu.memory_space<hbm>> -> memref<1344xi32, #tpu.memory_space<hbm>>
    tpu.enqueue_dma source(%dma_start3A_23 : memref<1344xi32, #tpu.memory_space<hbm>>) target(%dma_start3A_22 : memref<1344xi32, #tpu.memory_space<vmem>>) target_semaphore(%arg12 : memref<!tpu.dma_semaphore, #tpu.memory_space<semaphore_mem>>)
    %dma_wait3A = arith.constant 0 : i32
    %dma_wait3A_24 = tpu.memref_slice %arg7[%dma_wait3A] : memref<2048xi32, #tpu.memory_space<vmem>> -> memref<1344xi32, #tpu.memory_space<vmem>>
    %dma_wait3A_25 = tpu.memref_slice %arg2[%add3A_12] : memref<6400000xi32, #tpu.memory_space<hbm>> -> memref<1344xi32, #tpu.memory_space<hbm>>
    %dma_wait3A_26 = arith.constant 0 : i32
    %dma_wait3A_27 = tpu.memref_slice %arg7[%dma_wait3A_26] : memref<2048xi32, #tpu.memory_space<vmem>> -> memref<1344xi32, #tpu.memory_space<vmem>>
    %dma_wait3A_28 = tpu.memref_slice %arg2[%add3A_12] : memref<6400000xi32, #tpu.memory_space<hbm>> -> memref<1344xi32, #tpu.memory_space<hbm>>
    tpu.wait_dma2 semaphore(%arg12 : memref<!tpu.dma_semaphore, #tpu.memory_space<semaphore_mem>>) src(%dma_wait3A_28 : memref<1344xi32, #tpu.memory_space<hbm>>) dst(%dma_wait3A_27 : memref<1344xi32, #tpu.memory_space<vmem>>)
    %dma_wait3A_29 = arith.constant 0 : i32
    %dma_wait3A_30 = tpu.memref_slice %arg8[%dma_wait3A_29] : memref<2048xi32, #tpu.memory_space<vmem>> -> memref<1344xi32, #tpu.memory_space<vmem>>
    %dma_wait3A_31 = tpu.memref_slice %arg3[%add3A_12] : memref<6400000xi32, #tpu.memory_space<hbm>> -> memref<1344xi32, #tpu.memory_space<hbm>>
    %dma_wait3A_32 = arith.constant 0 : i32
    %dma_wait3A_33 = tpu.memref_slice %arg8[%dma_wait3A_32] : memref<2048xi32, #tpu.memory_space<vmem>> -> memref<1344xi32, #tpu.memory_space<vmem>>
    %dma_wait3A_34 = tpu.memref_slice %arg3[%add3A_12] : memref<6400000xi32, #tpu.memory_space<hbm>> -> memref<1344xi32, #tpu.memory_space<hbm>>
    tpu.wait_dma2 semaphore(%arg12 : memref<!tpu.dma_semaphore, #tpu.memory_space<semaphore_mem>>) src(%dma_wait3A_34 : memref<1344xi32, #tpu.memory_space<hbm>>) dst(%dma_wait3A_33 : memref<1344xi32, #tpu.memory_space<vmem>>)
    %dma_start3A_35 = arith.constant 0 : i32
    %dma_start3A_36 = arith.constant 0 : i32
    %dma_start3A_37 = tpu.memref_slice %arg9[%dma_start3A_35, %dma_start3A_36] : memref<2048x8xf32, #tpu.memory_space<vmem>> -> memref<128x8xf32, #tpu.memory_space<vmem>>
    %dma_start3A_38 = arith.constant 0 : i32
    %dma_start3A_39 = tpu.memref_slice %arg7[%dma_start3A_38] : memref<2048xi32, #tpu.memory_space<vmem>> -> memref<128xi32, #tpu.memory_space<vmem>>
    %dma_start3A_40 = arith.constant 0 : i32
    %dma_start3A_41 = arith.constant 0 : i32
    %dma_start3A_42 = tpu.memref_slice %arg10[%dma_start3A_40, %dma_start3A_41] : memref<100352x8xf32, #tpu.memory_space<vmem_shared>> -> memref<100352x8xf32, #tpu.memory_space<vmem_shared>>
    tpu.enqueue_indirect_dma source(%dma_start3A_42 : memref<100352x8xf32, #tpu.memory_space<vmem_shared>>) target(%dma_start3A_37 : memref<128x8xf32, #tpu.memory_space<vmem>>) offsets(%dma_start3A_39 : memref<128xi32, #tpu.memory_space<vmem>>) semaphore(%arg12 : memref<!tpu.dma_semaphore, #tpu.memory_space<semaphore_mem>>)
    %dma_start3A_43 = arith.constant 128 : i32
    %dma_start3A_44 = arith.constant 0 : i32
    %dma_start3A_45 = tpu.memref_slice %arg9[%dma_start3A_43, %dma_start3A_44] : memref<2048x8xf32, #tpu.memory_space<vmem>> -> memref<128x8xf32, #tpu.memory_space<vmem>>
    %dma_start3A_46 = arith.constant 128 : i32
    %dma_start3A_47 = tpu.memref_slice %arg7[%dma_start3A_46] : memref<2048xi32, #tpu.memory_space<vmem>> -> memref<128xi32, #tpu.memory_space<vmem>>
    %dma_start3A_48 = arith.constant 0 : i32
    %dma_start3A_49 = arith.constant 0 : i32
    %dma_start3A_50 = tpu.memref_slice %arg10[%dma_start3A_48, %dma_start3A_49] : memref<100352x8xf32, #tpu.memory_space<vmem_shared>> -> memref<100352x8xf32, #tpu.memory_space<vmem_shared>>
    tpu.enqueue_indirect_dma source(%dma_start3A_50 : memref<100352x8xf32, #tpu.memory_space<vmem_shared>>) target(%dma_start3A_45 : memref<128x8xf32, #tpu.memory_space<vmem>>) offsets(%dma_start3A_47 : memref<128xi32, #tpu.memory_space<vmem>>) semaphore(%arg12 : memref<!tpu.dma_semaphore, #tpu.memory_space<semaphore_mem>>)
    %dma_start3A_51 = arith.constant 256 : i32
    %dma_start3A_52 = arith.constant 0 : i32
    %dma_start3A_53 = tpu.memref_slice %arg9[%dma_start3A_51, %dma_start3A_52] : memref<2048x8xf32, #tpu.memory_space<vmem>> -> memref<128x8xf32, #tpu.memory_space<vmem>>
    %dma_start3A_54 = arith.constant 256 : i32
    %dma_start3A_55 = tpu.memref_slice %arg7[%dma_start3A_54] : memref<2048xi32, #tpu.memory_space<vmem>> -> memref<128xi32, #tpu.memory_space<vmem>>
    %dma_start3A_56 = arith.constant 0 : i32
    %dma_start3A_57 = arith.constant 0 : i32
    %dma_start3A_58 = tpu.memref_slice %arg10[%dma_start3A_56, %dma_start3A_57] : memref<100352x8xf32, #tpu.memory_space<vmem_shared>> -> memref<100352x8xf32, #tpu.memory_space<vmem_shared>>
    tpu.enqueue_indirect_dma source(%dma_start3A_58 : memref<100352x8xf32, #tpu.memory_space<vmem_shared>>) target(%dma_start3A_53 : memref<128x8xf32, #tpu.memory_space<vmem>>) offsets(%dma_start3A_55 : memref<128xi32, #tpu.memory_space<vmem>>) semaphore(%arg12 : memref<!tpu.dma_semaphore, #tpu.memory_space<semaphore_mem>>)
    %dma_start3A_59 = arith.constant 384 : i32
    %dma_start3A_60 = arith.constant 0 : i32
    %dma_start3A_61 = tpu.memref_slice %arg9[%dma_start3A_59, %dma_start3A_60] : memref<2048x8xf32, #tpu.memory_space<vmem>> -> memref<128x8xf32, #tpu.memory_space<vmem>>
    %dma_start3A_62 = arith.constant 384 : i32
    %dma_start3A_63 = tpu.memref_slice %arg7[%dma_start3A_62] : memref<2048xi32, #tpu.memory_space<vmem>> -> memref<128xi32, #tpu.memory_space<vmem>>
    %dma_start3A_64 = arith.constant 0 : i32
    %dma_start3A_65 = arith.constant 0 : i32
    %dma_start3A_66 = tpu.memref_slice %arg10[%dma_start3A_64, %dma_start3A_65] : memref<100352x8xf32, #tpu.memory_space<vmem_shared>> -> memref<100352x8xf32, #tpu.memory_space<vmem_shared>>
    tpu.enqueue_indirect_dma source(%dma_start3A_66 : memref<100352x8xf32, #tpu.memory_space<vmem_shared>>) target(%dma_start3A_61 : memref<128x8xf32, #tpu.memory_space<vmem>>) offsets(%dma_start3A_63 : memref<128xi32, #tpu.memory_space<vmem>>) semaphore(%arg12 : memref<!tpu.dma_semaphore, #tpu.memory_space<semaphore_mem>>)
    %dma_start3A_67 = arith.constant 512 : i32
    %dma_start3A_68 = arith.constant 0 : i32
    %dma_start3A_69 = tpu.memref_slice %arg9[%dma_start3A_67, %dma_start3A_68] : memref<2048x8xf32, #tpu.memory_space<vmem>> -> memref<128x8xf32, #tpu.memory_space<vmem>>
    %dma_start3A_70 = arith.constant 512 : i32
    %dma_start3A_71 = tpu.memref_slice %arg7[%dma_start3A_70] : memref<2048xi32, #tpu.memory_space<vmem>> -> memref<128xi32, #tpu.memory_space<vmem>>
    %dma_start3A_72 = arith.constant 0 : i32
    %dma_start3A_73 = arith.constant 0 : i32
    %dma_start3A_74 = tpu.memref_slice %arg10[%dma_start3A_72, %dma_start3A_73] : memref<100352x8xf32, #tpu.memory_space<vmem_shared>> -> memref<100352x8xf32, #tpu.memory_space<vmem_shared>>
    tpu.enqueue_indirect_dma source(%dma_start3A_74 : memref<100352x8xf32, #tpu.memory_space<vmem_shared>>) target(%dma_start3A_69 : memref<128x8xf32, #tpu.memory_space<vmem>>) offsets(%dma_start3A_71 : memref<128xi32, #tpu.memory_space<vmem>>) semaphore(%arg12 : memref<!tpu.dma_semaphore, #tpu.memory_space<semaphore_mem>>)
    %dma_start3A_75 = arith.constant 640 : i32
    %dma_start3A_76 = arith.constant 0 : i32
    %dma_start3A_77 = tpu.memref_slice %arg9[%dma_start3A_75, %dma_start3A_76] : memref<2048x8xf32, #tpu.memory_space<vmem>> -> memref<128x8xf32, #tpu.memory_space<vmem>>
    %dma_start3A_78 = arith.constant 640 : i32
    %dma_start3A_79 = tpu.memref_slice %arg7[%dma_start3A_78] : memref<2048xi32, #tpu.memory_space<vmem>> -> memref<128xi32, #tpu.memory_space<vmem>>
    %dma_start3A_80 = arith.constant 0 : i32
    %dma_start3A_81 = arith.constant 0 : i32
    %dma_start3A_82 = tpu.memref_slice %arg10[%dma_start3A_80, %dma_start3A_81] : memref<100352x8xf32, #tpu.memory_space<vmem_shared>> -> memref<100352x8xf32, #tpu.memory_space<vmem_shared>>
    tpu.enqueue_indirect_dma source(%dma_start3A_82 : memref<100352x8xf32, #tpu.memory_space<vmem_shared>>) target(%dma_start3A_77 : memref<128x8xf32, #tpu.memory_space<vmem>>) offsets(%dma_start3A_79 : memref<128xi32, #tpu.memory_space<vmem>>) semaphore(%arg12 : memref<!tpu.dma_semaphore, #tpu.memory_space<semaphore_mem>>)
    %dma_start3A_83 = arith.constant 768 : i32
    %dma_start3A_84 = arith.constant 0 : i32
    %dma_start3A_85 = tpu.memref_slice %arg9[%dma_start3A_83, %dma_start3A_84] : memref<2048x8xf32, #tpu.memory_space<vmem>> -> memref<128x8xf32, #tpu.memory_space<vmem>>
    %dma_start3A_86 = arith.constant 768 : i32
    %dma_start3A_87 = tpu.memref_slice %arg7[%dma_start3A_86] : memref<2048xi32, #tpu.memory_space<vmem>> -> memref<128xi32, #tpu.memory_space<vmem>>
    %dma_start3A_88 = arith.constant 0 : i32
    %dma_start3A_89 = arith.constant 0 : i32
    %dma_start3A_90 = tpu.memref_slice %arg10[%dma_start3A_88, %dma_start3A_89] : memref<100352x8xf32, #tpu.memory_space<vmem_shared>> -> memref<100352x8xf32, #tpu.memory_space<vmem_shared>>
    tpu.enqueue_indirect_dma source(%dma_start3A_90 : memref<100352x8xf32, #tpu.memory_space<vmem_shared>>) target(%dma_start3A_85 : memref<128x8xf32, #tpu.memory_space<vmem>>) offsets(%dma_start3A_87 : memref<128xi32, #tpu.memory_space<vmem>>) semaphore(%arg12 : memref<!tpu.dma_semaphore, #tpu.memory_space<semaphore_mem>>)
    %dma_start3A_91 = arith.constant 896 : i32
    %dma_start3A_92 = arith.constant 0 : i32
    %dma_start3A_93 = tpu.memref_slice %arg9[%dma_start3A_91, %dma_start3A_92] : memref<2048x8xf32, #tpu.memory_space<vmem>> -> memref<128x8xf32, #tpu.memory_space<vmem>>
    %dma_start3A_94 = arith.constant 896 : i32
    %dma_start3A_95 = tpu.memref_slice %arg7[%dma_start3A_94] : memref<2048xi32, #tpu.memory_space<vmem>> -> memref<128xi32, #tpu.memory_space<vmem>>
    %dma_start3A_96 = arith.constant 0 : i32
    %dma_start3A_97 = arith.constant 0 : i32
    %dma_start3A_98 = tpu.memref_slice %arg10[%dma_start3A_96, %dma_start3A_97] : memref<100352x8xf32, #tpu.memory_space<vmem_shared>> -> memref<100352x8xf32, #tpu.memory_space<vmem_shared>>
    tpu.enqueue_indirect_dma source(%dma_start3A_98 : memref<100352x8xf32, #tpu.memory_space<vmem_shared>>) target(%dma_start3A_93 : memref<128x8xf32, #tpu.memory_space<vmem>>) offsets(%dma_start3A_95 : memref<128xi32, #tpu.memory_space<vmem>>) semaphore(%arg12 : memref<!tpu.dma_semaphore, #tpu.memory_space<semaphore_mem>>)
    %dma_start3A_99 = arith.constant 1024 : i32
    %dma_start3A_100 = arith.constant 0 : i32
    %dma_start3A_101 = tpu.memref_slice %arg9[%dma_start3A_99, %dma_start3A_100] : memref<2048x8xf32, #tpu.memory_space<vmem>> -> memref<128x8xf32, #tpu.memory_space<vmem>>
    %dma_start3A_102 = arith.constant 1024 : i32
    %dma_start3A_103 = tpu.memref_slice %arg7[%dma_start3A_102] : memref<2048xi32, #tpu.memory_space<vmem>> -> memref<128xi32, #tpu.memory_space<vmem>>
    %dma_start3A_104 = arith.constant 0 : i32
    %dma_start3A_105 = arith.constant 0 : i32
    %dma_start3A_106 = tpu.memref_slice %arg10[%dma_start3A_104, %dma_start3A_105] : memref<100352x8xf32, #tpu.memory_space<vmem_shared>> -> memref<100352x8xf32, #tpu.memory_space<vmem_shared>>
    tpu.enqueue_indirect_dma source(%dma_start3A_106 : memref<100352x8xf32, #tpu.memory_space<vmem_shared>>) target(%dma_start3A_101 : memref<128x8xf32, #tpu.memory_space<vmem>>) offsets(%dma_start3A_103 : memref<128xi32, #tpu.memory_space<vmem>>) semaphore(%arg12 : memref<!tpu.dma_semaphore, #tpu.memory_space<semaphore_mem>>)
    %dma_start3A_107 = arith.constant 1152 : i32
    %dma_start3A_108 = arith.constant 0 : i32
    %dma_start3A_109 = tpu.memref_slice %arg9[%dma_start3A_107, %dma_start3A_108] : memref<2048x8xf32, #tpu.memory_space<vmem>> -> memref<128x8xf32, #tpu.memory_space<vmem>>
    %dma_start3A_110 = arith.constant 1152 : i32
    %dma_start3A_111 = tpu.memref_slice %arg7[%dma_start3A_110] : memref<2048xi32, #tpu.memory_space<vmem>> -> memref<128xi32, #tpu.memory_space<vmem>>
    %dma_start3A_112 = arith.constant 0 : i32
    %dma_start3A_113 = arith.constant 0 : i32
    %dma_start3A_114 = tpu.memref_slice %arg10[%dma_start3A_112, %dma_start3A_113] : memref<100352x8xf32, #tpu.memory_space<vmem_shared>> -> memref<100352x8xf32, #tpu.memory_space<vmem_shared>>
    tpu.enqueue_indirect_dma source(%dma_start3A_114 : memref<100352x8xf32, #tpu.memory_space<vmem_shared>>) target(%dma_start3A_109 : memref<128x8xf32, #tpu.memory_space<vmem>>) offsets(%dma_start3A_111 : memref<128xi32, #tpu.memory_space<vmem>>) semaphore(%arg12 : memref<!tpu.dma_semaphore, #tpu.memory_space<semaphore_mem>>)
    %dma_start3A_115 = arith.constant 1280 : i32
    %dma_start3A_116 = arith.constant 0 : i32
    %dma_start3A_117 = tpu.memref_slice %arg9[%dma_start3A_115, %dma_start3A_116] : memref<2048x8xf32, #tpu.memory_space<vmem>> -> memref<64x8xf32, #tpu.memory_space<vmem>>
    %dma_start3A_118 = arith.constant 1280 : i32
    %dma_start3A_119 = tpu.memref_slice %arg7[%dma_start3A_118] : memref<2048xi32, #tpu.memory_space<vmem>> -> memref<64xi32, #tpu.memory_space<vmem>>
    %dma_start3A_120 = arith.constant 0 : i32
    %dma_start3A_121 = arith.constant 0 : i32
    %dma_start3A_122 = tpu.memref_slice %arg10[%dma_start3A_120, %dma_start3A_121] : memref<100352x8xf32, #tpu.memory_space<vmem_shared>> -> memref<100352x8xf32, #tpu.memory_space<vmem_shared>>
    tpu.enqueue_indirect_dma source(%dma_start3A_122 : memref<100352x8xf32, #tpu.memory_space<vmem_shared>>) target(%dma_start3A_117 : memref<64x8xf32, #tpu.memory_space<vmem>>) offsets(%dma_start3A_119 : memref<64xi32, #tpu.memory_space<vmem>>) semaphore(%arg12 : memref<!tpu.dma_semaphore, #tpu.memory_space<semaphore_mem>>)
    %dma_wait3A_123 = arith.constant 0 : i32
    %dma_wait3A_124 = arith.constant 0 : i32
    %dma_wait3A_125 = tpu.memref_slice %arg9[%dma_wait3A_123, %dma_wait3A_124] : memref<2048x8xf32, #tpu.memory_space<vmem>> -> memref<128x8xf32, #tpu.memory_space<vmem>>
    %dma_wait3A_126 = arith.constant 0 : i32
    %dma_wait3A_127 = tpu.memref_slice %arg7[%dma_wait3A_126] : memref<2048xi32, #tpu.memory_space<vmem>> -> memref<128xi32, #tpu.memory_space<vmem>>
    %dma_wait3A_128 = arith.constant 0 : i32
    %dma_wait3A_129 = arith.constant 0 : i32
    %dma_wait3A_130 = tpu.memref_slice %arg10[%dma_wait3A_128, %dma_wait3A_129] : memref<100352x8xf32, #tpu.memory_space<vmem_shared>> -> memref<100352x8xf32, #tpu.memory_space<vmem_shared>>
    tpu.wait_indirect_dma semaphore(%arg12 : memref<!tpu.dma_semaphore, #tpu.memory_space<semaphore_mem>>) src(%dma_wait3A_130 : memref<100352x8xf32, #tpu.memory_space<vmem_shared>>) dst(%dma_wait3A_125 : memref<128x8xf32, #tpu.memory_space<vmem>>)
    %dma_wait3A_131 = arith.constant 128 : i32
    %dma_wait3A_132 = arith.constant 0 : i32
    %dma_wait3A_133 = tpu.memref_slice %arg9[%dma_wait3A_131, %dma_wait3A_132] : memref<2048x8xf32, #tpu.memory_space<vmem>> -> memref<128x8xf32, #tpu.memory_space<vmem>>
    %dma_wait3A_134 = arith.constant 128 : i32
    %dma_wait3A_135 = tpu.memref_slice %arg7[%dma_wait3A_134] : memref<2048xi32, #tpu.memory_space<vmem>> -> memref<128xi32, #tpu.memory_space<vmem>>
    %dma_wait3A_136 = arith.constant 0 : i32
    %dma_wait3A_137 = arith.constant 0 : i32
    %dma_wait3A_138 = tpu.memref_slice %arg10[%dma_wait3A_136, %dma_wait3A_137] : memref<100352x8xf32, #tpu.memory_space<vmem_shared>> -> memref<100352x8xf32, #tpu.memory_space<vmem_shared>>
    tpu.wait_indirect_dma semaphore(%arg12 : memref<!tpu.dma_semaphore, #tpu.memory_space<semaphore_mem>>) src(%dma_wait3A_138 : memref<100352x8xf32, #tpu.memory_space<vmem_shared>>) dst(%dma_wait3A_133 : memref<128x8xf32, #tpu.memory_space<vmem>>)
    %dma_wait3A_139 = arith.constant 256 : i32
    %dma_wait3A_140 = arith.constant 0 : i32
    %dma_wait3A_141 = tpu.memref_slice %arg9[%dma_wait3A_139, %dma_wait3A_140] : memref<2048x8xf32, #tpu.memory_space<vmem>> -> memref<128x8xf32, #tpu.memory_space<vmem>>
    %dma_wait3A_142 = arith.constant 256 : i32
    %dma_wait3A_143 = tpu.memref_slice %arg7[%dma_wait3A_142] : memref<2048xi32, #tpu.memory_space<vmem>> -> memref<128xi32, #tpu.memory_space<vmem>>
    %dma_wait3A_144 = arith.constant 0 : i32
    %dma_wait3A_145 = arith.constant 0 : i32
    %dma_wait3A_146 = tpu.memref_slice %arg10[%dma_wait3A_144, %dma_wait3A_145] : memref<100352x8xf32, #tpu.memory_space<vmem_shared>> -> memref<100352x8xf32, #tpu.memory_space<vmem_shared>>
    tpu.wait_indirect_dma semaphore(%arg12 : memref<!tpu.dma_semaphore, #tpu.memory_space<semaphore_mem>>) src(%dma_wait3A_146 : memref<100352x8xf32, #tpu.memory_space<vmem_shared>>) dst(%dma_wait3A_141 : memref<128x8xf32, #tpu.memory_space<vmem>>)
    %dma_wait3A_147 = arith.constant 384 : i32
    %dma_wait3A_148 = arith.constant 0 : i32
    %dma_wait3A_149 = tpu.memref_slice %arg9[%dma_wait3A_147, %dma_wait3A_148] : memref<2048x8xf32, #tpu.memory_space<vmem>> -> memref<128x8xf32, #tpu.memory_space<vmem>>
    %dma_wait3A_150 = arith.constant 384 : i32
    %dma_wait3A_151 = tpu.memref_slice %arg7[%dma_wait3A_150] : memref<2048xi32, #tpu.memory_space<vmem>> -> memref<128xi32, #tpu.memory_space<vmem>>
    %dma_wait3A_152 = arith.constant 0 : i32
    %dma_wait3A_153 = arith.constant 0 : i32
    %dma_wait3A_154 = tpu.memref_slice %arg10[%dma_wait3A_152, %dma_wait3A_153] : memref<100352x8xf32, #tpu.memory_space<vmem_shared>> -> memref<100352x8xf32, #tpu.memory_space<vmem_shared>>
    tpu.wait_indirect_dma semaphore(%arg12 : memref<!tpu.dma_semaphore, #tpu.memory_space<semaphore_mem>>) src(%dma_wait3A_154 : memref<100352x8xf32, #tpu.memory_space<vmem_shared>>) dst(%dma_wait3A_149 : memref<128x8xf32, #tpu.memory_space<vmem>>)
    %dma_wait3A_155 = arith.constant 512 : i32
    %dma_wait3A_156 = arith.constant 0 : i32
    %dma_wait3A_157 = tpu.memref_slice %arg9[%dma_wait3A_155, %dma_wait3A_156] : memref<2048x8xf32, #tpu.memory_space<vmem>> -> memref<128x8xf32, #tpu.memory_space<vmem>>
    %dma_wait3A_158 = arith.constant 512 : i32
    %dma_wait3A_159 = tpu.memref_slice %arg7[%dma_wait3A_158] : memref<2048xi32, #tpu.memory_space<vmem>> -> memref<128xi32, #tpu.memory_space<vmem>>
    %dma_wait3A_160 = arith.constant 0 : i32
    %dma_wait3A_161 = arith.constant 0 : i32
    %dma_wait3A_162 = tpu.memref_slice %arg10[%dma_wait3A_160, %dma_wait3A_161] : memref<100352x8xf32, #tpu.memory_space<vmem_shared>> -> memref<100352x8xf32, #tpu.memory_space<vmem_shared>>
    tpu.wait_indirect_dma semaphore(%arg12 : memref<!tpu.dma_semaphore, #tpu.memory_space<semaphore_mem>>) src(%dma_wait3A_162 : memref<100352x8xf32, #tpu.memory_space<vmem_shared>>) dst(%dma_wait3A_157 : memref<128x8xf32, #tpu.memory_space<vmem>>)
    %dma_wait3A_163 = arith.constant 640 : i32
    %dma_wait3A_164 = arith.constant 0 : i32
    %dma_wait3A_165 = tpu.memref_slice %arg9[%dma_wait3A_163, %dma_wait3A_164] : memref<2048x8xf32, #tpu.memory_space<vmem>> -> memref<128x8xf32, #tpu.memory_space<vmem>>
    %dma_wait3A_166 = arith.constant 640 : i32
    %dma_wait3A_167 = tpu.memref_slice %arg7[%dma_wait3A_166] : memref<2048xi32, #tpu.memory_space<vmem>> -> memref<128xi32, #tpu.memory_space<vmem>>
    %dma_wait3A_168 = arith.constant 0 : i32
    %dma_wait3A_169 = arith.constant 0 : i32
    %dma_wait3A_170 = tpu.memref_slice %arg10[%dma_wait3A_168, %dma_wait3A_169] : memref<100352x8xf32, #tpu.memory_space<vmem_shared>> -> memref<100352x8xf32, #tpu.memory_space<vmem_shared>>
    tpu.wait_indirect_dma semaphore(%arg12 : memref<!tpu.dma_semaphore, #tpu.memory_space<semaphore_mem>>) src(%dma_wait3A_170 : memref<100352x8xf32, #tpu.memory_space<vmem_shared>>) dst(%dma_wait3A_165 : memref<128x8xf32, #tpu.memory_space<vmem>>)
    %dma_wait3A_171 = arith.constant 768 : i32
    %dma_wait3A_172 = arith.constant 0 : i32
    %dma_wait3A_173 = tpu.memref_slice %arg9[%dma_wait3A_171, %dma_wait3A_172] : memref<2048x8xf32, #tpu.memory_space<vmem>> -> memref<128x8xf32, #tpu.memory_space<vmem>>
    %dma_wait3A_174 = arith.constant 768 : i32
    %dma_wait3A_175 = tpu.memref_slice %arg7[%dma_wait3A_174] : memref<2048xi32, #tpu.memory_space<vmem>> -> memref<128xi32, #tpu.memory_space<vmem>>
    %dma_wait3A_176 = arith.constant 0 : i32
    %dma_wait3A_177 = arith.constant 0 : i32
    %dma_wait3A_178 = tpu.memref_slice %arg10[%dma_wait3A_176, %dma_wait3A_177] : memref<100352x8xf32, #tpu.memory_space<vmem_shared>> -> memref<100352x8xf32, #tpu.memory_space<vmem_shared>>
    tpu.wait_indirect_dma semaphore(%arg12 : memref<!tpu.dma_semaphore, #tpu.memory_space<semaphore_mem>>) src(%dma_wait3A_178 : memref<100352x8xf32, #tpu.memory_space<vmem_shared>>) dst(%dma_wait3A_173 : memref<128x8xf32, #tpu.memory_space<vmem>>)
    %dma_wait3A_179 = arith.constant 896 : i32
    %dma_wait3A_180 = arith.constant 0 : i32
    %dma_wait3A_181 = tpu.memref_slice %arg9[%dma_wait3A_179, %dma_wait3A_180] : memref<2048x8xf32, #tpu.memory_space<vmem>> -> memref<128x8xf32, #tpu.memory_space<vmem>>
    %dma_wait3A_182 = arith.constant 896 : i32
    %dma_wait3A_183 = tpu.memref_slice %arg7[%dma_wait3A_182] : memref<2048xi32, #tpu.memory_space<vmem>> -> memref<128xi32, #tpu.memory_space<vmem>>
    %dma_wait3A_184 = arith.constant 0 : i32
    %dma_wait3A_185 = arith.constant 0 : i32
    %dma_wait3A_186 = tpu.memref_slice %arg10[%dma_wait3A_184, %dma_wait3A_185] : memref<100352x8xf32, #tpu.memory_space<vmem_shared>> -> memref<100352x8xf32, #tpu.memory_space<vmem_shared>>
    tpu.wait_indirect_dma semaphore(%arg12 : memref<!tpu.dma_semaphore, #tpu.memory_space<semaphore_mem>>) src(%dma_wait3A_186 : memref<100352x8xf32, #tpu.memory_space<vmem_shared>>) dst(%dma_wait3A_181 : memref<128x8xf32, #tpu.memory_space<vmem>>)
    %dma_wait3A_187 = arith.constant 1024 : i32
    %dma_wait3A_188 = arith.constant 0 : i32
    %dma_wait3A_189 = tpu.memref_slice %arg9[%dma_wait3A_187, %dma_wait3A_188] : memref<2048x8xf32, #tpu.memory_space<vmem>> -> memref<128x8xf32, #tpu.memory_space<vmem>>
    %dma_wait3A_190 = arith.constant 1024 : i32
    %dma_wait3A_191 = tpu.memref_slice %arg7[%dma_wait3A_190] : memref<2048xi32, #tpu.memory_space<vmem>> -> memref<128xi32, #tpu.memory_space<vmem>>
    %dma_wait3A_192 = arith.constant 0 : i32
    %dma_wait3A_193 = arith.constant 0 : i32
    %dma_wait3A_194 = tpu.memref_slice %arg10[%dma_wait3A_192, %dma_wait3A_193] : memref<100352x8xf32, #tpu.memory_space<vmem_shared>> -> memref<100352x8xf32, #tpu.memory_space<vmem_shared>>
    tpu.wait_indirect_dma semaphore(%arg12 : memref<!tpu.dma_semaphore, #tpu.memory_space<semaphore_mem>>) src(%dma_wait3A_194 : memref<100352x8xf32, #tpu.memory_space<vmem_shared>>) dst(%dma_wait3A_189 : memref<128x8xf32, #tpu.memory_space<vmem>>)
    %dma_wait3A_195 = arith.constant 1152 : i32
    %dma_wait3A_196 = arith.constant 0 : i32
    %dma_wait3A_197 = tpu.memref_slice %arg9[%dma_wait3A_195, %dma_wait3A_196] : memref<2048x8xf32, #tpu.memory_space<vmem>> -> memref<128x8xf32, #tpu.memory_space<vmem>>
    %dma_wait3A_198 = arith.constant 1152 : i32
    %dma_wait3A_199 = tpu.memref_slice %arg7[%dma_wait3A_198] : memref<2048xi32, #tpu.memory_space<vmem>> -> memref<128xi32, #tpu.memory_space<vmem>>
    %dma_wait3A_200 = arith.constant 0 : i32
    %dma_wait3A_201 = arith.constant 0 : i32
    %dma_wait3A_202 = tpu.memref_slice %arg10[%dma_wait3A_200, %dma_wait3A_201] : memref<100352x8xf32, #tpu.memory_space<vmem_shared>> -> memref<100352x8xf32, #tpu.memory_space<vmem_shared>>
    tpu.wait_indirect_dma semaphore(%arg12 : memref<!tpu.dma_semaphore, #tpu.memory_space<semaphore_mem>>) src(%dma_wait3A_202 : memref<100352x8xf32, #tpu.memory_space<vmem_shared>>) dst(%dma_wait3A_197 : memref<128x8xf32, #tpu.memory_space<vmem>>)
    %dma_wait3A_203 = arith.constant 1280 : i32
    %dma_wait3A_204 = arith.constant 0 : i32
    %dma_wait3A_205 = tpu.memref_slice %arg9[%dma_wait3A_203, %dma_wait3A_204] : memref<2048x8xf32, #tpu.memory_space<vmem>> -> memref<64x8xf32, #tpu.memory_space<vmem>>
    %dma_wait3A_206 = arith.constant 1280 : i32
    %dma_wait3A_207 = tpu.memref_slice %arg7[%dma_wait3A_206] : memref<2048xi32, #tpu.memory_space<vmem>> -> memref<64xi32, #tpu.memory_space<vmem>>
    %dma_wait3A_208 = arith.constant 0 : i32
    %dma_wait3A_209 = arith.constant 0 : i32
    %dma_wait3A_210 = tpu.memref_slice %arg10[%dma_wait3A_208, %dma_wait3A_209] : memref<100352x8xf32, #tpu.memory_space<vmem_shared>> -> memref<100352x8xf32, #tpu.memory_space<vmem_shared>>
    tpu.wait_indirect_dma semaphore(%arg12 : memref<!tpu.dma_semaphore, #tpu.memory_space<semaphore_mem>>) src(%dma_wait3A_210 : memref<100352x8xf32, #tpu.memory_space<vmem_shared>>) dst(%dma_wait3A_205 : memref<64x8xf32, #tpu.memory_space<vmem>>)
    %dma_start3A_211 = arith.constant 0 : i32
    %dma_start3A_212 = arith.constant 0 : i32
    %dma_start3A_213 = tpu.memref_slice %arg9[%dma_start3A_211, %dma_start3A_212] : memref<2048x8xf32, #tpu.memory_space<vmem>> -> memref<128x8xf32, #tpu.memory_space<vmem>>
    %dma_start3A_214 = arith.constant 0 : i32
    %dma_start3A_215 = tpu.memref_slice %arg8[%dma_start3A_214] : memref<2048xi32, #tpu.memory_space<vmem>> -> memref<128xi32, #tpu.memory_space<vmem>>
    %dma_start3A_216 = arith.constant 0 : i32
    %dma_start3A_217 = arith.constant 0 : i32
    %dma_start3A_218 = tpu.memref_slice %arg11[%dma_start3A_216, %dma_start3A_217] : memref<100352x8xf32, #tpu.memory_space<vmem_shared>> -> memref<100352x8xf32, #tpu.memory_space<vmem_shared>>
    tpu.enqueue_indirect_dma source(%dma_start3A_213 : memref<128x8xf32, #tpu.memory_space<vmem>>) target(%dma_start3A_218 : memref<100352x8xf32, #tpu.memory_space<vmem_shared>>) offsets(%dma_start3A_215 : memref<128xi32, #tpu.memory_space<vmem>>) semaphore(%arg13 : memref<!tpu.dma_semaphore, #tpu.memory_space<semaphore_mem>>) {add = true}
    %dma_start3A_219 = arith.constant 128 : i32
    %dma_start3A_220 = arith.constant 0 : i32
    %dma_start3A_221 = tpu.memref_slice %arg9[%dma_start3A_219, %dma_start3A_220] : memref<2048x8xf32, #tpu.memory_space<vmem>> -> memref<128x8xf32, #tpu.memory_space<vmem>>
    %dma_start3A_222 = arith.constant 128 : i32
    %dma_start3A_223 = tpu.memref_slice %arg8[%dma_start3A_222] : memref<2048xi32, #tpu.memory_space<vmem>> -> memref<128xi32, #tpu.memory_space<vmem>>
    %dma_start3A_224 = arith.constant 0 : i32
    %dma_start3A_225 = arith.constant 0 : i32
    %dma_start3A_226 = tpu.memref_slice %arg11[%dma_start3A_224, %dma_start3A_225] : memref<100352x8xf32, #tpu.memory_space<vmem_shared>> -> memref<100352x8xf32, #tpu.memory_space<vmem_shared>>
    tpu.enqueue_indirect_dma source(%dma_start3A_221 : memref<128x8xf32, #tpu.memory_space<vmem>>) target(%dma_start3A_226 : memref<100352x8xf32, #tpu.memory_space<vmem_shared>>) offsets(%dma_start3A_223 : memref<128xi32, #tpu.memory_space<vmem>>) semaphore(%arg13 : memref<!tpu.dma_semaphore, #tpu.memory_space<semaphore_mem>>) {add = true}
    %dma_start3A_227 = arith.constant 256 : i32
    %dma_start3A_228 = arith.constant 0 : i32
    %dma_start3A_229 = tpu.memref_slice %arg9[%dma_start3A_227, %dma_start3A_228] : memref<2048x8xf32, #tpu.memory_space<vmem>> -> memref<128x8xf32, #tpu.memory_space<vmem>>
    %dma_start3A_230 = arith.constant 256 : i32
    %dma_start3A_231 = tpu.memref_slice %arg8[%dma_start3A_230] : memref<2048xi32, #tpu.memory_space<vmem>> -> memref<128xi32, #tpu.memory_space<vmem>>
    %dma_start3A_232 = arith.constant 0 : i32
    %dma_start3A_233 = arith.constant 0 : i32
    %dma_start3A_234 = tpu.memref_slice %arg11[%dma_start3A_232, %dma_start3A_233] : memref<100352x8xf32, #tpu.memory_space<vmem_shared>> -> memref<100352x8xf32, #tpu.memory_space<vmem_shared>>
    tpu.enqueue_indirect_dma source(%dma_start3A_229 : memref<128x8xf32, #tpu.memory_space<vmem>>) target(%dma_start3A_234 : memref<100352x8xf32, #tpu.memory_space<vmem_shared>>) offsets(%dma_start3A_231 : memref<128xi32, #tpu.memory_space<vmem>>) semaphore(%arg13 : memref<!tpu.dma_semaphore, #tpu.memory_space<semaphore_mem>>) {add = true}
    %dma_start3A_235 = arith.constant 384 : i32
    %dma_start3A_236 = arith.constant 0 : i32
    %dma_start3A_237 = tpu.memref_slice %arg9[%dma_start3A_235, %dma_start3A_236] : memref<2048x8xf32, #tpu.memory_space<vmem>> -> memref<128x8xf32, #tpu.memory_space<vmem>>
    %dma_start3A_238 = arith.constant 384 : i32
    %dma_start3A_239 = tpu.memref_slice %arg8[%dma_start3A_238] : memref<2048xi32, #tpu.memory_space<vmem>> -> memref<128xi32, #tpu.memory_space<vmem>>
    %dma_start3A_240 = arith.constant 0 : i32
    %dma_start3A_241 = arith.constant 0 : i32
    %dma_start3A_242 = tpu.memref_slice %arg11[%dma_start3A_240, %dma_start3A_241] : memref<100352x8xf32, #tpu.memory_space<vmem_shared>> -> memref<100352x8xf32, #tpu.memory_space<vmem_shared>>
    tpu.enqueue_indirect_dma source(%dma_start3A_237 : memref<128x8xf32, #tpu.memory_space<vmem>>) target(%dma_start3A_242 : memref<100352x8xf32, #tpu.memory_space<vmem_shared>>) offsets(%dma_start3A_239 : memref<128xi32, #tpu.memory_space<vmem>>) semaphore(%arg13 : memref<!tpu.dma_semaphore, #tpu.memory_space<semaphore_mem>>) {add = true}
    %dma_start3A_243 = arith.constant 512 : i32
    %dma_start3A_244 = arith.constant 0 : i32
    %dma_start3A_245 = tpu.memref_slice %arg9[%dma_start3A_243, %dma_start3A_244] : memref<2048x8xf32, #tpu.memory_space<vmem>> -> memref<128x8xf32, #tpu.memory_space<vmem>>
    %dma_start3A_246 = arith.constant 512 : i32
    %dma_start3A_247 = tpu.memref_slice %arg8[%dma_start3A_246] : memref<2048xi32, #tpu.memory_space<vmem>> -> memref<128xi32, #tpu.memory_space<vmem>>
    %dma_start3A_248 = arith.constant 0 : i32
    %dma_start3A_249 = arith.constant 0 : i32
    %dma_start3A_250 = tpu.memref_slice %arg11[%dma_start3A_248, %dma_start3A_249] : memref<100352x8xf32, #tpu.memory_space<vmem_shared>> -> memref<100352x8xf32, #tpu.memory_space<vmem_shared>>
    tpu.enqueue_indirect_dma source(%dma_start3A_245 : memref<128x8xf32, #tpu.memory_space<vmem>>) target(%dma_start3A_250 : memref<100352x8xf32, #tpu.memory_space<vmem_shared>>) offsets(%dma_start3A_247 : memref<128xi32, #tpu.memory_space<vmem>>) semaphore(%arg13 : memref<!tpu.dma_semaphore, #tpu.memory_space<semaphore_mem>>) {add = true}
    %dma_start3A_251 = arith.constant 640 : i32
    %dma_start3A_252 = arith.constant 0 : i32
    %dma_start3A_253 = tpu.memref_slice %arg9[%dma_start3A_251, %dma_start3A_252] : memref<2048x8xf32, #tpu.memory_space<vmem>> -> memref<128x8xf32, #tpu.memory_space<vmem>>
    %dma_start3A_254 = arith.constant 640 : i32
    %dma_start3A_255 = tpu.memref_slice %arg8[%dma_start3A_254] : memref<2048xi32, #tpu.memory_space<vmem>> -> memref<128xi32, #tpu.memory_space<vmem>>
    %dma_start3A_256 = arith.constant 0 : i32
    %dma_start3A_257 = arith.constant 0 : i32
    %dma_start3A_258 = tpu.memref_slice %arg11[%dma_start3A_256, %dma_start3A_257] : memref<100352x8xf32, #tpu.memory_space<vmem_shared>> -> memref<100352x8xf32, #tpu.memory_space<vmem_shared>>
    tpu.enqueue_indirect_dma source(%dma_start3A_253 : memref<128x8xf32, #tpu.memory_space<vmem>>) target(%dma_start3A_258 : memref<100352x8xf32, #tpu.memory_space<vmem_shared>>) offsets(%dma_start3A_255 : memref<128xi32, #tpu.memory_space<vmem>>) semaphore(%arg13 : memref<!tpu.dma_semaphore, #tpu.memory_space<semaphore_mem>>) {add = true}
    %dma_start3A_259 = arith.constant 768 : i32
    %dma_start3A_260 = arith.constant 0 : i32
    %dma_start3A_261 = tpu.memref_slice %arg9[%dma_start3A_259, %dma_start3A_260] : memref<2048x8xf32, #tpu.memory_space<vmem>> -> memref<128x8xf32, #tpu.memory_space<vmem>>
    %dma_start3A_262 = arith.constant 768 : i32
    %dma_start3A_263 = tpu.memref_slice %arg8[%dma_start3A_262] : memref<2048xi32, #tpu.memory_space<vmem>> -> memref<128xi32, #tpu.memory_space<vmem>>
    %dma_start3A_264 = arith.constant 0 : i32
    %dma_start3A_265 = arith.constant 0 : i32
    %dma_start3A_266 = tpu.memref_slice %arg11[%dma_start3A_264, %dma_start3A_265] : memref<100352x8xf32, #tpu.memory_space<vmem_shared>> -> memref<100352x8xf32, #tpu.memory_space<vmem_shared>>
    tpu.enqueue_indirect_dma source(%dma_start3A_261 : memref<128x8xf32, #tpu.memory_space<vmem>>) target(%dma_start3A_266 : memref<100352x8xf32, #tpu.memory_space<vmem_shared>>) offsets(%dma_start3A_263 : memref<128xi32, #tpu.memory_space<vmem>>) semaphore(%arg13 : memref<!tpu.dma_semaphore, #tpu.memory_space<semaphore_mem>>) {add = true}
    %dma_start3A_267 = arith.constant 896 : i32
    %dma_start3A_268 = arith.constant 0 : i32
    %dma_start3A_269 = tpu.memref_slice %arg9[%dma_start3A_267, %dma_start3A_268] : memref<2048x8xf32, #tpu.memory_space<vmem>> -> memref<128x8xf32, #tpu.memory_space<vmem>>
    %dma_start3A_270 = arith.constant 896 : i32
    %dma_start3A_271 = tpu.memref_slice %arg8[%dma_start3A_270] : memref<2048xi32, #tpu.memory_space<vmem>> -> memref<128xi32, #tpu.memory_space<vmem>>
    %dma_start3A_272 = arith.constant 0 : i32
    %dma_start3A_273 = arith.constant 0 : i32
    %dma_start3A_274 = tpu.memref_slice %arg11[%dma_start3A_272, %dma_start3A_273] : memref<100352x8xf32, #tpu.memory_space<vmem_shared>> -> memref<100352x8xf32, #tpu.memory_space<vmem_shared>>
    tpu.enqueue_indirect_dma source(%dma_start3A_269 : memref<128x8xf32, #tpu.memory_space<vmem>>) target(%dma_start3A_274 : memref<100352x8xf32, #tpu.memory_space<vmem_shared>>) offsets(%dma_start3A_271 : memref<128xi32, #tpu.memory_space<vmem>>) semaphore(%arg13 : memref<!tpu.dma_semaphore, #tpu.memory_space<semaphore_mem>>) {add = true}
    %dma_start3A_275 = arith.constant 1024 : i32
    %dma_start3A_276 = arith.constant 0 : i32
    %dma_start3A_277 = tpu.memref_slice %arg9[%dma_start3A_275, %dma_start3A_276] : memref<2048x8xf32, #tpu.memory_space<vmem>> -> memref<128x8xf32, #tpu.memory_space<vmem>>
    %dma_start3A_278 = arith.constant 1024 : i32
    %dma_start3A_279 = tpu.memref_slice %arg8[%dma_start3A_278] : memref<2048xi32, #tpu.memory_space<vmem>> -> memref<128xi32, #tpu.memory_space<vmem>>
    %dma_start3A_280 = arith.constant 0 : i32
    %dma_start3A_281 = arith.constant 0 : i32
    %dma_start3A_282 = tpu.memref_slice %arg11[%dma_start3A_280, %dma_start3A_281] : memref<100352x8xf32, #tpu.memory_space<vmem_shared>> -> memref<100352x8xf32, #tpu.memory_space<vmem_shared>>
    tpu.enqueue_indirect_dma source(%dma_start3A_277 : memref<128x8xf32, #tpu.memory_space<vmem>>) target(%dma_start3A_282 : memref<100352x8xf32, #tpu.memory_space<vmem_shared>>) offsets(%dma_start3A_279 : memref<128xi32, #tpu.memory_space<vmem>>) semaphore(%arg13 : memref<!tpu.dma_semaphore, #tpu.memory_space<semaphore_mem>>) {add = true}
    %dma_start3A_283 = arith.constant 1152 : i32
    %dma_start3A_284 = arith.constant 0 : i32
    %dma_start3A_285 = tpu.memref_slice %arg9[%dma_start3A_283, %dma_start3A_284] : memref<2048x8xf32, #tpu.memory_space<vmem>> -> memref<128x8xf32, #tpu.memory_space<vmem>>
    %dma_start3A_286 = arith.constant 1152 : i32
    %dma_start3A_287 = tpu.memref_slice %arg8[%dma_start3A_286] : memref<2048xi32, #tpu.memory_space<vmem>> -> memref<128xi32, #tpu.memory_space<vmem>>
    %dma_start3A_288 = arith.constant 0 : i32
    %dma_start3A_289 = arith.constant 0 : i32
    %dma_start3A_290 = tpu.memref_slice %arg11[%dma_start3A_288, %dma_start3A_289] : memref<100352x8xf32, #tpu.memory_space<vmem_shared>> -> memref<100352x8xf32, #tpu.memory_space<vmem_shared>>
    tpu.enqueue_indirect_dma source(%dma_start3A_285 : memref<128x8xf32, #tpu.memory_space<vmem>>) target(%dma_start3A_290 : memref<100352x8xf32, #tpu.memory_space<vmem_shared>>) offsets(%dma_start3A_287 : memref<128xi32, #tpu.memory_space<vmem>>) semaphore(%arg13 : memref<!tpu.dma_semaphore, #tpu.memory_space<semaphore_mem>>) {add = true}
    %dma_start3A_291 = arith.constant 1280 : i32
    %dma_start3A_292 = arith.constant 0 : i32
    %dma_start3A_293 = tpu.memref_slice %arg9[%dma_start3A_291, %dma_start3A_292] : memref<2048x8xf32, #tpu.memory_space<vmem>> -> memref<64x8xf32, #tpu.memory_space<vmem>>
    %dma_start3A_294 = arith.constant 1280 : i32
    %dma_start3A_295 = tpu.memref_slice %arg8[%dma_start3A_294] : memref<2048xi32, #tpu.memory_space<vmem>> -> memref<64xi32, #tpu.memory_space<vmem>>
    %dma_start3A_296 = arith.constant 0 : i32
    %dma_start3A_297 = arith.constant 0 : i32
    %dma_start3A_298 = tpu.memref_slice %arg11[%dma_start3A_296, %dma_start3A_297] : memref<100352x8xf32, #tpu.memory_space<vmem_shared>> -> memref<100352x8xf32, #tpu.memory_space<vmem_shared>>
    tpu.enqueue_indirect_dma source(%dma_start3A_293 : memref<64x8xf32, #tpu.memory_space<vmem>>) target(%dma_start3A_298 : memref<100352x8xf32, #tpu.memory_space<vmem_shared>>) offsets(%dma_start3A_295 : memref<64xi32, #tpu.memory_space<vmem>>) semaphore(%arg13 : memref<!tpu.dma_semaphore, #tpu.memory_space<semaphore_mem>>) {add = true}
    %dma_wait3A_299 = arith.constant 0 : i32
    %dma_wait3A_300 = arith.constant 0 : i32
    %dma_wait3A_301 = tpu.memref_slice %arg9[%dma_wait3A_299, %dma_wait3A_300] : memref<2048x8xf32, #tpu.memory_space<vmem>> -> memref<128x8xf32, #tpu.memory_space<vmem>>
    %dma_wait3A_302 = arith.constant 0 : i32
    %dma_wait3A_303 = tpu.memref_slice %arg8[%dma_wait3A_302] : memref<2048xi32, #tpu.memory_space<vmem>> -> memref<128xi32, #tpu.memory_space<vmem>>
    %dma_wait3A_304 = arith.constant 0 : i32
    %dma_wait3A_305 = arith.constant 0 : i32
    %dma_wait3A_306 = tpu.memref_slice %arg11[%dma_wait3A_304, %dma_wait3A_305] : memref<100352x8xf32, #tpu.memory_space<vmem_shared>> -> memref<100352x8xf32, #tpu.memory_space<vmem_shared>>
    tpu.wait_indirect_dma semaphore(%arg13 : memref<!tpu.dma_semaphore, #tpu.memory_space<semaphore_mem>>) src(%dma_wait3A_301 : memref<128x8xf32, #tpu.memory_space<vmem>>) dst(%dma_wait3A_306 : memref<100352x8xf32, #tpu.memory_space<vmem_shared>>)
    %dma_wait3A_307 = arith.constant 128 : i32
    %dma_wait3A_308 = arith.constant 0 : i32
    %dma_wait3A_309 = tpu.memref_slice %arg9[%dma_wait3A_307, %dma_wait3A_308] : memref<2048x8xf32, #tpu.memory_space<vmem>> -> memref<128x8xf32, #tpu.memory_space<vmem>>
    %dma_wait3A_310 = arith.constant 128 : i32
    %dma_wait3A_311 = tpu.memref_slice %arg8[%dma_wait3A_310] : memref<2048xi32, #tpu.memory_space<vmem>> -> memref<128xi32, #tpu.memory_space<vmem>>
    %dma_wait3A_312 = arith.constant 0 : i32
    %dma_wait3A_313 = arith.constant 0 : i32
    %dma_wait3A_314 = tpu.memref_slice %arg11[%dma_wait3A_312, %dma_wait3A_313] : memref<100352x8xf32, #tpu.memory_space<vmem_shared>> -> memref<100352x8xf32, #tpu.memory_space<vmem_shared>>
    tpu.wait_indirect_dma semaphore(%arg13 : memref<!tpu.dma_semaphore, #tpu.memory_space<semaphore_mem>>) src(%dma_wait3A_309 : memref<128x8xf32, #tpu.memory_space<vmem>>) dst(%dma_wait3A_314 : memref<100352x8xf32, #tpu.memory_space<vmem_shared>>)
    %dma_wait3A_315 = arith.constant 256 : i32
    %dma_wait3A_316 = arith.constant 0 : i32
    %dma_wait3A_317 = tpu.memref_slice %arg9[%dma_wait3A_315, %dma_wait3A_316] : memref<2048x8xf32, #tpu.memory_space<vmem>> -> memref<128x8xf32, #tpu.memory_space<vmem>>
    %dma_wait3A_318 = arith.constant 256 : i32
    %dma_wait3A_319 = tpu.memref_slice %arg8[%dma_wait3A_318] : memref<2048xi32, #tpu.memory_space<vmem>> -> memref<128xi32, #tpu.memory_space<vmem>>
    %dma_wait3A_320 = arith.constant 0 : i32
    %dma_wait3A_321 = arith.constant 0 : i32
    %dma_wait3A_322 = tpu.memref_slice %arg11[%dma_wait3A_320, %dma_wait3A_321] : memref<100352x8xf32, #tpu.memory_space<vmem_shared>> -> memref<100352x8xf32, #tpu.memory_space<vmem_shared>>
    tpu.wait_indirect_dma semaphore(%arg13 : memref<!tpu.dma_semaphore, #tpu.memory_space<semaphore_mem>>) src(%dma_wait3A_317 : memref<128x8xf32, #tpu.memory_space<vmem>>) dst(%dma_wait3A_322 : memref<100352x8xf32, #tpu.memory_space<vmem_shared>>)
    %dma_wait3A_323 = arith.constant 384 : i32
    %dma_wait3A_324 = arith.constant 0 : i32
    %dma_wait3A_325 = tpu.memref_slice %arg9[%dma_wait3A_323, %dma_wait3A_324] : memref<2048x8xf32, #tpu.memory_space<vmem>> -> memref<128x8xf32, #tpu.memory_space<vmem>>
    %dma_wait3A_326 = arith.constant 384 : i32
    %dma_wait3A_327 = tpu.memref_slice %arg8[%dma_wait3A_326] : memref<2048xi32, #tpu.memory_space<vmem>> -> memref<128xi32, #tpu.memory_space<vmem>>
    %dma_wait3A_328 = arith.constant 0 : i32
    %dma_wait3A_329 = arith.constant 0 : i32
    %dma_wait3A_330 = tpu.memref_slice %arg11[%dma_wait3A_328, %dma_wait3A_329] : memref<100352x8xf32, #tpu.memory_space<vmem_shared>> -> memref<100352x8xf32, #tpu.memory_space<vmem_shared>>
    tpu.wait_indirect_dma semaphore(%arg13 : memref<!tpu.dma_semaphore, #tpu.memory_space<semaphore_mem>>) src(%dma_wait3A_325 : memref<128x8xf32, #tpu.memory_space<vmem>>) dst(%dma_wait3A_330 : memref<100352x8xf32, #tpu.memory_space<vmem_shared>>)
    %dma_wait3A_331 = arith.constant 512 : i32
    %dma_wait3A_332 = arith.constant 0 : i32
    %dma_wait3A_333 = tpu.memref_slice %arg9[%dma_wait3A_331, %dma_wait3A_332] : memref<2048x8xf32, #tpu.memory_space<vmem>> -> memref<128x8xf32, #tpu.memory_space<vmem>>
    %dma_wait3A_334 = arith.constant 512 : i32
    %dma_wait3A_335 = tpu.memref_slice %arg8[%dma_wait3A_334] : memref<2048xi32, #tpu.memory_space<vmem>> -> memref<128xi32, #tpu.memory_space<vmem>>
    %dma_wait3A_336 = arith.constant 0 : i32
    %dma_wait3A_337 = arith.constant 0 : i32
    %dma_wait3A_338 = tpu.memref_slice %arg11[%dma_wait3A_336, %dma_wait3A_337] : memref<100352x8xf32, #tpu.memory_space<vmem_shared>> -> memref<100352x8xf32, #tpu.memory_space<vmem_shared>>
    tpu.wait_indirect_dma semaphore(%arg13 : memref<!tpu.dma_semaphore, #tpu.memory_space<semaphore_mem>>) src(%dma_wait3A_333 : memref<128x8xf32, #tpu.memory_space<vmem>>) dst(%dma_wait3A_338 : memref<100352x8xf32, #tpu.memory_space<vmem_shared>>)
    %dma_wait3A_339 = arith.constant 640 : i32
    %dma_wait3A_340 = arith.constant 0 : i32
    %dma_wait3A_341 = tpu.memref_slice %arg9[%dma_wait3A_339, %dma_wait3A_340] : memref<2048x8xf32, #tpu.memory_space<vmem>> -> memref<128x8xf32, #tpu.memory_space<vmem>>
    %dma_wait3A_342 = arith.constant 640 : i32
    %dma_wait3A_343 = tpu.memref_slice %arg8[%dma_wait3A_342] : memref<2048xi32, #tpu.memory_space<vmem>> -> memref<128xi32, #tpu.memory_space<vmem>>
    %dma_wait3A_344 = arith.constant 0 : i32
    %dma_wait3A_345 = arith.constant 0 : i32
    %dma_wait3A_346 = tpu.memref_slice %arg11[%dma_wait3A_344, %dma_wait3A_345] : memref<100352x8xf32, #tpu.memory_space<vmem_shared>> -> memref<100352x8xf32, #tpu.memory_space<vmem_shared>>
    tpu.wait_indirect_dma semaphore(%arg13 : memref<!tpu.dma_semaphore, #tpu.memory_space<semaphore_mem>>) src(%dma_wait3A_341 : memref<128x8xf32, #tpu.memory_space<vmem>>) dst(%dma_wait3A_346 : memref<100352x8xf32, #tpu.memory_space<vmem_shared>>)
    %dma_wait3A_347 = arith.constant 768 : i32
    %dma_wait3A_348 = arith.constant 0 : i32
    %dma_wait3A_349 = tpu.memref_slice %arg9[%dma_wait3A_347, %dma_wait3A_348] : memref<2048x8xf32, #tpu.memory_space<vmem>> -> memref<128x8xf32, #tpu.memory_space<vmem>>
    %dma_wait3A_350 = arith.constant 768 : i32
    %dma_wait3A_351 = tpu.memref_slice %arg8[%dma_wait3A_350] : memref<2048xi32, #tpu.memory_space<vmem>> -> memref<128xi32, #tpu.memory_space<vmem>>
    %dma_wait3A_352 = arith.constant 0 : i32
    %dma_wait3A_353 = arith.constant 0 : i32
    %dma_wait3A_354 = tpu.memref_slice %arg11[%dma_wait3A_352, %dma_wait3A_353] : memref<100352x8xf32, #tpu.memory_space<vmem_shared>> -> memref<100352x8xf32, #tpu.memory_space<vmem_shared>>
    tpu.wait_indirect_dma semaphore(%arg13 : memref<!tpu.dma_semaphore, #tpu.memory_space<semaphore_mem>>) src(%dma_wait3A_349 : memref<128x8xf32, #tpu.memory_space<vmem>>) dst(%dma_wait3A_354 : memref<100352x8xf32, #tpu.memory_space<vmem_shared>>)
    %dma_wait3A_355 = arith.constant 896 : i32
    %dma_wait3A_356 = arith.constant 0 : i32
    %dma_wait3A_357 = tpu.memref_slice %arg9[%dma_wait3A_355, %dma_wait3A_356] : memref<2048x8xf32, #tpu.memory_space<vmem>> -> memref<128x8xf32, #tpu.memory_space<vmem>>
    %dma_wait3A_358 = arith.constant 896 : i32
    %dma_wait3A_359 = tpu.memref_slice %arg8[%dma_wait3A_358] : memref<2048xi32, #tpu.memory_space<vmem>> -> memref<128xi32, #tpu.memory_space<vmem>>
    %dma_wait3A_360 = arith.constant 0 : i32
    %dma_wait3A_361 = arith.constant 0 : i32
    %dma_wait3A_362 = tpu.memref_slice %arg11[%dma_wait3A_360, %dma_wait3A_361] : memref<100352x8xf32, #tpu.memory_space<vmem_shared>> -> memref<100352x8xf32, #tpu.memory_space<vmem_shared>>
    tpu.wait_indirect_dma semaphore(%arg13 : memref<!tpu.dma_semaphore, #tpu.memory_space<semaphore_mem>>) src(%dma_wait3A_357 : memref<128x8xf32, #tpu.memory_space<vmem>>) dst(%dma_wait3A_362 : memref<100352x8xf32, #tpu.memory_space<vmem_shared>>)
    %dma_wait3A_363 = arith.constant 1024 : i32
    %dma_wait3A_364 = arith.constant 0 : i32
    %dma_wait3A_365 = tpu.memref_slice %arg9[%dma_wait3A_363, %dma_wait3A_364] : memref<2048x8xf32, #tpu.memory_space<vmem>> -> memref<128x8xf32, #tpu.memory_space<vmem>>
    %dma_wait3A_366 = arith.constant 1024 : i32
    %dma_wait3A_367 = tpu.memref_slice %arg8[%dma_wait3A_366] : memref<2048xi32, #tpu.memory_space<vmem>> -> memref<128xi32, #tpu.memory_space<vmem>>
    %dma_wait3A_368 = arith.constant 0 : i32
    %dma_wait3A_369 = arith.constant 0 : i32
    %dma_wait3A_370 = tpu.memref_slice %arg11[%dma_wait3A_368, %dma_wait3A_369] : memref<100352x8xf32, #tpu.memory_space<vmem_shared>> -> memref<100352x8xf32, #tpu.memory_space<vmem_shared>>
    tpu.wait_indirect_dma semaphore(%arg13 : memref<!tpu.dma_semaphore, #tpu.memory_space<semaphore_mem>>) src(%dma_wait3A_365 : memref<128x8xf32, #tpu.memory_space<vmem>>) dst(%dma_wait3A_370 : memref<100352x8xf32, #tpu.memory_space<vmem_shared>>)
    %dma_wait3A_371 = arith.constant 1152 : i32
    %dma_wait3A_372 = arith.constant 0 : i32
    %dma_wait3A_373 = tpu.memref_slice %arg9[%dma_wait3A_371, %dma_wait3A_372] : memref<2048x8xf32, #tpu.memory_space<vmem>> -> memref<128x8xf32, #tpu.memory_space<vmem>>
    %dma_wait3A_374 = arith.constant 1152 : i32
    %dma_wait3A_375 = tpu.memref_slice %arg8[%dma_wait3A_374] : memref<2048xi32, #tpu.memory_space<vmem>> -> memref<128xi32, #tpu.memory_space<vmem>>
    %dma_wait3A_376 = arith.constant 0 : i32
    %dma_wait3A_377 = arith.constant 0 : i32
    %dma_wait3A_378 = tpu.memref_slice %arg11[%dma_wait3A_376, %dma_wait3A_377] : memref<100352x8xf32, #tpu.memory_space<vmem_shared>> -> memref<100352x8xf32, #tpu.memory_space<vmem_shared>>
    tpu.wait_indirect_dma semaphore(%arg13 : memref<!tpu.dma_semaphore, #tpu.memory_space<semaphore_mem>>) src(%dma_wait3A_373 : memref<128x8xf32, #tpu.memory_space<vmem>>) dst(%dma_wait3A_378 : memref<100352x8xf32, #tpu.memory_space<vmem_shared>>)
    %dma_wait3A_379 = arith.constant 1280 : i32
    %dma_wait3A_380 = arith.constant 0 : i32
    %dma_wait3A_381 = tpu.memref_slice %arg9[%dma_wait3A_379, %dma_wait3A_380] : memref<2048x8xf32, #tpu.memory_space<vmem>> -> memref<64x8xf32, #tpu.memory_space<vmem>>
    %dma_wait3A_382 = arith.constant 1280 : i32
    %dma_wait3A_383 = tpu.memref_slice %arg8[%dma_wait3A_382] : memref<2048xi32, #tpu.memory_space<vmem>> -> memref<64xi32, #tpu.memory_space<vmem>>
    %dma_wait3A_384 = arith.constant 0 : i32
    %dma_wait3A_385 = arith.constant 0 : i32
    %dma_wait3A_386 = tpu.memref_slice %arg11[%dma_wait3A_384, %dma_wait3A_385] : memref<100352x8xf32, #tpu.memory_space<vmem_shared>> -> memref<100352x8xf32, #tpu.memory_space<vmem_shared>>
    tpu.wait_indirect_dma semaphore(%arg13 : memref<!tpu.dma_semaphore, #tpu.memory_space<semaphore_mem>>) src(%dma_wait3A_381 : memref<64x8xf32, #tpu.memory_space<vmem>>) dst(%dma_wait3A_386 : memref<100352x8xf32, #tpu.memory_space<vmem_shared>>)
    %barrier3A_387 = arith.constant 0 : index
    tpu.barrier barrier_id(%barrier3A_387)
    "tpu.region"() ({
      %run_scoped3A = tpu.sem_alloc : memref<!tpu.dma_semaphore, #tpu.memory_space<semaphore_mem>>
      %dma_start3A_388 = arith.constant 0 : i32
      %dma_start3A_389 = tpu.memref_slice %arg6[%arg0, %mul3A_2, %dma_start3A_388] : memref<2x100352x8xf32, #tpu.memory_space<hbm>> -> memref<1x6272x8xf32, #tpu.memory_space<hbm>>
      %dma_start3A_390 = tpu.memref_squeeze %dma_start3A_389 : memref<1x6272x8xf32, #tpu.memory_space<hbm>> -> memref<6272x8xf32, #tpu.memory_space<hbm>>
      %dma_start3A_391 = arith.constant 0 : i32
      %dma_start3A_392 = tpu.memref_slice %arg11[%mul3A_2, %dma_start3A_391] : memref<100352x8xf32, #tpu.memory_space<vmem_shared>> -> memref<6272x8xf32, #tpu.memory_space<vmem_shared>>
      tpu.enqueue_dma source(%dma_start3A_392 : memref<6272x8xf32, #tpu.memory_space<vmem_shared>>) target(%dma_start3A_390 : memref<6272x8xf32, #tpu.memory_space<hbm>>) target_semaphore(%run_scoped3A : memref<!tpu.dma_semaphore, #tpu.memory_space<semaphore_mem>>)
      %dma_wait3A_393 = arith.constant 0 : i32
      %dma_wait3A_394 = tpu.memref_slice %arg6[%arg0, %mul3A_2, %dma_wait3A_393] : memref<2x100352x8xf32, #tpu.memory_space<hbm>> -> memref<1x6272x8xf32, #tpu.memory_space<hbm>>
      %dma_wait3A_395 = tpu.memref_squeeze %dma_wait3A_394 : memref<1x6272x8xf32, #tpu.memory_space<hbm>> -> memref<6272x8xf32, #tpu.memory_space<hbm>>
      %dma_wait3A_396 = arith.constant 0 : i32
      %dma_wait3A_397 = tpu.memref_slice %arg11[%mul3A_2, %dma_wait3A_396] : memref<100352x8xf32, #tpu.memory_space<vmem_shared>> -> memref<6272x8xf32, #tpu.memory_space<vmem_shared>>
      tpu.wait_dma2 semaphore(%run_scoped3A : memref<!tpu.dma_semaphore, #tpu.memory_space<semaphore_mem>>) src(%dma_wait3A_397 : memref<6272x8xf32, #tpu.memory_space<vmem_shared>>) dst(%dma_wait3A_395 : memref<6272x8xf32, #tpu.memory_space<hbm>>)
      tpu.yield
    }) : () -> ()
    return
  }
}

#map = affine_map<(d0, d1) -> (0)>
#map1 = affine_map<(d0, d1) -> (0, 0)>
module attributes {stable_mosaic.version = 14 : i64} {
  func.func @_deg_body(%arg0: i32, %arg1: i32, %arg2: memref<6400000xi32, #tpu.memory_space<hbm>>, %arg3: memref<128xf32, #tpu.memory_space<hbm>>, %arg4: memref<6272xf32, #tpu.memory_space<hbm>>, %arg5: memref<2x100352xf32, #tpu.memory_space<hbm>>, %arg6: memref<2048xi32, #tpu.memory_space<vmem>>, %arg7: memref<128xf32, #tpu.memory_space<vmem>>, %arg8: memref<100352xf32, #tpu.memory_space<vmem_shared>>, %arg9: memref<!tpu.dma_semaphore, #tpu.memory_space<semaphore_mem>>) attributes {dimension_semantics = [#tpu.dimension_semantics<core_parallel>, #tpu.dimension_semantics<subcore_parallel>], iteration_bounds = array<i64: 2, 16>, scalar_prefetch = 0 : i64, scratch_operands = 4 : i64, tpu.core_type = #tpu.core_type<sc_vector_subcore>, window_params = [{transform_indices = #map}, {transform_indices = #map}, {transform_indices = #map}, {transform_indices = #map1}]} {
    %mul3A = arith.constant 16 : i32
    %mul3A_0 = arith.muli %arg0, %mul3A : i32
    %add3A = arith.addi %mul3A_0, %arg1 : i32
    %mul3A_1 = arith.constant 6272 : i32
    %mul3A_2 = arith.muli %arg1, %mul3A_1 : i32
    "tpu.region"() ({
      %run_scoped3A = tpu.sem_alloc : memref<!tpu.dma_semaphore, #tpu.memory_space<semaphore_mem>>
      %dma_start3A_104 = tpu.memref_slice %arg8[%mul3A_2] : memref<100352xf32, #tpu.memory_space<vmem_shared>> -> memref<6272xf32, #tpu.memory_space<vmem_shared>>
      tpu.enqueue_dma source(%arg4 : memref<6272xf32, #tpu.memory_space<hbm>>) target(%dma_start3A_104 : memref<6272xf32, #tpu.memory_space<vmem_shared>>) target_semaphore(%run_scoped3A : memref<!tpu.dma_semaphore, #tpu.memory_space<semaphore_mem>>)
      %dma_wait3A_105 = tpu.memref_slice %arg8[%mul3A_2] : memref<100352xf32, #tpu.memory_space<vmem_shared>> -> memref<6272xf32, #tpu.memory_space<vmem_shared>>
      tpu.wait_dma2 semaphore(%run_scoped3A : memref<!tpu.dma_semaphore, #tpu.memory_space<semaphore_mem>>) src(%arg4 : memref<6272xf32, #tpu.memory_space<hbm>>) dst(%dma_wait3A_105 : memref<6272xf32, #tpu.memory_space<vmem_shared>>)
      tpu.yield
    }) : () -> ()
    "tpu.region"() ({
      %run_scoped3A = tpu.sem_alloc : memref<!tpu.dma_semaphore, #tpu.memory_space<semaphore_mem>>
      tpu.enqueue_dma source(%arg3 : memref<128xf32, #tpu.memory_space<hbm>>) target(%arg7 : memref<128xf32, #tpu.memory_space<vmem>>) target_semaphore(%run_scoped3A : memref<!tpu.dma_semaphore, #tpu.memory_space<semaphore_mem>>)
      tpu.wait_dma2 semaphore(%run_scoped3A : memref<!tpu.dma_semaphore, #tpu.memory_space<semaphore_mem>>) src(%arg3 : memref<128xf32, #tpu.memory_space<hbm>>) dst(%arg7 : memref<128xf32, #tpu.memory_space<vmem>>)
      tpu.yield
    }) : () -> ()
    %barrier3A = arith.constant 0 : index
    tpu.barrier barrier_id(%barrier3A)
    %mul3A_3 = arith.constant 200000 : i32
    %mul3A_4 = arith.muli %add3A, %mul3A_3 : i32
    %scan3A = arith.constant 0 : i32
    %scan3A_5 = arith.constant 0 : i32
    %scan3A_6 = arith.constant 97 : i32
    %scan3A_7 = arith.addi %scan3A_5, %scan3A_6 : i32
    %scan3A_8 = arith.constant 1 : i32
    %scan3A_9 = scf.for %scan3A_104 = %scan3A_5 to %scan3A_7 step %scan3A_8 iter_args(%scan3A_105 = %scan3A) -> (i32)  : i32 {
      %mul3A_106 = arith.constant 2048 : i32
      %mul3A_107 = arith.muli %scan3A_104, %mul3A_106 : i32
      %add3A_108 = arith.addi %mul3A_4, %mul3A_107 : i32
      "tpu.region"() ({
        %run_scoped3A = tpu.sem_alloc : memref<!tpu.dma_semaphore, #tpu.memory_space<semaphore_mem>>
        %dma_start3A_238 = arith.constant 0 : i32
        %dma_start3A_239 = tpu.memref_slice %arg6[%dma_start3A_238] : memref<2048xi32, #tpu.memory_space<vmem>> -> memref<2048xi32, #tpu.memory_space<vmem>>
        %dma_start3A_240 = tpu.memref_slice %arg2[%add3A_108] : memref<6400000xi32, #tpu.memory_space<hbm>> -> memref<2048xi32, #tpu.memory_space<hbm>>
        %dma_start3A_241 = arith.constant 0 : i32
        %dma_start3A_242 = tpu.memref_slice %arg6[%dma_start3A_241] : memref<2048xi32, #tpu.memory_space<vmem>> -> memref<2048xi32, #tpu.memory_space<vmem>>
        %dma_start3A_243 = tpu.memref_slice %arg2[%add3A_108] : memref<6400000xi32, #tpu.memory_space<hbm>> -> memref<2048xi32, #tpu.memory_space<hbm>>
        tpu.enqueue_dma source(%dma_start3A_243 : memref<2048xi32, #tpu.memory_space<hbm>>) target(%dma_start3A_242 : memref<2048xi32, #tpu.memory_space<vmem>>) target_semaphore(%run_scoped3A : memref<!tpu.dma_semaphore, #tpu.memory_space<semaphore_mem>>)
        %dma_wait3A_244 = arith.constant 0 : i32
        %dma_wait3A_245 = tpu.memref_slice %arg6[%dma_wait3A_244] : memref<2048xi32, #tpu.memory_space<vmem>> -> memref<2048xi32, #tpu.memory_space<vmem>>
        %dma_wait3A_246 = tpu.memref_slice %arg2[%add3A_108] : memref<6400000xi32, #tpu.memory_space<hbm>> -> memref<2048xi32, #tpu.memory_space<hbm>>
        %dma_wait3A_247 = arith.constant 0 : i32
        %dma_wait3A_248 = tpu.memref_slice %arg6[%dma_wait3A_247] : memref<2048xi32, #tpu.memory_space<vmem>> -> memref<2048xi32, #tpu.memory_space<vmem>>
        %dma_wait3A_249 = tpu.memref_slice %arg2[%add3A_108] : memref<6400000xi32, #tpu.memory_space<hbm>> -> memref<2048xi32, #tpu.memory_space<hbm>>
        tpu.wait_dma2 semaphore(%run_scoped3A : memref<!tpu.dma_semaphore, #tpu.memory_space<semaphore_mem>>) src(%dma_wait3A_249 : memref<2048xi32, #tpu.memory_space<hbm>>) dst(%dma_wait3A_248 : memref<2048xi32, #tpu.memory_space<vmem>>)
        tpu.yield
      }) : () -> ()
      %dma_start3A_109 = arith.constant 0 : i32
      %dma_start3A_110 = tpu.memref_slice %arg6[%dma_start3A_109] : memref<2048xi32, #tpu.memory_space<vmem>> -> memref<128xi32, #tpu.memory_space<vmem>>
      %dma_start3A_111 = arith.constant 0 : i32
      %dma_start3A_112 = tpu.memref_slice %arg8[%dma_start3A_111] : memref<100352xf32, #tpu.memory_space<vmem_shared>> -> memref<100352xf32, #tpu.memory_space<vmem_shared>>
      tpu.enqueue_indirect_dma source(%arg7 : memref<128xf32, #tpu.memory_space<vmem>>) target(%dma_start3A_112 : memref<100352xf32, #tpu.memory_space<vmem_shared>>) offsets(%dma_start3A_110 : memref<128xi32, #tpu.memory_space<vmem>>) semaphore(%arg9 : memref<!tpu.dma_semaphore, #tpu.memory_space<semaphore_mem>>) {add = true}
      %dma_start3A_113 = arith.constant 128 : i32
      %dma_start3A_114 = tpu.memref_slice %arg6[%dma_start3A_113] : memref<2048xi32, #tpu.memory_space<vmem>> -> memref<128xi32, #tpu.memory_space<vmem>>
      %dma_start3A_115 = arith.constant 0 : i32
      %dma_start3A_116 = tpu.memref_slice %arg8[%dma_start3A_115] : memref<100352xf32, #tpu.memory_space<vmem_shared>> -> memref<100352xf32, #tpu.memory_space<vmem_shared>>
      tpu.enqueue_indirect_dma source(%arg7 : memref<128xf32, #tpu.memory_space<vmem>>) target(%dma_start3A_116 : memref<100352xf32, #tpu.memory_space<vmem_shared>>) offsets(%dma_start3A_114 : memref<128xi32, #tpu.memory_space<vmem>>) semaphore(%arg9 : memref<!tpu.dma_semaphore, #tpu.memory_space<semaphore_mem>>) {add = true}
      %dma_start3A_117 = arith.constant 256 : i32
      %dma_start3A_118 = tpu.memref_slice %arg6[%dma_start3A_117] : memref<2048xi32, #tpu.memory_space<vmem>> -> memref<128xi32, #tpu.memory_space<vmem>>
      %dma_start3A_119 = arith.constant 0 : i32
      %dma_start3A_120 = tpu.memref_slice %arg8[%dma_start3A_119] : memref<100352xf32, #tpu.memory_space<vmem_shared>> -> memref<100352xf32, #tpu.memory_space<vmem_shared>>
      tpu.enqueue_indirect_dma source(%arg7 : memref<128xf32, #tpu.memory_space<vmem>>) target(%dma_start3A_120 : memref<100352xf32, #tpu.memory_space<vmem_shared>>) offsets(%dma_start3A_118 : memref<128xi32, #tpu.memory_space<vmem>>) semaphore(%arg9 : memref<!tpu.dma_semaphore, #tpu.memory_space<semaphore_mem>>) {add = true}
      %dma_start3A_121 = arith.constant 384 : i32
      %dma_start3A_122 = tpu.memref_slice %arg6[%dma_start3A_121] : memref<2048xi32, #tpu.memory_space<vmem>> -> memref<128xi32, #tpu.memory_space<vmem>>
      %dma_start3A_123 = arith.constant 0 : i32
      %dma_start3A_124 = tpu.memref_slice %arg8[%dma_start3A_123] : memref<100352xf32, #tpu.memory_space<vmem_shared>> -> memref<100352xf32, #tpu.memory_space<vmem_shared>>
      tpu.enqueue_indirect_dma source(%arg7 : memref<128xf32, #tpu.memory_space<vmem>>) target(%dma_start3A_124 : memref<100352xf32, #tpu.memory_space<vmem_shared>>) offsets(%dma_start3A_122 : memref<128xi32, #tpu.memory_space<vmem>>) semaphore(%arg9 : memref<!tpu.dma_semaphore, #tpu.memory_space<semaphore_mem>>) {add = true}
      %dma_start3A_125 = arith.constant 512 : i32
      %dma_start3A_126 = tpu.memref_slice %arg6[%dma_start3A_125] : memref<2048xi32, #tpu.memory_space<vmem>> -> memref<128xi32, #tpu.memory_space<vmem>>
      %dma_start3A_127 = arith.constant 0 : i32
      %dma_start3A_128 = tpu.memref_slice %arg8[%dma_start3A_127] : memref<100352xf32, #tpu.memory_space<vmem_shared>> -> memref<100352xf32, #tpu.memory_space<vmem_shared>>
      tpu.enqueue_indirect_dma source(%arg7 : memref<128xf32, #tpu.memory_space<vmem>>) target(%dma_start3A_128 : memref<100352xf32, #tpu.memory_space<vmem_shared>>) offsets(%dma_start3A_126 : memref<128xi32, #tpu.memory_space<vmem>>) semaphore(%arg9 : memref<!tpu.dma_semaphore, #tpu.memory_space<semaphore_mem>>) {add = true}
      %dma_start3A_129 = arith.constant 640 : i32
      %dma_start3A_130 = tpu.memref_slice %arg6[%dma_start3A_129] : memref<2048xi32, #tpu.memory_space<vmem>> -> memref<128xi32, #tpu.memory_space<vmem>>
      %dma_start3A_131 = arith.constant 0 : i32
      %dma_start3A_132 = tpu.memref_slice %arg8[%dma_start3A_131] : memref<100352xf32, #tpu.memory_space<vmem_shared>> -> memref<100352xf32, #tpu.memory_space<vmem_shared>>
      tpu.enqueue_indirect_dma source(%arg7 : memref<128xf32, #tpu.memory_space<vmem>>) target(%dma_start3A_132 : memref<100352xf32, #tpu.memory_space<vmem_shared>>) offsets(%dma_start3A_130 : memref<128xi32, #tpu.memory_space<vmem>>) semaphore(%arg9 : memref<!tpu.dma_semaphore, #tpu.memory_space<semaphore_mem>>) {add = true}
      %dma_start3A_133 = arith.constant 768 : i32
      %dma_start3A_134 = tpu.memref_slice %arg6[%dma_start3A_133] : memref<2048xi32, #tpu.memory_space<vmem>> -> memref<128xi32, #tpu.memory_space<vmem>>
      %dma_start3A_135 = arith.constant 0 : i32
      %dma_start3A_136 = tpu.memref_slice %arg8[%dma_start3A_135] : memref<100352xf32, #tpu.memory_space<vmem_shared>> -> memref<100352xf32, #tpu.memory_space<vmem_shared>>
      tpu.enqueue_indirect_dma source(%arg7 : memref<128xf32, #tpu.memory_space<vmem>>) target(%dma_start3A_136 : memref<100352xf32, #tpu.memory_space<vmem_shared>>) offsets(%dma_start3A_134 : memref<128xi32, #tpu.memory_space<vmem>>) semaphore(%arg9 : memref<!tpu.dma_semaphore, #tpu.memory_space<semaphore_mem>>) {add = true}
      %dma_start3A_137 = arith.constant 896 : i32
      %dma_start3A_138 = tpu.memref_slice %arg6[%dma_start3A_137] : memref<2048xi32, #tpu.memory_space<vmem>> -> memref<128xi32, #tpu.memory_space<vmem>>
      %dma_start3A_139 = arith.constant 0 : i32
      %dma_start3A_140 = tpu.memref_slice %arg8[%dma_start3A_139] : memref<100352xf32, #tpu.memory_space<vmem_shared>> -> memref<100352xf32, #tpu.memory_space<vmem_shared>>
      tpu.enqueue_indirect_dma source(%arg7 : memref<128xf32, #tpu.memory_space<vmem>>) target(%dma_start3A_140 : memref<100352xf32, #tpu.memory_space<vmem_shared>>) offsets(%dma_start3A_138 : memref<128xi32, #tpu.memory_space<vmem>>) semaphore(%arg9 : memref<!tpu.dma_semaphore, #tpu.memory_space<semaphore_mem>>) {add = true}
      %dma_start3A_141 = arith.constant 1024 : i32
      %dma_start3A_142 = tpu.memref_slice %arg6[%dma_start3A_141] : memref<2048xi32, #tpu.memory_space<vmem>> -> memref<128xi32, #tpu.memory_space<vmem>>
      %dma_start3A_143 = arith.constant 0 : i32
      %dma_start3A_144 = tpu.memref_slice %arg8[%dma_start3A_143] : memref<100352xf32, #tpu.memory_space<vmem_shared>> -> memref<100352xf32, #tpu.memory_space<vmem_shared>>
      tpu.enqueue_indirect_dma source(%arg7 : memref<128xf32, #tpu.memory_space<vmem>>) target(%dma_start3A_144 : memref<100352xf32, #tpu.memory_space<vmem_shared>>) offsets(%dma_start3A_142 : memref<128xi32, #tpu.memory_space<vmem>>) semaphore(%arg9 : memref<!tpu.dma_semaphore, #tpu.memory_space<semaphore_mem>>) {add = true}
      %dma_start3A_145 = arith.constant 1152 : i32
      %dma_start3A_146 = tpu.memref_slice %arg6[%dma_start3A_145] : memref<2048xi32, #tpu.memory_space<vmem>> -> memref<128xi32, #tpu.memory_space<vmem>>
      %dma_start3A_147 = arith.constant 0 : i32
      %dma_start3A_148 = tpu.memref_slice %arg8[%dma_start3A_147] : memref<100352xf32, #tpu.memory_space<vmem_shared>> -> memref<100352xf32, #tpu.memory_space<vmem_shared>>
      tpu.enqueue_indirect_dma source(%arg7 : memref<128xf32, #tpu.memory_space<vmem>>) target(%dma_start3A_148 : memref<100352xf32, #tpu.memory_space<vmem_shared>>) offsets(%dma_start3A_146 : memref<128xi32, #tpu.memory_space<vmem>>) semaphore(%arg9 : memref<!tpu.dma_semaphore, #tpu.memory_space<semaphore_mem>>) {add = true}
      %dma_start3A_149 = arith.constant 1280 : i32
      %dma_start3A_150 = tpu.memref_slice %arg6[%dma_start3A_149] : memref<2048xi32, #tpu.memory_space<vmem>> -> memref<128xi32, #tpu.memory_space<vmem>>
      %dma_start3A_151 = arith.constant 0 : i32
      %dma_start3A_152 = tpu.memref_slice %arg8[%dma_start3A_151] : memref<100352xf32, #tpu.memory_space<vmem_shared>> -> memref<100352xf32, #tpu.memory_space<vmem_shared>>
      tpu.enqueue_indirect_dma source(%arg7 : memref<128xf32, #tpu.memory_space<vmem>>) target(%dma_start3A_152 : memref<100352xf32, #tpu.memory_space<vmem_shared>>) offsets(%dma_start3A_150 : memref<128xi32, #tpu.memory_space<vmem>>) semaphore(%arg9 : memref<!tpu.dma_semaphore, #tpu.memory_space<semaphore_mem>>) {add = true}
      %dma_start3A_153 = arith.constant 1408 : i32
      %dma_start3A_154 = tpu.memref_slice %arg6[%dma_start3A_153] : memref<2048xi32, #tpu.memory_space<vmem>> -> memref<128xi32, #tpu.memory_space<vmem>>
      %dma_start3A_155 = arith.constant 0 : i32
      %dma_start3A_156 = tpu.memref_slice %arg8[%dma_start3A_155] : memref<100352xf32, #tpu.memory_space<vmem_shared>> -> memref<100352xf32, #tpu.memory_space<vmem_shared>>
      tpu.enqueue_indirect_dma source(%arg7 : memref<128xf32, #tpu.memory_space<vmem>>) target(%dma_start3A_156 : memref<100352xf32, #tpu.memory_space<vmem_shared>>) offsets(%dma_start3A_154 : memref<128xi32, #tpu.memory_space<vmem>>) semaphore(%arg9 : memref<!tpu.dma_semaphore, #tpu.memory_space<semaphore_mem>>) {add = true}
      %dma_start3A_157 = arith.constant 1536 : i32
      %dma_start3A_158 = tpu.memref_slice %arg6[%dma_start3A_157] : memref<2048xi32, #tpu.memory_space<vmem>> -> memref<128xi32, #tpu.memory_space<vmem>>
      %dma_start3A_159 = arith.constant 0 : i32
      %dma_start3A_160 = tpu.memref_slice %arg8[%dma_start3A_159] : memref<100352xf32, #tpu.memory_space<vmem_shared>> -> memref<100352xf32, #tpu.memory_space<vmem_shared>>
      tpu.enqueue_indirect_dma source(%arg7 : memref<128xf32, #tpu.memory_space<vmem>>) target(%dma_start3A_160 : memref<100352xf32, #tpu.memory_space<vmem_shared>>) offsets(%dma_start3A_158 : memref<128xi32, #tpu.memory_space<vmem>>) semaphore(%arg9 : memref<!tpu.dma_semaphore, #tpu.memory_space<semaphore_mem>>) {add = true}
      %dma_start3A_161 = arith.constant 1664 : i32
      %dma_start3A_162 = tpu.memref_slice %arg6[%dma_start3A_161] : memref<2048xi32, #tpu.memory_space<vmem>> -> memref<128xi32, #tpu.memory_space<vmem>>
      %dma_start3A_163 = arith.constant 0 : i32
      %dma_start3A_164 = tpu.memref_slice %arg8[%dma_start3A_163] : memref<100352xf32, #tpu.memory_space<vmem_shared>> -> memref<100352xf32, #tpu.memory_space<vmem_shared>>
      tpu.enqueue_indirect_dma source(%arg7 : memref<128xf32, #tpu.memory_space<vmem>>) target(%dma_start3A_164 : memref<100352xf32, #tpu.memory_space<vmem_shared>>) offsets(%dma_start3A_162 : memref<128xi32, #tpu.memory_space<vmem>>) semaphore(%arg9 : memref<!tpu.dma_semaphore, #tpu.memory_space<semaphore_mem>>) {add = true}
      %dma_start3A_165 = arith.constant 1792 : i32
      %dma_start3A_166 = tpu.memref_slice %arg6[%dma_start3A_165] : memref<2048xi32, #tpu.memory_space<vmem>> -> memref<128xi32, #tpu.memory_space<vmem>>
      %dma_start3A_167 = arith.constant 0 : i32
      %dma_start3A_168 = tpu.memref_slice %arg8[%dma_start3A_167] : memref<100352xf32, #tpu.memory_space<vmem_shared>> -> memref<100352xf32, #tpu.memory_space<vmem_shared>>
      tpu.enqueue_indirect_dma source(%arg7 : memref<128xf32, #tpu.memory_space<vmem>>) target(%dma_start3A_168 : memref<100352xf32, #tpu.memory_space<vmem_shared>>) offsets(%dma_start3A_166 : memref<128xi32, #tpu.memory_space<vmem>>) semaphore(%arg9 : memref<!tpu.dma_semaphore, #tpu.memory_space<semaphore_mem>>) {add = true}
      %dma_start3A_169 = arith.constant 1920 : i32
      %dma_start3A_170 = tpu.memref_slice %arg6[%dma_start3A_169] : memref<2048xi32, #tpu.memory_space<vmem>> -> memref<128xi32, #tpu.memory_space<vmem>>
      %dma_start3A_171 = arith.constant 0 : i32
      %dma_start3A_172 = tpu.memref_slice %arg8[%dma_start3A_171] : memref<100352xf32, #tpu.memory_space<vmem_shared>> -> memref<100352xf32, #tpu.memory_space<vmem_shared>>
      tpu.enqueue_indirect_dma source(%arg7 : memref<128xf32, #tpu.memory_space<vmem>>) target(%dma_start3A_172 : memref<100352xf32, #tpu.memory_space<vmem_shared>>) offsets(%dma_start3A_170 : memref<128xi32, #tpu.memory_space<vmem>>) semaphore(%arg9 : memref<!tpu.dma_semaphore, #tpu.memory_space<semaphore_mem>>) {add = true}
      %dma_wait3A_173 = arith.constant 0 : i32
      %dma_wait3A_174 = tpu.memref_slice %arg6[%dma_wait3A_173] : memref<2048xi32, #tpu.memory_space<vmem>> -> memref<128xi32, #tpu.memory_space<vmem>>
      %dma_wait3A_175 = arith.constant 0 : i32
      %dma_wait3A_176 = tpu.memref_slice %arg8[%dma_wait3A_175] : memref<100352xf32, #tpu.memory_space<vmem_shared>> -> memref<100352xf32, #tpu.memory_space<vmem_shared>>
      tpu.wait_indirect_dma semaphore(%arg9 : memref<!tpu.dma_semaphore, #tpu.memory_space<semaphore_mem>>) src(%arg7 : memref<128xf32, #tpu.memory_space<vmem>>) dst(%dma_wait3A_176 : memref<100352xf32, #tpu.memory_space<vmem_shared>>)
      %dma_wait3A_177 = arith.constant 128 : i32
      %dma_wait3A_178 = tpu.memref_slice %arg6[%dma_wait3A_177] : memref<2048xi32, #tpu.memory_space<vmem>> -> memref<128xi32, #tpu.memory_space<vmem>>
      %dma_wait3A_179 = arith.constant 0 : i32
      %dma_wait3A_180 = tpu.memref_slice %arg8[%dma_wait3A_179] : memref<100352xf32, #tpu.memory_space<vmem_shared>> -> memref<100352xf32, #tpu.memory_space<vmem_shared>>
      tpu.wait_indirect_dma semaphore(%arg9 : memref<!tpu.dma_semaphore, #tpu.memory_space<semaphore_mem>>) src(%arg7 : memref<128xf32, #tpu.memory_space<vmem>>) dst(%dma_wait3A_180 : memref<100352xf32, #tpu.memory_space<vmem_shared>>)
      %dma_wait3A_181 = arith.constant 256 : i32
      %dma_wait3A_182 = tpu.memref_slice %arg6[%dma_wait3A_181] : memref<2048xi32, #tpu.memory_space<vmem>> -> memref<128xi32, #tpu.memory_space<vmem>>
      %dma_wait3A_183 = arith.constant 0 : i32
      %dma_wait3A_184 = tpu.memref_slice %arg8[%dma_wait3A_183] : memref<100352xf32, #tpu.memory_space<vmem_shared>> -> memref<100352xf32, #tpu.memory_space<vmem_shared>>
      tpu.wait_indirect_dma semaphore(%arg9 : memref<!tpu.dma_semaphore, #tpu.memory_space<semaphore_mem>>) src(%arg7 : memref<128xf32, #tpu.memory_space<vmem>>) dst(%dma_wait3A_184 : memref<100352xf32, #tpu.memory_space<vmem_shared>>)
      %dma_wait3A_185 = arith.constant 384 : i32
      %dma_wait3A_186 = tpu.memref_slice %arg6[%dma_wait3A_185] : memref<2048xi32, #tpu.memory_space<vmem>> -> memref<128xi32, #tpu.memory_space<vmem>>
      %dma_wait3A_187 = arith.constant 0 : i32
      %dma_wait3A_188 = tpu.memref_slice %arg8[%dma_wait3A_187] : memref<100352xf32, #tpu.memory_space<vmem_shared>> -> memref<100352xf32, #tpu.memory_space<vmem_shared>>
      tpu.wait_indirect_dma semaphore(%arg9 : memref<!tpu.dma_semaphore, #tpu.memory_space<semaphore_mem>>) src(%arg7 : memref<128xf32, #tpu.memory_space<vmem>>) dst(%dma_wait3A_188 : memref<100352xf32, #tpu.memory_space<vmem_shared>>)
      %dma_wait3A_189 = arith.constant 512 : i32
      %dma_wait3A_190 = tpu.memref_slice %arg6[%dma_wait3A_189] : memref<2048xi32, #tpu.memory_space<vmem>> -> memref<128xi32, #tpu.memory_space<vmem>>
      %dma_wait3A_191 = arith.constant 0 : i32
      %dma_wait3A_192 = tpu.memref_slice %arg8[%dma_wait3A_191] : memref<100352xf32, #tpu.memory_space<vmem_shared>> -> memref<100352xf32, #tpu.memory_space<vmem_shared>>
      tpu.wait_indirect_dma semaphore(%arg9 : memref<!tpu.dma_semaphore, #tpu.memory_space<semaphore_mem>>) src(%arg7 : memref<128xf32, #tpu.memory_space<vmem>>) dst(%dma_wait3A_192 : memref<100352xf32, #tpu.memory_space<vmem_shared>>)
      %dma_wait3A_193 = arith.constant 640 : i32
      %dma_wait3A_194 = tpu.memref_slice %arg6[%dma_wait3A_193] : memref<2048xi32, #tpu.memory_space<vmem>> -> memref<128xi32, #tpu.memory_space<vmem>>
      %dma_wait3A_195 = arith.constant 0 : i32
      %dma_wait3A_196 = tpu.memref_slice %arg8[%dma_wait3A_195] : memref<100352xf32, #tpu.memory_space<vmem_shared>> -> memref<100352xf32, #tpu.memory_space<vmem_shared>>
      tpu.wait_indirect_dma semaphore(%arg9 : memref<!tpu.dma_semaphore, #tpu.memory_space<semaphore_mem>>) src(%arg7 : memref<128xf32, #tpu.memory_space<vmem>>) dst(%dma_wait3A_196 : memref<100352xf32, #tpu.memory_space<vmem_shared>>)
      %dma_wait3A_197 = arith.constant 768 : i32
      %dma_wait3A_198 = tpu.memref_slice %arg6[%dma_wait3A_197] : memref<2048xi32, #tpu.memory_space<vmem>> -> memref<128xi32, #tpu.memory_space<vmem>>
      %dma_wait3A_199 = arith.constant 0 : i32
      %dma_wait3A_200 = tpu.memref_slice %arg8[%dma_wait3A_199] : memref<100352xf32, #tpu.memory_space<vmem_shared>> -> memref<100352xf32, #tpu.memory_space<vmem_shared>>
      tpu.wait_indirect_dma semaphore(%arg9 : memref<!tpu.dma_semaphore, #tpu.memory_space<semaphore_mem>>) src(%arg7 : memref<128xf32, #tpu.memory_space<vmem>>) dst(%dma_wait3A_200 : memref<100352xf32, #tpu.memory_space<vmem_shared>>)
      %dma_wait3A_201 = arith.constant 896 : i32
      %dma_wait3A_202 = tpu.memref_slice %arg6[%dma_wait3A_201] : memref<2048xi32, #tpu.memory_space<vmem>> -> memref<128xi32, #tpu.memory_space<vmem>>
      %dma_wait3A_203 = arith.constant 0 : i32
      %dma_wait3A_204 = tpu.memref_slice %arg8[%dma_wait3A_203] : memref<100352xf32, #tpu.memory_space<vmem_shared>> -> memref<100352xf32, #tpu.memory_space<vmem_shared>>
      tpu.wait_indirect_dma semaphore(%arg9 : memref<!tpu.dma_semaphore, #tpu.memory_space<semaphore_mem>>) src(%arg7 : memref<128xf32, #tpu.memory_space<vmem>>) dst(%dma_wait3A_204 : memref<100352xf32, #tpu.memory_space<vmem_shared>>)
      %dma_wait3A_205 = arith.constant 1024 : i32
      %dma_wait3A_206 = tpu.memref_slice %arg6[%dma_wait3A_205] : memref<2048xi32, #tpu.memory_space<vmem>> -> memref<128xi32, #tpu.memory_space<vmem>>
      %dma_wait3A_207 = arith.constant 0 : i32
      %dma_wait3A_208 = tpu.memref_slice %arg8[%dma_wait3A_207] : memref<100352xf32, #tpu.memory_space<vmem_shared>> -> memref<100352xf32, #tpu.memory_space<vmem_shared>>
      tpu.wait_indirect_dma semaphore(%arg9 : memref<!tpu.dma_semaphore, #tpu.memory_space<semaphore_mem>>) src(%arg7 : memref<128xf32, #tpu.memory_space<vmem>>) dst(%dma_wait3A_208 : memref<100352xf32, #tpu.memory_space<vmem_shared>>)
      %dma_wait3A_209 = arith.constant 1152 : i32
      %dma_wait3A_210 = tpu.memref_slice %arg6[%dma_wait3A_209] : memref<2048xi32, #tpu.memory_space<vmem>> -> memref<128xi32, #tpu.memory_space<vmem>>
      %dma_wait3A_211 = arith.constant 0 : i32
      %dma_wait3A_212 = tpu.memref_slice %arg8[%dma_wait3A_211] : memref<100352xf32, #tpu.memory_space<vmem_shared>> -> memref<100352xf32, #tpu.memory_space<vmem_shared>>
      tpu.wait_indirect_dma semaphore(%arg9 : memref<!tpu.dma_semaphore, #tpu.memory_space<semaphore_mem>>) src(%arg7 : memref<128xf32, #tpu.memory_space<vmem>>) dst(%dma_wait3A_212 : memref<100352xf32, #tpu.memory_space<vmem_shared>>)
      %dma_wait3A_213 = arith.constant 1280 : i32
      %dma_wait3A_214 = tpu.memref_slice %arg6[%dma_wait3A_213] : memref<2048xi32, #tpu.memory_space<vmem>> -> memref<128xi32, #tpu.memory_space<vmem>>
      %dma_wait3A_215 = arith.constant 0 : i32
      %dma_wait3A_216 = tpu.memref_slice %arg8[%dma_wait3A_215] : memref<100352xf32, #tpu.memory_space<vmem_shared>> -> memref<100352xf32, #tpu.memory_space<vmem_shared>>
      tpu.wait_indirect_dma semaphore(%arg9 : memref<!tpu.dma_semaphore, #tpu.memory_space<semaphore_mem>>) src(%arg7 : memref<128xf32, #tpu.memory_space<vmem>>) dst(%dma_wait3A_216 : memref<100352xf32, #tpu.memory_space<vmem_shared>>)
      %dma_wait3A_217 = arith.constant 1408 : i32
      %dma_wait3A_218 = tpu.memref_slice %arg6[%dma_wait3A_217] : memref<2048xi32, #tpu.memory_space<vmem>> -> memref<128xi32, #tpu.memory_space<vmem>>
      %dma_wait3A_219 = arith.constant 0 : i32
      %dma_wait3A_220 = tpu.memref_slice %arg8[%dma_wait3A_219] : memref<100352xf32, #tpu.memory_space<vmem_shared>> -> memref<100352xf32, #tpu.memory_space<vmem_shared>>
      tpu.wait_indirect_dma semaphore(%arg9 : memref<!tpu.dma_semaphore, #tpu.memory_space<semaphore_mem>>) src(%arg7 : memref<128xf32, #tpu.memory_space<vmem>>) dst(%dma_wait3A_220 : memref<100352xf32, #tpu.memory_space<vmem_shared>>)
      %dma_wait3A_221 = arith.constant 1536 : i32
      %dma_wait3A_222 = tpu.memref_slice %arg6[%dma_wait3A_221] : memref<2048xi32, #tpu.memory_space<vmem>> -> memref<128xi32, #tpu.memory_space<vmem>>
      %dma_wait3A_223 = arith.constant 0 : i32
      %dma_wait3A_224 = tpu.memref_slice %arg8[%dma_wait3A_223] : memref<100352xf32, #tpu.memory_space<vmem_shared>> -> memref<100352xf32, #tpu.memory_space<vmem_shared>>
      tpu.wait_indirect_dma semaphore(%arg9 : memref<!tpu.dma_semaphore, #tpu.memory_space<semaphore_mem>>) src(%arg7 : memref<128xf32, #tpu.memory_space<vmem>>) dst(%dma_wait3A_224 : memref<100352xf32, #tpu.memory_space<vmem_shared>>)
      %dma_wait3A_225 = arith.constant 1664 : i32
      %dma_wait3A_226 = tpu.memref_slice %arg6[%dma_wait3A_225] : memref<2048xi32, #tpu.memory_space<vmem>> -> memref<128xi32, #tpu.memory_space<vmem>>
      %dma_wait3A_227 = arith.constant 0 : i32
      %dma_wait3A_228 = tpu.memref_slice %arg8[%dma_wait3A_227] : memref<100352xf32, #tpu.memory_space<vmem_shared>> -> memref<100352xf32, #tpu.memory_space<vmem_shared>>
      tpu.wait_indirect_dma semaphore(%arg9 : memref<!tpu.dma_semaphore, #tpu.memory_space<semaphore_mem>>) src(%arg7 : memref<128xf32, #tpu.memory_space<vmem>>) dst(%dma_wait3A_228 : memref<100352xf32, #tpu.memory_space<vmem_shared>>)
      %dma_wait3A_229 = arith.constant 1792 : i32
      %dma_wait3A_230 = tpu.memref_slice %arg6[%dma_wait3A_229] : memref<2048xi32, #tpu.memory_space<vmem>> -> memref<128xi32, #tpu.memory_space<vmem>>
      %dma_wait3A_231 = arith.constant 0 : i32
      %dma_wait3A_232 = tpu.memref_slice %arg8[%dma_wait3A_231] : memref<100352xf32, #tpu.memory_space<vmem_shared>> -> memref<100352xf32, #tpu.memory_space<vmem_shared>>
      tpu.wait_indirect_dma semaphore(%arg9 : memref<!tpu.dma_semaphore, #tpu.memory_space<semaphore_mem>>) src(%arg7 : memref<128xf32, #tpu.memory_space<vmem>>) dst(%dma_wait3A_232 : memref<100352xf32, #tpu.memory_space<vmem_shared>>)
      %dma_wait3A_233 = arith.constant 1920 : i32
      %dma_wait3A_234 = tpu.memref_slice %arg6[%dma_wait3A_233] : memref<2048xi32, #tpu.memory_space<vmem>> -> memref<128xi32, #tpu.memory_space<vmem>>
      %dma_wait3A_235 = arith.constant 0 : i32
      %dma_wait3A_236 = tpu.memref_slice %arg8[%dma_wait3A_235] : memref<100352xf32, #tpu.memory_space<vmem_shared>> -> memref<100352xf32, #tpu.memory_space<vmem_shared>>
      tpu.wait_indirect_dma semaphore(%arg9 : memref<!tpu.dma_semaphore, #tpu.memory_space<semaphore_mem>>) src(%arg7 : memref<128xf32, #tpu.memory_space<vmem>>) dst(%dma_wait3A_236 : memref<100352xf32, #tpu.memory_space<vmem_shared>>)
      %scan3A_237 = arith.constant 0 : i32
      scf.yield %scan3A_237 : i32
    }
    %scan3A_10 = arith.constant 97 : i32
    %add3A_11 = arith.constant 198656 : i32
    %add3A_12 = arith.addi %mul3A_4, %add3A_11 : i32
    "tpu.region"() ({
      %run_scoped3A = tpu.sem_alloc : memref<!tpu.dma_semaphore, #tpu.memory_space<semaphore_mem>>
      %dma_start3A_104 = arith.constant 0 : i32
      %dma_start3A_105 = tpu.memref_slice %arg6[%dma_start3A_104] : memref<2048xi32, #tpu.memory_space<vmem>> -> memref<1344xi32, #tpu.memory_space<vmem>>
      %dma_start3A_106 = tpu.memref_slice %arg2[%add3A_12] : memref<6400000xi32, #tpu.memory_space<hbm>> -> memref<1344xi32, #tpu.memory_space<hbm>>
      %dma_start3A_107 = arith.constant 0 : i32
      %dma_start3A_108 = tpu.memref_slice %arg6[%dma_start3A_107] : memref<2048xi32, #tpu.memory_space<vmem>> -> memref<1344xi32, #tpu.memory_space<vmem>>
      %dma_start3A_109 = tpu.memref_slice %arg2[%add3A_12] : memref<6400000xi32, #tpu.memory_space<hbm>> -> memref<1344xi32, #tpu.memory_space<hbm>>
      tpu.enqueue_dma source(%dma_start3A_109 : memref<1344xi32, #tpu.memory_space<hbm>>) target(%dma_start3A_108 : memref<1344xi32, #tpu.memory_space<vmem>>) target_semaphore(%run_scoped3A : memref<!tpu.dma_semaphore, #tpu.memory_space<semaphore_mem>>)
      %dma_wait3A_110 = arith.constant 0 : i32
      %dma_wait3A_111 = tpu.memref_slice %arg6[%dma_wait3A_110] : memref<2048xi32, #tpu.memory_space<vmem>> -> memref<1344xi32, #tpu.memory_space<vmem>>
      %dma_wait3A_112 = tpu.memref_slice %arg2[%add3A_12] : memref<6400000xi32, #tpu.memory_space<hbm>> -> memref<1344xi32, #tpu.memory_space<hbm>>
      %dma_wait3A_113 = arith.constant 0 : i32
      %dma_wait3A_114 = tpu.memref_slice %arg6[%dma_wait3A_113] : memref<2048xi32, #tpu.memory_space<vmem>> -> memref<1344xi32, #tpu.memory_space<vmem>>
      %dma_wait3A_115 = tpu.memref_slice %arg2[%add3A_12] : memref<6400000xi32, #tpu.memory_space<hbm>> -> memref<1344xi32, #tpu.memory_space<hbm>>
      tpu.wait_dma2 semaphore(%run_scoped3A : memref<!tpu.dma_semaphore, #tpu.memory_space<semaphore_mem>>) src(%dma_wait3A_115 : memref<1344xi32, #tpu.memory_space<hbm>>) dst(%dma_wait3A_114 : memref<1344xi32, #tpu.memory_space<vmem>>)
      tpu.yield
    }) : () -> ()
    %dma_start3A = arith.constant 0 : i32
    %dma_start3A_13 = tpu.memref_slice %arg6[%dma_start3A] : memref<2048xi32, #tpu.memory_space<vmem>> -> memref<128xi32, #tpu.memory_space<vmem>>
    %dma_start3A_14 = arith.constant 0 : i32
    %dma_start3A_15 = tpu.memref_slice %arg8[%dma_start3A_14] : memref<100352xf32, #tpu.memory_space<vmem_shared>> -> memref<100352xf32, #tpu.memory_space<vmem_shared>>
    tpu.enqueue_indirect_dma source(%arg7 : memref<128xf32, #tpu.memory_space<vmem>>) target(%dma_start3A_15 : memref<100352xf32, #tpu.memory_space<vmem_shared>>) offsets(%dma_start3A_13 : memref<128xi32, #tpu.memory_space<vmem>>) semaphore(%arg9 : memref<!tpu.dma_semaphore, #tpu.memory_space<semaphore_mem>>) {add = true}
    %dma_start3A_16 = arith.constant 128 : i32
    %dma_start3A_17 = tpu.memref_slice %arg6[%dma_start3A_16] : memref<2048xi32, #tpu.memory_space<vmem>> -> memref<128xi32, #tpu.memory_space<vmem>>
    %dma_start3A_18 = arith.constant 0 : i32
    %dma_start3A_19 = tpu.memref_slice %arg8[%dma_start3A_18] : memref<100352xf32, #tpu.memory_space<vmem_shared>> -> memref<100352xf32, #tpu.memory_space<vmem_shared>>
    tpu.enqueue_indirect_dma source(%arg7 : memref<128xf32, #tpu.memory_space<vmem>>) target(%dma_start3A_19 : memref<100352xf32, #tpu.memory_space<vmem_shared>>) offsets(%dma_start3A_17 : memref<128xi32, #tpu.memory_space<vmem>>) semaphore(%arg9 : memref<!tpu.dma_semaphore, #tpu.memory_space<semaphore_mem>>) {add = true}
    %dma_start3A_20 = arith.constant 256 : i32
    %dma_start3A_21 = tpu.memref_slice %arg6[%dma_start3A_20] : memref<2048xi32, #tpu.memory_space<vmem>> -> memref<128xi32, #tpu.memory_space<vmem>>
    %dma_start3A_22 = arith.constant 0 : i32
    %dma_start3A_23 = tpu.memref_slice %arg8[%dma_start3A_22] : memref<100352xf32, #tpu.memory_space<vmem_shared>> -> memref<100352xf32, #tpu.memory_space<vmem_shared>>
    tpu.enqueue_indirect_dma source(%arg7 : memref<128xf32, #tpu.memory_space<vmem>>) target(%dma_start3A_23 : memref<100352xf32, #tpu.memory_space<vmem_shared>>) offsets(%dma_start3A_21 : memref<128xi32, #tpu.memory_space<vmem>>) semaphore(%arg9 : memref<!tpu.dma_semaphore, #tpu.memory_space<semaphore_mem>>) {add = true}
    %dma_start3A_24 = arith.constant 384 : i32
    %dma_start3A_25 = tpu.memref_slice %arg6[%dma_start3A_24] : memref<2048xi32, #tpu.memory_space<vmem>> -> memref<128xi32, #tpu.memory_space<vmem>>
    %dma_start3A_26 = arith.constant 0 : i32
    %dma_start3A_27 = tpu.memref_slice %arg8[%dma_start3A_26] : memref<100352xf32, #tpu.memory_space<vmem_shared>> -> memref<100352xf32, #tpu.memory_space<vmem_shared>>
    tpu.enqueue_indirect_dma source(%arg7 : memref<128xf32, #tpu.memory_space<vmem>>) target(%dma_start3A_27 : memref<100352xf32, #tpu.memory_space<vmem_shared>>) offsets(%dma_start3A_25 : memref<128xi32, #tpu.memory_space<vmem>>) semaphore(%arg9 : memref<!tpu.dma_semaphore, #tpu.memory_space<semaphore_mem>>) {add = true}
    %dma_start3A_28 = arith.constant 512 : i32
    %dma_start3A_29 = tpu.memref_slice %arg6[%dma_start3A_28] : memref<2048xi32, #tpu.memory_space<vmem>> -> memref<128xi32, #tpu.memory_space<vmem>>
    %dma_start3A_30 = arith.constant 0 : i32
    %dma_start3A_31 = tpu.memref_slice %arg8[%dma_start3A_30] : memref<100352xf32, #tpu.memory_space<vmem_shared>> -> memref<100352xf32, #tpu.memory_space<vmem_shared>>
    tpu.enqueue_indirect_dma source(%arg7 : memref<128xf32, #tpu.memory_space<vmem>>) target(%dma_start3A_31 : memref<100352xf32, #tpu.memory_space<vmem_shared>>) offsets(%dma_start3A_29 : memref<128xi32, #tpu.memory_space<vmem>>) semaphore(%arg9 : memref<!tpu.dma_semaphore, #tpu.memory_space<semaphore_mem>>) {add = true}
    %dma_start3A_32 = arith.constant 640 : i32
    %dma_start3A_33 = tpu.memref_slice %arg6[%dma_start3A_32] : memref<2048xi32, #tpu.memory_space<vmem>> -> memref<128xi32, #tpu.memory_space<vmem>>
    %dma_start3A_34 = arith.constant 0 : i32
    %dma_start3A_35 = tpu.memref_slice %arg8[%dma_start3A_34] : memref<100352xf32, #tpu.memory_space<vmem_shared>> -> memref<100352xf32, #tpu.memory_space<vmem_shared>>
    tpu.enqueue_indirect_dma source(%arg7 : memref<128xf32, #tpu.memory_space<vmem>>) target(%dma_start3A_35 : memref<100352xf32, #tpu.memory_space<vmem_shared>>) offsets(%dma_start3A_33 : memref<128xi32, #tpu.memory_space<vmem>>) semaphore(%arg9 : memref<!tpu.dma_semaphore, #tpu.memory_space<semaphore_mem>>) {add = true}
    %dma_start3A_36 = arith.constant 768 : i32
    %dma_start3A_37 = tpu.memref_slice %arg6[%dma_start3A_36] : memref<2048xi32, #tpu.memory_space<vmem>> -> memref<128xi32, #tpu.memory_space<vmem>>
    %dma_start3A_38 = arith.constant 0 : i32
    %dma_start3A_39 = tpu.memref_slice %arg8[%dma_start3A_38] : memref<100352xf32, #tpu.memory_space<vmem_shared>> -> memref<100352xf32, #tpu.memory_space<vmem_shared>>
    tpu.enqueue_indirect_dma source(%arg7 : memref<128xf32, #tpu.memory_space<vmem>>) target(%dma_start3A_39 : memref<100352xf32, #tpu.memory_space<vmem_shared>>) offsets(%dma_start3A_37 : memref<128xi32, #tpu.memory_space<vmem>>) semaphore(%arg9 : memref<!tpu.dma_semaphore, #tpu.memory_space<semaphore_mem>>) {add = true}
    %dma_start3A_40 = arith.constant 896 : i32
    %dma_start3A_41 = tpu.memref_slice %arg6[%dma_start3A_40] : memref<2048xi32, #tpu.memory_space<vmem>> -> memref<128xi32, #tpu.memory_space<vmem>>
    %dma_start3A_42 = arith.constant 0 : i32
    %dma_start3A_43 = tpu.memref_slice %arg8[%dma_start3A_42] : memref<100352xf32, #tpu.memory_space<vmem_shared>> -> memref<100352xf32, #tpu.memory_space<vmem_shared>>
    tpu.enqueue_indirect_dma source(%arg7 : memref<128xf32, #tpu.memory_space<vmem>>) target(%dma_start3A_43 : memref<100352xf32, #tpu.memory_space<vmem_shared>>) offsets(%dma_start3A_41 : memref<128xi32, #tpu.memory_space<vmem>>) semaphore(%arg9 : memref<!tpu.dma_semaphore, #tpu.memory_space<semaphore_mem>>) {add = true}
    %dma_start3A_44 = arith.constant 1024 : i32
    %dma_start3A_45 = tpu.memref_slice %arg6[%dma_start3A_44] : memref<2048xi32, #tpu.memory_space<vmem>> -> memref<128xi32, #tpu.memory_space<vmem>>
    %dma_start3A_46 = arith.constant 0 : i32
    %dma_start3A_47 = tpu.memref_slice %arg8[%dma_start3A_46] : memref<100352xf32, #tpu.memory_space<vmem_shared>> -> memref<100352xf32, #tpu.memory_space<vmem_shared>>
    tpu.enqueue_indirect_dma source(%arg7 : memref<128xf32, #tpu.memory_space<vmem>>) target(%dma_start3A_47 : memref<100352xf32, #tpu.memory_space<vmem_shared>>) offsets(%dma_start3A_45 : memref<128xi32, #tpu.memory_space<vmem>>) semaphore(%arg9 : memref<!tpu.dma_semaphore, #tpu.memory_space<semaphore_mem>>) {add = true}
    %dma_start3A_48 = arith.constant 1152 : i32
    %dma_start3A_49 = tpu.memref_slice %arg6[%dma_start3A_48] : memref<2048xi32, #tpu.memory_space<vmem>> -> memref<128xi32, #tpu.memory_space<vmem>>
    %dma_start3A_50 = arith.constant 0 : i32
    %dma_start3A_51 = tpu.memref_slice %arg8[%dma_start3A_50] : memref<100352xf32, #tpu.memory_space<vmem_shared>> -> memref<100352xf32, #tpu.memory_space<vmem_shared>>
    tpu.enqueue_indirect_dma source(%arg7 : memref<128xf32, #tpu.memory_space<vmem>>) target(%dma_start3A_51 : memref<100352xf32, #tpu.memory_space<vmem_shared>>) offsets(%dma_start3A_49 : memref<128xi32, #tpu.memory_space<vmem>>) semaphore(%arg9 : memref<!tpu.dma_semaphore, #tpu.memory_space<semaphore_mem>>) {add = true}
    %dma_start3A_52 = arith.constant 0 : i32
    %dma_start3A_53 = tpu.memref_slice %arg7[%dma_start3A_52] : memref<128xf32, #tpu.memory_space<vmem>> -> memref<64xf32, #tpu.memory_space<vmem>>
    %dma_start3A_54 = arith.constant 1280 : i32
    %dma_start3A_55 = tpu.memref_slice %arg6[%dma_start3A_54] : memref<2048xi32, #tpu.memory_space<vmem>> -> memref<64xi32, #tpu.memory_space<vmem>>
    %dma_start3A_56 = arith.constant 0 : i32
    %dma_start3A_57 = tpu.memref_slice %arg8[%dma_start3A_56] : memref<100352xf32, #tpu.memory_space<vmem_shared>> -> memref<100352xf32, #tpu.memory_space<vmem_shared>>
    tpu.enqueue_indirect_dma source(%dma_start3A_53 : memref<64xf32, #tpu.memory_space<vmem>>) target(%dma_start3A_57 : memref<100352xf32, #tpu.memory_space<vmem_shared>>) offsets(%dma_start3A_55 : memref<64xi32, #tpu.memory_space<vmem>>) semaphore(%arg9 : memref<!tpu.dma_semaphore, #tpu.memory_space<semaphore_mem>>) {add = true}
    %dma_wait3A = arith.constant 0 : i32
    %dma_wait3A_58 = tpu.memref_slice %arg6[%dma_wait3A] : memref<2048xi32, #tpu.memory_space<vmem>> -> memref<128xi32, #tpu.memory_space<vmem>>
    %dma_wait3A_59 = arith.constant 0 : i32
    %dma_wait3A_60 = tpu.memref_slice %arg8[%dma_wait3A_59] : memref<100352xf32, #tpu.memory_space<vmem_shared>> -> memref<100352xf32, #tpu.memory_space<vmem_shared>>
    tpu.wait_indirect_dma semaphore(%arg9 : memref<!tpu.dma_semaphore, #tpu.memory_space<semaphore_mem>>) src(%arg7 : memref<128xf32, #tpu.memory_space<vmem>>) dst(%dma_wait3A_60 : memref<100352xf32, #tpu.memory_space<vmem_shared>>)
    %dma_wait3A_61 = arith.constant 128 : i32
    %dma_wait3A_62 = tpu.memref_slice %arg6[%dma_wait3A_61] : memref<2048xi32, #tpu.memory_space<vmem>> -> memref<128xi32, #tpu.memory_space<vmem>>
    %dma_wait3A_63 = arith.constant 0 : i32
    %dma_wait3A_64 = tpu.memref_slice %arg8[%dma_wait3A_63] : memref<100352xf32, #tpu.memory_space<vmem_shared>> -> memref<100352xf32, #tpu.memory_space<vmem_shared>>
    tpu.wait_indirect_dma semaphore(%arg9 : memref<!tpu.dma_semaphore, #tpu.memory_space<semaphore_mem>>) src(%arg7 : memref<128xf32, #tpu.memory_space<vmem>>) dst(%dma_wait3A_64 : memref<100352xf32, #tpu.memory_space<vmem_shared>>)
    %dma_wait3A_65 = arith.constant 256 : i32
    %dma_wait3A_66 = tpu.memref_slice %arg6[%dma_wait3A_65] : memref<2048xi32, #tpu.memory_space<vmem>> -> memref<128xi32, #tpu.memory_space<vmem>>
    %dma_wait3A_67 = arith.constant 0 : i32
    %dma_wait3A_68 = tpu.memref_slice %arg8[%dma_wait3A_67] : memref<100352xf32, #tpu.memory_space<vmem_shared>> -> memref<100352xf32, #tpu.memory_space<vmem_shared>>
    tpu.wait_indirect_dma semaphore(%arg9 : memref<!tpu.dma_semaphore, #tpu.memory_space<semaphore_mem>>) src(%arg7 : memref<128xf32, #tpu.memory_space<vmem>>) dst(%dma_wait3A_68 : memref<100352xf32, #tpu.memory_space<vmem_shared>>)
    %dma_wait3A_69 = arith.constant 384 : i32
    %dma_wait3A_70 = tpu.memref_slice %arg6[%dma_wait3A_69] : memref<2048xi32, #tpu.memory_space<vmem>> -> memref<128xi32, #tpu.memory_space<vmem>>
    %dma_wait3A_71 = arith.constant 0 : i32
    %dma_wait3A_72 = tpu.memref_slice %arg8[%dma_wait3A_71] : memref<100352xf32, #tpu.memory_space<vmem_shared>> -> memref<100352xf32, #tpu.memory_space<vmem_shared>>
    tpu.wait_indirect_dma semaphore(%arg9 : memref<!tpu.dma_semaphore, #tpu.memory_space<semaphore_mem>>) src(%arg7 : memref<128xf32, #tpu.memory_space<vmem>>) dst(%dma_wait3A_72 : memref<100352xf32, #tpu.memory_space<vmem_shared>>)
    %dma_wait3A_73 = arith.constant 512 : i32
    %dma_wait3A_74 = tpu.memref_slice %arg6[%dma_wait3A_73] : memref<2048xi32, #tpu.memory_space<vmem>> -> memref<128xi32, #tpu.memory_space<vmem>>
    %dma_wait3A_75 = arith.constant 0 : i32
    %dma_wait3A_76 = tpu.memref_slice %arg8[%dma_wait3A_75] : memref<100352xf32, #tpu.memory_space<vmem_shared>> -> memref<100352xf32, #tpu.memory_space<vmem_shared>>
    tpu.wait_indirect_dma semaphore(%arg9 : memref<!tpu.dma_semaphore, #tpu.memory_space<semaphore_mem>>) src(%arg7 : memref<128xf32, #tpu.memory_space<vmem>>) dst(%dma_wait3A_76 : memref<100352xf32, #tpu.memory_space<vmem_shared>>)
    %dma_wait3A_77 = arith.constant 640 : i32
    %dma_wait3A_78 = tpu.memref_slice %arg6[%dma_wait3A_77] : memref<2048xi32, #tpu.memory_space<vmem>> -> memref<128xi32, #tpu.memory_space<vmem>>
    %dma_wait3A_79 = arith.constant 0 : i32
    %dma_wait3A_80 = tpu.memref_slice %arg8[%dma_wait3A_79] : memref<100352xf32, #tpu.memory_space<vmem_shared>> -> memref<100352xf32, #tpu.memory_space<vmem_shared>>
    tpu.wait_indirect_dma semaphore(%arg9 : memref<!tpu.dma_semaphore, #tpu.memory_space<semaphore_mem>>) src(%arg7 : memref<128xf32, #tpu.memory_space<vmem>>) dst(%dma_wait3A_80 : memref<100352xf32, #tpu.memory_space<vmem_shared>>)
    %dma_wait3A_81 = arith.constant 768 : i32
    %dma_wait3A_82 = tpu.memref_slice %arg6[%dma_wait3A_81] : memref<2048xi32, #tpu.memory_space<vmem>> -> memref<128xi32, #tpu.memory_space<vmem>>
    %dma_wait3A_83 = arith.constant 0 : i32
    %dma_wait3A_84 = tpu.memref_slice %arg8[%dma_wait3A_83] : memref<100352xf32, #tpu.memory_space<vmem_shared>> -> memref<100352xf32, #tpu.memory_space<vmem_shared>>
    tpu.wait_indirect_dma semaphore(%arg9 : memref<!tpu.dma_semaphore, #tpu.memory_space<semaphore_mem>>) src(%arg7 : memref<128xf32, #tpu.memory_space<vmem>>) dst(%dma_wait3A_84 : memref<100352xf32, #tpu.memory_space<vmem_shared>>)
    %dma_wait3A_85 = arith.constant 896 : i32
    %dma_wait3A_86 = tpu.memref_slice %arg6[%dma_wait3A_85] : memref<2048xi32, #tpu.memory_space<vmem>> -> memref<128xi32, #tpu.memory_space<vmem>>
    %dma_wait3A_87 = arith.constant 0 : i32
    %dma_wait3A_88 = tpu.memref_slice %arg8[%dma_wait3A_87] : memref<100352xf32, #tpu.memory_space<vmem_shared>> -> memref<100352xf32, #tpu.memory_space<vmem_shared>>
    tpu.wait_indirect_dma semaphore(%arg9 : memref<!tpu.dma_semaphore, #tpu.memory_space<semaphore_mem>>) src(%arg7 : memref<128xf32, #tpu.memory_space<vmem>>) dst(%dma_wait3A_88 : memref<100352xf32, #tpu.memory_space<vmem_shared>>)
    %dma_wait3A_89 = arith.constant 1024 : i32
    %dma_wait3A_90 = tpu.memref_slice %arg6[%dma_wait3A_89] : memref<2048xi32, #tpu.memory_space<vmem>> -> memref<128xi32, #tpu.memory_space<vmem>>
    %dma_wait3A_91 = arith.constant 0 : i32
    %dma_wait3A_92 = tpu.memref_slice %arg8[%dma_wait3A_91] : memref<100352xf32, #tpu.memory_space<vmem_shared>> -> memref<100352xf32, #tpu.memory_space<vmem_shared>>
    tpu.wait_indirect_dma semaphore(%arg9 : memref<!tpu.dma_semaphore, #tpu.memory_space<semaphore_mem>>) src(%arg7 : memref<128xf32, #tpu.memory_space<vmem>>) dst(%dma_wait3A_92 : memref<100352xf32, #tpu.memory_space<vmem_shared>>)
    %dma_wait3A_93 = arith.constant 1152 : i32
    %dma_wait3A_94 = tpu.memref_slice %arg6[%dma_wait3A_93] : memref<2048xi32, #tpu.memory_space<vmem>> -> memref<128xi32, #tpu.memory_space<vmem>>
    %dma_wait3A_95 = arith.constant 0 : i32
    %dma_wait3A_96 = tpu.memref_slice %arg8[%dma_wait3A_95] : memref<100352xf32, #tpu.memory_space<vmem_shared>> -> memref<100352xf32, #tpu.memory_space<vmem_shared>>
    tpu.wait_indirect_dma semaphore(%arg9 : memref<!tpu.dma_semaphore, #tpu.memory_space<semaphore_mem>>) src(%arg7 : memref<128xf32, #tpu.memory_space<vmem>>) dst(%dma_wait3A_96 : memref<100352xf32, #tpu.memory_space<vmem_shared>>)
    %dma_wait3A_97 = arith.constant 0 : i32
    %dma_wait3A_98 = tpu.memref_slice %arg7[%dma_wait3A_97] : memref<128xf32, #tpu.memory_space<vmem>> -> memref<64xf32, #tpu.memory_space<vmem>>
    %dma_wait3A_99 = arith.constant 1280 : i32
    %dma_wait3A_100 = tpu.memref_slice %arg6[%dma_wait3A_99] : memref<2048xi32, #tpu.memory_space<vmem>> -> memref<64xi32, #tpu.memory_space<vmem>>
    %dma_wait3A_101 = arith.constant 0 : i32
    %dma_wait3A_102 = tpu.memref_slice %arg8[%dma_wait3A_101] : memref<100352xf32, #tpu.memory_space<vmem_shared>> -> memref<100352xf32, #tpu.memory_space<vmem_shared>>
    tpu.wait_indirect_dma semaphore(%arg9 : memref<!tpu.dma_semaphore, #tpu.memory_space<semaphore_mem>>) src(%dma_wait3A_98 : memref<64xf32, #tpu.memory_space<vmem>>) dst(%dma_wait3A_102 : memref<100352xf32, #tpu.memory_space<vmem_shared>>)
    %barrier3A_103 = arith.constant 0 : index
    tpu.barrier barrier_id(%barrier3A_103)
    "tpu.region"() ({
      %run_scoped3A = tpu.sem_alloc : memref<!tpu.dma_semaphore, #tpu.memory_space<semaphore_mem>>
      %dma_start3A_104 = tpu.memref_slice %arg5[%arg0, %mul3A_2] : memref<2x100352xf32, #tpu.memory_space<hbm>> -> memref<1x6272xf32, #tpu.memory_space<hbm>>
      %dma_start3A_105 = tpu.memref_squeeze %dma_start3A_104 : memref<1x6272xf32, #tpu.memory_space<hbm>> -> memref<6272xf32, #tpu.memory_space<hbm>>
      %dma_start3A_106 = tpu.memref_slice %arg8[%mul3A_2] : memref<100352xf32, #tpu.memory_space<vmem_shared>> -> memref<6272xf32, #tpu.memory_space<vmem_shared>>
      tpu.enqueue_dma source(%dma_start3A_106 : memref<6272xf32, #tpu.memory_space<vmem_shared>>) target(%dma_start3A_105 : memref<6272xf32, #tpu.memory_space<hbm>>) target_semaphore(%run_scoped3A : memref<!tpu.dma_semaphore, #tpu.memory_space<semaphore_mem>>)
      %dma_wait3A_107 = tpu.memref_slice %arg5[%arg0, %mul3A_2] : memref<2x100352xf32, #tpu.memory_space<hbm>> -> memref<1x6272xf32, #tpu.memory_space<hbm>>
      %dma_wait3A_108 = tpu.memref_squeeze %dma_wait3A_107 : memref<1x6272xf32, #tpu.memory_space<hbm>> -> memref<6272xf32, #tpu.memory_space<hbm>>
      %dma_wait3A_109 = tpu.memref_slice %arg8[%mul3A_2] : memref<100352xf32, #tpu.memory_space<vmem_shared>> -> memref<6272xf32, #tpu.memory_space<vmem_shared>>
      tpu.wait_dma2 semaphore(%run_scoped3A : memref<!tpu.dma_semaphore, #tpu.memory_space<semaphore_mem>>) src(%dma_wait3A_109 : memref<6272xf32, #tpu.memory_space<vmem_shared>>) dst(%dma_wait3A_108 : memref<6272xf32, #tpu.memory_space<hbm>>)
      tpu.yield
    }) : () -> ()
    return
  }
}

#map = affine_map<(d0, d1) -> (0)>
#map1 = affine_map<(d0, d1) -> (0, 0)>
#map2 = affine_map<(d0, d1) -> (0, 0, 0)>
module attributes {stable_mosaic.version = 14 : i64} {
  func.func @_scatter_body(%arg0: i32, %arg1: i32, %arg2: memref<6400000xi32, #tpu.memory_space<hbm>>, %arg3: memref<6400000xi32, #tpu.memory_space<hbm>>, %arg4: memref<100352x8xf32, #tpu.memory_space<hbm>>, %arg5: memref<6272x8xf32, #tpu.memory_space<hbm>>, %arg6: memref<2x100352x8xf32, #tpu.memory_space<hbm>>, %arg7: memref<2048xi32, #tpu.memory_space<vmem>>, %arg8: memref<2048xi32, #tpu.memory_space<vmem>>, %arg9: memref<2048x8xf32, #tpu.memory_space<vmem>>, %arg10: memref<100352x8xf32, #tpu.memory_space<vmem_shared>>, %arg11: memref<100352x8xf32, #tpu.memory_space<vmem_shared>>, %arg12: memref<!tpu.dma_semaphore, #tpu.memory_space<semaphore_mem>>, %arg13: memref<!tpu.dma_semaphore, #tpu.memory_space<semaphore_mem>>) attributes {dimension_semantics = [#tpu.dimension_semantics<core_parallel>, #tpu.dimension_semantics<subcore_parallel>], iteration_bounds = array<i64: 2, 16>, scalar_prefetch = 0 : i64, scratch_operands = 7 : i64, tpu.core_type = #tpu.core_type<sc_vector_subcore>, window_params = [{transform_indices = #map}, {transform_indices = #map}, {transform_indices = #map1}, {transform_indices = #map1}, {transform_indices = #map2}]} {
    %mul3A = arith.constant 16 : i32
    %mul3A_0 = arith.muli %arg0, %mul3A : i32
    %add3A = arith.addi %mul3A_0, %arg1 : i32
    %mul3A_1 = arith.constant 6272 : i32
    %mul3A_2 = arith.muli %arg1, %mul3A_1 : i32
    "tpu.region"() ({
      %run_scoped3A = tpu.sem_alloc : memref<!tpu.dma_semaphore, #tpu.memory_space<semaphore_mem>>
      %dma_start3A_388 = arith.constant 0 : i32
      %dma_start3A_389 = tpu.memref_slice %arg11[%mul3A_2, %dma_start3A_388] : memref<100352x8xf32, #tpu.memory_space<vmem_shared>> -> memref<6272x8xf32, #tpu.memory_space<vmem_shared>>
      tpu.enqueue_dma source(%arg5 : memref<6272x8xf32, #tpu.memory_space<hbm>>) target(%dma_start3A_389 : memref<6272x8xf32, #tpu.memory_space<vmem_shared>>) target_semaphore(%run_scoped3A : memref<!tpu.dma_semaphore, #tpu.memory_space<semaphore_mem>>)
      %dma_wait3A_390 = arith.constant 0 : i32
      %dma_wait3A_391 = tpu.memref_slice %arg11[%mul3A_2, %dma_wait3A_390] : memref<100352x8xf32, #tpu.memory_space<vmem_shared>> -> memref<6272x8xf32, #tpu.memory_space<vmem_shared>>
      tpu.wait_dma2 semaphore(%run_scoped3A : memref<!tpu.dma_semaphore, #tpu.memory_space<semaphore_mem>>) src(%arg5 : memref<6272x8xf32, #tpu.memory_space<hbm>>) dst(%dma_wait3A_391 : memref<6272x8xf32, #tpu.memory_space<vmem_shared>>)
      tpu.yield
    }) : () -> ()
    "tpu.region"() ({
      %run_scoped3A = tpu.sem_alloc : memref<!tpu.dma_semaphore, #tpu.memory_space<semaphore_mem>>
      %dma_start3A_388 = arith.constant 0 : i32
      %dma_start3A_389 = tpu.memref_slice %arg10[%mul3A_2, %dma_start3A_388] : memref<100352x8xf32, #tpu.memory_space<vmem_shared>> -> memref<6272x8xf32, #tpu.memory_space<vmem_shared>>
      %dma_start3A_390 = arith.constant 0 : i32
      %dma_start3A_391 = tpu.memref_slice %arg4[%mul3A_2, %dma_start3A_390] : memref<100352x8xf32, #tpu.memory_space<hbm>> -> memref<6272x8xf32, #tpu.memory_space<hbm>>
      tpu.enqueue_dma source(%dma_start3A_391 : memref<6272x8xf32, #tpu.memory_space<hbm>>) target(%dma_start3A_389 : memref<6272x8xf32, #tpu.memory_space<vmem_shared>>) target_semaphore(%run_scoped3A : memref<!tpu.dma_semaphore, #tpu.memory_space<semaphore_mem>>)
      %dma_wait3A_392 = arith.constant 0 : i32
      %dma_wait3A_393 = tpu.memref_slice %arg10[%mul3A_2, %dma_wait3A_392] : memref<100352x8xf32, #tpu.memory_space<vmem_shared>> -> memref<6272x8xf32, #tpu.memory_space<vmem_shared>>
      %dma_wait3A_394 = arith.constant 0 : i32
      %dma_wait3A_395 = tpu.memref_slice %arg4[%mul3A_2, %dma_wait3A_394] : memref<100352x8xf32, #tpu.memory_space<hbm>> -> memref<6272x8xf32, #tpu.memory_space<hbm>>
      tpu.wait_dma2 semaphore(%run_scoped3A : memref<!tpu.dma_semaphore, #tpu.memory_space<semaphore_mem>>) src(%dma_wait3A_395 : memref<6272x8xf32, #tpu.memory_space<hbm>>) dst(%dma_wait3A_393 : memref<6272x8xf32, #tpu.memory_space<vmem_shared>>)
      tpu.yield
    }) : () -> ()
    %barrier3A = arith.constant 0 : index
    tpu.barrier barrier_id(%barrier3A)
    %mul3A_3 = arith.constant 200000 : i32
    %mul3A_4 = arith.muli %add3A, %mul3A_3 : i32
    %scan3A = arith.constant 0 : i32
    %scan3A_5 = arith.constant 0 : i32
    %scan3A_6 = arith.constant 97 : i32
    %scan3A_7 = arith.addi %scan3A_5, %scan3A_6 : i32
    %scan3A_8 = arith.constant 1 : i32
    %scan3A_9 = scf.for %scan3A_388 = %scan3A_5 to %scan3A_7 step %scan3A_8 iter_args(%scan3A_389 = %scan3A) -> (i32)  : i32 {
      %mul3A_390 = arith.constant 2048 : i32
      %mul3A_391 = arith.muli %scan3A_388, %mul3A_390 : i32
      %add3A_392 = arith.addi %mul3A_4, %mul3A_391 : i32
      %dma_start3A_393 = arith.constant 0 : i32
      %dma_start3A_394 = tpu.memref_slice %arg7[%dma_start3A_393] : memref<2048xi32, #tpu.memory_space<vmem>> -> memref<2048xi32, #tpu.memory_space<vmem>>
      %dma_start3A_395 = tpu.memref_slice %arg2[%add3A_392] : memref<6400000xi32, #tpu.memory_space<hbm>> -> memref<2048xi32, #tpu.memory_space<hbm>>
      %dma_start3A_396 = arith.constant 0 : i32
      %dma_start3A_397 = tpu.memref_slice %arg7[%dma_start3A_396] : memref<2048xi32, #tpu.memory_space<vmem>> -> memref<2048xi32, #tpu.memory_space<vmem>>
      %dma_start3A_398 = tpu.memref_slice %arg2[%add3A_392] : memref<6400000xi32, #tpu.memory_space<hbm>> -> memref<2048xi32, #tpu.memory_space<hbm>>
      tpu.enqueue_dma source(%dma_start3A_398 : memref<2048xi32, #tpu.memory_space<hbm>>) target(%dma_start3A_397 : memref<2048xi32, #tpu.memory_space<vmem>>) target_semaphore(%arg12 : memref<!tpu.dma_semaphore, #tpu.memory_space<semaphore_mem>>)
      %dma_start3A_399 = arith.constant 0 : i32
      %dma_start3A_400 = tpu.memref_slice %arg8[%dma_start3A_399] : memref<2048xi32, #tpu.memory_space<vmem>> -> memref<2048xi32, #tpu.memory_space<vmem>>
      %dma_start3A_401 = tpu.memref_slice %arg3[%add3A_392] : memref<6400000xi32, #tpu.memory_space<hbm>> -> memref<2048xi32, #tpu.memory_space<hbm>>
      %dma_start3A_402 = arith.constant 0 : i32
      %dma_start3A_403 = tpu.memref_slice %arg8[%dma_start3A_402] : memref<2048xi32, #tpu.memory_space<vmem>> -> memref<2048xi32, #tpu.memory_space<vmem>>
      %dma_start3A_404 = tpu.memref_slice %arg3[%add3A_392] : memref<6400000xi32, #tpu.memory_space<hbm>> -> memref<2048xi32, #tpu.memory_space<hbm>>
      tpu.enqueue_dma source(%dma_start3A_404 : memref<2048xi32, #tpu.memory_space<hbm>>) target(%dma_start3A_403 : memref<2048xi32, #tpu.memory_space<vmem>>) target_semaphore(%arg12 : memref<!tpu.dma_semaphore, #tpu.memory_space<semaphore_mem>>)
      %dma_wait3A_405 = arith.constant 0 : i32
      %dma_wait3A_406 = tpu.memref_slice %arg7[%dma_wait3A_405] : memref<2048xi32, #tpu.memory_space<vmem>> -> memref<2048xi32, #tpu.memory_space<vmem>>
      %dma_wait3A_407 = tpu.memref_slice %arg2[%add3A_392] : memref<6400000xi32, #tpu.memory_space<hbm>> -> memref<2048xi32, #tpu.memory_space<hbm>>
      %dma_wait3A_408 = arith.constant 0 : i32
      %dma_wait3A_409 = tpu.memref_slice %arg7[%dma_wait3A_408] : memref<2048xi32, #tpu.memory_space<vmem>> -> memref<2048xi32, #tpu.memory_space<vmem>>
      %dma_wait3A_410 = tpu.memref_slice %arg2[%add3A_392] : memref<6400000xi32, #tpu.memory_space<hbm>> -> memref<2048xi32, #tpu.memory_space<hbm>>
      tpu.wait_dma2 semaphore(%arg12 : memref<!tpu.dma_semaphore, #tpu.memory_space<semaphore_mem>>) src(%dma_wait3A_410 : memref<2048xi32, #tpu.memory_space<hbm>>) dst(%dma_wait3A_409 : memref<2048xi32, #tpu.memory_space<vmem>>)
      %dma_wait3A_411 = arith.constant 0 : i32
      %dma_wait3A_412 = tpu.memref_slice %arg8[%dma_wait3A_411] : memref<2048xi32, #tpu.memory_space<vmem>> -> memref<2048xi32, #tpu.memory_space<vmem>>
      %dma_wait3A_413 = tpu.memref_slice %arg3[%add3A_392] : memref<6400000xi32, #tpu.memory_space<hbm>> -> memref<2048xi32, #tpu.memory_space<hbm>>
      %dma_wait3A_414 = arith.constant 0 : i32
      %dma_wait3A_415 = tpu.memref_slice %arg8[%dma_wait3A_414] : memref<2048xi32, #tpu.memory_space<vmem>> -> memref<2048xi32, #tpu.memory_space<vmem>>
      %dma_wait3A_416 = tpu.memref_slice %arg3[%add3A_392] : memref<6400000xi32, #tpu.memory_space<hbm>> -> memref<2048xi32, #tpu.memory_space<hbm>>
      tpu.wait_dma2 semaphore(%arg12 : memref<!tpu.dma_semaphore, #tpu.memory_space<semaphore_mem>>) src(%dma_wait3A_416 : memref<2048xi32, #tpu.memory_space<hbm>>) dst(%dma_wait3A_415 : memref<2048xi32, #tpu.memory_space<vmem>>)
      %dma_start3A_417 = arith.constant 0 : i32
      %dma_start3A_418 = arith.constant 0 : i32
      %dma_start3A_419 = tpu.memref_slice %arg9[%dma_start3A_417, %dma_start3A_418] : memref<2048x8xf32, #tpu.memory_space<vmem>> -> memref<128x8xf32, #tpu.memory_space<vmem>>
      %dma_start3A_420 = arith.constant 0 : i32
      %dma_start3A_421 = tpu.memref_slice %arg7[%dma_start3A_420] : memref<2048xi32, #tpu.memory_space<vmem>> -> memref<128xi32, #tpu.memory_space<vmem>>
      %dma_start3A_422 = arith.constant 0 : i32
      %dma_start3A_423 = arith.constant 0 : i32
      %dma_start3A_424 = tpu.memref_slice %arg10[%dma_start3A_422, %dma_start3A_423] : memref<100352x8xf32, #tpu.memory_space<vmem_shared>> -> memref<100352x8xf32, #tpu.memory_space<vmem_shared>>
      tpu.enqueue_indirect_dma source(%dma_start3A_424 : memref<100352x8xf32, #tpu.memory_space<vmem_shared>>) target(%dma_start3A_419 : memref<128x8xf32, #tpu.memory_space<vmem>>) offsets(%dma_start3A_421 : memref<128xi32, #tpu.memory_space<vmem>>) semaphore(%arg12 : memref<!tpu.dma_semaphore, #tpu.memory_space<semaphore_mem>>)
      %dma_start3A_425 = arith.constant 128 : i32
      %dma_start3A_426 = arith.constant 0 : i32
      %dma_start3A_427 = tpu.memref_slice %arg9[%dma_start3A_425, %dma_start3A_426] : memref<2048x8xf32, #tpu.memory_space<vmem>> -> memref<128x8xf32, #tpu.memory_space<vmem>>
      %dma_start3A_428 = arith.constant 128 : i32
      %dma_start3A_429 = tpu.memref_slice %arg7[%dma_start3A_428] : memref<2048xi32, #tpu.memory_space<vmem>> -> memref<128xi32, #tpu.memory_space<vmem>>
      %dma_start3A_430 = arith.constant 0 : i32
      %dma_start3A_431 = arith.constant 0 : i32
      %dma_start3A_432 = tpu.memref_slice %arg10[%dma_start3A_430, %dma_start3A_431] : memref<100352x8xf32, #tpu.memory_space<vmem_shared>> -> memref<100352x8xf32, #tpu.memory_space<vmem_shared>>
      tpu.enqueue_indirect_dma source(%dma_start3A_432 : memref<100352x8xf32, #tpu.memory_space<vmem_shared>>) target(%dma_start3A_427 : memref<128x8xf32, #tpu.memory_space<vmem>>) offsets(%dma_start3A_429 : memref<128xi32, #tpu.memory_space<vmem>>) semaphore(%arg12 : memref<!tpu.dma_semaphore, #tpu.memory_space<semaphore_mem>>)
      %dma_start3A_433 = arith.constant 256 : i32
      %dma_start3A_434 = arith.constant 0 : i32
      %dma_start3A_435 = tpu.memref_slice %arg9[%dma_start3A_433, %dma_start3A_434] : memref<2048x8xf32, #tpu.memory_space<vmem>> -> memref<128x8xf32, #tpu.memory_space<vmem>>
      %dma_start3A_436 = arith.constant 256 : i32
      %dma_start3A_437 = tpu.memref_slice %arg7[%dma_start3A_436] : memref<2048xi32, #tpu.memory_space<vmem>> -> memref<128xi32, #tpu.memory_space<vmem>>
      %dma_start3A_438 = arith.constant 0 : i32
      %dma_start3A_439 = arith.constant 0 : i32
      %dma_start3A_440 = tpu.memref_slice %arg10[%dma_start3A_438, %dma_start3A_439] : memref<100352x8xf32, #tpu.memory_space<vmem_shared>> -> memref<100352x8xf32, #tpu.memory_space<vmem_shared>>
      tpu.enqueue_indirect_dma source(%dma_start3A_440 : memref<100352x8xf32, #tpu.memory_space<vmem_shared>>) target(%dma_start3A_435 : memref<128x8xf32, #tpu.memory_space<vmem>>) offsets(%dma_start3A_437 : memref<128xi32, #tpu.memory_space<vmem>>) semaphore(%arg12 : memref<!tpu.dma_semaphore, #tpu.memory_space<semaphore_mem>>)
      %dma_start3A_441 = arith.constant 384 : i32
      %dma_start3A_442 = arith.constant 0 : i32
      %dma_start3A_443 = tpu.memref_slice %arg9[%dma_start3A_441, %dma_start3A_442] : memref<2048x8xf32, #tpu.memory_space<vmem>> -> memref<128x8xf32, #tpu.memory_space<vmem>>
      %dma_start3A_444 = arith.constant 384 : i32
      %dma_start3A_445 = tpu.memref_slice %arg7[%dma_start3A_444] : memref<2048xi32, #tpu.memory_space<vmem>> -> memref<128xi32, #tpu.memory_space<vmem>>
      %dma_start3A_446 = arith.constant 0 : i32
      %dma_start3A_447 = arith.constant 0 : i32
      %dma_start3A_448 = tpu.memref_slice %arg10[%dma_start3A_446, %dma_start3A_447] : memref<100352x8xf32, #tpu.memory_space<vmem_shared>> -> memref<100352x8xf32, #tpu.memory_space<vmem_shared>>
      tpu.enqueue_indirect_dma source(%dma_start3A_448 : memref<100352x8xf32, #tpu.memory_space<vmem_shared>>) target(%dma_start3A_443 : memref<128x8xf32, #tpu.memory_space<vmem>>) offsets(%dma_start3A_445 : memref<128xi32, #tpu.memory_space<vmem>>) semaphore(%arg12 : memref<!tpu.dma_semaphore, #tpu.memory_space<semaphore_mem>>)
      %dma_start3A_449 = arith.constant 512 : i32
      %dma_start3A_450 = arith.constant 0 : i32
      %dma_start3A_451 = tpu.memref_slice %arg9[%dma_start3A_449, %dma_start3A_450] : memref<2048x8xf32, #tpu.memory_space<vmem>> -> memref<128x8xf32, #tpu.memory_space<vmem>>
      %dma_start3A_452 = arith.constant 512 : i32
      %dma_start3A_453 = tpu.memref_slice %arg7[%dma_start3A_452] : memref<2048xi32, #tpu.memory_space<vmem>> -> memref<128xi32, #tpu.memory_space<vmem>>
      %dma_start3A_454 = arith.constant 0 : i32
      %dma_start3A_455 = arith.constant 0 : i32
      %dma_start3A_456 = tpu.memref_slice %arg10[%dma_start3A_454, %dma_start3A_455] : memref<100352x8xf32, #tpu.memory_space<vmem_shared>> -> memref<100352x8xf32, #tpu.memory_space<vmem_shared>>
      tpu.enqueue_indirect_dma source(%dma_start3A_456 : memref<100352x8xf32, #tpu.memory_space<vmem_shared>>) target(%dma_start3A_451 : memref<128x8xf32, #tpu.memory_space<vmem>>) offsets(%dma_start3A_453 : memref<128xi32, #tpu.memory_space<vmem>>) semaphore(%arg12 : memref<!tpu.dma_semaphore, #tpu.memory_space<semaphore_mem>>)
      %dma_start3A_457 = arith.constant 640 : i32
      %dma_start3A_458 = arith.constant 0 : i32
      %dma_start3A_459 = tpu.memref_slice %arg9[%dma_start3A_457, %dma_start3A_458] : memref<2048x8xf32, #tpu.memory_space<vmem>> -> memref<128x8xf32, #tpu.memory_space<vmem>>
      %dma_start3A_460 = arith.constant 640 : i32
      %dma_start3A_461 = tpu.memref_slice %arg7[%dma_start3A_460] : memref<2048xi32, #tpu.memory_space<vmem>> -> memref<128xi32, #tpu.memory_space<vmem>>
      %dma_start3A_462 = arith.constant 0 : i32
      %dma_start3A_463 = arith.constant 0 : i32
      %dma_start3A_464 = tpu.memref_slice %arg10[%dma_start3A_462, %dma_start3A_463] : memref<100352x8xf32, #tpu.memory_space<vmem_shared>> -> memref<100352x8xf32, #tpu.memory_space<vmem_shared>>
      tpu.enqueue_indirect_dma source(%dma_start3A_464 : memref<100352x8xf32, #tpu.memory_space<vmem_shared>>) target(%dma_start3A_459 : memref<128x8xf32, #tpu.memory_space<vmem>>) offsets(%dma_start3A_461 : memref<128xi32, #tpu.memory_space<vmem>>) semaphore(%arg12 : memref<!tpu.dma_semaphore, #tpu.memory_space<semaphore_mem>>)
      %dma_start3A_465 = arith.constant 768 : i32
      %dma_start3A_466 = arith.constant 0 : i32
      %dma_start3A_467 = tpu.memref_slice %arg9[%dma_start3A_465, %dma_start3A_466] : memref<2048x8xf32, #tpu.memory_space<vmem>> -> memref<128x8xf32, #tpu.memory_space<vmem>>
      %dma_start3A_468 = arith.constant 768 : i32
      %dma_start3A_469 = tpu.memref_slice %arg7[%dma_start3A_468] : memref<2048xi32, #tpu.memory_space<vmem>> -> memref<128xi32, #tpu.memory_space<vmem>>
      %dma_start3A_470 = arith.constant 0 : i32
      %dma_start3A_471 = arith.constant 0 : i32
      %dma_start3A_472 = tpu.memref_slice %arg10[%dma_start3A_470, %dma_start3A_471] : memref<100352x8xf32, #tpu.memory_space<vmem_shared>> -> memref<100352x8xf32, #tpu.memory_space<vmem_shared>>
      tpu.enqueue_indirect_dma source(%dma_start3A_472 : memref<100352x8xf32, #tpu.memory_space<vmem_shared>>) target(%dma_start3A_467 : memref<128x8xf32, #tpu.memory_space<vmem>>) offsets(%dma_start3A_469 : memref<128xi32, #tpu.memory_space<vmem>>) semaphore(%arg12 : memref<!tpu.dma_semaphore, #tpu.memory_space<semaphore_mem>>)
      %dma_start3A_473 = arith.constant 896 : i32
      %dma_start3A_474 = arith.constant 0 : i32
      %dma_start3A_475 = tpu.memref_slice %arg9[%dma_start3A_473, %dma_start3A_474] : memref<2048x8xf32, #tpu.memory_space<vmem>> -> memref<128x8xf32, #tpu.memory_space<vmem>>
      %dma_start3A_476 = arith.constant 896 : i32
      %dma_start3A_477 = tpu.memref_slice %arg7[%dma_start3A_476] : memref<2048xi32, #tpu.memory_space<vmem>> -> memref<128xi32, #tpu.memory_space<vmem>>
      %dma_start3A_478 = arith.constant 0 : i32
      %dma_start3A_479 = arith.constant 0 : i32
      %dma_start3A_480 = tpu.memref_slice %arg10[%dma_start3A_478, %dma_start3A_479] : memref<100352x8xf32, #tpu.memory_space<vmem_shared>> -> memref<100352x8xf32, #tpu.memory_space<vmem_shared>>
      tpu.enqueue_indirect_dma source(%dma_start3A_480 : memref<100352x8xf32, #tpu.memory_space<vmem_shared>>) target(%dma_start3A_475 : memref<128x8xf32, #tpu.memory_space<vmem>>) offsets(%dma_start3A_477 : memref<128xi32, #tpu.memory_space<vmem>>) semaphore(%arg12 : memref<!tpu.dma_semaphore, #tpu.memory_space<semaphore_mem>>)
      %dma_start3A_481 = arith.constant 1024 : i32
      %dma_start3A_482 = arith.constant 0 : i32
      %dma_start3A_483 = tpu.memref_slice %arg9[%dma_start3A_481, %dma_start3A_482] : memref<2048x8xf32, #tpu.memory_space<vmem>> -> memref<128x8xf32, #tpu.memory_space<vmem>>
      %dma_start3A_484 = arith.constant 1024 : i32
      %dma_start3A_485 = tpu.memref_slice %arg7[%dma_start3A_484] : memref<2048xi32, #tpu.memory_space<vmem>> -> memref<128xi32, #tpu.memory_space<vmem>>
      %dma_start3A_486 = arith.constant 0 : i32
      %dma_start3A_487 = arith.constant 0 : i32
      %dma_start3A_488 = tpu.memref_slice %arg10[%dma_start3A_486, %dma_start3A_487] : memref<100352x8xf32, #tpu.memory_space<vmem_shared>> -> memref<100352x8xf32, #tpu.memory_space<vmem_shared>>
      tpu.enqueue_indirect_dma source(%dma_start3A_488 : memref<100352x8xf32, #tpu.memory_space<vmem_shared>>) target(%dma_start3A_483 : memref<128x8xf32, #tpu.memory_space<vmem>>) offsets(%dma_start3A_485 : memref<128xi32, #tpu.memory_space<vmem>>) semaphore(%arg12 : memref<!tpu.dma_semaphore, #tpu.memory_space<semaphore_mem>>)
      %dma_start3A_489 = arith.constant 1152 : i32
      %dma_start3A_490 = arith.constant 0 : i32
      %dma_start3A_491 = tpu.memref_slice %arg9[%dma_start3A_489, %dma_start3A_490] : memref<2048x8xf32, #tpu.memory_space<vmem>> -> memref<128x8xf32, #tpu.memory_space<vmem>>
      %dma_start3A_492 = arith.constant 1152 : i32
      %dma_start3A_493 = tpu.memref_slice %arg7[%dma_start3A_492] : memref<2048xi32, #tpu.memory_space<vmem>> -> memref<128xi32, #tpu.memory_space<vmem>>
      %dma_start3A_494 = arith.constant 0 : i32
      %dma_start3A_495 = arith.constant 0 : i32
      %dma_start3A_496 = tpu.memref_slice %arg10[%dma_start3A_494, %dma_start3A_495] : memref<100352x8xf32, #tpu.memory_space<vmem_shared>> -> memref<100352x8xf32, #tpu.memory_space<vmem_shared>>
      tpu.enqueue_indirect_dma source(%dma_start3A_496 : memref<100352x8xf32, #tpu.memory_space<vmem_shared>>) target(%dma_start3A_491 : memref<128x8xf32, #tpu.memory_space<vmem>>) offsets(%dma_start3A_493 : memref<128xi32, #tpu.memory_space<vmem>>) semaphore(%arg12 : memref<!tpu.dma_semaphore, #tpu.memory_space<semaphore_mem>>)
      %dma_start3A_497 = arith.constant 1280 : i32
      %dma_start3A_498 = arith.constant 0 : i32
      %dma_start3A_499 = tpu.memref_slice %arg9[%dma_start3A_497, %dma_start3A_498] : memref<2048x8xf32, #tpu.memory_space<vmem>> -> memref<128x8xf32, #tpu.memory_space<vmem>>
      %dma_start3A_500 = arith.constant 1280 : i32
      %dma_start3A_501 = tpu.memref_slice %arg7[%dma_start3A_500] : memref<2048xi32, #tpu.memory_space<vmem>> -> memref<128xi32, #tpu.memory_space<vmem>>
      %dma_start3A_502 = arith.constant 0 : i32
      %dma_start3A_503 = arith.constant 0 : i32
      %dma_start3A_504 = tpu.memref_slice %arg10[%dma_start3A_502, %dma_start3A_503] : memref<100352x8xf32, #tpu.memory_space<vmem_shared>> -> memref<100352x8xf32, #tpu.memory_space<vmem_shared>>
      tpu.enqueue_indirect_dma source(%dma_start3A_504 : memref<100352x8xf32, #tpu.memory_space<vmem_shared>>) target(%dma_start3A_499 : memref<128x8xf32, #tpu.memory_space<vmem>>) offsets(%dma_start3A_501 : memref<128xi32, #tpu.memory_space<vmem>>) semaphore(%arg12 : memref<!tpu.dma_semaphore, #tpu.memory_space<semaphore_mem>>)
      %dma_start3A_505 = arith.constant 1408 : i32
      %dma_start3A_506 = arith.constant 0 : i32
      %dma_start3A_507 = tpu.memref_slice %arg9[%dma_start3A_505, %dma_start3A_506] : memref<2048x8xf32, #tpu.memory_space<vmem>> -> memref<128x8xf32, #tpu.memory_space<vmem>>
      %dma_start3A_508 = arith.constant 1408 : i32
      %dma_start3A_509 = tpu.memref_slice %arg7[%dma_start3A_508] : memref<2048xi32, #tpu.memory_space<vmem>> -> memref<128xi32, #tpu.memory_space<vmem>>
      %dma_start3A_510 = arith.constant 0 : i32
      %dma_start3A_511 = arith.constant 0 : i32
      %dma_start3A_512 = tpu.memref_slice %arg10[%dma_start3A_510, %dma_start3A_511] : memref<100352x8xf32, #tpu.memory_space<vmem_shared>> -> memref<100352x8xf32, #tpu.memory_space<vmem_shared>>
      tpu.enqueue_indirect_dma source(%dma_start3A_512 : memref<100352x8xf32, #tpu.memory_space<vmem_shared>>) target(%dma_start3A_507 : memref<128x8xf32, #tpu.memory_space<vmem>>) offsets(%dma_start3A_509 : memref<128xi32, #tpu.memory_space<vmem>>) semaphore(%arg12 : memref<!tpu.dma_semaphore, #tpu.memory_space<semaphore_mem>>)
      %dma_start3A_513 = arith.constant 1536 : i32
      %dma_start3A_514 = arith.constant 0 : i32
      %dma_start3A_515 = tpu.memref_slice %arg9[%dma_start3A_513, %dma_start3A_514] : memref<2048x8xf32, #tpu.memory_space<vmem>> -> memref<128x8xf32, #tpu.memory_space<vmem>>
      %dma_start3A_516 = arith.constant 1536 : i32
      %dma_start3A_517 = tpu.memref_slice %arg7[%dma_start3A_516] : memref<2048xi32, #tpu.memory_space<vmem>> -> memref<128xi32, #tpu.memory_space<vmem>>
      %dma_start3A_518 = arith.constant 0 : i32
      %dma_start3A_519 = arith.constant 0 : i32
      %dma_start3A_520 = tpu.memref_slice %arg10[%dma_start3A_518, %dma_start3A_519] : memref<100352x8xf32, #tpu.memory_space<vmem_shared>> -> memref<100352x8xf32, #tpu.memory_space<vmem_shared>>
      tpu.enqueue_indirect_dma source(%dma_start3A_520 : memref<100352x8xf32, #tpu.memory_space<vmem_shared>>) target(%dma_start3A_515 : memref<128x8xf32, #tpu.memory_space<vmem>>) offsets(%dma_start3A_517 : memref<128xi32, #tpu.memory_space<vmem>>) semaphore(%arg12 : memref<!tpu.dma_semaphore, #tpu.memory_space<semaphore_mem>>)
      %dma_start3A_521 = arith.constant 1664 : i32
      %dma_start3A_522 = arith.constant 0 : i32
      %dma_start3A_523 = tpu.memref_slice %arg9[%dma_start3A_521, %dma_start3A_522] : memref<2048x8xf32, #tpu.memory_space<vmem>> -> memref<128x8xf32, #tpu.memory_space<vmem>>
      %dma_start3A_524 = arith.constant 1664 : i32
      %dma_start3A_525 = tpu.memref_slice %arg7[%dma_start3A_524] : memref<2048xi32, #tpu.memory_space<vmem>> -> memref<128xi32, #tpu.memory_space<vmem>>
      %dma_start3A_526 = arith.constant 0 : i32
      %dma_start3A_527 = arith.constant 0 : i32
      %dma_start3A_528 = tpu.memref_slice %arg10[%dma_start3A_526, %dma_start3A_527] : memref<100352x8xf32, #tpu.memory_space<vmem_shared>> -> memref<100352x8xf32, #tpu.memory_space<vmem_shared>>
      tpu.enqueue_indirect_dma source(%dma_start3A_528 : memref<100352x8xf32, #tpu.memory_space<vmem_shared>>) target(%dma_start3A_523 : memref<128x8xf32, #tpu.memory_space<vmem>>) offsets(%dma_start3A_525 : memref<128xi32, #tpu.memory_space<vmem>>) semaphore(%arg12 : memref<!tpu.dma_semaphore, #tpu.memory_space<semaphore_mem>>)
      %dma_start3A_529 = arith.constant 1792 : i32
      %dma_start3A_530 = arith.constant 0 : i32
      %dma_start3A_531 = tpu.memref_slice %arg9[%dma_start3A_529, %dma_start3A_530] : memref<2048x8xf32, #tpu.memory_space<vmem>> -> memref<128x8xf32, #tpu.memory_space<vmem>>
      %dma_start3A_532 = arith.constant 1792 : i32
      %dma_start3A_533 = tpu.memref_slice %arg7[%dma_start3A_532] : memref<2048xi32, #tpu.memory_space<vmem>> -> memref<128xi32, #tpu.memory_space<vmem>>
      %dma_start3A_534 = arith.constant 0 : i32
      %dma_start3A_535 = arith.constant 0 : i32
      %dma_start3A_536 = tpu.memref_slice %arg10[%dma_start3A_534, %dma_start3A_535] : memref<100352x8xf32, #tpu.memory_space<vmem_shared>> -> memref<100352x8xf32, #tpu.memory_space<vmem_shared>>
      tpu.enqueue_indirect_dma source(%dma_start3A_536 : memref<100352x8xf32, #tpu.memory_space<vmem_shared>>) target(%dma_start3A_531 : memref<128x8xf32, #tpu.memory_space<vmem>>) offsets(%dma_start3A_533 : memref<128xi32, #tpu.memory_space<vmem>>) semaphore(%arg12 : memref<!tpu.dma_semaphore, #tpu.memory_space<semaphore_mem>>)
      %dma_start3A_537 = arith.constant 1920 : i32
      %dma_start3A_538 = arith.constant 0 : i32
      %dma_start3A_539 = tpu.memref_slice %arg9[%dma_start3A_537, %dma_start3A_538] : memref<2048x8xf32, #tpu.memory_space<vmem>> -> memref<128x8xf32, #tpu.memory_space<vmem>>
      %dma_start3A_540 = arith.constant 1920 : i32
      %dma_start3A_541 = tpu.memref_slice %arg7[%dma_start3A_540] : memref<2048xi32, #tpu.memory_space<vmem>> -> memref<128xi32, #tpu.memory_space<vmem>>
      %dma_start3A_542 = arith.constant 0 : i32
      %dma_start3A_543 = arith.constant 0 : i32
      %dma_start3A_544 = tpu.memref_slice %arg10[%dma_start3A_542, %dma_start3A_543] : memref<100352x8xf32, #tpu.memory_space<vmem_shared>> -> memref<100352x8xf32, #tpu.memory_space<vmem_shared>>
      tpu.enqueue_indirect_dma source(%dma_start3A_544 : memref<100352x8xf32, #tpu.memory_space<vmem_shared>>) target(%dma_start3A_539 : memref<128x8xf32, #tpu.memory_space<vmem>>) offsets(%dma_start3A_541 : memref<128xi32, #tpu.memory_space<vmem>>) semaphore(%arg12 : memref<!tpu.dma_semaphore, #tpu.memory_space<semaphore_mem>>)
      %dma_wait3A_545 = arith.constant 0 : i32
      %dma_wait3A_546 = arith.constant 0 : i32
      %dma_wait3A_547 = tpu.memref_slice %arg9[%dma_wait3A_545, %dma_wait3A_546] : memref<2048x8xf32, #tpu.memory_space<vmem>> -> memref<128x8xf32, #tpu.memory_space<vmem>>
      %dma_wait3A_548 = arith.constant 0 : i32
      %dma_wait3A_549 = tpu.memref_slice %arg7[%dma_wait3A_548] : memref<2048xi32, #tpu.memory_space<vmem>> -> memref<128xi32, #tpu.memory_space<vmem>>
      %dma_wait3A_550 = arith.constant 0 : i32
      %dma_wait3A_551 = arith.constant 0 : i32
      %dma_wait3A_552 = tpu.memref_slice %arg10[%dma_wait3A_550, %dma_wait3A_551] : memref<100352x8xf32, #tpu.memory_space<vmem_shared>> -> memref<100352x8xf32, #tpu.memory_space<vmem_shared>>
      tpu.wait_indirect_dma semaphore(%arg12 : memref<!tpu.dma_semaphore, #tpu.memory_space<semaphore_mem>>) src(%dma_wait3A_552 : memref<100352x8xf32, #tpu.memory_space<vmem_shared>>) dst(%dma_wait3A_547 : memref<128x8xf32, #tpu.memory_space<vmem>>)
      %dma_wait3A_553 = arith.constant 128 : i32
      %dma_wait3A_554 = arith.constant 0 : i32
      %dma_wait3A_555 = tpu.memref_slice %arg9[%dma_wait3A_553, %dma_wait3A_554] : memref<2048x8xf32, #tpu.memory_space<vmem>> -> memref<128x8xf32, #tpu.memory_space<vmem>>
      %dma_wait3A_556 = arith.constant 128 : i32
      %dma_wait3A_557 = tpu.memref_slice %arg7[%dma_wait3A_556] : memref<2048xi32, #tpu.memory_space<vmem>> -> memref<128xi32, #tpu.memory_space<vmem>>
      %dma_wait3A_558 = arith.constant 0 : i32
      %dma_wait3A_559 = arith.constant 0 : i32
      %dma_wait3A_560 = tpu.memref_slice %arg10[%dma_wait3A_558, %dma_wait3A_559] : memref<100352x8xf32, #tpu.memory_space<vmem_shared>> -> memref<100352x8xf32, #tpu.memory_space<vmem_shared>>
      tpu.wait_indirect_dma semaphore(%arg12 : memref<!tpu.dma_semaphore, #tpu.memory_space<semaphore_mem>>) src(%dma_wait3A_560 : memref<100352x8xf32, #tpu.memory_space<vmem_shared>>) dst(%dma_wait3A_555 : memref<128x8xf32, #tpu.memory_space<vmem>>)
      %dma_wait3A_561 = arith.constant 256 : i32
      %dma_wait3A_562 = arith.constant 0 : i32
      %dma_wait3A_563 = tpu.memref_slice %arg9[%dma_wait3A_561, %dma_wait3A_562] : memref<2048x8xf32, #tpu.memory_space<vmem>> -> memref<128x8xf32, #tpu.memory_space<vmem>>
      %dma_wait3A_564 = arith.constant 256 : i32
      %dma_wait3A_565 = tpu.memref_slice %arg7[%dma_wait3A_564] : memref<2048xi32, #tpu.memory_space<vmem>> -> memref<128xi32, #tpu.memory_space<vmem>>
      %dma_wait3A_566 = arith.constant 0 : i32
      %dma_wait3A_567 = arith.constant 0 : i32
      %dma_wait3A_568 = tpu.memref_slice %arg10[%dma_wait3A_566, %dma_wait3A_567] : memref<100352x8xf32, #tpu.memory_space<vmem_shared>> -> memref<100352x8xf32, #tpu.memory_space<vmem_shared>>
      tpu.wait_indirect_dma semaphore(%arg12 : memref<!tpu.dma_semaphore, #tpu.memory_space<semaphore_mem>>) src(%dma_wait3A_568 : memref<100352x8xf32, #tpu.memory_space<vmem_shared>>) dst(%dma_wait3A_563 : memref<128x8xf32, #tpu.memory_space<vmem>>)
      %dma_wait3A_569 = arith.constant 384 : i32
      %dma_wait3A_570 = arith.constant 0 : i32
      %dma_wait3A_571 = tpu.memref_slice %arg9[%dma_wait3A_569, %dma_wait3A_570] : memref<2048x8xf32, #tpu.memory_space<vmem>> -> memref<128x8xf32, #tpu.memory_space<vmem>>
      %dma_wait3A_572 = arith.constant 384 : i32
      %dma_wait3A_573 = tpu.memref_slice %arg7[%dma_wait3A_572] : memref<2048xi32, #tpu.memory_space<vmem>> -> memref<128xi32, #tpu.memory_space<vmem>>
      %dma_wait3A_574 = arith.constant 0 : i32
      %dma_wait3A_575 = arith.constant 0 : i32
      %dma_wait3A_576 = tpu.memref_slice %arg10[%dma_wait3A_574, %dma_wait3A_575] : memref<100352x8xf32, #tpu.memory_space<vmem_shared>> -> memref<100352x8xf32, #tpu.memory_space<vmem_shared>>
      tpu.wait_indirect_dma semaphore(%arg12 : memref<!tpu.dma_semaphore, #tpu.memory_space<semaphore_mem>>) src(%dma_wait3A_576 : memref<100352x8xf32, #tpu.memory_space<vmem_shared>>) dst(%dma_wait3A_571 : memref<128x8xf32, #tpu.memory_space<vmem>>)
      %dma_wait3A_577 = arith.constant 512 : i32
      %dma_wait3A_578 = arith.constant 0 : i32
      %dma_wait3A_579 = tpu.memref_slice %arg9[%dma_wait3A_577, %dma_wait3A_578] : memref<2048x8xf32, #tpu.memory_space<vmem>> -> memref<128x8xf32, #tpu.memory_space<vmem>>
      %dma_wait3A_580 = arith.constant 512 : i32
      %dma_wait3A_581 = tpu.memref_slice %arg7[%dma_wait3A_580] : memref<2048xi32, #tpu.memory_space<vmem>> -> memref<128xi32, #tpu.memory_space<vmem>>
      %dma_wait3A_582 = arith.constant 0 : i32
      %dma_wait3A_583 = arith.constant 0 : i32
      %dma_wait3A_584 = tpu.memref_slice %arg10[%dma_wait3A_582, %dma_wait3A_583] : memref<100352x8xf32, #tpu.memory_space<vmem_shared>> -> memref<100352x8xf32, #tpu.memory_space<vmem_shared>>
      tpu.wait_indirect_dma semaphore(%arg12 : memref<!tpu.dma_semaphore, #tpu.memory_space<semaphore_mem>>) src(%dma_wait3A_584 : memref<100352x8xf32, #tpu.memory_space<vmem_shared>>) dst(%dma_wait3A_579 : memref<128x8xf32, #tpu.memory_space<vmem>>)
      %dma_wait3A_585 = arith.constant 640 : i32
      %dma_wait3A_586 = arith.constant 0 : i32
      %dma_wait3A_587 = tpu.memref_slice %arg9[%dma_wait3A_585, %dma_wait3A_586] : memref<2048x8xf32, #tpu.memory_space<vmem>> -> memref<128x8xf32, #tpu.memory_space<vmem>>
      %dma_wait3A_588 = arith.constant 640 : i32
      %dma_wait3A_589 = tpu.memref_slice %arg7[%dma_wait3A_588] : memref<2048xi32, #tpu.memory_space<vmem>> -> memref<128xi32, #tpu.memory_space<vmem>>
      %dma_wait3A_590 = arith.constant 0 : i32
      %dma_wait3A_591 = arith.constant 0 : i32
      %dma_wait3A_592 = tpu.memref_slice %arg10[%dma_wait3A_590, %dma_wait3A_591] : memref<100352x8xf32, #tpu.memory_space<vmem_shared>> -> memref<100352x8xf32, #tpu.memory_space<vmem_shared>>
      tpu.wait_indirect_dma semaphore(%arg12 : memref<!tpu.dma_semaphore, #tpu.memory_space<semaphore_mem>>) src(%dma_wait3A_592 : memref<100352x8xf32, #tpu.memory_space<vmem_shared>>) dst(%dma_wait3A_587 : memref<128x8xf32, #tpu.memory_space<vmem>>)
      %dma_wait3A_593 = arith.constant 768 : i32
      %dma_wait3A_594 = arith.constant 0 : i32
      %dma_wait3A_595 = tpu.memref_slice %arg9[%dma_wait3A_593, %dma_wait3A_594] : memref<2048x8xf32, #tpu.memory_space<vmem>> -> memref<128x8xf32, #tpu.memory_space<vmem>>
      %dma_wait3A_596 = arith.constant 768 : i32
      %dma_wait3A_597 = tpu.memref_slice %arg7[%dma_wait3A_596] : memref<2048xi32, #tpu.memory_space<vmem>> -> memref<128xi32, #tpu.memory_space<vmem>>
      %dma_wait3A_598 = arith.constant 0 : i32
      %dma_wait3A_599 = arith.constant 0 : i32
      %dma_wait3A_600 = tpu.memref_slice %arg10[%dma_wait3A_598, %dma_wait3A_599] : memref<100352x8xf32, #tpu.memory_space<vmem_shared>> -> memref<100352x8xf32, #tpu.memory_space<vmem_shared>>
      tpu.wait_indirect_dma semaphore(%arg12 : memref<!tpu.dma_semaphore, #tpu.memory_space<semaphore_mem>>) src(%dma_wait3A_600 : memref<100352x8xf32, #tpu.memory_space<vmem_shared>>) dst(%dma_wait3A_595 : memref<128x8xf32, #tpu.memory_space<vmem>>)
      %dma_wait3A_601 = arith.constant 896 : i32
      %dma_wait3A_602 = arith.constant 0 : i32
      %dma_wait3A_603 = tpu.memref_slice %arg9[%dma_wait3A_601, %dma_wait3A_602] : memref<2048x8xf32, #tpu.memory_space<vmem>> -> memref<128x8xf32, #tpu.memory_space<vmem>>
      %dma_wait3A_604 = arith.constant 896 : i32
      %dma_wait3A_605 = tpu.memref_slice %arg7[%dma_wait3A_604] : memref<2048xi32, #tpu.memory_space<vmem>> -> memref<128xi32, #tpu.memory_space<vmem>>
      %dma_wait3A_606 = arith.constant 0 : i32
      %dma_wait3A_607 = arith.constant 0 : i32
      %dma_wait3A_608 = tpu.memref_slice %arg10[%dma_wait3A_606, %dma_wait3A_607] : memref<100352x8xf32, #tpu.memory_space<vmem_shared>> -> memref<100352x8xf32, #tpu.memory_space<vmem_shared>>
      tpu.wait_indirect_dma semaphore(%arg12 : memref<!tpu.dma_semaphore, #tpu.memory_space<semaphore_mem>>) src(%dma_wait3A_608 : memref<100352x8xf32, #tpu.memory_space<vmem_shared>>) dst(%dma_wait3A_603 : memref<128x8xf32, #tpu.memory_space<vmem>>)
      %dma_wait3A_609 = arith.constant 1024 : i32
      %dma_wait3A_610 = arith.constant 0 : i32
      %dma_wait3A_611 = tpu.memref_slice %arg9[%dma_wait3A_609, %dma_wait3A_610] : memref<2048x8xf32, #tpu.memory_space<vmem>> -> memref<128x8xf32, #tpu.memory_space<vmem>>
      %dma_wait3A_612 = arith.constant 1024 : i32
      %dma_wait3A_613 = tpu.memref_slice %arg7[%dma_wait3A_612] : memref<2048xi32, #tpu.memory_space<vmem>> -> memref<128xi32, #tpu.memory_space<vmem>>
      %dma_wait3A_614 = arith.constant 0 : i32
      %dma_wait3A_615 = arith.constant 0 : i32
      %dma_wait3A_616 = tpu.memref_slice %arg10[%dma_wait3A_614, %dma_wait3A_615] : memref<100352x8xf32, #tpu.memory_space<vmem_shared>> -> memref<100352x8xf32, #tpu.memory_space<vmem_shared>>
      tpu.wait_indirect_dma semaphore(%arg12 : memref<!tpu.dma_semaphore, #tpu.memory_space<semaphore_mem>>) src(%dma_wait3A_616 : memref<100352x8xf32, #tpu.memory_space<vmem_shared>>) dst(%dma_wait3A_611 : memref<128x8xf32, #tpu.memory_space<vmem>>)
      %dma_wait3A_617 = arith.constant 1152 : i32
      %dma_wait3A_618 = arith.constant 0 : i32
      %dma_wait3A_619 = tpu.memref_slice %arg9[%dma_wait3A_617, %dma_wait3A_618] : memref<2048x8xf32, #tpu.memory_space<vmem>> -> memref<128x8xf32, #tpu.memory_space<vmem>>
      %dma_wait3A_620 = arith.constant 1152 : i32
      %dma_wait3A_621 = tpu.memref_slice %arg7[%dma_wait3A_620] : memref<2048xi32, #tpu.memory_space<vmem>> -> memref<128xi32, #tpu.memory_space<vmem>>
      %dma_wait3A_622 = arith.constant 0 : i32
      %dma_wait3A_623 = arith.constant 0 : i32
      %dma_wait3A_624 = tpu.memref_slice %arg10[%dma_wait3A_622, %dma_wait3A_623] : memref<100352x8xf32, #tpu.memory_space<vmem_shared>> -> memref<100352x8xf32, #tpu.memory_space<vmem_shared>>
      tpu.wait_indirect_dma semaphore(%arg12 : memref<!tpu.dma_semaphore, #tpu.memory_space<semaphore_mem>>) src(%dma_wait3A_624 : memref<100352x8xf32, #tpu.memory_space<vmem_shared>>) dst(%dma_wait3A_619 : memref<128x8xf32, #tpu.memory_space<vmem>>)
      %dma_wait3A_625 = arith.constant 1280 : i32
      %dma_wait3A_626 = arith.constant 0 : i32
      %dma_wait3A_627 = tpu.memref_slice %arg9[%dma_wait3A_625, %dma_wait3A_626] : memref<2048x8xf32, #tpu.memory_space<vmem>> -> memref<128x8xf32, #tpu.memory_space<vmem>>
      %dma_wait3A_628 = arith.constant 1280 : i32
      %dma_wait3A_629 = tpu.memref_slice %arg7[%dma_wait3A_628] : memref<2048xi32, #tpu.memory_space<vmem>> -> memref<128xi32, #tpu.memory_space<vmem>>
      %dma_wait3A_630 = arith.constant 0 : i32
      %dma_wait3A_631 = arith.constant 0 : i32
      %dma_wait3A_632 = tpu.memref_slice %arg10[%dma_wait3A_630, %dma_wait3A_631] : memref<100352x8xf32, #tpu.memory_space<vmem_shared>> -> memref<100352x8xf32, #tpu.memory_space<vmem_shared>>
      tpu.wait_indirect_dma semaphore(%arg12 : memref<!tpu.dma_semaphore, #tpu.memory_space<semaphore_mem>>) src(%dma_wait3A_632 : memref<100352x8xf32, #tpu.memory_space<vmem_shared>>) dst(%dma_wait3A_627 : memref<128x8xf32, #tpu.memory_space<vmem>>)
      %dma_wait3A_633 = arith.constant 1408 : i32
      %dma_wait3A_634 = arith.constant 0 : i32
      %dma_wait3A_635 = tpu.memref_slice %arg9[%dma_wait3A_633, %dma_wait3A_634] : memref<2048x8xf32, #tpu.memory_space<vmem>> -> memref<128x8xf32, #tpu.memory_space<vmem>>
      %dma_wait3A_636 = arith.constant 1408 : i32
      %dma_wait3A_637 = tpu.memref_slice %arg7[%dma_wait3A_636] : memref<2048xi32, #tpu.memory_space<vmem>> -> memref<128xi32, #tpu.memory_space<vmem>>
      %dma_wait3A_638 = arith.constant 0 : i32
      %dma_wait3A_639 = arith.constant 0 : i32
      %dma_wait3A_640 = tpu.memref_slice %arg10[%dma_wait3A_638, %dma_wait3A_639] : memref<100352x8xf32, #tpu.memory_space<vmem_shared>> -> memref<100352x8xf32, #tpu.memory_space<vmem_shared>>
      tpu.wait_indirect_dma semaphore(%arg12 : memref<!tpu.dma_semaphore, #tpu.memory_space<semaphore_mem>>) src(%dma_wait3A_640 : memref<100352x8xf32, #tpu.memory_space<vmem_shared>>) dst(%dma_wait3A_635 : memref<128x8xf32, #tpu.memory_space<vmem>>)
      %dma_wait3A_641 = arith.constant 1536 : i32
      %dma_wait3A_642 = arith.constant 0 : i32
      %dma_wait3A_643 = tpu.memref_slice %arg9[%dma_wait3A_641, %dma_wait3A_642] : memref<2048x8xf32, #tpu.memory_space<vmem>> -> memref<128x8xf32, #tpu.memory_space<vmem>>
      %dma_wait3A_644 = arith.constant 1536 : i32
      %dma_wait3A_645 = tpu.memref_slice %arg7[%dma_wait3A_644] : memref<2048xi32, #tpu.memory_space<vmem>> -> memref<128xi32, #tpu.memory_space<vmem>>
      %dma_wait3A_646 = arith.constant 0 : i32
      %dma_wait3A_647 = arith.constant 0 : i32
      %dma_wait3A_648 = tpu.memref_slice %arg10[%dma_wait3A_646, %dma_wait3A_647] : memref<100352x8xf32, #tpu.memory_space<vmem_shared>> -> memref<100352x8xf32, #tpu.memory_space<vmem_shared>>
      tpu.wait_indirect_dma semaphore(%arg12 : memref<!tpu.dma_semaphore, #tpu.memory_space<semaphore_mem>>) src(%dma_wait3A_648 : memref<100352x8xf32, #tpu.memory_space<vmem_shared>>) dst(%dma_wait3A_643 : memref<128x8xf32, #tpu.memory_space<vmem>>)
      %dma_wait3A_649 = arith.constant 1664 : i32
      %dma_wait3A_650 = arith.constant 0 : i32
      %dma_wait3A_651 = tpu.memref_slice %arg9[%dma_wait3A_649, %dma_wait3A_650] : memref<2048x8xf32, #tpu.memory_space<vmem>> -> memref<128x8xf32, #tpu.memory_space<vmem>>
      %dma_wait3A_652 = arith.constant 1664 : i32
      %dma_wait3A_653 = tpu.memref_slice %arg7[%dma_wait3A_652] : memref<2048xi32, #tpu.memory_space<vmem>> -> memref<128xi32, #tpu.memory_space<vmem>>
      %dma_wait3A_654 = arith.constant 0 : i32
      %dma_wait3A_655 = arith.constant 0 : i32
      %dma_wait3A_656 = tpu.memref_slice %arg10[%dma_wait3A_654, %dma_wait3A_655] : memref<100352x8xf32, #tpu.memory_space<vmem_shared>> -> memref<100352x8xf32, #tpu.memory_space<vmem_shared>>
      tpu.wait_indirect_dma semaphore(%arg12 : memref<!tpu.dma_semaphore, #tpu.memory_space<semaphore_mem>>) src(%dma_wait3A_656 : memref<100352x8xf32, #tpu.memory_space<vmem_shared>>) dst(%dma_wait3A_651 : memref<128x8xf32, #tpu.memory_space<vmem>>)
      %dma_wait3A_657 = arith.constant 1792 : i32
      %dma_wait3A_658 = arith.constant 0 : i32
      %dma_wait3A_659 = tpu.memref_slice %arg9[%dma_wait3A_657, %dma_wait3A_658] : memref<2048x8xf32, #tpu.memory_space<vmem>> -> memref<128x8xf32, #tpu.memory_space<vmem>>
      %dma_wait3A_660 = arith.constant 1792 : i32
      %dma_wait3A_661 = tpu.memref_slice %arg7[%dma_wait3A_660] : memref<2048xi32, #tpu.memory_space<vmem>> -> memref<128xi32, #tpu.memory_space<vmem>>
      %dma_wait3A_662 = arith.constant 0 : i32
      %dma_wait3A_663 = arith.constant 0 : i32
      %dma_wait3A_664 = tpu.memref_slice %arg10[%dma_wait3A_662, %dma_wait3A_663] : memref<100352x8xf32, #tpu.memory_space<vmem_shared>> -> memref<100352x8xf32, #tpu.memory_space<vmem_shared>>
      tpu.wait_indirect_dma semaphore(%arg12 : memref<!tpu.dma_semaphore, #tpu.memory_space<semaphore_mem>>) src(%dma_wait3A_664 : memref<100352x8xf32, #tpu.memory_space<vmem_shared>>) dst(%dma_wait3A_659 : memref<128x8xf32, #tpu.memory_space<vmem>>)
      %dma_wait3A_665 = arith.constant 1920 : i32
      %dma_wait3A_666 = arith.constant 0 : i32
      %dma_wait3A_667 = tpu.memref_slice %arg9[%dma_wait3A_665, %dma_wait3A_666] : memref<2048x8xf32, #tpu.memory_space<vmem>> -> memref<128x8xf32, #tpu.memory_space<vmem>>
      %dma_wait3A_668 = arith.constant 1920 : i32
      %dma_wait3A_669 = tpu.memref_slice %arg7[%dma_wait3A_668] : memref<2048xi32, #tpu.memory_space<vmem>> -> memref<128xi32, #tpu.memory_space<vmem>>
      %dma_wait3A_670 = arith.constant 0 : i32
      %dma_wait3A_671 = arith.constant 0 : i32
      %dma_wait3A_672 = tpu.memref_slice %arg10[%dma_wait3A_670, %dma_wait3A_671] : memref<100352x8xf32, #tpu.memory_space<vmem_shared>> -> memref<100352x8xf32, #tpu.memory_space<vmem_shared>>
      tpu.wait_indirect_dma semaphore(%arg12 : memref<!tpu.dma_semaphore, #tpu.memory_space<semaphore_mem>>) src(%dma_wait3A_672 : memref<100352x8xf32, #tpu.memory_space<vmem_shared>>) dst(%dma_wait3A_667 : memref<128x8xf32, #tpu.memory_space<vmem>>)
      %dma_start3A_673 = arith.constant 0 : i32
      %dma_start3A_674 = arith.constant 0 : i32
      %dma_start3A_675 = tpu.memref_slice %arg9[%dma_start3A_673, %dma_start3A_674] : memref<2048x8xf32, #tpu.memory_space<vmem>> -> memref<128x8xf32, #tpu.memory_space<vmem>>
      %dma_start3A_676 = arith.constant 0 : i32
      %dma_start3A_677 = tpu.memref_slice %arg8[%dma_start3A_676] : memref<2048xi32, #tpu.memory_space<vmem>> -> memref<128xi32, #tpu.memory_space<vmem>>
      %dma_start3A_678 = arith.constant 0 : i32
      %dma_start3A_679 = arith.constant 0 : i32
      %dma_start3A_680 = tpu.memref_slice %arg11[%dma_start3A_678, %dma_start3A_679] : memref<100352x8xf32, #tpu.memory_space<vmem_shared>> -> memref<100352x8xf32, #tpu.memory_space<vmem_shared>>
      tpu.enqueue_indirect_dma source(%dma_start3A_675 : memref<128x8xf32, #tpu.memory_space<vmem>>) target(%dma_start3A_680 : memref<100352x8xf32, #tpu.memory_space<vmem_shared>>) offsets(%dma_start3A_677 : memref<128xi32, #tpu.memory_space<vmem>>) semaphore(%arg13 : memref<!tpu.dma_semaphore, #tpu.memory_space<semaphore_mem>>) {add = true}
      %dma_start3A_681 = arith.constant 128 : i32
      %dma_start3A_682 = arith.constant 0 : i32
      %dma_start3A_683 = tpu.memref_slice %arg9[%dma_start3A_681, %dma_start3A_682] : memref<2048x8xf32, #tpu.memory_space<vmem>> -> memref<128x8xf32, #tpu.memory_space<vmem>>
      %dma_start3A_684 = arith.constant 128 : i32
      %dma_start3A_685 = tpu.memref_slice %arg8[%dma_start3A_684] : memref<2048xi32, #tpu.memory_space<vmem>> -> memref<128xi32, #tpu.memory_space<vmem>>
      %dma_start3A_686 = arith.constant 0 : i32
      %dma_start3A_687 = arith.constant 0 : i32
      %dma_start3A_688 = tpu.memref_slice %arg11[%dma_start3A_686, %dma_start3A_687] : memref<100352x8xf32, #tpu.memory_space<vmem_shared>> -> memref<100352x8xf32, #tpu.memory_space<vmem_shared>>
      tpu.enqueue_indirect_dma source(%dma_start3A_683 : memref<128x8xf32, #tpu.memory_space<vmem>>) target(%dma_start3A_688 : memref<100352x8xf32, #tpu.memory_space<vmem_shared>>) offsets(%dma_start3A_685 : memref<128xi32, #tpu.memory_space<vmem>>) semaphore(%arg13 : memref<!tpu.dma_semaphore, #tpu.memory_space<semaphore_mem>>) {add = true}
      %dma_start3A_689 = arith.constant 256 : i32
      %dma_start3A_690 = arith.constant 0 : i32
      %dma_start3A_691 = tpu.memref_slice %arg9[%dma_start3A_689, %dma_start3A_690] : memref<2048x8xf32, #tpu.memory_space<vmem>> -> memref<128x8xf32, #tpu.memory_space<vmem>>
      %dma_start3A_692 = arith.constant 256 : i32
      %dma_start3A_693 = tpu.memref_slice %arg8[%dma_start3A_692] : memref<2048xi32, #tpu.memory_space<vmem>> -> memref<128xi32, #tpu.memory_space<vmem>>
      %dma_start3A_694 = arith.constant 0 : i32
      %dma_start3A_695 = arith.constant 0 : i32
      %dma_start3A_696 = tpu.memref_slice %arg11[%dma_start3A_694, %dma_start3A_695] : memref<100352x8xf32, #tpu.memory_space<vmem_shared>> -> memref<100352x8xf32, #tpu.memory_space<vmem_shared>>
      tpu.enqueue_indirect_dma source(%dma_start3A_691 : memref<128x8xf32, #tpu.memory_space<vmem>>) target(%dma_start3A_696 : memref<100352x8xf32, #tpu.memory_space<vmem_shared>>) offsets(%dma_start3A_693 : memref<128xi32, #tpu.memory_space<vmem>>) semaphore(%arg13 : memref<!tpu.dma_semaphore, #tpu.memory_space<semaphore_mem>>) {add = true}
      %dma_start3A_697 = arith.constant 384 : i32
      %dma_start3A_698 = arith.constant 0 : i32
      %dma_start3A_699 = tpu.memref_slice %arg9[%dma_start3A_697, %dma_start3A_698] : memref<2048x8xf32, #tpu.memory_space<vmem>> -> memref<128x8xf32, #tpu.memory_space<vmem>>
      %dma_start3A_700 = arith.constant 384 : i32
      %dma_start3A_701 = tpu.memref_slice %arg8[%dma_start3A_700] : memref<2048xi32, #tpu.memory_space<vmem>> -> memref<128xi32, #tpu.memory_space<vmem>>
      %dma_start3A_702 = arith.constant 0 : i32
      %dma_start3A_703 = arith.constant 0 : i32
      %dma_start3A_704 = tpu.memref_slice %arg11[%dma_start3A_702, %dma_start3A_703] : memref<100352x8xf32, #tpu.memory_space<vmem_shared>> -> memref<100352x8xf32, #tpu.memory_space<vmem_shared>>
      tpu.enqueue_indirect_dma source(%dma_start3A_699 : memref<128x8xf32, #tpu.memory_space<vmem>>) target(%dma_start3A_704 : memref<100352x8xf32, #tpu.memory_space<vmem_shared>>) offsets(%dma_start3A_701 : memref<128xi32, #tpu.memory_space<vmem>>) semaphore(%arg13 : memref<!tpu.dma_semaphore, #tpu.memory_space<semaphore_mem>>) {add = true}
      %dma_start3A_705 = arith.constant 512 : i32
      %dma_start3A_706 = arith.constant 0 : i32
      %dma_start3A_707 = tpu.memref_slice %arg9[%dma_start3A_705, %dma_start3A_706] : memref<2048x8xf32, #tpu.memory_space<vmem>> -> memref<128x8xf32, #tpu.memory_space<vmem>>
      %dma_start3A_708 = arith.constant 512 : i32
      %dma_start3A_709 = tpu.memref_slice %arg8[%dma_start3A_708] : memref<2048xi32, #tpu.memory_space<vmem>> -> memref<128xi32, #tpu.memory_space<vmem>>
      %dma_start3A_710 = arith.constant 0 : i32
      %dma_start3A_711 = arith.constant 0 : i32
      %dma_start3A_712 = tpu.memref_slice %arg11[%dma_start3A_710, %dma_start3A_711] : memref<100352x8xf32, #tpu.memory_space<vmem_shared>> -> memref<100352x8xf32, #tpu.memory_space<vmem_shared>>
      tpu.enqueue_indirect_dma source(%dma_start3A_707 : memref<128x8xf32, #tpu.memory_space<vmem>>) target(%dma_start3A_712 : memref<100352x8xf32, #tpu.memory_space<vmem_shared>>) offsets(%dma_start3A_709 : memref<128xi32, #tpu.memory_space<vmem>>) semaphore(%arg13 : memref<!tpu.dma_semaphore, #tpu.memory_space<semaphore_mem>>) {add = true}
      %dma_start3A_713 = arith.constant 640 : i32
      %dma_start3A_714 = arith.constant 0 : i32
      %dma_start3A_715 = tpu.memref_slice %arg9[%dma_start3A_713, %dma_start3A_714] : memref<2048x8xf32, #tpu.memory_space<vmem>> -> memref<128x8xf32, #tpu.memory_space<vmem>>
      %dma_start3A_716 = arith.constant 640 : i32
      %dma_start3A_717 = tpu.memref_slice %arg8[%dma_start3A_716] : memref<2048xi32, #tpu.memory_space<vmem>> -> memref<128xi32, #tpu.memory_space<vmem>>
      %dma_start3A_718 = arith.constant 0 : i32
      %dma_start3A_719 = arith.constant 0 : i32
      %dma_start3A_720 = tpu.memref_slice %arg11[%dma_start3A_718, %dma_start3A_719] : memref<100352x8xf32, #tpu.memory_space<vmem_shared>> -> memref<100352x8xf32, #tpu.memory_space<vmem_shared>>
      tpu.enqueue_indirect_dma source(%dma_start3A_715 : memref<128x8xf32, #tpu.memory_space<vmem>>) target(%dma_start3A_720 : memref<100352x8xf32, #tpu.memory_space<vmem_shared>>) offsets(%dma_start3A_717 : memref<128xi32, #tpu.memory_space<vmem>>) semaphore(%arg13 : memref<!tpu.dma_semaphore, #tpu.memory_space<semaphore_mem>>) {add = true}
      %dma_start3A_721 = arith.constant 768 : i32
      %dma_start3A_722 = arith.constant 0 : i32
      %dma_start3A_723 = tpu.memref_slice %arg9[%dma_start3A_721, %dma_start3A_722] : memref<2048x8xf32, #tpu.memory_space<vmem>> -> memref<128x8xf32, #tpu.memory_space<vmem>>
      %dma_start3A_724 = arith.constant 768 : i32
      %dma_start3A_725 = tpu.memref_slice %arg8[%dma_start3A_724] : memref<2048xi32, #tpu.memory_space<vmem>> -> memref<128xi32, #tpu.memory_space<vmem>>
      %dma_start3A_726 = arith.constant 0 : i32
      %dma_start3A_727 = arith.constant 0 : i32
      %dma_start3A_728 = tpu.memref_slice %arg11[%dma_start3A_726, %dma_start3A_727] : memref<100352x8xf32, #tpu.memory_space<vmem_shared>> -> memref<100352x8xf32, #tpu.memory_space<vmem_shared>>
      tpu.enqueue_indirect_dma source(%dma_start3A_723 : memref<128x8xf32, #tpu.memory_space<vmem>>) target(%dma_start3A_728 : memref<100352x8xf32, #tpu.memory_space<vmem_shared>>) offsets(%dma_start3A_725 : memref<128xi32, #tpu.memory_space<vmem>>) semaphore(%arg13 : memref<!tpu.dma_semaphore, #tpu.memory_space<semaphore_mem>>) {add = true}
      %dma_start3A_729 = arith.constant 896 : i32
      %dma_start3A_730 = arith.constant 0 : i32
      %dma_start3A_731 = tpu.memref_slice %arg9[%dma_start3A_729, %dma_start3A_730] : memref<2048x8xf32, #tpu.memory_space<vmem>> -> memref<128x8xf32, #tpu.memory_space<vmem>>
      %dma_start3A_732 = arith.constant 896 : i32
      %dma_start3A_733 = tpu.memref_slice %arg8[%dma_start3A_732] : memref<2048xi32, #tpu.memory_space<vmem>> -> memref<128xi32, #tpu.memory_space<vmem>>
      %dma_start3A_734 = arith.constant 0 : i32
      %dma_start3A_735 = arith.constant 0 : i32
      %dma_start3A_736 = tpu.memref_slice %arg11[%dma_start3A_734, %dma_start3A_735] : memref<100352x8xf32, #tpu.memory_space<vmem_shared>> -> memref<100352x8xf32, #tpu.memory_space<vmem_shared>>
      tpu.enqueue_indirect_dma source(%dma_start3A_731 : memref<128x8xf32, #tpu.memory_space<vmem>>) target(%dma_start3A_736 : memref<100352x8xf32, #tpu.memory_space<vmem_shared>>) offsets(%dma_start3A_733 : memref<128xi32, #tpu.memory_space<vmem>>) semaphore(%arg13 : memref<!tpu.dma_semaphore, #tpu.memory_space<semaphore_mem>>) {add = true}
      %dma_start3A_737 = arith.constant 1024 : i32
      %dma_start3A_738 = arith.constant 0 : i32
      %dma_start3A_739 = tpu.memref_slice %arg9[%dma_start3A_737, %dma_start3A_738] : memref<2048x8xf32, #tpu.memory_space<vmem>> -> memref<128x8xf32, #tpu.memory_space<vmem>>
      %dma_start3A_740 = arith.constant 1024 : i32
      %dma_start3A_741 = tpu.memref_slice %arg8[%dma_start3A_740] : memref<2048xi32, #tpu.memory_space<vmem>> -> memref<128xi32, #tpu.memory_space<vmem>>
      %dma_start3A_742 = arith.constant 0 : i32
      %dma_start3A_743 = arith.constant 0 : i32
      %dma_start3A_744 = tpu.memref_slice %arg11[%dma_start3A_742, %dma_start3A_743] : memref<100352x8xf32, #tpu.memory_space<vmem_shared>> -> memref<100352x8xf32, #tpu.memory_space<vmem_shared>>
      tpu.enqueue_indirect_dma source(%dma_start3A_739 : memref<128x8xf32, #tpu.memory_space<vmem>>) target(%dma_start3A_744 : memref<100352x8xf32, #tpu.memory_space<vmem_shared>>) offsets(%dma_start3A_741 : memref<128xi32, #tpu.memory_space<vmem>>) semaphore(%arg13 : memref<!tpu.dma_semaphore, #tpu.memory_space<semaphore_mem>>) {add = true}
      %dma_start3A_745 = arith.constant 1152 : i32
      %dma_start3A_746 = arith.constant 0 : i32
      %dma_start3A_747 = tpu.memref_slice %arg9[%dma_start3A_745, %dma_start3A_746] : memref<2048x8xf32, #tpu.memory_space<vmem>> -> memref<128x8xf32, #tpu.memory_space<vmem>>
      %dma_start3A_748 = arith.constant 1152 : i32
      %dma_start3A_749 = tpu.memref_slice %arg8[%dma_start3A_748] : memref<2048xi32, #tpu.memory_space<vmem>> -> memref<128xi32, #tpu.memory_space<vmem>>
      %dma_start3A_750 = arith.constant 0 : i32
      %dma_start3A_751 = arith.constant 0 : i32
      %dma_start3A_752 = tpu.memref_slice %arg11[%dma_start3A_750, %dma_start3A_751] : memref<100352x8xf32, #tpu.memory_space<vmem_shared>> -> memref<100352x8xf32, #tpu.memory_space<vmem_shared>>
      tpu.enqueue_indirect_dma source(%dma_start3A_747 : memref<128x8xf32, #tpu.memory_space<vmem>>) target(%dma_start3A_752 : memref<100352x8xf32, #tpu.memory_space<vmem_shared>>) offsets(%dma_start3A_749 : memref<128xi32, #tpu.memory_space<vmem>>) semaphore(%arg13 : memref<!tpu.dma_semaphore, #tpu.memory_space<semaphore_mem>>) {add = true}
      %dma_start3A_753 = arith.constant 1280 : i32
      %dma_start3A_754 = arith.constant 0 : i32
      %dma_start3A_755 = tpu.memref_slice %arg9[%dma_start3A_753, %dma_start3A_754] : memref<2048x8xf32, #tpu.memory_space<vmem>> -> memref<128x8xf32, #tpu.memory_space<vmem>>
      %dma_start3A_756 = arith.constant 1280 : i32
      %dma_start3A_757 = tpu.memref_slice %arg8[%dma_start3A_756] : memref<2048xi32, #tpu.memory_space<vmem>> -> memref<128xi32, #tpu.memory_space<vmem>>
      %dma_start3A_758 = arith.constant 0 : i32
      %dma_start3A_759 = arith.constant 0 : i32
      %dma_start3A_760 = tpu.memref_slice %arg11[%dma_start3A_758, %dma_start3A_759] : memref<100352x8xf32, #tpu.memory_space<vmem_shared>> -> memref<100352x8xf32, #tpu.memory_space<vmem_shared>>
      tpu.enqueue_indirect_dma source(%dma_start3A_755 : memref<128x8xf32, #tpu.memory_space<vmem>>) target(%dma_start3A_760 : memref<100352x8xf32, #tpu.memory_space<vmem_shared>>) offsets(%dma_start3A_757 : memref<128xi32, #tpu.memory_space<vmem>>) semaphore(%arg13 : memref<!tpu.dma_semaphore, #tpu.memory_space<semaphore_mem>>) {add = true}
      %dma_start3A_761 = arith.constant 1408 : i32
      %dma_start3A_762 = arith.constant 0 : i32
      %dma_start3A_763 = tpu.memref_slice %arg9[%dma_start3A_761, %dma_start3A_762] : memref<2048x8xf32, #tpu.memory_space<vmem>> -> memref<128x8xf32, #tpu.memory_space<vmem>>
      %dma_start3A_764 = arith.constant 1408 : i32
      %dma_start3A_765 = tpu.memref_slice %arg8[%dma_start3A_764] : memref<2048xi32, #tpu.memory_space<vmem>> -> memref<128xi32, #tpu.memory_space<vmem>>
      %dma_start3A_766 = arith.constant 0 : i32
      %dma_start3A_767 = arith.constant 0 : i32
      %dma_start3A_768 = tpu.memref_slice %arg11[%dma_start3A_766, %dma_start3A_767] : memref<100352x8xf32, #tpu.memory_space<vmem_shared>> -> memref<100352x8xf32, #tpu.memory_space<vmem_shared>>
      tpu.enqueue_indirect_dma source(%dma_start3A_763 : memref<128x8xf32, #tpu.memory_space<vmem>>) target(%dma_start3A_768 : memref<100352x8xf32, #tpu.memory_space<vmem_shared>>) offsets(%dma_start3A_765 : memref<128xi32, #tpu.memory_space<vmem>>) semaphore(%arg13 : memref<!tpu.dma_semaphore, #tpu.memory_space<semaphore_mem>>) {add = true}
      %dma_start3A_769 = arith.constant 1536 : i32
      %dma_start3A_770 = arith.constant 0 : i32
      %dma_start3A_771 = tpu.memref_slice %arg9[%dma_start3A_769, %dma_start3A_770] : memref<2048x8xf32, #tpu.memory_space<vmem>> -> memref<128x8xf32, #tpu.memory_space<vmem>>
      %dma_start3A_772 = arith.constant 1536 : i32
      %dma_start3A_773 = tpu.memref_slice %arg8[%dma_start3A_772] : memref<2048xi32, #tpu.memory_space<vmem>> -> memref<128xi32, #tpu.memory_space<vmem>>
      %dma_start3A_774 = arith.constant 0 : i32
      %dma_start3A_775 = arith.constant 0 : i32
      %dma_start3A_776 = tpu.memref_slice %arg11[%dma_start3A_774, %dma_start3A_775] : memref<100352x8xf32, #tpu.memory_space<vmem_shared>> -> memref<100352x8xf32, #tpu.memory_space<vmem_shared>>
      tpu.enqueue_indirect_dma source(%dma_start3A_771 : memref<128x8xf32, #tpu.memory_space<vmem>>) target(%dma_start3A_776 : memref<100352x8xf32, #tpu.memory_space<vmem_shared>>) offsets(%dma_start3A_773 : memref<128xi32, #tpu.memory_space<vmem>>) semaphore(%arg13 : memref<!tpu.dma_semaphore, #tpu.memory_space<semaphore_mem>>) {add = true}
      %dma_start3A_777 = arith.constant 1664 : i32
      %dma_start3A_778 = arith.constant 0 : i32
      %dma_start3A_779 = tpu.memref_slice %arg9[%dma_start3A_777, %dma_start3A_778] : memref<2048x8xf32, #tpu.memory_space<vmem>> -> memref<128x8xf32, #tpu.memory_space<vmem>>
      %dma_start3A_780 = arith.constant 1664 : i32
      %dma_start3A_781 = tpu.memref_slice %arg8[%dma_start3A_780] : memref<2048xi32, #tpu.memory_space<vmem>> -> memref<128xi32, #tpu.memory_space<vmem>>
      %dma_start3A_782 = arith.constant 0 : i32
      %dma_start3A_783 = arith.constant 0 : i32
      %dma_start3A_784 = tpu.memref_slice %arg11[%dma_start3A_782, %dma_start3A_783] : memref<100352x8xf32, #tpu.memory_space<vmem_shared>> -> memref<100352x8xf32, #tpu.memory_space<vmem_shared>>
      tpu.enqueue_indirect_dma source(%dma_start3A_779 : memref<128x8xf32, #tpu.memory_space<vmem>>) target(%dma_start3A_784 : memref<100352x8xf32, #tpu.memory_space<vmem_shared>>) offsets(%dma_start3A_781 : memref<128xi32, #tpu.memory_space<vmem>>) semaphore(%arg13 : memref<!tpu.dma_semaphore, #tpu.memory_space<semaphore_mem>>) {add = true}
      %dma_start3A_785 = arith.constant 1792 : i32
      %dma_start3A_786 = arith.constant 0 : i32
      %dma_start3A_787 = tpu.memref_slice %arg9[%dma_start3A_785, %dma_start3A_786] : memref<2048x8xf32, #tpu.memory_space<vmem>> -> memref<128x8xf32, #tpu.memory_space<vmem>>
      %dma_start3A_788 = arith.constant 1792 : i32
      %dma_start3A_789 = tpu.memref_slice %arg8[%dma_start3A_788] : memref<2048xi32, #tpu.memory_space<vmem>> -> memref<128xi32, #tpu.memory_space<vmem>>
      %dma_start3A_790 = arith.constant 0 : i32
      %dma_start3A_791 = arith.constant 0 : i32
      %dma_start3A_792 = tpu.memref_slice %arg11[%dma_start3A_790, %dma_start3A_791] : memref<100352x8xf32, #tpu.memory_space<vmem_shared>> -> memref<100352x8xf32, #tpu.memory_space<vmem_shared>>
      tpu.enqueue_indirect_dma source(%dma_start3A_787 : memref<128x8xf32, #tpu.memory_space<vmem>>) target(%dma_start3A_792 : memref<100352x8xf32, #tpu.memory_space<vmem_shared>>) offsets(%dma_start3A_789 : memref<128xi32, #tpu.memory_space<vmem>>) semaphore(%arg13 : memref<!tpu.dma_semaphore, #tpu.memory_space<semaphore_mem>>) {add = true}
      %dma_start3A_793 = arith.constant 1920 : i32
      %dma_start3A_794 = arith.constant 0 : i32
      %dma_start3A_795 = tpu.memref_slice %arg9[%dma_start3A_793, %dma_start3A_794] : memref<2048x8xf32, #tpu.memory_space<vmem>> -> memref<128x8xf32, #tpu.memory_space<vmem>>
      %dma_start3A_796 = arith.constant 1920 : i32
      %dma_start3A_797 = tpu.memref_slice %arg8[%dma_start3A_796] : memref<2048xi32, #tpu.memory_space<vmem>> -> memref<128xi32, #tpu.memory_space<vmem>>
      %dma_start3A_798 = arith.constant 0 : i32
      %dma_start3A_799 = arith.constant 0 : i32
      %dma_start3A_800 = tpu.memref_slice %arg11[%dma_start3A_798, %dma_start3A_799] : memref<100352x8xf32, #tpu.memory_space<vmem_shared>> -> memref<100352x8xf32, #tpu.memory_space<vmem_shared>>
      tpu.enqueue_indirect_dma source(%dma_start3A_795 : memref<128x8xf32, #tpu.memory_space<vmem>>) target(%dma_start3A_800 : memref<100352x8xf32, #tpu.memory_space<vmem_shared>>) offsets(%dma_start3A_797 : memref<128xi32, #tpu.memory_space<vmem>>) semaphore(%arg13 : memref<!tpu.dma_semaphore, #tpu.memory_space<semaphore_mem>>) {add = true}
      %dma_wait3A_801 = arith.constant 0 : i32
      %dma_wait3A_802 = arith.constant 0 : i32
      %dma_wait3A_803 = tpu.memref_slice %arg9[%dma_wait3A_801, %dma_wait3A_802] : memref<2048x8xf32, #tpu.memory_space<vmem>> -> memref<128x8xf32, #tpu.memory_space<vmem>>
      %dma_wait3A_804 = arith.constant 0 : i32
      %dma_wait3A_805 = tpu.memref_slice %arg8[%dma_wait3A_804] : memref<2048xi32, #tpu.memory_space<vmem>> -> memref<128xi32, #tpu.memory_space<vmem>>
      %dma_wait3A_806 = arith.constant 0 : i32
      %dma_wait3A_807 = arith.constant 0 : i32
      %dma_wait3A_808 = tpu.memref_slice %arg11[%dma_wait3A_806, %dma_wait3A_807] : memref<100352x8xf32, #tpu.memory_space<vmem_shared>> -> memref<100352x8xf32, #tpu.memory_space<vmem_shared>>
      tpu.wait_indirect_dma semaphore(%arg13 : memref<!tpu.dma_semaphore, #tpu.memory_space<semaphore_mem>>) src(%dma_wait3A_803 : memref<128x8xf32, #tpu.memory_space<vmem>>) dst(%dma_wait3A_808 : memref<100352x8xf32, #tpu.memory_space<vmem_shared>>)
      %dma_wait3A_809 = arith.constant 128 : i32
      %dma_wait3A_810 = arith.constant 0 : i32
      %dma_wait3A_811 = tpu.memref_slice %arg9[%dma_wait3A_809, %dma_wait3A_810] : memref<2048x8xf32, #tpu.memory_space<vmem>> -> memref<128x8xf32, #tpu.memory_space<vmem>>
      %dma_wait3A_812 = arith.constant 128 : i32
      %dma_wait3A_813 = tpu.memref_slice %arg8[%dma_wait3A_812] : memref<2048xi32, #tpu.memory_space<vmem>> -> memref<128xi32, #tpu.memory_space<vmem>>
      %dma_wait3A_814 = arith.constant 0 : i32
      %dma_wait3A_815 = arith.constant 0 : i32
      %dma_wait3A_816 = tpu.memref_slice %arg11[%dma_wait3A_814, %dma_wait3A_815] : memref<100352x8xf32, #tpu.memory_space<vmem_shared>> -> memref<100352x8xf32, #tpu.memory_space<vmem_shared>>
      tpu.wait_indirect_dma semaphore(%arg13 : memref<!tpu.dma_semaphore, #tpu.memory_space<semaphore_mem>>) src(%dma_wait3A_811 : memref<128x8xf32, #tpu.memory_space<vmem>>) dst(%dma_wait3A_816 : memref<100352x8xf32, #tpu.memory_space<vmem_shared>>)
      %dma_wait3A_817 = arith.constant 256 : i32
      %dma_wait3A_818 = arith.constant 0 : i32
      %dma_wait3A_819 = tpu.memref_slice %arg9[%dma_wait3A_817, %dma_wait3A_818] : memref<2048x8xf32, #tpu.memory_space<vmem>> -> memref<128x8xf32, #tpu.memory_space<vmem>>
      %dma_wait3A_820 = arith.constant 256 : i32
      %dma_wait3A_821 = tpu.memref_slice %arg8[%dma_wait3A_820] : memref<2048xi32, #tpu.memory_space<vmem>> -> memref<128xi32, #tpu.memory_space<vmem>>
      %dma_wait3A_822 = arith.constant 0 : i32
      %dma_wait3A_823 = arith.constant 0 : i32
      %dma_wait3A_824 = tpu.memref_slice %arg11[%dma_wait3A_822, %dma_wait3A_823] : memref<100352x8xf32, #tpu.memory_space<vmem_shared>> -> memref<100352x8xf32, #tpu.memory_space<vmem_shared>>
      tpu.wait_indirect_dma semaphore(%arg13 : memref<!tpu.dma_semaphore, #tpu.memory_space<semaphore_mem>>) src(%dma_wait3A_819 : memref<128x8xf32, #tpu.memory_space<vmem>>) dst(%dma_wait3A_824 : memref<100352x8xf32, #tpu.memory_space<vmem_shared>>)
      %dma_wait3A_825 = arith.constant 384 : i32
      %dma_wait3A_826 = arith.constant 0 : i32
      %dma_wait3A_827 = tpu.memref_slice %arg9[%dma_wait3A_825, %dma_wait3A_826] : memref<2048x8xf32, #tpu.memory_space<vmem>> -> memref<128x8xf32, #tpu.memory_space<vmem>>
      %dma_wait3A_828 = arith.constant 384 : i32
      %dma_wait3A_829 = tpu.memref_slice %arg8[%dma_wait3A_828] : memref<2048xi32, #tpu.memory_space<vmem>> -> memref<128xi32, #tpu.memory_space<vmem>>
      %dma_wait3A_830 = arith.constant 0 : i32
      %dma_wait3A_831 = arith.constant 0 : i32
      %dma_wait3A_832 = tpu.memref_slice %arg11[%dma_wait3A_830, %dma_wait3A_831] : memref<100352x8xf32, #tpu.memory_space<vmem_shared>> -> memref<100352x8xf32, #tpu.memory_space<vmem_shared>>
      tpu.wait_indirect_dma semaphore(%arg13 : memref<!tpu.dma_semaphore, #tpu.memory_space<semaphore_mem>>) src(%dma_wait3A_827 : memref<128x8xf32, #tpu.memory_space<vmem>>) dst(%dma_wait3A_832 : memref<100352x8xf32, #tpu.memory_space<vmem_shared>>)
      %dma_wait3A_833 = arith.constant 512 : i32
      %dma_wait3A_834 = arith.constant 0 : i32
      %dma_wait3A_835 = tpu.memref_slice %arg9[%dma_wait3A_833, %dma_wait3A_834] : memref<2048x8xf32, #tpu.memory_space<vmem>> -> memref<128x8xf32, #tpu.memory_space<vmem>>
      %dma_wait3A_836 = arith.constant 512 : i32
      %dma_wait3A_837 = tpu.memref_slice %arg8[%dma_wait3A_836] : memref<2048xi32, #tpu.memory_space<vmem>> -> memref<128xi32, #tpu.memory_space<vmem>>
      %dma_wait3A_838 = arith.constant 0 : i32
      %dma_wait3A_839 = arith.constant 0 : i32
      %dma_wait3A_840 = tpu.memref_slice %arg11[%dma_wait3A_838, %dma_wait3A_839] : memref<100352x8xf32, #tpu.memory_space<vmem_shared>> -> memref<100352x8xf32, #tpu.memory_space<vmem_shared>>
      tpu.wait_indirect_dma semaphore(%arg13 : memref<!tpu.dma_semaphore, #tpu.memory_space<semaphore_mem>>) src(%dma_wait3A_835 : memref<128x8xf32, #tpu.memory_space<vmem>>) dst(%dma_wait3A_840 : memref<100352x8xf32, #tpu.memory_space<vmem_shared>>)
      %dma_wait3A_841 = arith.constant 640 : i32
      %dma_wait3A_842 = arith.constant 0 : i32
      %dma_wait3A_843 = tpu.memref_slice %arg9[%dma_wait3A_841, %dma_wait3A_842] : memref<2048x8xf32, #tpu.memory_space<vmem>> -> memref<128x8xf32, #tpu.memory_space<vmem>>
      %dma_wait3A_844 = arith.constant 640 : i32
      %dma_wait3A_845 = tpu.memref_slice %arg8[%dma_wait3A_844] : memref<2048xi32, #tpu.memory_space<vmem>> -> memref<128xi32, #tpu.memory_space<vmem>>
      %dma_wait3A_846 = arith.constant 0 : i32
      %dma_wait3A_847 = arith.constant 0 : i32
      %dma_wait3A_848 = tpu.memref_slice %arg11[%dma_wait3A_846, %dma_wait3A_847] : memref<100352x8xf32, #tpu.memory_space<vmem_shared>> -> memref<100352x8xf32, #tpu.memory_space<vmem_shared>>
      tpu.wait_indirect_dma semaphore(%arg13 : memref<!tpu.dma_semaphore, #tpu.memory_space<semaphore_mem>>) src(%dma_wait3A_843 : memref<128x8xf32, #tpu.memory_space<vmem>>) dst(%dma_wait3A_848 : memref<100352x8xf32, #tpu.memory_space<vmem_shared>>)
      %dma_wait3A_849 = arith.constant 768 : i32
      %dma_wait3A_850 = arith.constant 0 : i32
      %dma_wait3A_851 = tpu.memref_slice %arg9[%dma_wait3A_849, %dma_wait3A_850] : memref<2048x8xf32, #tpu.memory_space<vmem>> -> memref<128x8xf32, #tpu.memory_space<vmem>>
      %dma_wait3A_852 = arith.constant 768 : i32
      %dma_wait3A_853 = tpu.memref_slice %arg8[%dma_wait3A_852] : memref<2048xi32, #tpu.memory_space<vmem>> -> memref<128xi32, #tpu.memory_space<vmem>>
      %dma_wait3A_854 = arith.constant 0 : i32
      %dma_wait3A_855 = arith.constant 0 : i32
      %dma_wait3A_856 = tpu.memref_slice %arg11[%dma_wait3A_854, %dma_wait3A_855] : memref<100352x8xf32, #tpu.memory_space<vmem_shared>> -> memref<100352x8xf32, #tpu.memory_space<vmem_shared>>
      tpu.wait_indirect_dma semaphore(%arg13 : memref<!tpu.dma_semaphore, #tpu.memory_space<semaphore_mem>>) src(%dma_wait3A_851 : memref<128x8xf32, #tpu.memory_space<vmem>>) dst(%dma_wait3A_856 : memref<100352x8xf32, #tpu.memory_space<vmem_shared>>)
      %dma_wait3A_857 = arith.constant 896 : i32
      %dma_wait3A_858 = arith.constant 0 : i32
      %dma_wait3A_859 = tpu.memref_slice %arg9[%dma_wait3A_857, %dma_wait3A_858] : memref<2048x8xf32, #tpu.memory_space<vmem>> -> memref<128x8xf32, #tpu.memory_space<vmem>>
      %dma_wait3A_860 = arith.constant 896 : i32
      %dma_wait3A_861 = tpu.memref_slice %arg8[%dma_wait3A_860] : memref<2048xi32, #tpu.memory_space<vmem>> -> memref<128xi32, #tpu.memory_space<vmem>>
      %dma_wait3A_862 = arith.constant 0 : i32
      %dma_wait3A_863 = arith.constant 0 : i32
      %dma_wait3A_864 = tpu.memref_slice %arg11[%dma_wait3A_862, %dma_wait3A_863] : memref<100352x8xf32, #tpu.memory_space<vmem_shared>> -> memref<100352x8xf32, #tpu.memory_space<vmem_shared>>
      tpu.wait_indirect_dma semaphore(%arg13 : memref<!tpu.dma_semaphore, #tpu.memory_space<semaphore_mem>>) src(%dma_wait3A_859 : memref<128x8xf32, #tpu.memory_space<vmem>>) dst(%dma_wait3A_864 : memref<100352x8xf32, #tpu.memory_space<vmem_shared>>)
      %dma_wait3A_865 = arith.constant 1024 : i32
      %dma_wait3A_866 = arith.constant 0 : i32
      %dma_wait3A_867 = tpu.memref_slice %arg9[%dma_wait3A_865, %dma_wait3A_866] : memref<2048x8xf32, #tpu.memory_space<vmem>> -> memref<128x8xf32, #tpu.memory_space<vmem>>
      %dma_wait3A_868 = arith.constant 1024 : i32
      %dma_wait3A_869 = tpu.memref_slice %arg8[%dma_wait3A_868] : memref<2048xi32, #tpu.memory_space<vmem>> -> memref<128xi32, #tpu.memory_space<vmem>>
      %dma_wait3A_870 = arith.constant 0 : i32
      %dma_wait3A_871 = arith.constant 0 : i32
      %dma_wait3A_872 = tpu.memref_slice %arg11[%dma_wait3A_870, %dma_wait3A_871] : memref<100352x8xf32, #tpu.memory_space<vmem_shared>> -> memref<100352x8xf32, #tpu.memory_space<vmem_shared>>
      tpu.wait_indirect_dma semaphore(%arg13 : memref<!tpu.dma_semaphore, #tpu.memory_space<semaphore_mem>>) src(%dma_wait3A_867 : memref<128x8xf32, #tpu.memory_space<vmem>>) dst(%dma_wait3A_872 : memref<100352x8xf32, #tpu.memory_space<vmem_shared>>)
      %dma_wait3A_873 = arith.constant 1152 : i32
      %dma_wait3A_874 = arith.constant 0 : i32
      %dma_wait3A_875 = tpu.memref_slice %arg9[%dma_wait3A_873, %dma_wait3A_874] : memref<2048x8xf32, #tpu.memory_space<vmem>> -> memref<128x8xf32, #tpu.memory_space<vmem>>
      %dma_wait3A_876 = arith.constant 1152 : i32
      %dma_wait3A_877 = tpu.memref_slice %arg8[%dma_wait3A_876] : memref<2048xi32, #tpu.memory_space<vmem>> -> memref<128xi32, #tpu.memory_space<vmem>>
      %dma_wait3A_878 = arith.constant 0 : i32
      %dma_wait3A_879 = arith.constant 0 : i32
      %dma_wait3A_880 = tpu.memref_slice %arg11[%dma_wait3A_878, %dma_wait3A_879] : memref<100352x8xf32, #tpu.memory_space<vmem_shared>> -> memref<100352x8xf32, #tpu.memory_space<vmem_shared>>
      tpu.wait_indirect_dma semaphore(%arg13 : memref<!tpu.dma_semaphore, #tpu.memory_space<semaphore_mem>>) src(%dma_wait3A_875 : memref<128x8xf32, #tpu.memory_space<vmem>>) dst(%dma_wait3A_880 : memref<100352x8xf32, #tpu.memory_space<vmem_shared>>)
      %dma_wait3A_881 = arith.constant 1280 : i32
      %dma_wait3A_882 = arith.constant 0 : i32
      %dma_wait3A_883 = tpu.memref_slice %arg9[%dma_wait3A_881, %dma_wait3A_882] : memref<2048x8xf32, #tpu.memory_space<vmem>> -> memref<128x8xf32, #tpu.memory_space<vmem>>
      %dma_wait3A_884 = arith.constant 1280 : i32
      %dma_wait3A_885 = tpu.memref_slice %arg8[%dma_wait3A_884] : memref<2048xi32, #tpu.memory_space<vmem>> -> memref<128xi32, #tpu.memory_space<vmem>>
      %dma_wait3A_886 = arith.constant 0 : i32
      %dma_wait3A_887 = arith.constant 0 : i32
      %dma_wait3A_888 = tpu.memref_slice %arg11[%dma_wait3A_886, %dma_wait3A_887] : memref<100352x8xf32, #tpu.memory_space<vmem_shared>> -> memref<100352x8xf32, #tpu.memory_space<vmem_shared>>
      tpu.wait_indirect_dma semaphore(%arg13 : memref<!tpu.dma_semaphore, #tpu.memory_space<semaphore_mem>>) src(%dma_wait3A_883 : memref<128x8xf32, #tpu.memory_space<vmem>>) dst(%dma_wait3A_888 : memref<100352x8xf32, #tpu.memory_space<vmem_shared>>)
      %dma_wait3A_889 = arith.constant 1408 : i32
      %dma_wait3A_890 = arith.constant 0 : i32
      %dma_wait3A_891 = tpu.memref_slice %arg9[%dma_wait3A_889, %dma_wait3A_890] : memref<2048x8xf32, #tpu.memory_space<vmem>> -> memref<128x8xf32, #tpu.memory_space<vmem>>
      %dma_wait3A_892 = arith.constant 1408 : i32
      %dma_wait3A_893 = tpu.memref_slice %arg8[%dma_wait3A_892] : memref<2048xi32, #tpu.memory_space<vmem>> -> memref<128xi32, #tpu.memory_space<vmem>>
      %dma_wait3A_894 = arith.constant 0 : i32
      %dma_wait3A_895 = arith.constant 0 : i32
      %dma_wait3A_896 = tpu.memref_slice %arg11[%dma_wait3A_894, %dma_wait3A_895] : memref<100352x8xf32, #tpu.memory_space<vmem_shared>> -> memref<100352x8xf32, #tpu.memory_space<vmem_shared>>
      tpu.wait_indirect_dma semaphore(%arg13 : memref<!tpu.dma_semaphore, #tpu.memory_space<semaphore_mem>>) src(%dma_wait3A_891 : memref<128x8xf32, #tpu.memory_space<vmem>>) dst(%dma_wait3A_896 : memref<100352x8xf32, #tpu.memory_space<vmem_shared>>)
      %dma_wait3A_897 = arith.constant 1536 : i32
      %dma_wait3A_898 = arith.constant 0 : i32
      %dma_wait3A_899 = tpu.memref_slice %arg9[%dma_wait3A_897, %dma_wait3A_898] : memref<2048x8xf32, #tpu.memory_space<vmem>> -> memref<128x8xf32, #tpu.memory_space<vmem>>
      %dma_wait3A_900 = arith.constant 1536 : i32
      %dma_wait3A_901 = tpu.memref_slice %arg8[%dma_wait3A_900] : memref<2048xi32, #tpu.memory_space<vmem>> -> memref<128xi32, #tpu.memory_space<vmem>>
      %dma_wait3A_902 = arith.constant 0 : i32
      %dma_wait3A_903 = arith.constant 0 : i32
      %dma_wait3A_904 = tpu.memref_slice %arg11[%dma_wait3A_902, %dma_wait3A_903] : memref<100352x8xf32, #tpu.memory_space<vmem_shared>> -> memref<100352x8xf32, #tpu.memory_space<vmem_shared>>
      tpu.wait_indirect_dma semaphore(%arg13 : memref<!tpu.dma_semaphore, #tpu.memory_space<semaphore_mem>>) src(%dma_wait3A_899 : memref<128x8xf32, #tpu.memory_space<vmem>>) dst(%dma_wait3A_904 : memref<100352x8xf32, #tpu.memory_space<vmem_shared>>)
      %dma_wait3A_905 = arith.constant 1664 : i32
      %dma_wait3A_906 = arith.constant 0 : i32
      %dma_wait3A_907 = tpu.memref_slice %arg9[%dma_wait3A_905, %dma_wait3A_906] : memref<2048x8xf32, #tpu.memory_space<vmem>> -> memref<128x8xf32, #tpu.memory_space<vmem>>
      %dma_wait3A_908 = arith.constant 1664 : i32
      %dma_wait3A_909 = tpu.memref_slice %arg8[%dma_wait3A_908] : memref<2048xi32, #tpu.memory_space<vmem>> -> memref<128xi32, #tpu.memory_space<vmem>>
      %dma_wait3A_910 = arith.constant 0 : i32
      %dma_wait3A_911 = arith.constant 0 : i32
      %dma_wait3A_912 = tpu.memref_slice %arg11[%dma_wait3A_910, %dma_wait3A_911] : memref<100352x8xf32, #tpu.memory_space<vmem_shared>> -> memref<100352x8xf32, #tpu.memory_space<vmem_shared>>
      tpu.wait_indirect_dma semaphore(%arg13 : memref<!tpu.dma_semaphore, #tpu.memory_space<semaphore_mem>>) src(%dma_wait3A_907 : memref<128x8xf32, #tpu.memory_space<vmem>>) dst(%dma_wait3A_912 : memref<100352x8xf32, #tpu.memory_space<vmem_shared>>)
      %dma_wait3A_913 = arith.constant 1792 : i32
      %dma_wait3A_914 = arith.constant 0 : i32
      %dma_wait3A_915 = tpu.memref_slice %arg9[%dma_wait3A_913, %dma_wait3A_914] : memref<2048x8xf32, #tpu.memory_space<vmem>> -> memref<128x8xf32, #tpu.memory_space<vmem>>
      %dma_wait3A_916 = arith.constant 1792 : i32
      %dma_wait3A_917 = tpu.memref_slice %arg8[%dma_wait3A_916] : memref<2048xi32, #tpu.memory_space<vmem>> -> memref<128xi32, #tpu.memory_space<vmem>>
      %dma_wait3A_918 = arith.constant 0 : i32
      %dma_wait3A_919 = arith.constant 0 : i32
      %dma_wait3A_920 = tpu.memref_slice %arg11[%dma_wait3A_918, %dma_wait3A_919] : memref<100352x8xf32, #tpu.memory_space<vmem_shared>> -> memref<100352x8xf32, #tpu.memory_space<vmem_shared>>
      tpu.wait_indirect_dma semaphore(%arg13 : memref<!tpu.dma_semaphore, #tpu.memory_space<semaphore_mem>>) src(%dma_wait3A_915 : memref<128x8xf32, #tpu.memory_space<vmem>>) dst(%dma_wait3A_920 : memref<100352x8xf32, #tpu.memory_space<vmem_shared>>)
      %dma_wait3A_921 = arith.constant 1920 : i32
      %dma_wait3A_922 = arith.constant 0 : i32
      %dma_wait3A_923 = tpu.memref_slice %arg9[%dma_wait3A_921, %dma_wait3A_922] : memref<2048x8xf32, #tpu.memory_space<vmem>> -> memref<128x8xf32, #tpu.memory_space<vmem>>
      %dma_wait3A_924 = arith.constant 1920 : i32
      %dma_wait3A_925 = tpu.memref_slice %arg8[%dma_wait3A_924] : memref<2048xi32, #tpu.memory_space<vmem>> -> memref<128xi32, #tpu.memory_space<vmem>>
      %dma_wait3A_926 = arith.constant 0 : i32
      %dma_wait3A_927 = arith.constant 0 : i32
      %dma_wait3A_928 = tpu.memref_slice %arg11[%dma_wait3A_926, %dma_wait3A_927] : memref<100352x8xf32, #tpu.memory_space<vmem_shared>> -> memref<100352x8xf32, #tpu.memory_space<vmem_shared>>
      tpu.wait_indirect_dma semaphore(%arg13 : memref<!tpu.dma_semaphore, #tpu.memory_space<semaphore_mem>>) src(%dma_wait3A_923 : memref<128x8xf32, #tpu.memory_space<vmem>>) dst(%dma_wait3A_928 : memref<100352x8xf32, #tpu.memory_space<vmem_shared>>)
      %scan3A_929 = arith.constant 0 : i32
      scf.yield %scan3A_929 : i32
    }
    %scan3A_10 = arith.constant 97 : i32
    %add3A_11 = arith.constant 198656 : i32
    %add3A_12 = arith.addi %mul3A_4, %add3A_11 : i32
    %dma_start3A = arith.constant 0 : i32
    %dma_start3A_13 = tpu.memref_slice %arg7[%dma_start3A] : memref<2048xi32, #tpu.memory_space<vmem>> -> memref<1344xi32, #tpu.memory_space<vmem>>
    %dma_start3A_14 = tpu.memref_slice %arg2[%add3A_12] : memref<6400000xi32, #tpu.memory_space<hbm>> -> memref<1344xi32, #tpu.memory_space<hbm>>
    %dma_start3A_15 = arith.constant 0 : i32
    %dma_start3A_16 = tpu.memref_slice %arg7[%dma_start3A_15] : memref<2048xi32, #tpu.memory_space<vmem>> -> memref<1344xi32, #tpu.memory_space<vmem>>
    %dma_start3A_17 = tpu.memref_slice %arg2[%add3A_12] : memref<6400000xi32, #tpu.memory_space<hbm>> -> memref<1344xi32, #tpu.memory_space<hbm>>
    tpu.enqueue_dma source(%dma_start3A_17 : memref<1344xi32, #tpu.memory_space<hbm>>) target(%dma_start3A_16 : memref<1344xi32, #tpu.memory_space<vmem>>) target_semaphore(%arg12 : memref<!tpu.dma_semaphore, #tpu.memory_space<semaphore_mem>>)
    %dma_start3A_18 = arith.constant 0 : i32
    %dma_start3A_19 = tpu.memref_slice %arg8[%dma_start3A_18] : memref<2048xi32, #tpu.memory_space<vmem>> -> memref<1344xi32, #tpu.memory_space<vmem>>
    %dma_start3A_20 = tpu.memref_slice %arg3[%add3A_12] : memref<6400000xi32, #tpu.memory_space<hbm>> -> memref<1344xi32, #tpu.memory_space<hbm>>
    %dma_start3A_21 = arith.constant 0 : i32
    %dma_start3A_22 = tpu.memref_slice %arg8[%dma_start3A_21] : memref<2048xi32, #tpu.memory_space<vmem>> -> memref<1344xi32, #tpu.memory_space<vmem>>
    %dma_start3A_23 = tpu.memref_slice %arg3[%add3A_12] : memref<6400000xi32, #tpu.memory_space<hbm>> -> memref<1344xi32, #tpu.memory_space<hbm>>
    tpu.enqueue_dma source(%dma_start3A_23 : memref<1344xi32, #tpu.memory_space<hbm>>) target(%dma_start3A_22 : memref<1344xi32, #tpu.memory_space<vmem>>) target_semaphore(%arg12 : memref<!tpu.dma_semaphore, #tpu.memory_space<semaphore_mem>>)
    %dma_wait3A = arith.constant 0 : i32
    %dma_wait3A_24 = tpu.memref_slice %arg7[%dma_wait3A] : memref<2048xi32, #tpu.memory_space<vmem>> -> memref<1344xi32, #tpu.memory_space<vmem>>
    %dma_wait3A_25 = tpu.memref_slice %arg2[%add3A_12] : memref<6400000xi32, #tpu.memory_space<hbm>> -> memref<1344xi32, #tpu.memory_space<hbm>>
    %dma_wait3A_26 = arith.constant 0 : i32
    %dma_wait3A_27 = tpu.memref_slice %arg7[%dma_wait3A_26] : memref<2048xi32, #tpu.memory_space<vmem>> -> memref<1344xi32, #tpu.memory_space<vmem>>
    %dma_wait3A_28 = tpu.memref_slice %arg2[%add3A_12] : memref<6400000xi32, #tpu.memory_space<hbm>> -> memref<1344xi32, #tpu.memory_space<hbm>>
    tpu.wait_dma2 semaphore(%arg12 : memref<!tpu.dma_semaphore, #tpu.memory_space<semaphore_mem>>) src(%dma_wait3A_28 : memref<1344xi32, #tpu.memory_space<hbm>>) dst(%dma_wait3A_27 : memref<1344xi32, #tpu.memory_space<vmem>>)
    %dma_wait3A_29 = arith.constant 0 : i32
    %dma_wait3A_30 = tpu.memref_slice %arg8[%dma_wait3A_29] : memref<2048xi32, #tpu.memory_space<vmem>> -> memref<1344xi32, #tpu.memory_space<vmem>>
    %dma_wait3A_31 = tpu.memref_slice %arg3[%add3A_12] : memref<6400000xi32, #tpu.memory_space<hbm>> -> memref<1344xi32, #tpu.memory_space<hbm>>
    %dma_wait3A_32 = arith.constant 0 : i32
    %dma_wait3A_33 = tpu.memref_slice %arg8[%dma_wait3A_32] : memref<2048xi32, #tpu.memory_space<vmem>> -> memref<1344xi32, #tpu.memory_space<vmem>>
    %dma_wait3A_34 = tpu.memref_slice %arg3[%add3A_12] : memref<6400000xi32, #tpu.memory_space<hbm>> -> memref<1344xi32, #tpu.memory_space<hbm>>
    tpu.wait_dma2 semaphore(%arg12 : memref<!tpu.dma_semaphore, #tpu.memory_space<semaphore_mem>>) src(%dma_wait3A_34 : memref<1344xi32, #tpu.memory_space<hbm>>) dst(%dma_wait3A_33 : memref<1344xi32, #tpu.memory_space<vmem>>)
    %dma_start3A_35 = arith.constant 0 : i32
    %dma_start3A_36 = arith.constant 0 : i32
    %dma_start3A_37 = tpu.memref_slice %arg9[%dma_start3A_35, %dma_start3A_36] : memref<2048x8xf32, #tpu.memory_space<vmem>> -> memref<128x8xf32, #tpu.memory_space<vmem>>
    %dma_start3A_38 = arith.constant 0 : i32
    %dma_start3A_39 = tpu.memref_slice %arg7[%dma_start3A_38] : memref<2048xi32, #tpu.memory_space<vmem>> -> memref<128xi32, #tpu.memory_space<vmem>>
    %dma_start3A_40 = arith.constant 0 : i32
    %dma_start3A_41 = arith.constant 0 : i32
    %dma_start3A_42 = tpu.memref_slice %arg10[%dma_start3A_40, %dma_start3A_41] : memref<100352x8xf32, #tpu.memory_space<vmem_shared>> -> memref<100352x8xf32, #tpu.memory_space<vmem_shared>>
    tpu.enqueue_indirect_dma source(%dma_start3A_42 : memref<100352x8xf32, #tpu.memory_space<vmem_shared>>) target(%dma_start3A_37 : memref<128x8xf32, #tpu.memory_space<vmem>>) offsets(%dma_start3A_39 : memref<128xi32, #tpu.memory_space<vmem>>) semaphore(%arg12 : memref<!tpu.dma_semaphore, #tpu.memory_space<semaphore_mem>>)
    %dma_start3A_43 = arith.constant 128 : i32
    %dma_start3A_44 = arith.constant 0 : i32
    %dma_start3A_45 = tpu.memref_slice %arg9[%dma_start3A_43, %dma_start3A_44] : memref<2048x8xf32, #tpu.memory_space<vmem>> -> memref<128x8xf32, #tpu.memory_space<vmem>>
    %dma_start3A_46 = arith.constant 128 : i32
    %dma_start3A_47 = tpu.memref_slice %arg7[%dma_start3A_46] : memref<2048xi32, #tpu.memory_space<vmem>> -> memref<128xi32, #tpu.memory_space<vmem>>
    %dma_start3A_48 = arith.constant 0 : i32
    %dma_start3A_49 = arith.constant 0 : i32
    %dma_start3A_50 = tpu.memref_slice %arg10[%dma_start3A_48, %dma_start3A_49] : memref<100352x8xf32, #tpu.memory_space<vmem_shared>> -> memref<100352x8xf32, #tpu.memory_space<vmem_shared>>
    tpu.enqueue_indirect_dma source(%dma_start3A_50 : memref<100352x8xf32, #tpu.memory_space<vmem_shared>>) target(%dma_start3A_45 : memref<128x8xf32, #tpu.memory_space<vmem>>) offsets(%dma_start3A_47 : memref<128xi32, #tpu.memory_space<vmem>>) semaphore(%arg12 : memref<!tpu.dma_semaphore, #tpu.memory_space<semaphore_mem>>)
    %dma_start3A_51 = arith.constant 256 : i32
    %dma_start3A_52 = arith.constant 0 : i32
    %dma_start3A_53 = tpu.memref_slice %arg9[%dma_start3A_51, %dma_start3A_52] : memref<2048x8xf32, #tpu.memory_space<vmem>> -> memref<128x8xf32, #tpu.memory_space<vmem>>
    %dma_start3A_54 = arith.constant 256 : i32
    %dma_start3A_55 = tpu.memref_slice %arg7[%dma_start3A_54] : memref<2048xi32, #tpu.memory_space<vmem>> -> memref<128xi32, #tpu.memory_space<vmem>>
    %dma_start3A_56 = arith.constant 0 : i32
    %dma_start3A_57 = arith.constant 0 : i32
    %dma_start3A_58 = tpu.memref_slice %arg10[%dma_start3A_56, %dma_start3A_57] : memref<100352x8xf32, #tpu.memory_space<vmem_shared>> -> memref<100352x8xf32, #tpu.memory_space<vmem_shared>>
    tpu.enqueue_indirect_dma source(%dma_start3A_58 : memref<100352x8xf32, #tpu.memory_space<vmem_shared>>) target(%dma_start3A_53 : memref<128x8xf32, #tpu.memory_space<vmem>>) offsets(%dma_start3A_55 : memref<128xi32, #tpu.memory_space<vmem>>) semaphore(%arg12 : memref<!tpu.dma_semaphore, #tpu.memory_space<semaphore_mem>>)
    %dma_start3A_59 = arith.constant 384 : i32
    %dma_start3A_60 = arith.constant 0 : i32
    %dma_start3A_61 = tpu.memref_slice %arg9[%dma_start3A_59, %dma_start3A_60] : memref<2048x8xf32, #tpu.memory_space<vmem>> -> memref<128x8xf32, #tpu.memory_space<vmem>>
    %dma_start3A_62 = arith.constant 384 : i32
    %dma_start3A_63 = tpu.memref_slice %arg7[%dma_start3A_62] : memref<2048xi32, #tpu.memory_space<vmem>> -> memref<128xi32, #tpu.memory_space<vmem>>
    %dma_start3A_64 = arith.constant 0 : i32
    %dma_start3A_65 = arith.constant 0 : i32
    %dma_start3A_66 = tpu.memref_slice %arg10[%dma_start3A_64, %dma_start3A_65] : memref<100352x8xf32, #tpu.memory_space<vmem_shared>> -> memref<100352x8xf32, #tpu.memory_space<vmem_shared>>
    tpu.enqueue_indirect_dma source(%dma_start3A_66 : memref<100352x8xf32, #tpu.memory_space<vmem_shared>>) target(%dma_start3A_61 : memref<128x8xf32, #tpu.memory_space<vmem>>) offsets(%dma_start3A_63 : memref<128xi32, #tpu.memory_space<vmem>>) semaphore(%arg12 : memref<!tpu.dma_semaphore, #tpu.memory_space<semaphore_mem>>)
    %dma_start3A_67 = arith.constant 512 : i32
    %dma_start3A_68 = arith.constant 0 : i32
    %dma_start3A_69 = tpu.memref_slice %arg9[%dma_start3A_67, %dma_start3A_68] : memref<2048x8xf32, #tpu.memory_space<vmem>> -> memref<128x8xf32, #tpu.memory_space<vmem>>
    %dma_start3A_70 = arith.constant 512 : i32
    %dma_start3A_71 = tpu.memref_slice %arg7[%dma_start3A_70] : memref<2048xi32, #tpu.memory_space<vmem>> -> memref<128xi32, #tpu.memory_space<vmem>>
    %dma_start3A_72 = arith.constant 0 : i32
    %dma_start3A_73 = arith.constant 0 : i32
    %dma_start3A_74 = tpu.memref_slice %arg10[%dma_start3A_72, %dma_start3A_73] : memref<100352x8xf32, #tpu.memory_space<vmem_shared>> -> memref<100352x8xf32, #tpu.memory_space<vmem_shared>>
    tpu.enqueue_indirect_dma source(%dma_start3A_74 : memref<100352x8xf32, #tpu.memory_space<vmem_shared>>) target(%dma_start3A_69 : memref<128x8xf32, #tpu.memory_space<vmem>>) offsets(%dma_start3A_71 : memref<128xi32, #tpu.memory_space<vmem>>) semaphore(%arg12 : memref<!tpu.dma_semaphore, #tpu.memory_space<semaphore_mem>>)
    %dma_start3A_75 = arith.constant 640 : i32
    %dma_start3A_76 = arith.constant 0 : i32
    %dma_start3A_77 = tpu.memref_slice %arg9[%dma_start3A_75, %dma_start3A_76] : memref<2048x8xf32, #tpu.memory_space<vmem>> -> memref<128x8xf32, #tpu.memory_space<vmem>>
    %dma_start3A_78 = arith.constant 640 : i32
    %dma_start3A_79 = tpu.memref_slice %arg7[%dma_start3A_78] : memref<2048xi32, #tpu.memory_space<vmem>> -> memref<128xi32, #tpu.memory_space<vmem>>
    %dma_start3A_80 = arith.constant 0 : i32
    %dma_start3A_81 = arith.constant 0 : i32
    %dma_start3A_82 = tpu.memref_slice %arg10[%dma_start3A_80, %dma_start3A_81] : memref<100352x8xf32, #tpu.memory_space<vmem_shared>> -> memref<100352x8xf32, #tpu.memory_space<vmem_shared>>
    tpu.enqueue_indirect_dma source(%dma_start3A_82 : memref<100352x8xf32, #tpu.memory_space<vmem_shared>>) target(%dma_start3A_77 : memref<128x8xf32, #tpu.memory_space<vmem>>) offsets(%dma_start3A_79 : memref<128xi32, #tpu.memory_space<vmem>>) semaphore(%arg12 : memref<!tpu.dma_semaphore, #tpu.memory_space<semaphore_mem>>)
    %dma_start3A_83 = arith.constant 768 : i32
    %dma_start3A_84 = arith.constant 0 : i32
    %dma_start3A_85 = tpu.memref_slice %arg9[%dma_start3A_83, %dma_start3A_84] : memref<2048x8xf32, #tpu.memory_space<vmem>> -> memref<128x8xf32, #tpu.memory_space<vmem>>
    %dma_start3A_86 = arith.constant 768 : i32
    %dma_start3A_87 = tpu.memref_slice %arg7[%dma_start3A_86] : memref<2048xi32, #tpu.memory_space<vmem>> -> memref<128xi32, #tpu.memory_space<vmem>>
    %dma_start3A_88 = arith.constant 0 : i32
    %dma_start3A_89 = arith.constant 0 : i32
    %dma_start3A_90 = tpu.memref_slice %arg10[%dma_start3A_88, %dma_start3A_89] : memref<100352x8xf32, #tpu.memory_space<vmem_shared>> -> memref<100352x8xf32, #tpu.memory_space<vmem_shared>>
    tpu.enqueue_indirect_dma source(%dma_start3A_90 : memref<100352x8xf32, #tpu.memory_space<vmem_shared>>) target(%dma_start3A_85 : memref<128x8xf32, #tpu.memory_space<vmem>>) offsets(%dma_start3A_87 : memref<128xi32, #tpu.memory_space<vmem>>) semaphore(%arg12 : memref<!tpu.dma_semaphore, #tpu.memory_space<semaphore_mem>>)
    %dma_start3A_91 = arith.constant 896 : i32
    %dma_start3A_92 = arith.constant 0 : i32
    %dma_start3A_93 = tpu.memref_slice %arg9[%dma_start3A_91, %dma_start3A_92] : memref<2048x8xf32, #tpu.memory_space<vmem>> -> memref<128x8xf32, #tpu.memory_space<vmem>>
    %dma_start3A_94 = arith.constant 896 : i32
    %dma_start3A_95 = tpu.memref_slice %arg7[%dma_start3A_94] : memref<2048xi32, #tpu.memory_space<vmem>> -> memref<128xi32, #tpu.memory_space<vmem>>
    %dma_start3A_96 = arith.constant 0 : i32
    %dma_start3A_97 = arith.constant 0 : i32
    %dma_start3A_98 = tpu.memref_slice %arg10[%dma_start3A_96, %dma_start3A_97] : memref<100352x8xf32, #tpu.memory_space<vmem_shared>> -> memref<100352x8xf32, #tpu.memory_space<vmem_shared>>
    tpu.enqueue_indirect_dma source(%dma_start3A_98 : memref<100352x8xf32, #tpu.memory_space<vmem_shared>>) target(%dma_start3A_93 : memref<128x8xf32, #tpu.memory_space<vmem>>) offsets(%dma_start3A_95 : memref<128xi32, #tpu.memory_space<vmem>>) semaphore(%arg12 : memref<!tpu.dma_semaphore, #tpu.memory_space<semaphore_mem>>)
    %dma_start3A_99 = arith.constant 1024 : i32
    %dma_start3A_100 = arith.constant 0 : i32
    %dma_start3A_101 = tpu.memref_slice %arg9[%dma_start3A_99, %dma_start3A_100] : memref<2048x8xf32, #tpu.memory_space<vmem>> -> memref<128x8xf32, #tpu.memory_space<vmem>>
    %dma_start3A_102 = arith.constant 1024 : i32
    %dma_start3A_103 = tpu.memref_slice %arg7[%dma_start3A_102] : memref<2048xi32, #tpu.memory_space<vmem>> -> memref<128xi32, #tpu.memory_space<vmem>>
    %dma_start3A_104 = arith.constant 0 : i32
    %dma_start3A_105 = arith.constant 0 : i32
    %dma_start3A_106 = tpu.memref_slice %arg10[%dma_start3A_104, %dma_start3A_105] : memref<100352x8xf32, #tpu.memory_space<vmem_shared>> -> memref<100352x8xf32, #tpu.memory_space<vmem_shared>>
    tpu.enqueue_indirect_dma source(%dma_start3A_106 : memref<100352x8xf32, #tpu.memory_space<vmem_shared>>) target(%dma_start3A_101 : memref<128x8xf32, #tpu.memory_space<vmem>>) offsets(%dma_start3A_103 : memref<128xi32, #tpu.memory_space<vmem>>) semaphore(%arg12 : memref<!tpu.dma_semaphore, #tpu.memory_space<semaphore_mem>>)
    %dma_start3A_107 = arith.constant 1152 : i32
    %dma_start3A_108 = arith.constant 0 : i32
    %dma_start3A_109 = tpu.memref_slice %arg9[%dma_start3A_107, %dma_start3A_108] : memref<2048x8xf32, #tpu.memory_space<vmem>> -> memref<128x8xf32, #tpu.memory_space<vmem>>
    %dma_start3A_110 = arith.constant 1152 : i32
    %dma_start3A_111 = tpu.memref_slice %arg7[%dma_start3A_110] : memref<2048xi32, #tpu.memory_space<vmem>> -> memref<128xi32, #tpu.memory_space<vmem>>
    %dma_start3A_112 = arith.constant 0 : i32
    %dma_start3A_113 = arith.constant 0 : i32
    %dma_start3A_114 = tpu.memref_slice %arg10[%dma_start3A_112, %dma_start3A_113] : memref<100352x8xf32, #tpu.memory_space<vmem_shared>> -> memref<100352x8xf32, #tpu.memory_space<vmem_shared>>
    tpu.enqueue_indirect_dma source(%dma_start3A_114 : memref<100352x8xf32, #tpu.memory_space<vmem_shared>>) target(%dma_start3A_109 : memref<128x8xf32, #tpu.memory_space<vmem>>) offsets(%dma_start3A_111 : memref<128xi32, #tpu.memory_space<vmem>>) semaphore(%arg12 : memref<!tpu.dma_semaphore, #tpu.memory_space<semaphore_mem>>)
    %dma_start3A_115 = arith.constant 1280 : i32
    %dma_start3A_116 = arith.constant 0 : i32
    %dma_start3A_117 = tpu.memref_slice %arg9[%dma_start3A_115, %dma_start3A_116] : memref<2048x8xf32, #tpu.memory_space<vmem>> -> memref<64x8xf32, #tpu.memory_space<vmem>>
    %dma_start3A_118 = arith.constant 1280 : i32
    %dma_start3A_119 = tpu.memref_slice %arg7[%dma_start3A_118] : memref<2048xi32, #tpu.memory_space<vmem>> -> memref<64xi32, #tpu.memory_space<vmem>>
    %dma_start3A_120 = arith.constant 0 : i32
    %dma_start3A_121 = arith.constant 0 : i32
    %dma_start3A_122 = tpu.memref_slice %arg10[%dma_start3A_120, %dma_start3A_121] : memref<100352x8xf32, #tpu.memory_space<vmem_shared>> -> memref<100352x8xf32, #tpu.memory_space<vmem_shared>>
    tpu.enqueue_indirect_dma source(%dma_start3A_122 : memref<100352x8xf32, #tpu.memory_space<vmem_shared>>) target(%dma_start3A_117 : memref<64x8xf32, #tpu.memory_space<vmem>>) offsets(%dma_start3A_119 : memref<64xi32, #tpu.memory_space<vmem>>) semaphore(%arg12 : memref<!tpu.dma_semaphore, #tpu.memory_space<semaphore_mem>>)
    %dma_wait3A_123 = arith.constant 0 : i32
    %dma_wait3A_124 = arith.constant 0 : i32
    %dma_wait3A_125 = tpu.memref_slice %arg9[%dma_wait3A_123, %dma_wait3A_124] : memref<2048x8xf32, #tpu.memory_space<vmem>> -> memref<128x8xf32, #tpu.memory_space<vmem>>
    %dma_wait3A_126 = arith.constant 0 : i32
    %dma_wait3A_127 = tpu.memref_slice %arg7[%dma_wait3A_126] : memref<2048xi32, #tpu.memory_space<vmem>> -> memref<128xi32, #tpu.memory_space<vmem>>
    %dma_wait3A_128 = arith.constant 0 : i32
    %dma_wait3A_129 = arith.constant 0 : i32
    %dma_wait3A_130 = tpu.memref_slice %arg10[%dma_wait3A_128, %dma_wait3A_129] : memref<100352x8xf32, #tpu.memory_space<vmem_shared>> -> memref<100352x8xf32, #tpu.memory_space<vmem_shared>>
    tpu.wait_indirect_dma semaphore(%arg12 : memref<!tpu.dma_semaphore, #tpu.memory_space<semaphore_mem>>) src(%dma_wait3A_130 : memref<100352x8xf32, #tpu.memory_space<vmem_shared>>) dst(%dma_wait3A_125 : memref<128x8xf32, #tpu.memory_space<vmem>>)
    %dma_wait3A_131 = arith.constant 128 : i32
    %dma_wait3A_132 = arith.constant 0 : i32
    %dma_wait3A_133 = tpu.memref_slice %arg9[%dma_wait3A_131, %dma_wait3A_132] : memref<2048x8xf32, #tpu.memory_space<vmem>> -> memref<128x8xf32, #tpu.memory_space<vmem>>
    %dma_wait3A_134 = arith.constant 128 : i32
    %dma_wait3A_135 = tpu.memref_slice %arg7[%dma_wait3A_134] : memref<2048xi32, #tpu.memory_space<vmem>> -> memref<128xi32, #tpu.memory_space<vmem>>
    %dma_wait3A_136 = arith.constant 0 : i32
    %dma_wait3A_137 = arith.constant 0 : i32
    %dma_wait3A_138 = tpu.memref_slice %arg10[%dma_wait3A_136, %dma_wait3A_137] : memref<100352x8xf32, #tpu.memory_space<vmem_shared>> -> memref<100352x8xf32, #tpu.memory_space<vmem_shared>>
    tpu.wait_indirect_dma semaphore(%arg12 : memref<!tpu.dma_semaphore, #tpu.memory_space<semaphore_mem>>) src(%dma_wait3A_138 : memref<100352x8xf32, #tpu.memory_space<vmem_shared>>) dst(%dma_wait3A_133 : memref<128x8xf32, #tpu.memory_space<vmem>>)
    %dma_wait3A_139 = arith.constant 256 : i32
    %dma_wait3A_140 = arith.constant 0 : i32
    %dma_wait3A_141 = tpu.memref_slice %arg9[%dma_wait3A_139, %dma_wait3A_140] : memref<2048x8xf32, #tpu.memory_space<vmem>> -> memref<128x8xf32, #tpu.memory_space<vmem>>
    %dma_wait3A_142 = arith.constant 256 : i32
    %dma_wait3A_143 = tpu.memref_slice %arg7[%dma_wait3A_142] : memref<2048xi32, #tpu.memory_space<vmem>> -> memref<128xi32, #tpu.memory_space<vmem>>
    %dma_wait3A_144 = arith.constant 0 : i32
    %dma_wait3A_145 = arith.constant 0 : i32
    %dma_wait3A_146 = tpu.memref_slice %arg10[%dma_wait3A_144, %dma_wait3A_145] : memref<100352x8xf32, #tpu.memory_space<vmem_shared>> -> memref<100352x8xf32, #tpu.memory_space<vmem_shared>>
    tpu.wait_indirect_dma semaphore(%arg12 : memref<!tpu.dma_semaphore, #tpu.memory_space<semaphore_mem>>) src(%dma_wait3A_146 : memref<100352x8xf32, #tpu.memory_space<vmem_shared>>) dst(%dma_wait3A_141 : memref<128x8xf32, #tpu.memory_space<vmem>>)
    %dma_wait3A_147 = arith.constant 384 : i32
    %dma_wait3A_148 = arith.constant 0 : i32
    %dma_wait3A_149 = tpu.memref_slice %arg9[%dma_wait3A_147, %dma_wait3A_148] : memref<2048x8xf32, #tpu.memory_space<vmem>> -> memref<128x8xf32, #tpu.memory_space<vmem>>
    %dma_wait3A_150 = arith.constant 384 : i32
    %dma_wait3A_151 = tpu.memref_slice %arg7[%dma_wait3A_150] : memref<2048xi32, #tpu.memory_space<vmem>> -> memref<128xi32, #tpu.memory_space<vmem>>
    %dma_wait3A_152 = arith.constant 0 : i32
    %dma_wait3A_153 = arith.constant 0 : i32
    %dma_wait3A_154 = tpu.memref_slice %arg10[%dma_wait3A_152, %dma_wait3A_153] : memref<100352x8xf32, #tpu.memory_space<vmem_shared>> -> memref<100352x8xf32, #tpu.memory_space<vmem_shared>>
    tpu.wait_indirect_dma semaphore(%arg12 : memref<!tpu.dma_semaphore, #tpu.memory_space<semaphore_mem>>) src(%dma_wait3A_154 : memref<100352x8xf32, #tpu.memory_space<vmem_shared>>) dst(%dma_wait3A_149 : memref<128x8xf32, #tpu.memory_space<vmem>>)
    %dma_wait3A_155 = arith.constant 512 : i32
    %dma_wait3A_156 = arith.constant 0 : i32
    %dma_wait3A_157 = tpu.memref_slice %arg9[%dma_wait3A_155, %dma_wait3A_156] : memref<2048x8xf32, #tpu.memory_space<vmem>> -> memref<128x8xf32, #tpu.memory_space<vmem>>
    %dma_wait3A_158 = arith.constant 512 : i32
    %dma_wait3A_159 = tpu.memref_slice %arg7[%dma_wait3A_158] : memref<2048xi32, #tpu.memory_space<vmem>> -> memref<128xi32, #tpu.memory_space<vmem>>
    %dma_wait3A_160 = arith.constant 0 : i32
    %dma_wait3A_161 = arith.constant 0 : i32
    %dma_wait3A_162 = tpu.memref_slice %arg10[%dma_wait3A_160, %dma_wait3A_161] : memref<100352x8xf32, #tpu.memory_space<vmem_shared>> -> memref<100352x8xf32, #tpu.memory_space<vmem_shared>>
    tpu.wait_indirect_dma semaphore(%arg12 : memref<!tpu.dma_semaphore, #tpu.memory_space<semaphore_mem>>) src(%dma_wait3A_162 : memref<100352x8xf32, #tpu.memory_space<vmem_shared>>) dst(%dma_wait3A_157 : memref<128x8xf32, #tpu.memory_space<vmem>>)
    %dma_wait3A_163 = arith.constant 640 : i32
    %dma_wait3A_164 = arith.constant 0 : i32
    %dma_wait3A_165 = tpu.memref_slice %arg9[%dma_wait3A_163, %dma_wait3A_164] : memref<2048x8xf32, #tpu.memory_space<vmem>> -> memref<128x8xf32, #tpu.memory_space<vmem>>
    %dma_wait3A_166 = arith.constant 640 : i32
    %dma_wait3A_167 = tpu.memref_slice %arg7[%dma_wait3A_166] : memref<2048xi32, #tpu.memory_space<vmem>> -> memref<128xi32, #tpu.memory_space<vmem>>
    %dma_wait3A_168 = arith.constant 0 : i32
    %dma_wait3A_169 = arith.constant 0 : i32
    %dma_wait3A_170 = tpu.memref_slice %arg10[%dma_wait3A_168, %dma_wait3A_169] : memref<100352x8xf32, #tpu.memory_space<vmem_shared>> -> memref<100352x8xf32, #tpu.memory_space<vmem_shared>>
    tpu.wait_indirect_dma semaphore(%arg12 : memref<!tpu.dma_semaphore, #tpu.memory_space<semaphore_mem>>) src(%dma_wait3A_170 : memref<100352x8xf32, #tpu.memory_space<vmem_shared>>) dst(%dma_wait3A_165 : memref<128x8xf32, #tpu.memory_space<vmem>>)
    %dma_wait3A_171 = arith.constant 768 : i32
    %dma_wait3A_172 = arith.constant 0 : i32
    %dma_wait3A_173 = tpu.memref_slice %arg9[%dma_wait3A_171, %dma_wait3A_172] : memref<2048x8xf32, #tpu.memory_space<vmem>> -> memref<128x8xf32, #tpu.memory_space<vmem>>
    %dma_wait3A_174 = arith.constant 768 : i32
    %dma_wait3A_175 = tpu.memref_slice %arg7[%dma_wait3A_174] : memref<2048xi32, #tpu.memory_space<vmem>> -> memref<128xi32, #tpu.memory_space<vmem>>
    %dma_wait3A_176 = arith.constant 0 : i32
    %dma_wait3A_177 = arith.constant 0 : i32
    %dma_wait3A_178 = tpu.memref_slice %arg10[%dma_wait3A_176, %dma_wait3A_177] : memref<100352x8xf32, #tpu.memory_space<vmem_shared>> -> memref<100352x8xf32, #tpu.memory_space<vmem_shared>>
    tpu.wait_indirect_dma semaphore(%arg12 : memref<!tpu.dma_semaphore, #tpu.memory_space<semaphore_mem>>) src(%dma_wait3A_178 : memref<100352x8xf32, #tpu.memory_space<vmem_shared>>) dst(%dma_wait3A_173 : memref<128x8xf32, #tpu.memory_space<vmem>>)
    %dma_wait3A_179 = arith.constant 896 : i32
    %dma_wait3A_180 = arith.constant 0 : i32
    %dma_wait3A_181 = tpu.memref_slice %arg9[%dma_wait3A_179, %dma_wait3A_180] : memref<2048x8xf32, #tpu.memory_space<vmem>> -> memref<128x8xf32, #tpu.memory_space<vmem>>
    %dma_wait3A_182 = arith.constant 896 : i32
    %dma_wait3A_183 = tpu.memref_slice %arg7[%dma_wait3A_182] : memref<2048xi32, #tpu.memory_space<vmem>> -> memref<128xi32, #tpu.memory_space<vmem>>
    %dma_wait3A_184 = arith.constant 0 : i32
    %dma_wait3A_185 = arith.constant 0 : i32
    %dma_wait3A_186 = tpu.memref_slice %arg10[%dma_wait3A_184, %dma_wait3A_185] : memref<100352x8xf32, #tpu.memory_space<vmem_shared>> -> memref<100352x8xf32, #tpu.memory_space<vmem_shared>>
    tpu.wait_indirect_dma semaphore(%arg12 : memref<!tpu.dma_semaphore, #tpu.memory_space<semaphore_mem>>) src(%dma_wait3A_186 : memref<100352x8xf32, #tpu.memory_space<vmem_shared>>) dst(%dma_wait3A_181 : memref<128x8xf32, #tpu.memory_space<vmem>>)
    %dma_wait3A_187 = arith.constant 1024 : i32
    %dma_wait3A_188 = arith.constant 0 : i32
    %dma_wait3A_189 = tpu.memref_slice %arg9[%dma_wait3A_187, %dma_wait3A_188] : memref<2048x8xf32, #tpu.memory_space<vmem>> -> memref<128x8xf32, #tpu.memory_space<vmem>>
    %dma_wait3A_190 = arith.constant 1024 : i32
    %dma_wait3A_191 = tpu.memref_slice %arg7[%dma_wait3A_190] : memref<2048xi32, #tpu.memory_space<vmem>> -> memref<128xi32, #tpu.memory_space<vmem>>
    %dma_wait3A_192 = arith.constant 0 : i32
    %dma_wait3A_193 = arith.constant 0 : i32
    %dma_wait3A_194 = tpu.memref_slice %arg10[%dma_wait3A_192, %dma_wait3A_193] : memref<100352x8xf32, #tpu.memory_space<vmem_shared>> -> memref<100352x8xf32, #tpu.memory_space<vmem_shared>>
    tpu.wait_indirect_dma semaphore(%arg12 : memref<!tpu.dma_semaphore, #tpu.memory_space<semaphore_mem>>) src(%dma_wait3A_194 : memref<100352x8xf32, #tpu.memory_space<vmem_shared>>) dst(%dma_wait3A_189 : memref<128x8xf32, #tpu.memory_space<vmem>>)
    %dma_wait3A_195 = arith.constant 1152 : i32
    %dma_wait3A_196 = arith.constant 0 : i32
    %dma_wait3A_197 = tpu.memref_slice %arg9[%dma_wait3A_195, %dma_wait3A_196] : memref<2048x8xf32, #tpu.memory_space<vmem>> -> memref<128x8xf32, #tpu.memory_space<vmem>>
    %dma_wait3A_198 = arith.constant 1152 : i32
    %dma_wait3A_199 = tpu.memref_slice %arg7[%dma_wait3A_198] : memref<2048xi32, #tpu.memory_space<vmem>> -> memref<128xi32, #tpu.memory_space<vmem>>
    %dma_wait3A_200 = arith.constant 0 : i32
    %dma_wait3A_201 = arith.constant 0 : i32
    %dma_wait3A_202 = tpu.memref_slice %arg10[%dma_wait3A_200, %dma_wait3A_201] : memref<100352x8xf32, #tpu.memory_space<vmem_shared>> -> memref<100352x8xf32, #tpu.memory_space<vmem_shared>>
    tpu.wait_indirect_dma semaphore(%arg12 : memref<!tpu.dma_semaphore, #tpu.memory_space<semaphore_mem>>) src(%dma_wait3A_202 : memref<100352x8xf32, #tpu.memory_space<vmem_shared>>) dst(%dma_wait3A_197 : memref<128x8xf32, #tpu.memory_space<vmem>>)
    %dma_wait3A_203 = arith.constant 1280 : i32
    %dma_wait3A_204 = arith.constant 0 : i32
    %dma_wait3A_205 = tpu.memref_slice %arg9[%dma_wait3A_203, %dma_wait3A_204] : memref<2048x8xf32, #tpu.memory_space<vmem>> -> memref<64x8xf32, #tpu.memory_space<vmem>>
    %dma_wait3A_206 = arith.constant 1280 : i32
    %dma_wait3A_207 = tpu.memref_slice %arg7[%dma_wait3A_206] : memref<2048xi32, #tpu.memory_space<vmem>> -> memref<64xi32, #tpu.memory_space<vmem>>
    %dma_wait3A_208 = arith.constant 0 : i32
    %dma_wait3A_209 = arith.constant 0 : i32
    %dma_wait3A_210 = tpu.memref_slice %arg10[%dma_wait3A_208, %dma_wait3A_209] : memref<100352x8xf32, #tpu.memory_space<vmem_shared>> -> memref<100352x8xf32, #tpu.memory_space<vmem_shared>>
    tpu.wait_indirect_dma semaphore(%arg12 : memref<!tpu.dma_semaphore, #tpu.memory_space<semaphore_mem>>) src(%dma_wait3A_210 : memref<100352x8xf32, #tpu.memory_space<vmem_shared>>) dst(%dma_wait3A_205 : memref<64x8xf32, #tpu.memory_space<vmem>>)
    %dma_start3A_211 = arith.constant 0 : i32
    %dma_start3A_212 = arith.constant 0 : i32
    %dma_start3A_213 = tpu.memref_slice %arg9[%dma_start3A_211, %dma_start3A_212] : memref<2048x8xf32, #tpu.memory_space<vmem>> -> memref<128x8xf32, #tpu.memory_space<vmem>>
    %dma_start3A_214 = arith.constant 0 : i32
    %dma_start3A_215 = tpu.memref_slice %arg8[%dma_start3A_214] : memref<2048xi32, #tpu.memory_space<vmem>> -> memref<128xi32, #tpu.memory_space<vmem>>
    %dma_start3A_216 = arith.constant 0 : i32
    %dma_start3A_217 = arith.constant 0 : i32
    %dma_start3A_218 = tpu.memref_slice %arg11[%dma_start3A_216, %dma_start3A_217] : memref<100352x8xf32, #tpu.memory_space<vmem_shared>> -> memref<100352x8xf32, #tpu.memory_space<vmem_shared>>
    tpu.enqueue_indirect_dma source(%dma_start3A_213 : memref<128x8xf32, #tpu.memory_space<vmem>>) target(%dma_start3A_218 : memref<100352x8xf32, #tpu.memory_space<vmem_shared>>) offsets(%dma_start3A_215 : memref<128xi32, #tpu.memory_space<vmem>>) semaphore(%arg13 : memref<!tpu.dma_semaphore, #tpu.memory_space<semaphore_mem>>) {add = true}
    %dma_start3A_219 = arith.constant 128 : i32
    %dma_start3A_220 = arith.constant 0 : i32
    %dma_start3A_221 = tpu.memref_slice %arg9[%dma_start3A_219, %dma_start3A_220] : memref<2048x8xf32, #tpu.memory_space<vmem>> -> memref<128x8xf32, #tpu.memory_space<vmem>>
    %dma_start3A_222 = arith.constant 128 : i32
    %dma_start3A_223 = tpu.memref_slice %arg8[%dma_start3A_222] : memref<2048xi32, #tpu.memory_space<vmem>> -> memref<128xi32, #tpu.memory_space<vmem>>
    %dma_start3A_224 = arith.constant 0 : i32
    %dma_start3A_225 = arith.constant 0 : i32
    %dma_start3A_226 = tpu.memref_slice %arg11[%dma_start3A_224, %dma_start3A_225] : memref<100352x8xf32, #tpu.memory_space<vmem_shared>> -> memref<100352x8xf32, #tpu.memory_space<vmem_shared>>
    tpu.enqueue_indirect_dma source(%dma_start3A_221 : memref<128x8xf32, #tpu.memory_space<vmem>>) target(%dma_start3A_226 : memref<100352x8xf32, #tpu.memory_space<vmem_shared>>) offsets(%dma_start3A_223 : memref<128xi32, #tpu.memory_space<vmem>>) semaphore(%arg13 : memref<!tpu.dma_semaphore, #tpu.memory_space<semaphore_mem>>) {add = true}
    %dma_start3A_227 = arith.constant 256 : i32
    %dma_start3A_228 = arith.constant 0 : i32
    %dma_start3A_229 = tpu.memref_slice %arg9[%dma_start3A_227, %dma_start3A_228] : memref<2048x8xf32, #tpu.memory_space<vmem>> -> memref<128x8xf32, #tpu.memory_space<vmem>>
    %dma_start3A_230 = arith.constant 256 : i32
    %dma_start3A_231 = tpu.memref_slice %arg8[%dma_start3A_230] : memref<2048xi32, #tpu.memory_space<vmem>> -> memref<128xi32, #tpu.memory_space<vmem>>
    %dma_start3A_232 = arith.constant 0 : i32
    %dma_start3A_233 = arith.constant 0 : i32
    %dma_start3A_234 = tpu.memref_slice %arg11[%dma_start3A_232, %dma_start3A_233] : memref<100352x8xf32, #tpu.memory_space<vmem_shared>> -> memref<100352x8xf32, #tpu.memory_space<vmem_shared>>
    tpu.enqueue_indirect_dma source(%dma_start3A_229 : memref<128x8xf32, #tpu.memory_space<vmem>>) target(%dma_start3A_234 : memref<100352x8xf32, #tpu.memory_space<vmem_shared>>) offsets(%dma_start3A_231 : memref<128xi32, #tpu.memory_space<vmem>>) semaphore(%arg13 : memref<!tpu.dma_semaphore, #tpu.memory_space<semaphore_mem>>) {add = true}
    %dma_start3A_235 = arith.constant 384 : i32
    %dma_start3A_236 = arith.constant 0 : i32
    %dma_start3A_237 = tpu.memref_slice %arg9[%dma_start3A_235, %dma_start3A_236] : memref<2048x8xf32, #tpu.memory_space<vmem>> -> memref<128x8xf32, #tpu.memory_space<vmem>>
    %dma_start3A_238 = arith.constant 384 : i32
    %dma_start3A_239 = tpu.memref_slice %arg8[%dma_start3A_238] : memref<2048xi32, #tpu.memory_space<vmem>> -> memref<128xi32, #tpu.memory_space<vmem>>
    %dma_start3A_240 = arith.constant 0 : i32
    %dma_start3A_241 = arith.constant 0 : i32
    %dma_start3A_242 = tpu.memref_slice %arg11[%dma_start3A_240, %dma_start3A_241] : memref<100352x8xf32, #tpu.memory_space<vmem_shared>> -> memref<100352x8xf32, #tpu.memory_space<vmem_shared>>
    tpu.enqueue_indirect_dma source(%dma_start3A_237 : memref<128x8xf32, #tpu.memory_space<vmem>>) target(%dma_start3A_242 : memref<100352x8xf32, #tpu.memory_space<vmem_shared>>) offsets(%dma_start3A_239 : memref<128xi32, #tpu.memory_space<vmem>>) semaphore(%arg13 : memref<!tpu.dma_semaphore, #tpu.memory_space<semaphore_mem>>) {add = true}
    %dma_start3A_243 = arith.constant 512 : i32
    %dma_start3A_244 = arith.constant 0 : i32
    %dma_start3A_245 = tpu.memref_slice %arg9[%dma_start3A_243, %dma_start3A_244] : memref<2048x8xf32, #tpu.memory_space<vmem>> -> memref<128x8xf32, #tpu.memory_space<vmem>>
    %dma_start3A_246 = arith.constant 512 : i32
    %dma_start3A_247 = tpu.memref_slice %arg8[%dma_start3A_246] : memref<2048xi32, #tpu.memory_space<vmem>> -> memref<128xi32, #tpu.memory_space<vmem>>
    %dma_start3A_248 = arith.constant 0 : i32
    %dma_start3A_249 = arith.constant 0 : i32
    %dma_start3A_250 = tpu.memref_slice %arg11[%dma_start3A_248, %dma_start3A_249] : memref<100352x8xf32, #tpu.memory_space<vmem_shared>> -> memref<100352x8xf32, #tpu.memory_space<vmem_shared>>
    tpu.enqueue_indirect_dma source(%dma_start3A_245 : memref<128x8xf32, #tpu.memory_space<vmem>>) target(%dma_start3A_250 : memref<100352x8xf32, #tpu.memory_space<vmem_shared>>) offsets(%dma_start3A_247 : memref<128xi32, #tpu.memory_space<vmem>>) semaphore(%arg13 : memref<!tpu.dma_semaphore, #tpu.memory_space<semaphore_mem>>) {add = true}
    %dma_start3A_251 = arith.constant 640 : i32
    %dma_start3A_252 = arith.constant 0 : i32
    %dma_start3A_253 = tpu.memref_slice %arg9[%dma_start3A_251, %dma_start3A_252] : memref<2048x8xf32, #tpu.memory_space<vmem>> -> memref<128x8xf32, #tpu.memory_space<vmem>>
    %dma_start3A_254 = arith.constant 640 : i32
    %dma_start3A_255 = tpu.memref_slice %arg8[%dma_start3A_254] : memref<2048xi32, #tpu.memory_space<vmem>> -> memref<128xi32, #tpu.memory_space<vmem>>
    %dma_start3A_256 = arith.constant 0 : i32
    %dma_start3A_257 = arith.constant 0 : i32
    %dma_start3A_258 = tpu.memref_slice %arg11[%dma_start3A_256, %dma_start3A_257] : memref<100352x8xf32, #tpu.memory_space<vmem_shared>> -> memref<100352x8xf32, #tpu.memory_space<vmem_shared>>
    tpu.enqueue_indirect_dma source(%dma_start3A_253 : memref<128x8xf32, #tpu.memory_space<vmem>>) target(%dma_start3A_258 : memref<100352x8xf32, #tpu.memory_space<vmem_shared>>) offsets(%dma_start3A_255 : memref<128xi32, #tpu.memory_space<vmem>>) semaphore(%arg13 : memref<!tpu.dma_semaphore, #tpu.memory_space<semaphore_mem>>) {add = true}
    %dma_start3A_259 = arith.constant 768 : i32
    %dma_start3A_260 = arith.constant 0 : i32
    %dma_start3A_261 = tpu.memref_slice %arg9[%dma_start3A_259, %dma_start3A_260] : memref<2048x8xf32, #tpu.memory_space<vmem>> -> memref<128x8xf32, #tpu.memory_space<vmem>>
    %dma_start3A_262 = arith.constant 768 : i32
    %dma_start3A_263 = tpu.memref_slice %arg8[%dma_start3A_262] : memref<2048xi32, #tpu.memory_space<vmem>> -> memref<128xi32, #tpu.memory_space<vmem>>
    %dma_start3A_264 = arith.constant 0 : i32
    %dma_start3A_265 = arith.constant 0 : i32
    %dma_start3A_266 = tpu.memref_slice %arg11[%dma_start3A_264, %dma_start3A_265] : memref<100352x8xf32, #tpu.memory_space<vmem_shared>> -> memref<100352x8xf32, #tpu.memory_space<vmem_shared>>
    tpu.enqueue_indirect_dma source(%dma_start3A_261 : memref<128x8xf32, #tpu.memory_space<vmem>>) target(%dma_start3A_266 : memref<100352x8xf32, #tpu.memory_space<vmem_shared>>) offsets(%dma_start3A_263 : memref<128xi32, #tpu.memory_space<vmem>>) semaphore(%arg13 : memref<!tpu.dma_semaphore, #tpu.memory_space<semaphore_mem>>) {add = true}
    %dma_start3A_267 = arith.constant 896 : i32
    %dma_start3A_268 = arith.constant 0 : i32
    %dma_start3A_269 = tpu.memref_slice %arg9[%dma_start3A_267, %dma_start3A_268] : memref<2048x8xf32, #tpu.memory_space<vmem>> -> memref<128x8xf32, #tpu.memory_space<vmem>>
    %dma_start3A_270 = arith.constant 896 : i32
    %dma_start3A_271 = tpu.memref_slice %arg8[%dma_start3A_270] : memref<2048xi32, #tpu.memory_space<vmem>> -> memref<128xi32, #tpu.memory_space<vmem>>
    %dma_start3A_272 = arith.constant 0 : i32
    %dma_start3A_273 = arith.constant 0 : i32
    %dma_start3A_274 = tpu.memref_slice %arg11[%dma_start3A_272, %dma_start3A_273] : memref<100352x8xf32, #tpu.memory_space<vmem_shared>> -> memref<100352x8xf32, #tpu.memory_space<vmem_shared>>
    tpu.enqueue_indirect_dma source(%dma_start3A_269 : memref<128x8xf32, #tpu.memory_space<vmem>>) target(%dma_start3A_274 : memref<100352x8xf32, #tpu.memory_space<vmem_shared>>) offsets(%dma_start3A_271 : memref<128xi32, #tpu.memory_space<vmem>>) semaphore(%arg13 : memref<!tpu.dma_semaphore, #tpu.memory_space<semaphore_mem>>) {add = true}
    %dma_start3A_275 = arith.constant 1024 : i32
    %dma_start3A_276 = arith.constant 0 : i32
    %dma_start3A_277 = tpu.memref_slice %arg9[%dma_start3A_275, %dma_start3A_276] : memref<2048x8xf32, #tpu.memory_space<vmem>> -> memref<128x8xf32, #tpu.memory_space<vmem>>
    %dma_start3A_278 = arith.constant 1024 : i32
    %dma_start3A_279 = tpu.memref_slice %arg8[%dma_start3A_278] : memref<2048xi32, #tpu.memory_space<vmem>> -> memref<128xi32, #tpu.memory_space<vmem>>
    %dma_start3A_280 = arith.constant 0 : i32
    %dma_start3A_281 = arith.constant 0 : i32
    %dma_start3A_282 = tpu.memref_slice %arg11[%dma_start3A_280, %dma_start3A_281] : memref<100352x8xf32, #tpu.memory_space<vmem_shared>> -> memref<100352x8xf32, #tpu.memory_space<vmem_shared>>
    tpu.enqueue_indirect_dma source(%dma_start3A_277 : memref<128x8xf32, #tpu.memory_space<vmem>>) target(%dma_start3A_282 : memref<100352x8xf32, #tpu.memory_space<vmem_shared>>) offsets(%dma_start3A_279 : memref<128xi32, #tpu.memory_space<vmem>>) semaphore(%arg13 : memref<!tpu.dma_semaphore, #tpu.memory_space<semaphore_mem>>) {add = true}
    %dma_start3A_283 = arith.constant 1152 : i32
    %dma_start3A_284 = arith.constant 0 : i32
    %dma_start3A_285 = tpu.memref_slice %arg9[%dma_start3A_283, %dma_start3A_284] : memref<2048x8xf32, #tpu.memory_space<vmem>> -> memref<128x8xf32, #tpu.memory_space<vmem>>
    %dma_start3A_286 = arith.constant 1152 : i32
    %dma_start3A_287 = tpu.memref_slice %arg8[%dma_start3A_286] : memref<2048xi32, #tpu.memory_space<vmem>> -> memref<128xi32, #tpu.memory_space<vmem>>
    %dma_start3A_288 = arith.constant 0 : i32
    %dma_start3A_289 = arith.constant 0 : i32
    %dma_start3A_290 = tpu.memref_slice %arg11[%dma_start3A_288, %dma_start3A_289] : memref<100352x8xf32, #tpu.memory_space<vmem_shared>> -> memref<100352x8xf32, #tpu.memory_space<vmem_shared>>
    tpu.enqueue_indirect_dma source(%dma_start3A_285 : memref<128x8xf32, #tpu.memory_space<vmem>>) target(%dma_start3A_290 : memref<100352x8xf32, #tpu.memory_space<vmem_shared>>) offsets(%dma_start3A_287 : memref<128xi32, #tpu.memory_space<vmem>>) semaphore(%arg13 : memref<!tpu.dma_semaphore, #tpu.memory_space<semaphore_mem>>) {add = true}
    %dma_start3A_291 = arith.constant 1280 : i32
    %dma_start3A_292 = arith.constant 0 : i32
    %dma_start3A_293 = tpu.memref_slice %arg9[%dma_start3A_291, %dma_start3A_292] : memref<2048x8xf32, #tpu.memory_space<vmem>> -> memref<64x8xf32, #tpu.memory_space<vmem>>
    %dma_start3A_294 = arith.constant 1280 : i32
    %dma_start3A_295 = tpu.memref_slice %arg8[%dma_start3A_294] : memref<2048xi32, #tpu.memory_space<vmem>> -> memref<64xi32, #tpu.memory_space<vmem>>
    %dma_start3A_296 = arith.constant 0 : i32
    %dma_start3A_297 = arith.constant 0 : i32
    %dma_start3A_298 = tpu.memref_slice %arg11[%dma_start3A_296, %dma_start3A_297] : memref<100352x8xf32, #tpu.memory_space<vmem_shared>> -> memref<100352x8xf32, #tpu.memory_space<vmem_shared>>
    tpu.enqueue_indirect_dma source(%dma_start3A_293 : memref<64x8xf32, #tpu.memory_space<vmem>>) target(%dma_start3A_298 : memref<100352x8xf32, #tpu.memory_space<vmem_shared>>) offsets(%dma_start3A_295 : memref<64xi32, #tpu.memory_space<vmem>>) semaphore(%arg13 : memref<!tpu.dma_semaphore, #tpu.memory_space<semaphore_mem>>) {add = true}
    %dma_wait3A_299 = arith.constant 0 : i32
    %dma_wait3A_300 = arith.constant 0 : i32
    %dma_wait3A_301 = tpu.memref_slice %arg9[%dma_wait3A_299, %dma_wait3A_300] : memref<2048x8xf32, #tpu.memory_space<vmem>> -> memref<128x8xf32, #tpu.memory_space<vmem>>
    %dma_wait3A_302 = arith.constant 0 : i32
    %dma_wait3A_303 = tpu.memref_slice %arg8[%dma_wait3A_302] : memref<2048xi32, #tpu.memory_space<vmem>> -> memref<128xi32, #tpu.memory_space<vmem>>
    %dma_wait3A_304 = arith.constant 0 : i32
    %dma_wait3A_305 = arith.constant 0 : i32
    %dma_wait3A_306 = tpu.memref_slice %arg11[%dma_wait3A_304, %dma_wait3A_305] : memref<100352x8xf32, #tpu.memory_space<vmem_shared>> -> memref<100352x8xf32, #tpu.memory_space<vmem_shared>>
    tpu.wait_indirect_dma semaphore(%arg13 : memref<!tpu.dma_semaphore, #tpu.memory_space<semaphore_mem>>) src(%dma_wait3A_301 : memref<128x8xf32, #tpu.memory_space<vmem>>) dst(%dma_wait3A_306 : memref<100352x8xf32, #tpu.memory_space<vmem_shared>>)
    %dma_wait3A_307 = arith.constant 128 : i32
    %dma_wait3A_308 = arith.constant 0 : i32
    %dma_wait3A_309 = tpu.memref_slice %arg9[%dma_wait3A_307, %dma_wait3A_308] : memref<2048x8xf32, #tpu.memory_space<vmem>> -> memref<128x8xf32, #tpu.memory_space<vmem>>
    %dma_wait3A_310 = arith.constant 128 : i32
    %dma_wait3A_311 = tpu.memref_slice %arg8[%dma_wait3A_310] : memref<2048xi32, #tpu.memory_space<vmem>> -> memref<128xi32, #tpu.memory_space<vmem>>
    %dma_wait3A_312 = arith.constant 0 : i32
    %dma_wait3A_313 = arith.constant 0 : i32
    %dma_wait3A_314 = tpu.memref_slice %arg11[%dma_wait3A_312, %dma_wait3A_313] : memref<100352x8xf32, #tpu.memory_space<vmem_shared>> -> memref<100352x8xf32, #tpu.memory_space<vmem_shared>>
    tpu.wait_indirect_dma semaphore(%arg13 : memref<!tpu.dma_semaphore, #tpu.memory_space<semaphore_mem>>) src(%dma_wait3A_309 : memref<128x8xf32, #tpu.memory_space<vmem>>) dst(%dma_wait3A_314 : memref<100352x8xf32, #tpu.memory_space<vmem_shared>>)
    %dma_wait3A_315 = arith.constant 256 : i32
    %dma_wait3A_316 = arith.constant 0 : i32
    %dma_wait3A_317 = tpu.memref_slice %arg9[%dma_wait3A_315, %dma_wait3A_316] : memref<2048x8xf32, #tpu.memory_space<vmem>> -> memref<128x8xf32, #tpu.memory_space<vmem>>
    %dma_wait3A_318 = arith.constant 256 : i32
    %dma_wait3A_319 = tpu.memref_slice %arg8[%dma_wait3A_318] : memref<2048xi32, #tpu.memory_space<vmem>> -> memref<128xi32, #tpu.memory_space<vmem>>
    %dma_wait3A_320 = arith.constant 0 : i32
    %dma_wait3A_321 = arith.constant 0 : i32
    %dma_wait3A_322 = tpu.memref_slice %arg11[%dma_wait3A_320, %dma_wait3A_321] : memref<100352x8xf32, #tpu.memory_space<vmem_shared>> -> memref<100352x8xf32, #tpu.memory_space<vmem_shared>>
    tpu.wait_indirect_dma semaphore(%arg13 : memref<!tpu.dma_semaphore, #tpu.memory_space<semaphore_mem>>) src(%dma_wait3A_317 : memref<128x8xf32, #tpu.memory_space<vmem>>) dst(%dma_wait3A_322 : memref<100352x8xf32, #tpu.memory_space<vmem_shared>>)
    %dma_wait3A_323 = arith.constant 384 : i32
    %dma_wait3A_324 = arith.constant 0 : i32
    %dma_wait3A_325 = tpu.memref_slice %arg9[%dma_wait3A_323, %dma_wait3A_324] : memref<2048x8xf32, #tpu.memory_space<vmem>> -> memref<128x8xf32, #tpu.memory_space<vmem>>
    %dma_wait3A_326 = arith.constant 384 : i32
    %dma_wait3A_327 = tpu.memref_slice %arg8[%dma_wait3A_326] : memref<2048xi32, #tpu.memory_space<vmem>> -> memref<128xi32, #tpu.memory_space<vmem>>
    %dma_wait3A_328 = arith.constant 0 : i32
    %dma_wait3A_329 = arith.constant 0 : i32
    %dma_wait3A_330 = tpu.memref_slice %arg11[%dma_wait3A_328, %dma_wait3A_329] : memref<100352x8xf32, #tpu.memory_space<vmem_shared>> -> memref<100352x8xf32, #tpu.memory_space<vmem_shared>>
    tpu.wait_indirect_dma semaphore(%arg13 : memref<!tpu.dma_semaphore, #tpu.memory_space<semaphore_mem>>) src(%dma_wait3A_325 : memref<128x8xf32, #tpu.memory_space<vmem>>) dst(%dma_wait3A_330 : memref<100352x8xf32, #tpu.memory_space<vmem_shared>>)
    %dma_wait3A_331 = arith.constant 512 : i32
    %dma_wait3A_332 = arith.constant 0 : i32
    %dma_wait3A_333 = tpu.memref_slice %arg9[%dma_wait3A_331, %dma_wait3A_332] : memref<2048x8xf32, #tpu.memory_space<vmem>> -> memref<128x8xf32, #tpu.memory_space<vmem>>
    %dma_wait3A_334 = arith.constant 512 : i32
    %dma_wait3A_335 = tpu.memref_slice %arg8[%dma_wait3A_334] : memref<2048xi32, #tpu.memory_space<vmem>> -> memref<128xi32, #tpu.memory_space<vmem>>
    %dma_wait3A_336 = arith.constant 0 : i32
    %dma_wait3A_337 = arith.constant 0 : i32
    %dma_wait3A_338 = tpu.memref_slice %arg11[%dma_wait3A_336, %dma_wait3A_337] : memref<100352x8xf32, #tpu.memory_space<vmem_shared>> -> memref<100352x8xf32, #tpu.memory_space<vmem_shared>>
    tpu.wait_indirect_dma semaphore(%arg13 : memref<!tpu.dma_semaphore, #tpu.memory_space<semaphore_mem>>) src(%dma_wait3A_333 : memref<128x8xf32, #tpu.memory_space<vmem>>) dst(%dma_wait3A_338 : memref<100352x8xf32, #tpu.memory_space<vmem_shared>>)
    %dma_wait3A_339 = arith.constant 640 : i32
    %dma_wait3A_340 = arith.constant 0 : i32
    %dma_wait3A_341 = tpu.memref_slice %arg9[%dma_wait3A_339, %dma_wait3A_340] : memref<2048x8xf32, #tpu.memory_space<vmem>> -> memref<128x8xf32, #tpu.memory_space<vmem>>
    %dma_wait3A_342 = arith.constant 640 : i32
    %dma_wait3A_343 = tpu.memref_slice %arg8[%dma_wait3A_342] : memref<2048xi32, #tpu.memory_space<vmem>> -> memref<128xi32, #tpu.memory_space<vmem>>
    %dma_wait3A_344 = arith.constant 0 : i32
    %dma_wait3A_345 = arith.constant 0 : i32
    %dma_wait3A_346 = tpu.memref_slice %arg11[%dma_wait3A_344, %dma_wait3A_345] : memref<100352x8xf32, #tpu.memory_space<vmem_shared>> -> memref<100352x8xf32, #tpu.memory_space<vmem_shared>>
    tpu.wait_indirect_dma semaphore(%arg13 : memref<!tpu.dma_semaphore, #tpu.memory_space<semaphore_mem>>) src(%dma_wait3A_341 : memref<128x8xf32, #tpu.memory_space<vmem>>) dst(%dma_wait3A_346 : memref<100352x8xf32, #tpu.memory_space<vmem_shared>>)
    %dma_wait3A_347 = arith.constant 768 : i32
    %dma_wait3A_348 = arith.constant 0 : i32
    %dma_wait3A_349 = tpu.memref_slice %arg9[%dma_wait3A_347, %dma_wait3A_348] : memref<2048x8xf32, #tpu.memory_space<vmem>> -> memref<128x8xf32, #tpu.memory_space<vmem>>
    %dma_wait3A_350 = arith.constant 768 : i32
    %dma_wait3A_351 = tpu.memref_slice %arg8[%dma_wait3A_350] : memref<2048xi32, #tpu.memory_space<vmem>> -> memref<128xi32, #tpu.memory_space<vmem>>
    %dma_wait3A_352 = arith.constant 0 : i32
    %dma_wait3A_353 = arith.constant 0 : i32
    %dma_wait3A_354 = tpu.memref_slice %arg11[%dma_wait3A_352, %dma_wait3A_353] : memref<100352x8xf32, #tpu.memory_space<vmem_shared>> -> memref<100352x8xf32, #tpu.memory_space<vmem_shared>>
    tpu.wait_indirect_dma semaphore(%arg13 : memref<!tpu.dma_semaphore, #tpu.memory_space<semaphore_mem>>) src(%dma_wait3A_349 : memref<128x8xf32, #tpu.memory_space<vmem>>) dst(%dma_wait3A_354 : memref<100352x8xf32, #tpu.memory_space<vmem_shared>>)
    %dma_wait3A_355 = arith.constant 896 : i32
    %dma_wait3A_356 = arith.constant 0 : i32
    %dma_wait3A_357 = tpu.memref_slice %arg9[%dma_wait3A_355, %dma_wait3A_356] : memref<2048x8xf32, #tpu.memory_space<vmem>> -> memref<128x8xf32, #tpu.memory_space<vmem>>
    %dma_wait3A_358 = arith.constant 896 : i32
    %dma_wait3A_359 = tpu.memref_slice %arg8[%dma_wait3A_358] : memref<2048xi32, #tpu.memory_space<vmem>> -> memref<128xi32, #tpu.memory_space<vmem>>
    %dma_wait3A_360 = arith.constant 0 : i32
    %dma_wait3A_361 = arith.constant 0 : i32
    %dma_wait3A_362 = tpu.memref_slice %arg11[%dma_wait3A_360, %dma_wait3A_361] : memref<100352x8xf32, #tpu.memory_space<vmem_shared>> -> memref<100352x8xf32, #tpu.memory_space<vmem_shared>>
    tpu.wait_indirect_dma semaphore(%arg13 : memref<!tpu.dma_semaphore, #tpu.memory_space<semaphore_mem>>) src(%dma_wait3A_357 : memref<128x8xf32, #tpu.memory_space<vmem>>) dst(%dma_wait3A_362 : memref<100352x8xf32, #tpu.memory_space<vmem_shared>>)
    %dma_wait3A_363 = arith.constant 1024 : i32
    %dma_wait3A_364 = arith.constant 0 : i32
    %dma_wait3A_365 = tpu.memref_slice %arg9[%dma_wait3A_363, %dma_wait3A_364] : memref<2048x8xf32, #tpu.memory_space<vmem>> -> memref<128x8xf32, #tpu.memory_space<vmem>>
    %dma_wait3A_366 = arith.constant 1024 : i32
    %dma_wait3A_367 = tpu.memref_slice %arg8[%dma_wait3A_366] : memref<2048xi32, #tpu.memory_space<vmem>> -> memref<128xi32, #tpu.memory_space<vmem>>
    %dma_wait3A_368 = arith.constant 0 : i32
    %dma_wait3A_369 = arith.constant 0 : i32
    %dma_wait3A_370 = tpu.memref_slice %arg11[%dma_wait3A_368, %dma_wait3A_369] : memref<100352x8xf32, #tpu.memory_space<vmem_shared>> -> memref<100352x8xf32, #tpu.memory_space<vmem_shared>>
    tpu.wait_indirect_dma semaphore(%arg13 : memref<!tpu.dma_semaphore, #tpu.memory_space<semaphore_mem>>) src(%dma_wait3A_365 : memref<128x8xf32, #tpu.memory_space<vmem>>) dst(%dma_wait3A_370 : memref<100352x8xf32, #tpu.memory_space<vmem_shared>>)
    %dma_wait3A_371 = arith.constant 1152 : i32
    %dma_wait3A_372 = arith.constant 0 : i32
    %dma_wait3A_373 = tpu.memref_slice %arg9[%dma_wait3A_371, %dma_wait3A_372] : memref<2048x8xf32, #tpu.memory_space<vmem>> -> memref<128x8xf32, #tpu.memory_space<vmem>>
    %dma_wait3A_374 = arith.constant 1152 : i32
    %dma_wait3A_375 = tpu.memref_slice %arg8[%dma_wait3A_374] : memref<2048xi32, #tpu.memory_space<vmem>> -> memref<128xi32, #tpu.memory_space<vmem>>
    %dma_wait3A_376 = arith.constant 0 : i32
    %dma_wait3A_377 = arith.constant 0 : i32
    %dma_wait3A_378 = tpu.memref_slice %arg11[%dma_wait3A_376, %dma_wait3A_377] : memref<100352x8xf32, #tpu.memory_space<vmem_shared>> -> memref<100352x8xf32, #tpu.memory_space<vmem_shared>>
    tpu.wait_indirect_dma semaphore(%arg13 : memref<!tpu.dma_semaphore, #tpu.memory_space<semaphore_mem>>) src(%dma_wait3A_373 : memref<128x8xf32, #tpu.memory_space<vmem>>) dst(%dma_wait3A_378 : memref<100352x8xf32, #tpu.memory_space<vmem_shared>>)
    %dma_wait3A_379 = arith.constant 1280 : i32
    %dma_wait3A_380 = arith.constant 0 : i32
    %dma_wait3A_381 = tpu.memref_slice %arg9[%dma_wait3A_379, %dma_wait3A_380] : memref<2048x8xf32, #tpu.memory_space<vmem>> -> memref<64x8xf32, #tpu.memory_space<vmem>>
    %dma_wait3A_382 = arith.constant 1280 : i32
    %dma_wait3A_383 = tpu.memref_slice %arg8[%dma_wait3A_382] : memref<2048xi32, #tpu.memory_space<vmem>> -> memref<64xi32, #tpu.memory_space<vmem>>
    %dma_wait3A_384 = arith.constant 0 : i32
    %dma_wait3A_385 = arith.constant 0 : i32
    %dma_wait3A_386 = tpu.memref_slice %arg11[%dma_wait3A_384, %dma_wait3A_385] : memref<100352x8xf32, #tpu.memory_space<vmem_shared>> -> memref<100352x8xf32, #tpu.memory_space<vmem_shared>>
    tpu.wait_indirect_dma semaphore(%arg13 : memref<!tpu.dma_semaphore, #tpu.memory_space<semaphore_mem>>) src(%dma_wait3A_381 : memref<64x8xf32, #tpu.memory_space<vmem>>) dst(%dma_wait3A_386 : memref<100352x8xf32, #tpu.memory_space<vmem_shared>>)
    %barrier3A_387 = arith.constant 0 : index
    tpu.barrier barrier_id(%barrier3A_387)
    "tpu.region"() ({
      %run_scoped3A = tpu.sem_alloc : memref<!tpu.dma_semaphore, #tpu.memory_space<semaphore_mem>>
      %dma_start3A_388 = arith.constant 0 : i32
      %dma_start3A_389 = tpu.memref_slice %arg6[%arg0, %mul3A_2, %dma_start3A_388] : memref<2x100352x8xf32, #tpu.memory_space<hbm>> -> memref<1x6272x8xf32, #tpu.memory_space<hbm>>
      %dma_start3A_390 = tpu.memref_squeeze %dma_start3A_389 : memref<1x6272x8xf32, #tpu.memory_space<hbm>> -> memref<6272x8xf32, #tpu.memory_space<hbm>>
      %dma_start3A_391 = arith.constant 0 : i32
      %dma_start3A_392 = tpu.memref_slice %arg11[%mul3A_2, %dma_start3A_391] : memref<100352x8xf32, #tpu.memory_space<vmem_shared>> -> memref<6272x8xf32, #tpu.memory_space<vmem_shared>>
      tpu.enqueue_dma source(%dma_start3A_392 : memref<6272x8xf32, #tpu.memory_space<vmem_shared>>) target(%dma_start3A_390 : memref<6272x8xf32, #tpu.memory_space<hbm>>) target_semaphore(%run_scoped3A : memref<!tpu.dma_semaphore, #tpu.memory_space<semaphore_mem>>)
      %dma_wait3A_393 = arith.constant 0 : i32
      %dma_wait3A_394 = tpu.memref_slice %arg6[%arg0, %mul3A_2, %dma_wait3A_393] : memref<2x100352x8xf32, #tpu.memory_space<hbm>> -> memref<1x6272x8xf32, #tpu.memory_space<hbm>>
      %dma_wait3A_395 = tpu.memref_squeeze %dma_wait3A_394 : memref<1x6272x8xf32, #tpu.memory_space<hbm>> -> memref<6272x8xf32, #tpu.memory_space<hbm>>
      %dma_wait3A_396 = arith.constant 0 : i32
      %dma_wait3A_397 = tpu.memref_slice %arg11[%mul3A_2, %dma_wait3A_396] : memref<100352x8xf32, #tpu.memory_space<vmem_shared>> -> memref<6272x8xf32, #tpu.memory_space<vmem_shared>>
      tpu.wait_dma2 semaphore(%run_scoped3A : memref<!tpu.dma_semaphore, #tpu.memory_space<semaphore_mem>>) src(%dma_wait3A_397 : memref<6272x8xf32, #tpu.memory_space<vmem_shared>>) dst(%dma_wait3A_395 : memref<6272x8xf32, #tpu.memory_space<hbm>>)
      tpu.yield
    }) : () -> ()
    return
  }
}

module attributes {stable_mosaic.version = 14 : i64} {
  func.func @_tc1_body(%arg0: i32, %arg1: memref<2x2048xf32, #tpu.memory_space<vmem>>, %arg2: memref<3x2048xf32, #tpu.memory_space<vmem>>, %arg3: memref<8x3xf32, #tpu.memory_space<vmem>>, %arg4: memref<8x2048xf32, #tpu.memory_space<vmem>>, %arg5: memref<8x2048xf32, #tpu.memory_space<vmem>>) attributes {dimension_semantics = [#tpu.dimension_semantics<arbitrary>], iteration_bounds = array<i64: 49>, scalar_prefetch = 0 : i64, scratch_operands = 0 : i64, tpu.core_type = #tpu.core_type<tc>, window_params = [{transform_indices = @transform_0, window_bounds = array<i64: 2, 2048>}, {transform_indices = @transform_1, window_bounds = array<i64: 3, 2048>}, {pipeline_mode = #tpu.pipeline_mode<synchronous>, transform_indices = @transform_2, window_bounds = array<i64: 8, 3>}, {transform_indices = @transform_3, window_bounds = array<i64: 8, 2048>}, {transform_indices = @transform_4, window_bounds = array<i64: 8, 2048>}]} {
    %get3A = arith.constant 0 : index
    %get3A_0 = arith.constant 0 : index
    %get3A_1 = vector.load %arg1[%get3A, %get3A_0] : memref<2x2048xf32, #tpu.memory_space<vmem>>, vector<1x2048xf32>
    %get3A_2 = arith.constant 1 : index
    %get3A_3 = arith.constant 0 : index
    %get3A_4 = vector.load %arg1[%get3A_2, %get3A_3] : memref<2x2048xf32, #tpu.memory_space<vmem>>, vector<1x2048xf32>
    %add3A = arith.addf %get3A_1, %get3A_4 : vector<1x2048xf32>
    %add3A_5 = arith.constant 1.000000e+00 : f32
    %add3A_6 = vector.broadcast %add3A_5 : f32 to vector<1x2048xf32>
    %add3A_7 = arith.addf %add3A, %add3A_6 : vector<1x2048xf32>
    %rsqrt3A = math.rsqrt %add3A_7 : vector<1x2048xf32>
    %get3A_8 = arith.constant 0 : index
    %get3A_9 = arith.constant 0 : index
    %get3A_10 = vector.load %arg3[%get3A_8, %get3A_9] : memref<8x3xf32, #tpu.memory_space<vmem>>, vector<8x3xf32>
    %get3A_11 = arith.constant 0 : index
    %get3A_12 = arith.constant 0 : index
    %get3A_13 = vector.load %arg2[%get3A_11, %get3A_12] : memref<3x2048xf32, #tpu.memory_space<vmem>>, vector<3x2048xf32>
    %slice3A = vector.extract_strided_slice %get3A_10 {offsets = [0, 0], sizes = [8, 1], strides = [1, 1]} : vector<8x3xf32> to vector<8x1xf32>
    %slice3A_14 = vector.extract_strided_slice %get3A_13 {offsets = [0, 0], sizes = [1, 2048], strides = [1, 1]} : vector<3x2048xf32> to vector<1x2048xf32>
    %mul3A = vector.broadcast %slice3A : vector<8x1xf32> to vector<8x2048xf32>
    %mul3A_15 = vector.broadcast %slice3A_14 : vector<1x2048xf32> to vector<8x2048xf32>
    %mul3A_16 = arith.mulf %mul3A, %mul3A_15 : vector<8x2048xf32>
    %slice3A_17 = vector.extract_strided_slice %get3A_10 {offsets = [0, 1], sizes = [8, 1], strides = [1, 1]} : vector<8x3xf32> to vector<8x1xf32>
    %slice3A_18 = vector.extract_strided_slice %get3A_13 {offsets = [1, 0], sizes = [1, 2048], strides = [1, 1]} : vector<3x2048xf32> to vector<1x2048xf32>
    %mul3A_19 = vector.broadcast %slice3A_17 : vector<8x1xf32> to vector<8x2048xf32>
    %mul3A_20 = vector.broadcast %slice3A_18 : vector<1x2048xf32> to vector<8x2048xf32>
    %mul3A_21 = arith.mulf %mul3A_19, %mul3A_20 : vector<8x2048xf32>
    %add3A_22 = arith.addf %mul3A_16, %mul3A_21 : vector<8x2048xf32>
    %slice3A_23 = vector.extract_strided_slice %get3A_10 {offsets = [0, 2], sizes = [8, 1], strides = [1, 1]} : vector<8x3xf32> to vector<8x1xf32>
    %slice3A_24 = vector.extract_strided_slice %get3A_13 {offsets = [2, 0], sizes = [1, 2048], strides = [1, 1]} : vector<3x2048xf32> to vector<1x2048xf32>
    %mul3A_25 = vector.broadcast %slice3A_23 : vector<8x1xf32> to vector<8x2048xf32>
    %mul3A_26 = vector.broadcast %slice3A_24 : vector<1x2048xf32> to vector<8x2048xf32>
    %mul3A_27 = arith.mulf %mul3A_25, %mul3A_26 : vector<8x2048xf32>
    %add3A_28 = arith.addf %add3A_22, %mul3A_27 : vector<8x2048xf32>
    %swap3A = arith.constant 0 : index
    %swap3A_29 = arith.constant 0 : index
    %swap3A_30 = vector.load %arg4[%swap3A, %swap3A_29] : memref<8x2048xf32, #tpu.memory_space<vmem>>, vector<8x2048xf32>
    tpu.vector_store %arg4[%swap3A, %swap3A_29], %add3A_28 {strides = array<i32>} : memref<8x2048xf32, #tpu.memory_space<vmem>>, vector<8x2048xf32>,
    %mul3A_31 = vector.broadcast %rsqrt3A : vector<1x2048xf32> to vector<8x2048xf32>
    %mul3A_32 = arith.mulf %mul3A_31, %add3A_28 : vector<8x2048xf32>
    %swap3A_33 = arith.constant 0 : index
    %swap3A_34 = arith.constant 0 : index
    %swap3A_35 = vector.load %arg5[%swap3A_33, %swap3A_34] : memref<8x2048xf32, #tpu.memory_space<vmem>>, vector<8x2048xf32>
    tpu.vector_store %arg5[%swap3A_33, %swap3A_34], %mul3A_32 {strides = array<i32>} : memref<8x2048xf32, #tpu.memory_space<vmem>>, vector<8x2048xf32>,
    return
  }
  func.func @transform_0(%arg0: i32) -> (i32, i32) {
    %c0_i32 = arith.constant 0 : i32
    %c0_i32_0 = arith.constant 0 : i32
    return %c0_i32, %arg0 : i32, i32
  }
  func.func @transform_1(%arg0: i32) -> (i32, i32) {
    %c0_i32 = arith.constant 0 : i32
    %c0_i32_0 = arith.constant 0 : i32
    return %c0_i32, %arg0 : i32, i32
  }
  func.func @transform_2(%arg0: i32) -> (i32, i32) {
    %c0_i32 = arith.constant 0 : i32
    %c0_i32_0 = arith.constant 0 : i32
    %c0_i32_1 = arith.constant 0 : i32
    return %c0_i32, %c0_i32_0 : i32, i32
  }
  func.func @transform_3(%arg0: i32) -> (i32, i32) {
    %c0_i32 = arith.constant 0 : i32
    %c0_i32_0 = arith.constant 0 : i32
    return %c0_i32, %arg0 : i32, i32
  }
  func.func @transform_4(%arg0: i32) -> (i32, i32) {
    %c0_i32 = arith.constant 0 : i32
    %c0_i32_0 = arith.constant 0 : i32
    return %c0_i32, %arg0 : i32, i32
  }
}

module attributes {stable_mosaic.version = 14 : i64} {
  func.func @_tc2_body(%arg0: i32, %arg1: memref<2x8x2048xf32, #tpu.memory_space<vmem>>, %arg2: memref<2x2048xf32, #tpu.memory_space<vmem>>, %arg3: memref<8x2048xf32, #tpu.memory_space<vmem>>, %arg4: memref<2x8xf32, #tpu.memory_space<vmem>>, %arg5: memref<8x1xf32, #tpu.memory_space<vmem>>, %arg6: memref<2x2048xf32, #tpu.memory_space<vmem>>, %arg7: memref<8x2048xf32, #tpu.memory_space<vmem>>) attributes {dimension_semantics = [#tpu.dimension_semantics<arbitrary>], iteration_bounds = array<i64: 49>, scalar_prefetch = 0 : i64, scratch_operands = 0 : i64, tpu.core_type = #tpu.core_type<tc>, window_params = [{transform_indices = @transform_0, window_bounds = array<i64: 2, 8, 2048>}, {transform_indices = @transform_1, window_bounds = array<i64: 2, 2048>}, {transform_indices = @transform_2, window_bounds = array<i64: 8, 2048>}, {pipeline_mode = #tpu.pipeline_mode<synchronous>, transform_indices = @transform_3, window_bounds = array<i64: 2, 8>}, {pipeline_mode = #tpu.pipeline_mode<synchronous>, transform_indices = @transform_4, window_bounds = array<i64: 8, 1>}, {transform_indices = @transform_5, window_bounds = array<i64: 2, 2048>}, {transform_indices = @transform_6, window_bounds = array<i64: 8, 2048>}]} {
    %get3A = arith.constant 0 : index
    %get3A_0 = arith.constant 0 : index
    %get3A_1 = vector.load %arg2[%get3A, %get3A_0] : memref<2x2048xf32, #tpu.memory_space<vmem>>, vector<1x2048xf32>
    %get3A_2 = arith.constant 1 : index
    %get3A_3 = arith.constant 0 : index
    %get3A_4 = vector.load %arg2[%get3A_2, %get3A_3] : memref<2x2048xf32, #tpu.memory_space<vmem>>, vector<1x2048xf32>
    %add3A = arith.addf %get3A_1, %get3A_4 : vector<1x2048xf32>
    %add3A_5 = arith.constant 1.000000e+00 : f32
    %add3A_6 = vector.broadcast %add3A_5 : f32 to vector<1x2048xf32>
    %add3A_7 = arith.addf %add3A, %add3A_6 : vector<1x2048xf32>
    %rsqrt3A = math.rsqrt %add3A_7 : vector<1x2048xf32>
    %get3A_8 = arith.constant 0 : index
    %get3A_9 = arith.constant 0 : index
    %get3A_10 = arith.constant 0 : index
    %get3A_11 = vector.load %arg1[%get3A_8, %get3A_9, %get3A_10] : memref<2x8x2048xf32, #tpu.memory_space<vmem>>, vector<1x8x2048xf32>
    %get3A_12 = vector.shape_cast %get3A_11 : vector<1x8x2048xf32> to vector<8x2048xf32>
    %get3A_13 = arith.constant 1 : index
    %get3A_14 = arith.constant 0 : index
    %get3A_15 = arith.constant 0 : index
    %get3A_16 = vector.load %arg1[%get3A_13, %get3A_14, %get3A_15] : memref<2x8x2048xf32, #tpu.memory_space<vmem>>, vector<1x8x2048xf32>
    %get3A_17 = vector.shape_cast %get3A_16 : vector<1x8x2048xf32> to vector<8x2048xf32>
    %add3A_18 = arith.addf %get3A_12, %get3A_17 : vector<8x2048xf32>
    %mul3A = vector.broadcast %rsqrt3A : vector<1x2048xf32> to vector<8x2048xf32>
    %mul3A_19 = arith.mulf %mul3A, %add3A_18 : vector<8x2048xf32>
    %mul3A_20 = arith.mulf %rsqrt3A, %rsqrt3A : vector<1x2048xf32>
    %get3A_21 = arith.constant 0 : index
    %get3A_22 = arith.constant 0 : index
    %get3A_23 = vector.load %arg3[%get3A_21, %get3A_22] : memref<8x2048xf32, #tpu.memory_space<vmem>>, vector<8x2048xf32>
    %mul3A_24 = vector.broadcast %mul3A_20 : vector<1x2048xf32> to vector<8x2048xf32>
    %mul3A_25 = arith.mulf %mul3A_24, %get3A_23 : vector<8x2048xf32>
    %add3A_26 = arith.addf %mul3A_19, %mul3A_25 : vector<8x2048xf32>
    %get3A_27 = arith.constant 0 : index
    %get3A_28 = arith.constant 0 : index
    %get3A_29 = vector.load %arg5[%get3A_27, %get3A_28] : memref<8x1xf32, #tpu.memory_space<vmem>>, vector<8x1xf32>
    %add3A_30 = vector.broadcast %get3A_29 : vector<8x1xf32> to vector<8x2048xf32>
    %add3A_31 = arith.addf %add3A_26, %add3A_30 : vector<8x2048xf32>
    %max3A = arith.constant 0.000000e+00 : f32
    %max3A_32 = vector.broadcast %max3A : f32 to vector<8x2048xf32>
    %max3A_33 = arith.maximumf %add3A_31, %max3A_32 : vector<8x2048xf32>
    %get3A_34 = arith.constant 0 : index
    %get3A_35 = arith.constant 0 : index
    %get3A_36 = vector.load %arg4[%get3A_34, %get3A_35] : memref<2x8xf32, #tpu.memory_space<vmem>>, vector<2x8xf32>
    %slice3A = vector.extract_strided_slice %get3A_36 {offsets = [0, 0], sizes = [2, 1], strides = [1, 1]} : vector<2x8xf32> to vector<2x1xf32>
    %slice3A_37 = vector.extract_strided_slice %max3A_33 {offsets = [0, 0], sizes = [1, 2048], strides = [1, 1]} : vector<8x2048xf32> to vector<1x2048xf32>
    %mul3A_38 = vector.broadcast %slice3A : vector<2x1xf32> to vector<2x2048xf32>
    %mul3A_39 = vector.broadcast %slice3A_37 : vector<1x2048xf32> to vector<2x2048xf32>
    %mul3A_40 = arith.mulf %mul3A_38, %mul3A_39 : vector<2x2048xf32>
    %slice3A_41 = vector.extract_strided_slice %get3A_36 {offsets = [0, 1], sizes = [2, 1], strides = [1, 1]} : vector<2x8xf32> to vector<2x1xf32>
    %slice3A_42 = vector.extract_strided_slice %max3A_33 {offsets = [1, 0], sizes = [1, 2048], strides = [1, 1]} : vector<8x2048xf32> to vector<1x2048xf32>
    %mul3A_43 = vector.broadcast %slice3A_41 : vector<2x1xf32> to vector<2x2048xf32>
    %mul3A_44 = vector.broadcast %slice3A_42 : vector<1x2048xf32> to vector<2x2048xf32>
    %mul3A_45 = arith.mulf %mul3A_43, %mul3A_44 : vector<2x2048xf32>
    %add3A_46 = arith.addf %mul3A_40, %mul3A_45 : vector<2x2048xf32>
    %slice3A_47 = vector.extract_strided_slice %get3A_36 {offsets = [0, 2], sizes = [2, 1], strides = [1, 1]} : vector<2x8xf32> to vector<2x1xf32>
    %slice3A_48 = vector.extract_strided_slice %max3A_33 {offsets = [2, 0], sizes = [1, 2048], strides = [1, 1]} : vector<8x2048xf32> to vector<1x2048xf32>
    %mul3A_49 = vector.broadcast %slice3A_47 : vector<2x1xf32> to vector<2x2048xf32>
    %mul3A_50 = vector.broadcast %slice3A_48 : vector<1x2048xf32> to vector<2x2048xf32>
    %mul3A_51 = arith.mulf %mul3A_49, %mul3A_50 : vector<2x2048xf32>
    %add3A_52 = arith.addf %add3A_46, %mul3A_51 : vector<2x2048xf32>
    %slice3A_53 = vector.extract_strided_slice %get3A_36 {offsets = [0, 3], sizes = [2, 1], strides = [1, 1]} : vector<2x8xf32> to vector<2x1xf32>
    %slice3A_54 = vector.extract_strided_slice %max3A_33 {offsets = [3, 0], sizes = [1, 2048], strides = [1, 1]} : vector<8x2048xf32> to vector<1x2048xf32>
    %mul3A_55 = vector.broadcast %slice3A_53 : vector<2x1xf32> to vector<2x2048xf32>
    %mul3A_56 = vector.broadcast %slice3A_54 : vector<1x2048xf32> to vector<2x2048xf32>
    %mul3A_57 = arith.mulf %mul3A_55, %mul3A_56 : vector<2x2048xf32>
    %add3A_58 = arith.addf %add3A_52, %mul3A_57 : vector<2x2048xf32>
    %slice3A_59 = vector.extract_strided_slice %get3A_36 {offsets = [0, 4], sizes = [2, 1], strides = [1, 1]} : vector<2x8xf32> to vector<2x1xf32>
    %slice3A_60 = vector.extract_strided_slice %max3A_33 {offsets = [4, 0], sizes = [1, 2048], strides = [1, 1]} : vector<8x2048xf32> to vector<1x2048xf32>
    %mul3A_61 = vector.broadcast %slice3A_59 : vector<2x1xf32> to vector<2x2048xf32>
    %mul3A_62 = vector.broadcast %slice3A_60 : vector<1x2048xf32> to vector<2x2048xf32>
    %mul3A_63 = arith.mulf %mul3A_61, %mul3A_62 : vector<2x2048xf32>
    %add3A_64 = arith.addf %add3A_58, %mul3A_63 : vector<2x2048xf32>
    %slice3A_65 = vector.extract_strided_slice %get3A_36 {offsets = [0, 5], sizes = [2, 1], strides = [1, 1]} : vector<2x8xf32> to vector<2x1xf32>
    %slice3A_66 = vector.extract_strided_slice %max3A_33 {offsets = [5, 0], sizes = [1, 2048], strides = [1, 1]} : vector<8x2048xf32> to vector<1x2048xf32>
    %mul3A_67 = vector.broadcast %slice3A_65 : vector<2x1xf32> to vector<2x2048xf32>
    %mul3A_68 = vector.broadcast %slice3A_66 : vector<1x2048xf32> to vector<2x2048xf32>
    %mul3A_69 = arith.mulf %mul3A_67, %mul3A_68 : vector<2x2048xf32>
    %add3A_70 = arith.addf %add3A_64, %mul3A_69 : vector<2x2048xf32>
    %slice3A_71 = vector.extract_strided_slice %get3A_36 {offsets = [0, 6], sizes = [2, 1], strides = [1, 1]} : vector<2x8xf32> to vector<2x1xf32>
    %slice3A_72 = vector.extract_strided_slice %max3A_33 {offsets = [6, 0], sizes = [1, 2048], strides = [1, 1]} : vector<8x2048xf32> to vector<1x2048xf32>
    %mul3A_73 = vector.broadcast %slice3A_71 : vector<2x1xf32> to vector<2x2048xf32>
    %mul3A_74 = vector.broadcast %slice3A_72 : vector<1x2048xf32> to vector<2x2048xf32>
    %mul3A_75 = arith.mulf %mul3A_73, %mul3A_74 : vector<2x2048xf32>
    %add3A_76 = arith.addf %add3A_70, %mul3A_75 : vector<2x2048xf32>
    %slice3A_77 = vector.extract_strided_slice %get3A_36 {offsets = [0, 7], sizes = [2, 1], strides = [1, 1]} : vector<2x8xf32> to vector<2x1xf32>
    %slice3A_78 = vector.extract_strided_slice %max3A_33 {offsets = [7, 0], sizes = [1, 2048], strides = [1, 1]} : vector<8x2048xf32> to vector<1x2048xf32>
    %mul3A_79 = vector.broadcast %slice3A_77 : vector<2x1xf32> to vector<2x2048xf32>
    %mul3A_80 = vector.broadcast %slice3A_78 : vector<1x2048xf32> to vector<2x2048xf32>
    %mul3A_81 = arith.mulf %mul3A_79, %mul3A_80 : vector<2x2048xf32>
    %add3A_82 = arith.addf %add3A_76, %mul3A_81 : vector<2x2048xf32>
    %swap3A = arith.constant 0 : index
    %swap3A_83 = arith.constant 0 : index
    %swap3A_84 = vector.load %arg6[%swap3A, %swap3A_83] : memref<2x2048xf32, #tpu.memory_space<vmem>>, vector<2x2048xf32>
    tpu.vector_store %arg6[%swap3A, %swap3A_83], %add3A_82 {strides = array<i32>} : memref<2x2048xf32, #tpu.memory_space<vmem>>, vector<2x2048xf32>,
    %mul3A_85 = vector.broadcast %rsqrt3A : vector<1x2048xf32> to vector<2x2048xf32>
    %mul3A_86 = arith.mulf %mul3A_85, %add3A_82 : vector<2x2048xf32>
    %broadcast_in_dim3A = arith.constant 0.000000e+00 : f32
    %broadcast_in_dim3A_87 = vector.broadcast %broadcast_in_dim3A : f32 to vector<6x2048xf32>
    %concatenate3A = tpu.concatenate %mul3A_86, %broadcast_in_dim3A_87 in 0 : vector<2x2048xf32>, vector<6x2048xf32> -> vector<8x2048xf32>
    %swap3A_88 = arith.constant 0 : index
    %swap3A_89 = arith.constant 0 : index
    %swap3A_90 = vector.load %arg7[%swap3A_88, %swap3A_89] : memref<8x2048xf32, #tpu.memory_space<vmem>>, vector<8x2048xf32>
    tpu.vector_store %arg7[%swap3A_88, %swap3A_89], %concatenate3A {strides = array<i32>} : memref<8x2048xf32, #tpu.memory_space<vmem>>, vector<8x2048xf32>,
    return
  }
  func.func @transform_0(%arg0: i32) -> (i32, i32, i32) {
    %c0_i32 = arith.constant 0 : i32
    %c0_i32_0 = arith.constant 0 : i32
    %c0_i32_1 = arith.constant 0 : i32
    return %c0_i32, %c0_i32_0, %arg0 : i32, i32, i32
  }
  func.func @transform_1(%arg0: i32) -> (i32, i32) {
    %c0_i32 = arith.constant 0 : i32
    %c0_i32_0 = arith.constant 0 : i32
    return %c0_i32, %arg0 : i32, i32
  }
  func.func @transform_2(%arg0: i32) -> (i32, i32) {
    %c0_i32 = arith.constant 0 : i32
    %c0_i32_0 = arith.constant 0 : i32
    return %c0_i32, %arg0 : i32, i32
  }
  func.func @transform_3(%arg0: i32) -> (i32, i32) {
    %c0_i32 = arith.constant 0 : i32
    %c0_i32_0 = arith.constant 0 : i32
    %c0_i32_1 = arith.constant 0 : i32
    return %c0_i32, %c0_i32_0 : i32, i32
  }
  func.func @transform_4(%arg0: i32) -> (i32, i32) {
    %c0_i32 = arith.constant 0 : i32
    %c0_i32_0 = arith.constant 0 : i32
    %c0_i32_1 = arith.constant 0 : i32
    return %c0_i32, %c0_i32_0 : i32, i32
  }
  func.func @transform_5(%arg0: i32) -> (i32, i32) {
    %c0_i32 = arith.constant 0 : i32
    %c0_i32_0 = arith.constant 0 : i32
    return %c0_i32, %arg0 : i32, i32
  }
  func.func @transform_6(%arg0: i32) -> (i32, i32) {
    %c0_i32 = arith.constant 0 : i32
    %c0_i32_0 = arith.constant 0 : i32
    return %c0_i32, %arg0 : i32, i32
  }
}

module attributes {stable_mosaic.version = 14 : i64} {
  func.func @_tc3_body(%arg0: i32, %arg1: memref<2x8x2048xf32, #tpu.memory_space<vmem>>, %arg2: memref<2x2048xf32, #tpu.memory_space<vmem>>, %arg3: memref<2x2048xf32, #tpu.memory_space<vmem>>, %arg4: memref<2x1xf32, #tpu.memory_space<vmem>>, %arg5: memref<2x2048xf32, #tpu.memory_space<vmem>>) attributes {dimension_semantics = [#tpu.dimension_semantics<arbitrary>], iteration_bounds = array<i64: 49>, scalar_prefetch = 0 : i64, scratch_operands = 0 : i64, tpu.core_type = #tpu.core_type<tc>, window_params = [{transform_indices = @transform_0, window_bounds = array<i64: 2, 8, 2048>}, {transform_indices = @transform_1, window_bounds = array<i64: 2, 2048>}, {transform_indices = @transform_2, window_bounds = array<i64: 2, 2048>}, {pipeline_mode = #tpu.pipeline_mode<synchronous>, transform_indices = @transform_3, window_bounds = array<i64: 2, 1>}, {transform_indices = @transform_4, window_bounds = array<i64: 2, 2048>}]} {
    %get3A = arith.constant 0 : index
    %get3A_0 = arith.constant 0 : index
    %get3A_1 = vector.load %arg2[%get3A, %get3A_0] : memref<2x2048xf32, #tpu.memory_space<vmem>>, vector<1x2048xf32>
    %get3A_2 = arith.constant 1 : index
    %get3A_3 = arith.constant 0 : index
    %get3A_4 = vector.load %arg2[%get3A_2, %get3A_3] : memref<2x2048xf32, #tpu.memory_space<vmem>>, vector<1x2048xf32>
    %add3A = arith.addf %get3A_1, %get3A_4 : vector<1x2048xf32>
    %add3A_5 = arith.constant 1.000000e+00 : f32
    %add3A_6 = vector.broadcast %add3A_5 : f32 to vector<1x2048xf32>
    %add3A_7 = arith.addf %add3A, %add3A_6 : vector<1x2048xf32>
    %rsqrt3A = math.rsqrt %add3A_7 : vector<1x2048xf32>
    %get3A_8 = arith.constant 0 : index
    %get3A_9 = arith.constant 0 : index
    %get3A_10 = arith.constant 0 : index
    %get3A_11 = vector.load %arg1[%get3A_8, %get3A_9, %get3A_10] : memref<2x8x2048xf32, #tpu.memory_space<vmem>>, vector<1x2x2048xf32>
    %get3A_12 = vector.shape_cast %get3A_11 : vector<1x2x2048xf32> to vector<2x2048xf32>
    %get3A_13 = arith.constant 1 : index
    %get3A_14 = arith.constant 0 : index
    %get3A_15 = arith.constant 0 : index
    %get3A_16 = vector.load %arg1[%get3A_13, %get3A_14, %get3A_15] : memref<2x8x2048xf32, #tpu.memory_space<vmem>>, vector<1x2x2048xf32>
    %get3A_17 = vector.shape_cast %get3A_16 : vector<1x2x2048xf32> to vector<2x2048xf32>
    %add3A_18 = arith.addf %get3A_12, %get3A_17 : vector<2x2048xf32>
    %mul3A = vector.broadcast %rsqrt3A : vector<1x2048xf32> to vector<2x2048xf32>
    %mul3A_19 = arith.mulf %mul3A, %add3A_18 : vector<2x2048xf32>
    %mul3A_20 = arith.mulf %rsqrt3A, %rsqrt3A : vector<1x2048xf32>
    %get3A_21 = arith.constant 0 : index
    %get3A_22 = arith.constant 0 : index
    %get3A_23 = vector.load %arg3[%get3A_21, %get3A_22] : memref<2x2048xf32, #tpu.memory_space<vmem>>, vector<2x2048xf32>
    %mul3A_24 = vector.broadcast %mul3A_20 : vector<1x2048xf32> to vector<2x2048xf32>
    %mul3A_25 = arith.mulf %mul3A_24, %get3A_23 : vector<2x2048xf32>
    %add3A_26 = arith.addf %mul3A_19, %mul3A_25 : vector<2x2048xf32>
    %get3A_27 = arith.constant 0 : index
    %get3A_28 = arith.constant 0 : index
    %get3A_29 = vector.load %arg4[%get3A_27, %get3A_28] : memref<2x1xf32, #tpu.memory_space<vmem>>, vector<2x1xf32>
    %add3A_30 = vector.broadcast %get3A_29 : vector<2x1xf32> to vector<2x2048xf32>
    %add3A_31 = arith.addf %add3A_26, %add3A_30 : vector<2x2048xf32>
    %reduce_max3A = arith.constant dense<0xFF800000> : vector<2048xf32>
    %reduce_max3A_32 = vector.multi_reduction <maximumf>, %add3A_31, %reduce_max3A [0] : vector<2x2048xf32> to vector<2048xf32>
    %broadcast_in_dim3A = vector.shape_cast %reduce_max3A_32 : vector<2048xf32> to vector<1x2048xf32>
    %sub3A = vector.broadcast %broadcast_in_dim3A : vector<1x2048xf32> to vector<2x2048xf32>
    %sub3A_33 = arith.subf %add3A_31, %sub3A : vector<2x2048xf32>
    %sub3A_34 = vector.broadcast %broadcast_in_dim3A : vector<1x2048xf32> to vector<2x2048xf32>
    %sub3A_35 = arith.subf %add3A_31, %sub3A_34 : vector<2x2048xf32>
    %exp3A = math.exp %sub3A_35 : vector<2x2048xf32>
    %reduce_sum3A = arith.constant dense<0.000000e+00> : vector<2048xf32>
    %reduce_sum3A_36 = vector.multi_reduction <add>, %exp3A, %reduce_sum3A [0] : vector<2x2048xf32> to vector<2048xf32>
    %broadcast_in_dim3A_37 = vector.shape_cast %reduce_sum3A_36 : vector<2048xf32> to vector<1x2048xf32>
    %log3A = math.log %broadcast_in_dim3A_37 : vector<1x2048xf32>
    %sub3A_38 = vector.broadcast %log3A : vector<1x2048xf32> to vector<2x2048xf32>
    %sub3A_39 = arith.subf %sub3A_33, %sub3A_38 : vector<2x2048xf32>
    %swap3A = arith.constant 0 : index
    %swap3A_40 = arith.constant 0 : index
    %swap3A_41 = vector.load %arg5[%swap3A, %swap3A_40] : memref<2x2048xf32, #tpu.memory_space<vmem>>, vector<2x2048xf32>
    tpu.vector_store %arg5[%swap3A, %swap3A_40], %sub3A_39 {strides = array<i32>} : memref<2x2048xf32, #tpu.memory_space<vmem>>, vector<2x2048xf32>,
    return
  }
  func.func @transform_0(%arg0: i32) -> (i32, i32, i32) {
    %c0_i32 = arith.constant 0 : i32
    %c0_i32_0 = arith.constant 0 : i32
    %c0_i32_1 = arith.constant 0 : i32
    return %c0_i32, %c0_i32_0, %arg0 : i32, i32, i32
  }
  func.func @transform_1(%arg0: i32) -> (i32, i32) {
    %c0_i32 = arith.constant 0 : i32
    %c0_i32_0 = arith.constant 0 : i32
    return %c0_i32, %arg0 : i32, i32
  }
  func.func @transform_2(%arg0: i32) -> (i32, i32) {
    %c0_i32 = arith.constant 0 : i32
    %c0_i32_0 = arith.constant 0 : i32
    return %c0_i32, %arg0 : i32, i32
  }
  func.func @transform_3(%arg0: i32) -> (i32, i32) {
    %c0_i32 = arith.constant 0 : i32
    %c0_i32_0 = arith.constant 0 : i32
    %c0_i32_1 = arith.constant 0 : i32
    return %c0_i32, %c0_i32_0 : i32, i32
  }
  func.func @transform_4(%arg0: i32) -> (i32, i32) {
    %c0_i32 = arith.constant 0 : i32
    %c0_i32_0 = arith.constant 0 : i32
    return %c0_i32, %arg0 : i32, i32
  }
}

</mosaic_0001>

<sc_bundles>
// kernel: kernel.11.cloned.1.call-start
scs
__scs_entry_jumppad:
0x0: {  	(pc) =	sbr.rel $0x88, $3  }
0x1: {  	(tag) =	ssettag $0x0;
	lr =	simm.s32 $0x1  }
0x2: {  	[smem:$0x3F9B] =	sst lr;
	_ =	strace $0xD0000000  }
0x3: {  	_ = 	snop  }
0x4: {  	_ = 	snop  }
0x5: {  	_ = 	snop  }
0x6: {  	_ = 	snop  }
0x7: {  	_ = 	snop  }
__scs_overlays_trampoline_lowered:
0x8: {  	[smem:$0x3FAA] =	sst s0  }
0x9: {  	[smem:$0x3FAB] =	sst s1  }
0xa: {  	[smem:$0x3FAC] =	sst s2  }
0xb: {  	[smem:$0x3FAD] =	sst s3  }
0xc: {  	[smem:$0x3FAE] =	sst s4  }
0xd: {  	[smem:$0x3FAF] =	sst s5  }
0xe: {  	[smem:$0x3FB0] =	sst s6  }
0xf: {  	[smem:$0x3FB1] =	sst s7  }
0x10: {  	[smem:$0x3FB2] =	sst s8  }
0x11: {  	[smem:$0x3FB3] =	sst s9;
	s0 =	simm.s32 @!p0 $0x0  }
0x12: {  	s1 =	sld [smem:$0x3F99];
	s0 =	simm.s32 @p0 $0x1  }
0x13: {  	[smem:$0x3FB4] =	sst s0;
	s0 =	simm.s32 @!p1 $0x0  }
0x14: {  	s2 =	sld [smem:$0x3F98];
	s0 =	simm.s32 @p1 $0x1  }
0x15: {  	[smem:$0x3FB5] =	sst s0;
	s0 =	simm.s32 @!p2 $0x0  }
0x16: {  	s3 =	sld [smem:$0x3FDB];
	s0 =	simm.s32 @p2 $0x1  }
0x17: {  	s4 =	simm.s32 $0x1BF5;
	[smem:$0x3FB7] =	sst s0  }
0x18: {  	s0 =	sld [smem:$0x3F9A];
	_ =	swait.ge [sflag:s4], $0x0  }
0x19: {  	s7 =	sld [smem:$0x3F9B]  }
0x1a: {  	s8 =	sadd.s32 $0xFFFFE003, lr  }
0x1b: {  	s9 =	sadd.s32 $0xFFFFFEF7, lr;
	s5 =	simm.s32 $0xFFFFFFFF;
	p2 =	slt.u32 s8, $0xFFFFF086  }
0x1c: {  	p1 =	slt.u32 s9, $0xF7A;
	s5 =	simm.s32 @!p2 $0x0  }
0x1d: {  	s5 =	simm.s32 @p1 $0x1;
	p0 =	seq.s32 s7, s2  }
0x1e: {  	s7 =	smul.u32 @!p0 $0xF7A, s2;
	p2 =	seq.s32 @!p0 s5, $0x0  }
0x1f: {  	s9 =	smul.u32 $0xF7A, s1;
	s8 =	simm.s32 @!p0 $0x1BF5;
	p2 =	por !p2, p0  }
0x20: {  	[sflag:s8] =	ssyncset.s32 @!p0 $0xFFFFF086;
	s6 =	sadd.s32 @!p0 s3, s7;
	s7 =	simm.s32 @!p0 $0x108  }
0x21: {  	s3 =	sadd.s32 s3, s9;
	s6 =	sadd.s32 @!p0 $0x88, s6;
	s7 =	simm.s32 @p2 $0x1082  }
0x22: {  	[simem:s7], [sflag:s8] =	dma.local @!p0 [hbm:s6], $0xF7A  }
0x23: {  	s9 =	sor.u32 $0xD0000000, s2;
	s6 =	simm.s32 $0x108;
	_ =	swait.ge @!p0 [sflag:s8], $0x0  }
0x24: {  	s3 =	sadd.s32 $0x88, s3;
	s6 =	simm.s32 @!p1 $0x1082;
	[sflag:s4] =	ssyncset.s32 $0xFFFFF086  }
0x25: {  	[simem:s6], [sflag:s4] =	dma.local [hbm:s3], $0xF7A  }
0x26: {  	[smem:$0x3F9B] =	sst s1;
	(tag) =	ssettag s2;
	_ =	strace s9  }
0x27: {  	s1 =	sld [smem:$0x3FAB]  }
0x28: {  	s2 =	sld [smem:$0x3FAC]  }
0x29: {  	s4 =	sld [smem:$0x3FAE]  }
0x2a: {  	p0 =	seq.s32 s5, $0x0;
	s5 =	sld [smem:$0x3FAF]  }
0x2b: {  	s6 =	sld [smem:$0x3FB0]  }
0x2c: {  	s7 =	sld [smem:$0x3FB1]  }
0x2d: {  	s3 =	simm.s32 $0x108;
	s8 =	sld [smem:$0x3FB2]  }
0x2e: {  	s3 =	simm.s32 @!p0 $0x1082;
	s9 =	sld [smem:$0x3FB3]  }
0x2f: {  	lr =	sadd.s32 s0, s3;
	s0 =	sld [smem:$0x3FAA]  }
0x30: {  	s3 =	sld [smem:$0x3FAD]  }
0x31: {  	[smem:$0x3FB6] =	sst s10  }
0x32: {  	s10 =	sld [smem:$0x3FB4];
	_ =	sdelay $0x3  }
0x33: {  	p0 =	seq.s32 s10, $0x1;
	s10 =	sld [smem:$0x3FB6];
	_ =	sdelay $0x3  }
0x34: {  	[smem:$0x3FB6] =	sst s10  }
0x35: {  	s10 =	sld [smem:$0x3FB5];
	_ =	sdelay $0x3  }
0x36: {  	p1 =	seq.s32 s10, $0x1;
	s10 =	sld [smem:$0x3FB6];
	_ =	sdelay $0x3  }
0x37: {  	[smem:$0x3FB6] =	sst s10  }
0x38: {  	s10 =	sld [smem:$0x3FB7]  }
0x39: {  	_ = 	snop;
	(pc) =	sbr.ind lr, $3  }
0x3a: {  	_ = 	snop  }
0x3b: {  	_ = 	snop  }
0x3c: {  	p2 =	seq.s32 s10, $0x1;
	s10 =	sld [smem:$0x3FB6]  }
0x3d: {  	_ =	shalt  }
0x3e: {  	_ =	shalt  }
0x3f: {  	_ =	shalt  }
0x40: {  	_ =	shalt  }
0x41: {  	_ =	shalt  }
0x42: {  	_ =	shalt  }
0x43: {  	_ =	shalt  }
0x44: {  	_ =	shalt  }
0x45: {  	_ =	shalt  }
0x46: {  	_ =	shalt  }
0x47: {  	_ =	shalt  }
0x48: {  	_ =	shalt  }
0x49: {  	_ =	shalt  }
0x4a: {  	_ =	shalt  }
0x4b: {  	_ =	shalt  }
0x4c: {  	_ =	shalt  }
0x4d: {  	_ =	shalt  }
0x4e: {  	_ =	shalt  }
0x4f: {  	_ =	shalt  }
0x50: {  	_ =	shalt  }
0x51: {  	_ =	shalt  }
0x52: {  	_ =	shalt  }
0x53: {  	_ =	shalt  }
0x54: {  	_ =	shalt  }
0x55: {  	_ =	shalt  }
0x56: {  	_ =	shalt  }
0x57: {  	_ =	shalt  }
0x58: {  	_ =	shalt  }
0x59: {  	_ =	shalt  }
0x5a: {  	_ =	shalt  }
0x5b: {  	_ =	shalt  }
0x5c: {  	_ =	shalt  }
0x5d: {  	_ =	shalt  }
0x5e: {  	_ =	shalt  }
0x5f: {  	_ =	shalt  }
0x60: {  	_ =	shalt  }
0x61: {  	_ =	shalt  }
0x62: {  	_ =	shalt  }
0x63: {  	_ =	shalt  }
0x64: {  	_ =	shalt  }
0x65: {  	_ =	shalt  }
0x66: {  	_ =	shalt  }
0x67: {  	_ =	shalt  }
0x68: {  	_ =	shalt  }
0x69: {  	_ =	shalt  }
0x6a: {  	_ =	shalt  }
0x6b: {  	_ =	shalt  }
0x6c: {  	_ =	shalt  }
0x6d: {  	_ =	shalt  }
0x6e: {  	_ =	shalt  }
0x6f: {  	_ =	shalt  }
0x70: {  	_ =	shalt  }
0x71: {  	_ =	shalt  }
0x72: {  	_ =	shalt  }
0x73: {  	_ =	shalt  }
0x74: {  	_ =	shalt  }
0x75: {  	_ =	shalt  }
0x76: {  	_ =	shalt  }
0x77: {  	_ =	shalt  }
0x78: {  	_ =	shalt  }
0x79: {  	_ =	shalt  }
0x7a: {  	_ =	shalt  }
0x7b: {  	_ =	shalt  }
0x7c: {  	_ =	shalt  }
0x7d: {  	_ =	shalt  }
0x7e: {  	_ =	shalt  }
0x7f: {  	_ =	shalt  }
0x80: {  	_ =	shalt  }
0x81: {  	_ =	shalt  }
0x82: {  	_ =	shalt  }
0x83: {  	_ =	shalt  }
0x84: {  	_ =	shalt  }
0x85: {  	_ =	shalt  }
0x86: {  	_ =	shalt  }
0x87: {  	_ =	shalt  }
.Lfunc_end0:
.L_simem_size_0:
called_computation.1_lowered:
.L_overlay_start_0:
0x88: {  	s2 =	sld [smem:$0x3FD9]  }
0x89: {  	s3 =	sld [smem:$0x3FFE];
	_ =	sdelay $0x1  }
0x8a: {  	s1 =	srdreg.scid  }
0x8b: {  	s0 =	sand.u32 $0x1, s1  }
0x8c: {  	s17 =	sshll.u32 s0, $0xA;
	s2 =	sadd.s32 s3, s2  }
0x8d: {  	s2 =	sadd.s32 s2, s17  }
0x8e: {  	[smem:$0x3FC2] =	sst s2  }
0x8f: {  	_ = 	snop  }
0x90: {  	s2 =	sld [smem:$0x3FD0];
	(tm) =	ssettm $0x1  }
0x91: {  	s18 =	sld [smem:$0x3FFB];
	_ =	sdelay $0x3  }
0x92: {  	_ =	strace s18  }
0x93: {  	s3 =	sld [smem:$0x3FFC];
	_ =	sdelay $0x3  }
0x94: {  	_ =	strace s3  }
0x95: {  	s3 =	sld [smem:$0x3FFD];
	_ =	sdelay $0x3  }
0x96: {  	_ =	strace s3  }
0x97: {  	_ =	strace $0x8FFFFFFF  }
0x98: {  	s19 =	sld [smem:$0x3FDB];
	_ =	sdelay $0x1  }
0x99: {  	s4 =	simm.s32 $_scs_section_size  }
0x9a: {  	s5 =	simm.s32 $_size__tile_overlayer_lowered;
	s6 =	simm.s32 $_tile_overlayer_lowered  }
0x9b: {  	s22 =	simm.s32 $0x1BFF;
	s21 =	sshll.u32 s6, $0x1;
	s3 =	sadd.s32 s4, s19  }
0x9c: {  	s7 =	simm.s32 $0x0;
	s20 =	sshll.u32 s5, $0x1;
	s5 =	sadd.s32 s21, s3  }
0x9d: {  	[timem:s7], [sflag:s22] =	dma.local [hbm:s5], s20  }
0x9e: {  	_ =	swait.ge [sflag:s22], s20  }
0x9f: {  	s4 =	ssub.s32 $0x0, s20;
	[sflag:s22] =	ssyncset.done $0x0  }
0xa0: {  	[sflag:s22] =	ssyncadd.s32 s4;
	_ =	sdelay $0x1  }
0xa1: {  	s23 =	simm.s32 $0x1B8B  }
0xa2: {  	_ =	swait.ge [sflag:s23], $0x1  }
0xa3: {  	[sflag:s23] =	ssyncset.done $0x0  }
0xa4: {  	s25 =	simm.s32 $0x1B8E;
	s24 =	sld [smem:$0x3FFE];
	[sflag:s23] =	ssyncadd.s32 $0xFFFFFFFF  }
0xa5: {  	s26 =	simm.s32 $execute0_lowered;
	[smem:$0x3FD2] =	sst s25  }
0xa6: {  	s5 =	sshll.u32 s26, $0x1;
	_ =	strace $0x80000049;
	[dreg:$0x1] =	wrdreg $0xFFFFFFFF  }
0xa7: {  	s28 =	simm.s32 $_size_execute0_lowered;
	s3 =	sadd.s32 s3, s5;
	[dreg:$0x0] =	wrdreg $0x0  }
0xa8: {  	s5 =	sshll.u32 s28, $0x1;
	[dreg:$0x2] =	wrdreg s3  }
0xa9: {  	[dreg:$0x3] =	wrdreg s5  }
0xaa: {  	[dreg:$0x4] =	wrdreg $0xC0  }
0xab: {  	_ =	task [dreg:s7], $0x5FFFF  }
0xac: {  	[dreg:$0x1] =	wrdreg $0xFFFFFFFF  }
0xad: {  	[dreg:$0x0] =	wrdreg $0x60  }
0xae: {  	[dreg:$0x2] =	wrdreg s24  }
0xaf: {  	[dreg:$0x3] =	wrdreg s2  }
0xb0: {  	[dreg:$0x4] =	wrdreg $0x114000  }
0xb1: {  	[dreg:$0x5] =	wrdreg $0x50000  }
0xb2: {  	[dreg:$0x6] =	wrdreg $0x9  }
0xb3: {  	_ =	task.clear_ibuf [dreg:s7], $0x7FFFF;
	_ =	strace $0x90000049  }
0xb4: {  	s29 =	simm.s32 $0x9;
	_ =	strace $0x8000004B  }
0xb5: {  	_ =	swait.ge [sflag:s29], $0x1  }
0xb6: {  	[sflag:s29] =	ssyncadd.s32 $0xFFFFFFFF  }
0xb7: {  	_ =	strace $0x9000004B  }
0xb8: {  	_ =	sfence  }
0xb9: {  	s30 =	sld [smem:$0x0];
	_ =	sdelay $0x2  }
0xba: {  	s31 =	sshll.u32 s1, $0xD;
	s1 =	sshrl.u32 s1, $0x2  }
0xbb: {  	s3 =	sand.u32 $0x4000, s31;
	s1 =	sadd.s32 s1, s30  }
0xbc: {  	s0 =	sor.u32 s3, s0;
	s1 =	sshll.u32 s1, $0x11  }
0xbd: {  	s0 =	sor.u32 s1, s0  }
0xbe: {  	s0 =	sadd.s32 $0x8F2B, s0  }
0xbf: {  	[sflag:s0] =	ssyncadd.remote.s32 $0x1  }
0xc0: {  	_ =	sfence.sel $0xFFFF  }
0xc1: {  	[dreg:$0x0] =	wrdreg $0xFFFFFFFF;
	(pc) =	sbr.abs _section_cstart, $3  }
0xc2: {  	[dreg:$0x1] =	wrdreg $0xFFFFFFFF  }
0xc3: {  	_ =	task.clear_ibuf [dreg:s7], $0x2FFFF;
	_ =	strace $0x9FFFFFFF  }
0xc4: {  	(tm) =	ssettm $0x7FFFFFFF  }
0xc5: {  	_ =	shalt  }
tec
execute0_lowered:
.L_overlay_start_1:
0x0: {  	(tag) =	ssettag $0x1  }
0x1: {  	s0 =	rddreg [dreg:$0x0]  }
0x2: {  	s3 =	rddreg [dreg:$0x2]  }
0x3: {  	s4 =	rddreg [dreg:$0x3];
	s2 =	simm.s32 $0x0;
	s13 =	stileid.u32  }
0x4: {  	s1 =	srdreg.scid;
	s29 =	simm.s32 $0x3;
	s18 =	simm.s32 $0x580  }
0x5: {  	s19 =	simm.s32 $0x600;
	s20 =	simm.s32 $0x680;
	[smem:$0x7FF] =	sst s2  }
0x6: {  	s21 =	simm.s32 $0x700;
	_ =	strace $0x8000004A;
	[dreg:$0x7] =	wrdreg s18  }
0x7: {  	s22 =	simm.s32 $0x780;
	s23 =	simm.s32 $0xD80;
	[dreg:$0x8] =	wrdreg s19  }
0x8: {  	s25 =	simm.s32 $0xE00;
	s28 =	simm.s32 $0xE80;
	[dreg:$0x9] =	wrdreg s20  }
0x9: {  	s30 =	smul.u32 $0xC400, s13;
	s1 =	sand.u32 $0x1, s1;
	[dreg:$0xa] =	wrdreg s21  }
0xa: {  	s7 =	sadd.s32 $0xC5200, s0;
	s8 =	sadd.s32 $0x1C00, s0;
	[dreg:$0xb] =	wrdreg s22  }
0xb: {  	s12 =	sshll.u32 s13, $0x6;
	s6 =	smul.u32 $0xC4000, s1;
	[dreg:$0xc] =	wrdreg s23  }
0xc: {  	s9 =	sshll.u32 s1, $0x4;
	s31 =	ssub.s32 $0x2, s1;
	[dreg:$0xd] =	wrdreg s25  }
0xd: {  	s1 =	smul.u32 $0x30D400, s1;
	s24 =	sor.u32 $0x1C03, s12;
	[dreg:$0xe] =	wrdreg s28  }
0xe: {  	s22 =	simm.s32 $0x2;
	s10 =	sshrl.u32 s30, $0x3;
	s9 =	sor.u32 s13, s9  }
0xf: {  	s11 =	sshrl.u32 s31, $0x1;
	s13 =	smul.u32 $0x30D40, s13;
	s5 =	sadd.s32 s30, s3  }
0x10: {  	s2 =	sadd.s32 s30, s4;
	[dreg:$0x11] =	wrdreg s24;
	s6 =	sadd.s32 s30, s6  }
0x11: {  	s10 =	sadd.s32 s10, s0;
	s9 =	smul.u32 $0x30D40, s9;
	s26 =	sshrl.u32 s5, $0x3  }
0x12: {  	s17 =	sshrl.u32 s2, $0x3;
	s30 =	simm.s32 $0xF00;
	s5 =	simm.s32 $0xD00  }
0x13: {  	s6 =	sshrl.u32 s6, $0x3;
	s1 =	sadd.s32 s13, s1;
	[dreg:$0x18] =	wrdreg s17  }
0x14: {  	s10 =	sadd.s32 $0x310800, s10;
	s17 =	simm.s32 $0x80;
	[dreg:$0xf] =	wrdreg s30  }
0x15: {  	[dreg:$0x17] =	wrdreg s26;
	s0 =	sadd.s32 s6, s0;
	s6 =	ssub.s32 s31, s11  }
0x16: {  	s9 =	sshrl.u32 s9, $0x3;
	[dreg:$0x12] =	wrdreg s10;
	s31 =	simm.s32 $0xF80  }
0x17: {  	s1 =	sshrl.u32 s1, $0x3;
	s0 =	sadd.s32 $0x188800, s0;
	[dreg:$0x10] =	wrdreg s31  }
0x18: {  	s10 =	simm.s32 $0xB80;
	s16 =	smax.u32 s6, $0x1;
	[dreg:$0x15] =	wrdreg s0  }
0x19: {  	s9 =	sadd.s32 $0x6100, s9;
	s15 =	sadd.s32 s1, s7;
	[dreg:$0x16] =	wrdreg s16  }
0x1a: {  	s6 =	simm.s32 $0xC80;
	s14 =	sadd.s32 s7, s9;
	[dreg:$0x6] =	wrdreg s15  }
0x1b: {  	s9 =	sadd.s32 s8, s9;
	s8 =	sadd.s32 s1, s8;
	[dreg:$0x13] =	wrdreg s14  }
0x1c: {  	s16 =	simm.s32 $0x1;
	s1 =	simm.s32 $0xB00;
	[dreg:$0x14] =	wrdreg s9  }
0x1d: {  	s0 =	simm.s32 $0x0;
	[dreg:$0x5] =	wrdreg s8;
	s14 =	simm.s32 $0xC00  }
.LBB2_1:
0x1e: {  	[dreg:$0x19] =	wrdreg s0  }
0x1f: {  	s2 =	rddreg [dreg:$0x1]  }
0x20: {  	[spmem:s26], [sflag:s24] =	dma.local [hbm:s2], $0x1880  }
0x21: {  	_ =	swait.ge [sflag:s29], $0x1880  }
0x22: {  	[sflag:s29] =	ssyncset.done $0x0;
	s0 =	rddreg [dreg:$0x12]  }
0x23: {  	s7 =	rddreg [dreg:$0x18];
	[sflag:s29] =	ssyncadd.s32 $0xFFFFE780  }
0x24: {  	[spmem:s7], [sflag:s24] =	dma.local [hbm:s0], $0x1880  }
0x25: {  	_ =	swait.ge [sflag:s29], $0x1880  }
0x26: {  	[sflag:s29] =	ssyncset.done $0x0  }
0x27: {  	[sflag:s29] =	ssyncadd.s32 $0xFFFFE780  }
0x28: {  	[bflag:$0x0] =	sbarrier.arrive $0xFFFF  }
0x29: {  	s8 =	rddreg [dreg:$0x6]  }
0x2a: {  	s11 =	simm.s32 $0x0;
	s9 =	rddreg [dreg:$0x5];
	s24 =	sadd.s32 $0x0, s8  }
0x2b: {  	[tilespmem:s11], [sflag:$0x1] =	stream.linear.gather [hbm4b:s24+s11], $0x800, $0x38;
	[tilespmem:$0x1D800] =	vst v63  }
0x2c: {  	s2 =	simm.s32 $0x800;
	s12 =	sadd.s32 $0x0, s9  }
0x2d: {  	[tilespmem:s2], [sflag:$0x1] =	stream.linear.gather [hbm4b:s12+s11], $0x800, $0x38;
	[tilespmem:$0x1D800] =	vst v63  }
0x2e: {  	_ =	swait.ge [sflag:s16], $0x800  }
0x2f: {  	[sflag:s16] =	ssyncset.done $0x0  }
0x30: {  	[sflag:s16] =	ssyncadd.s32 $0xFFFFF800  }
0x31: {  	_ =	swait.ge [sflag:s16], $0x800  }
0x32: {  	[sflag:s16] =	ssyncset.done $0x0  }
0x33: {  	s19 =	simm.s32 $0x1000;
	[sflag:s16] =	ssyncadd.s32 $0xFFFFF800  }
0x34: {  	[tilespmem:s19], [sflag:$0x1] =	stream.indirect.gather [spmem:s4], $0x8, s11, s17, $0xb8;
	[tilespmem:$0x1D800] =	vst v63  }
0x35: {  	s21 =	simm.s32 $0x1400  }
0x36: {  	[tilespmem:s21], [sflag:$0x1] =	stream.indirect.gather [spmem:s4], $0x8, s17, s17, $0xb8;
	[tilespmem:$0x1D800] =	vst v63  }
0x37: {  	s23 =	simm.s32 $0x1800;
	s13 =	simm.s32 $0x100  }
0x38: {  	[tilespmem:s23], [sflag:$0x1] =	stream.indirect.gather [spmem:s4], $0x8, s13, s17, $0xb8;
	[tilespmem:$0x1D800] =	vst v63  }
0x39: {  	s25 =	simm.s32 $0x1C00;
	s15 =	simm.s32 $0x180  }
0x3a: {  	[tilespmem:s25], [sflag:$0x1] =	stream.indirect.gather [spmem:s4], $0x8, s15, s17, $0xb8;
	[tilespmem:$0x1D800] =	vst v63  }
0x3b: {  	s28 =	simm.s32 $0x2000;
	s18 =	simm.s32 $0x200  }
0x3c: {  	[tilespmem:s28], [sflag:$0x1] =	stream.indirect.gather [spmem:s4], $0x8, s18, s17, $0xb8;
	[tilespmem:$0x1D800] =	vst v63  }
0x3d: {  	s20 =	simm.s32 $0x280;
	s29 =	simm.s32 $0x2400  }
0x3e: {  	[tilespmem:s29], [sflag:$0x1] =	stream.indirect.gather [spmem:s4], $0x8, s20, s17, $0xb8;
	[tilespmem:$0x1D800] =	vst v63  }
0x3f: {  	s0 =	simm.s32 $0x2800;
	s7 =	simm.s32 $0x300  }
0x40: {  	[tilespmem:s0], [sflag:$0x1] =	stream.indirect.gather [spmem:s4], $0x8, s7, s17, $0xb8;
	[tilespmem:$0x1D800] =	vst v63  }
0x41: {  	s8 =	simm.s32 $0x2C00;
	s24 =	simm.s32 $0x380  }
0x42: {  	[tilespmem:s8], [sflag:$0x1] =	stream.indirect.gather [spmem:s4], $0x8, s24, s17, $0xb8;
	[tilespmem:$0x1D800] =	vst v63  }
0x43: {  	s26 =	simm.s32 $0x400;
	s11 =	simm.s32 $0x3000  }
0x44: {  	[tilespmem:s11], [sflag:$0x1] =	stream.indirect.gather [spmem:s4], $0x8, s26, s17, $0xb8;
	[tilespmem:$0x1D800] =	vst v63  }
0x45: {  	s30 =	simm.s32 $0x480;
	s12 =	simm.s32 $0x3400  }
0x46: {  	[tilespmem:s12], [sflag:$0x1] =	stream.indirect.gather [spmem:s4], $0x8, s30, s17, $0xb8;
	[tilespmem:$0x1D800] =	vst v63  }
0x47: {  	s9 =	simm.s32 $0x500;
	s13 =	simm.s32 $0x3800  }
0x48: {  	[tilespmem:s13], [sflag:$0x1] =	stream.indirect.gather [spmem:s4], $0x8, s9, s17, $0xb8;
	[tilespmem:$0x1D800] =	vst v63  }
0x49: {  	s31 =	rddreg [dreg:$0x7];
	s7 =	simm.s32 $0x3C00  }
0x4a: {  	[tilespmem:s7], [sflag:$0x1] =	stream.indirect.gather [spmem:s4], $0x8, s31, s17, $0xb8;
	[tilespmem:$0x1D800] =	vst v63  }
0x4b: {  	s15 =	rddreg [dreg:$0x8];
	s9 =	simm.s32 $0x4000  }
0x4c: {  	[tilespmem:s9], [sflag:$0x1] =	stream.indirect.gather [spmem:s4], $0x8, s15, s17, $0xb8;
	[tilespmem:$0x1D800] =	vst v63  }
0x4d: {  	s18 =	rddreg [dreg:$0x9];
	s20 =	simm.s32 $0x4400  }
0x4e: {  	[tilespmem:s20], [sflag:$0x1] =	stream.indirect.gather [spmem:s4], $0x8, s18, s17, $0xb8;
	[tilespmem:$0x1D800] =	vst v63  }
0x4f: {  	s30 =	rddreg [dreg:$0xa];
	s15 =	simm.s32 $0x4800  }
0x50: {  	[tilespmem:s15], [sflag:$0x1] =	stream.indirect.gather [spmem:s4], $0x8, s30, s17, $0xb8;
	[tilespmem:$0x1D800] =	vst v63  }
0x51: {  	s31 =	rddreg [dreg:$0xb];
	s18 =	simm.s32 $0x4C00  }
0x52: {  	[tilespmem:s18], [sflag:$0x1] =	stream.indirect.gather [spmem:s4], $0x8, s31, s17, $0xb8;
	[tilespmem:$0x1D800] =	vst v63  }
0x53: {  	_ =	swait.ge [sflag:s16], $0x400  }
0x54: {  	[sflag:s16] =	ssyncset.done $0x0  }
0x55: {  	[sflag:s16] =	ssyncadd.s32 $0xFFFFFC00  }
0x56: {  	_ =	swait.ge [sflag:s16], $0x400  }
0x57: {  	[sflag:s16] =	ssyncset.done $0x0  }
0x58: {  	[sflag:s16] =	ssyncadd.s32 $0xFFFFFC00  }
0x59: {  	_ =	swait.ge [sflag:s16], $0x400  }
0x5a: {  	[sflag:s16] =	ssyncset.done $0x0  }
0x5b: {  	[sflag:s16] =	ssyncadd.s32 $0xFFFFFC00  }
0x5c: {  	_ =	swait.ge [sflag:s16], $0x400  }
0x5d: {  	[sflag:s16] =	ssyncset.done $0x0  }
0x5e: {  	[sflag:s16] =	ssyncadd.s32 $0xFFFFFC00  }
0x5f: {  	_ =	swait.ge [sflag:s16], $0x400  }
0x60: {  	[sflag:s16] =	ssyncset.done $0x0  }
0x61: {  	[sflag:s16] =	ssyncadd.s32 $0xFFFFFC00  }
0x62: {  	_ =	swait.ge [sflag:s16], $0x400  }
0x63: {  	[sflag:s16] =	ssyncset.done $0x0  }
0x64: {  	[sflag:s16] =	ssyncadd.s32 $0xFFFFFC00  }
0x65: {  	_ =	swait.ge [sflag:s16], $0x400  }
0x66: {  	[sflag:s16] =	ssyncset.done $0x0  }
0x67: {  	[sflag:s16] =	ssyncadd.s32 $0xFFFFFC00  }
0x68: {  	_ =	swait.ge [sflag:s16], $0x400  }
0x69: {  	[sflag:s16] =	ssyncset.done $0x0  }
0x6a: {  	[sflag:s16] =	ssyncadd.s32 $0xFFFFFC00  }
0x6b: {  	_ =	swait.ge [sflag:s16], $0x400  }
0x6c: {  	[sflag:s16] =	ssyncset.done $0x0  }
0x6d: {  	[sflag:s16] =	ssyncadd.s32 $0xFFFFFC00  }
0x6e: {  	_ =	swait.ge [sflag:s16], $0x400  }
0x6f: {  	[sflag:s16] =	ssyncset.done $0x0  }
0x70: {  	[sflag:s16] =	ssyncadd.s32 $0xFFFFFC00  }
0x71: {  	_ =	swait.ge [sflag:s16], $0x400  }
0x72: {  	[sflag:s16] =	ssyncset.done $0x0  }
0x73: {  	[sflag:s16] =	ssyncadd.s32 $0xFFFFFC00  }
0x74: {  	_ =	swait.ge [sflag:s16], $0x400  }
0x75: {  	[sflag:s16] =	ssyncset.done $0x0  }
0x76: {  	[sflag:s16] =	ssyncadd.s32 $0xFFFFFC00  }
0x77: {  	_ =	swait.ge [sflag:s16], $0x400  }
0x78: {  	[sflag:s16] =	ssyncset.done $0x0  }
0x79: {  	[sflag:s16] =	ssyncadd.s32 $0xFFFFFC00  }
0x7a: {  	_ =	swait.ge [sflag:s16], $0x400  }
0x7b: {  	[sflag:s16] =	ssyncset.done $0x0  }
0x7c: {  	[sflag:s16] =	ssyncadd.s32 $0xFFFFFC00  }
0x7d: {  	_ =	swait.ge [sflag:s16], $0x400  }
0x7e: {  	[sflag:s16] =	ssyncset.done $0x0  }
0x7f: {  	[sflag:s16] =	ssyncadd.s32 $0xFFFFFC00  }
0x80: {  	_ =	swait.ge [sflag:s16], $0x400  }
0x81: {  	[sflag:s16] =	ssyncset.done $0x0  }
0x82: {  	[sflag:s16] =	ssyncadd.s32 $0xFFFFFC00  }
0x83: {  	[spmem:s3] =	stream.indirect.scatter.add.f32 [tilespmem:s19], [sflag:$0x2], $0x8, s2, s17, $0xb8;
	[tilespmem:$0x1D800] =	vst v63  }
0x84: {  	s26 =	simm.s32 $0x880  }
0x85: {  	[spmem:s3] =	stream.indirect.scatter.add.f32 [tilespmem:s21], [sflag:$0x2], $0x8, s26, s17, $0xb8;
	[tilespmem:$0x1D800] =	vst v63  }
0x86: {  	s30 =	simm.s32 $0x900  }
0x87: {  	[spmem:s3] =	stream.indirect.scatter.add.f32 [tilespmem:s23], [sflag:$0x2], $0x8, s30, s17, $0xb8;
	[tilespmem:$0x1D800] =	vst v63  }
0x88: {  	s31 =	simm.s32 $0x980  }
0x89: {  	[spmem:s3] =	stream.indirect.scatter.add.f32 [tilespmem:s25], [sflag:$0x2], $0x8, s31, s17, $0xb8;
	[tilespmem:$0x1D800] =	vst v63  }
0x8a: {  	s19 =	simm.s32 $0xA00  }
0x8b: {  	[spmem:s3] =	stream.indirect.scatter.add.f32 [tilespmem:s28], [sflag:$0x2], $0x8, s19, s17, $0xb8;
	[tilespmem:$0x1D800] =	vst v63  }
0x8c: {  	s21 =	simm.s32 $0xA80  }
0x8d: {  	[spmem:s3] =	stream.indirect.scatter.add.f32 [tilespmem:s29], [sflag:$0x2], $0x8, s21, s17, $0xb8;
	[tilespmem:$0x1D800] =	vst v63  }
0x8e: {  	_ = 	snop  }
0x8f: {  	[spmem:s3] =	stream.indirect.scatter.add.f32 [tilespmem:s0], [sflag:$0x2], $0x8, s1, s17, $0xb8;
	[tilespmem:$0x1D800] =	vst v63  }
0x90: {  	_ = 	snop  }
0x91: {  	[spmem:s3] =	stream.indirect.scatter.add.f32 [tilespmem:s8], [sflag:$0x2], $0x8, s10, s17, $0xb8;
	[tilespmem:$0x1D800] =	vst v63  }
0x92: {  	_ = 	snop  }
0x93: {  	[spmem:s3] =	stream.indirect.scatter.add.f32 [tilespmem:s11], [sflag:$0x2], $0x8, s14, s17, $0xb8;
	[tilespmem:$0x1D800] =	vst v63  }
0x94: {  	_ = 	snop  }
0x95: {  	[spmem:s3] =	stream.indirect.scatter.add.f32 [tilespmem:s12], [sflag:$0x2], $0x8, s6, s17, $0xb8;
	[tilespmem:$0x1D800] =	vst v63  }
0x96: {  	_ = 	snop  }
0x97: {  	[spmem:s3] =	stream.indirect.scatter.add.f32 [tilespmem:s13], [sflag:$0x2], $0x8, s5, s17, $0xb8;
	[tilespmem:$0x1D800] =	vst v63  }
0x98: {  	s23 =	rddreg [dreg:$0xc]  }
0x99: {  	[spmem:s3] =	stream.indirect.scatter.add.f32 [tilespmem:s7], [sflag:$0x2], $0x8, s23, s17, $0xb8;
	[tilespmem:$0x1D800] =	vst v63  }
0x9a: {  	s25 =	rddreg [dreg:$0xd]  }
0x9b: {  	[spmem:s3] =	stream.indirect.scatter.add.f32 [tilespmem:s9], [sflag:$0x2], $0x8, s25, s17, $0xb8;
	[tilespmem:$0x1D800] =	vst v63  }
0x9c: {  	s28 =	rddreg [dreg:$0xe]  }
0x9d: {  	[spmem:s3] =	stream.indirect.scatter.add.f32 [tilespmem:s20], [sflag:$0x2], $0x8, s28, s17, $0xb8;
	[tilespmem:$0x1D800] =	vst v63  }
0x9e: {  	s30 =	rddreg [dreg:$0xf]  }
0x9f: {  	[spmem:s3] =	stream.indirect.scatter.add.f32 [tilespmem:s15], [sflag:$0x2], $0x8, s30, s17, $0xb8;
	[tilespmem:$0x1D800] =	vst v63  }
0xa0: {  	s31 =	rddreg [dreg:$0x10]  }
0xa1: {  	[spmem:s3] =	stream.indirect.scatter.add.f32 [tilespmem:s18], [sflag:$0x2], $0x8, s31, s17, $0xb8;
	[tilespmem:$0x1D800] =	vst v63  }
0xa2: {  	_ =	swait.ge [sflag:s22], $0x400  }
0xa3: {  	[sflag:s22] =	ssyncset.done $0x0  }
0xa4: {  	[sflag:s22] =	ssyncadd.s32 $0xFFFFFC00  }
0xa5: {  	_ =	swait.ge [sflag:s22], $0x400  }
0xa6: {  	[sflag:s22] =	ssyncset.done $0x0  }
0xa7: {  	[sflag:s22] =	ssyncadd.s32 $0xFFFFFC00  }
0xa8: {  	_ =	swait.ge [sflag:s22], $0x400  }
0xa9: {  	[sflag:s22] =	ssyncset.done $0x0  }
0xaa: {  	[sflag:s22] =	ssyncadd.s32 $0xFFFFFC00  }
0xab: {  	_ =	swait.ge [sflag:s22], $0x400  }
0xac: {  	[sflag:s22] =	ssyncset.done $0x0  }
0xad: {  	[sflag:s22] =	ssyncadd.s32 $0xFFFFFC00  }
0xae: {  	_ =	swait.ge [sflag:s22], $0x400  }
0xaf: {  	[sflag:s22] =	ssyncset.done $0x0  }
0xb0: {  	[sflag:s22] =	ssyncadd.s32 $0xFFFFFC00  }
0xb1: {  	_ =	swait.ge [sflag:s22], $0x400  }
0xb2: {  	[sflag:s22] =	ssyncset.done $0x0  }
0xb3: {  	[sflag:s22] =	ssyncadd.s32 $0xFFFFFC00  }
0xb4: {  	_ =	swait.ge [sflag:s22], $0x400  }
0xb5: {  	[sflag:s22] =	ssyncset.done $0x0  }
0xb6: {  	[sflag:s22] =	ssyncadd.s32 $0xFFFFFC00  }
0xb7: {  	_ =	swait.ge [sflag:s22], $0x400  }
0xb8: {  	[sflag:s22] =	ssyncset.done $0x0  }
0xb9: {  	[sflag:s22] =	ssyncadd.s32 $0xFFFFFC00  }
0xba: {  	_ =	swait.ge [sflag:s22], $0x400  }
0xbb: {  	[sflag:s22] =	ssyncset.done $0x0  }
0xbc: {  	[sflag:s22] =	ssyncadd.s32 $0xFFFFFC00  }
0xbd: {  	_ =	swait.ge [sflag:s22], $0x400  }
0xbe: {  	[sflag:s22] =	ssyncset.done $0x0  }
0xbf: {  	[sflag:s22] =	ssyncadd.s32 $0xFFFFFC00  }
0xc0: {  	_ =	swait.ge [sflag:s22], $0x400  }
0xc1: {  	[sflag:s22] =	ssyncset.done $0x0  }
0xc2: {  	[sflag:s22] =	ssyncadd.s32 $0xFFFFFC00  }
0xc3: {  	_ =	swait.ge [sflag:s22], $0x400  }
0xc4: {  	[sflag:s22] =	ssyncset.done $0x0  }
0xc5: {  	[sflag:s22] =	ssyncadd.s32 $0xFFFFFC00  }
0xc6: {  	_ =	swait.ge [sflag:s22], $0x400  }
0xc7: {  	[sflag:s22] =	ssyncset.done $0x0  }
0xc8: {  	[sflag:s22] =	ssyncadd.s32 $0xFFFFFC00  }
0xc9: {  	_ =	swait.ge [sflag:s22], $0x400  }
0xca: {  	[sflag:s22] =	ssyncset.done $0x0  }
0xcb: {  	[sflag:s22] =	ssyncadd.s32 $0xFFFFFC00  }
0xcc: {  	_ =	swait.ge [sflag:s22], $0x400  }
0xcd: {  	[sflag:s22] =	ssyncset.done $0x0  }
0xce: {  	[sflag:s22] =	ssyncadd.s32 $0xFFFFFC00  }
0xcf: {  	s24 =	simm.s32 $0x100;
	_ =	swait.ge [sflag:s22], $0x400  }
0xd0: {  	s26 =	simm.s32 $0x200;
	s29 =	rddreg [dreg:$0x6];
	[sflag:s22] =	ssyncset.done $0x0  }
.LBB2_2:
0xd1: {  	[sflag:s22] =	ssyncadd.s32 $0xFFFFFC00;
	s31 =	smov.u32 s26  }
0xd2: {  	s2 =	rddreg [dreg:$0x5];
	s29 =	sadd.s32 s24, s29;
	s0 =	simm.s32 $0x0  }
0xd3: {  	[tilespmem:s0], [sflag:$0x1] =	stream.linear.gather [hbm4b:s29+s0], $0x800, $0x38;
	[tilespmem:$0x1D800] =	vst v63  }
0xd4: {  	s2 =	sadd.s32 s24, s2;
	s24 =	smov.u32 s31;
	s31 =	simm.s32 $0x800  }
0xd5: {  	[tilespmem:s31], [sflag:$0x1] =	stream.linear.gather [hbm4b:s2+s0], $0x800, $0x38;
	[tilespmem:$0x1D800] =	vst v63  }
0xd6: {  	_ =	swait.ge [sflag:s16], $0x800  }
0xd7: {  	[sflag:s16] =	ssyncset.done $0x0  }
0xd8: {  	[sflag:s16] =	ssyncadd.s32 $0xFFFFF800  }
0xd9: {  	_ =	swait.ge [sflag:s16], $0x800  }
0xda: {  	[sflag:s16] =	ssyncset.done $0x0  }
0xdb: {  	s19 =	simm.s32 $0x1000;
	[sflag:s16] =	ssyncadd.s32 $0xFFFFF800  }
0xdc: {  	[tilespmem:s19], [sflag:$0x1] =	stream.indirect.gather [spmem:s4], $0x8, s0, s17, $0xb8;
	[tilespmem:$0x1D800] =	vst v63  }
0xdd: {  	s21 =	simm.s32 $0x1400  }
0xde: {  	[tilespmem:s21], [sflag:$0x1] =	stream.indirect.gather [spmem:s4], $0x8, s17, s17, $0xb8;
	[tilespmem:$0x1D800] =	vst v63  }
0xdf: {  	s23 =	simm.s32 $0x1800;
	s30 =	simm.s32 $0x100  }
0xe0: {  	[tilespmem:s23], [sflag:$0x1] =	stream.indirect.gather [spmem:s4], $0x8, s30, s17, $0xb8;
	[tilespmem:$0x1D800] =	vst v63  }
0xe1: {  	s25 =	simm.s32 $0x1C00;
	s2 =	simm.s32 $0x180  }
0xe2: {  	[tilespmem:s25], [sflag:$0x1] =	stream.indirect.gather [spmem:s4], $0x8, s2, s17, $0xb8;
	[tilespmem:$0x1D800] =	vst v63  }
0xe3: {  	s28 =	simm.s32 $0x2000;
	s7 =	simm.s32 $0x200  }
0xe4: {  	[tilespmem:s28], [sflag:$0x1] =	stream.indirect.gather [spmem:s4], $0x8, s7, s17, $0xb8;
	[tilespmem:$0x1D800] =	vst v63  }
0xe5: {  	s8 =	simm.s32 $0x280;
	s30 =	simm.s32 $0x2400  }
0xe6: {  	[tilespmem:s30], [sflag:$0x1] =	stream.indirect.gather [spmem:s4], $0x8, s8, s17, $0xb8;
	[tilespmem:$0x1D800] =	vst v63  }
0xe7: {  	s9 =	simm.s32 $0x300;
	s0 =	simm.s32 $0x2800  }
0xe8: {  	[tilespmem:s0], [sflag:$0x1] =	stream.indirect.gather [spmem:s4], $0x8, s9, s17, $0xb8;
	[tilespmem:$0x1D800] =	vst v63  }
0xe9: {  	s11 =	simm.s32 $0x380;
	s8 =	simm.s32 $0x2C00  }
0xea: {  	[tilespmem:s8], [sflag:$0x1] =	stream.indirect.gather [spmem:s4], $0x8, s11, s17, $0xb8;
	[tilespmem:$0x1D800] =	vst v63  }
0xeb: {  	s12 =	simm.s32 $0x400;
	s11 =	simm.s32 $0x3000  }
0xec: {  	[tilespmem:s11], [sflag:$0x1] =	stream.indirect.gather [spmem:s4], $0x8, s12, s17, $0xb8;
	[tilespmem:$0x1D800] =	vst v63  }
0xed: {  	s13 =	simm.s32 $0x480;
	s12 =	simm.s32 $0x3400  }
0xee: {  	[tilespmem:s12], [sflag:$0x1] =	stream.indirect.gather [spmem:s4], $0x8, s13, s17, $0xb8;
	[tilespmem:$0x1D800] =	vst v63  }
0xef: {  	s7 =	simm.s32 $0x500;
	s13 =	simm.s32 $0x3800  }
0xf0: {  	[tilespmem:s13], [sflag:$0x1] =	stream.indirect.gather [spmem:s4], $0x8, s7, s17, $0xb8;
	[tilespmem:$0x1D800] =	vst v63  }
0xf1: {  	s15 =	rddreg [dreg:$0x7];
	s7 =	simm.s32 $0x3C00  }
0xf2: {  	[tilespmem:s7], [sflag:$0x1] =	stream.indirect.gather [spmem:s4], $0x8, s15, s17, $0xb8;
	[tilespmem:$0x1D800] =	vst v63  }
0xf3: {  	s29 =	rddreg [dreg:$0x8];
	s9 =	simm.s32 $0x4000  }
0xf4: {  	[tilespmem:s9], [sflag:$0x1] =	stream.indirect.gather [spmem:s4], $0x8, s29, s17, $0xb8;
	[tilespmem:$0x1D800] =	vst v63  }
0xf5: {  	s20 =	simm.s32 $0x4400;
	s18 =	rddreg [dreg:$0x9]  }
0xf6: {  	[tilespmem:s20], [sflag:$0x1] =	stream.indirect.gather [spmem:s4], $0x8, s18, s17, $0xb8;
	[tilespmem:$0x1D800] =	vst v63  }
0xf7: {  	s15 =	simm.s32 $0x4800;
	s29 =	rddreg [dreg:$0xa]  }
0xf8: {  	[tilespmem:s15], [sflag:$0x1] =	stream.indirect.gather [spmem:s4], $0x8, s29, s17, $0xb8;
	[tilespmem:$0x1D800] =	vst v63  }
0xf9: {  	s2 =	rddreg [dreg:$0xb];
	s18 =	simm.s32 $0x4C00  }
0xfa: {  	[tilespmem:s18], [sflag:$0x1] =	stream.indirect.gather [spmem:s4], $0x8, s2, s17, $0xb8;
	[tilespmem:$0x1D800] =	vst v63  }
0xfb: {  	_ =	swait.ge [sflag:s16], $0x400  }
0xfc: {  	[sflag:s16] =	ssyncset.done $0x0  }
0xfd: {  	[sflag:s16] =	ssyncadd.s32 $0xFFFFFC00  }
0xfe: {  	_ =	swait.ge [sflag:s16], $0x400  }
0xff: {  	[sflag:s16] =	ssyncset.done $0x0  }
0x100: {  	[sflag:s16] =	ssyncadd.s32 $0xFFFFFC00  }
0x101: {  	_ =	swait.ge [sflag:s16], $0x400  }
0x102: {  	[sflag:s16] =	ssyncset.done $0x0  }
0x103: {  	[sflag:s16] =	ssyncadd.s32 $0xFFFFFC00  }
0x104: {  	_ =	swait.ge [sflag:s16], $0x400  }
0x105: {  	[sflag:s16] =	ssyncset.done $0x0  }
0x106: {  	[sflag:s16] =	ssyncadd.s32 $0xFFFFFC00  }
0x107: {  	_ =	swait.ge [sflag:s16], $0x400  }
0x108: {  	[sflag:s16] =	ssyncset.done $0x0  }
0x109: {  	[sflag:s16] =	ssyncadd.s32 $0xFFFFFC00  }
0x10a: {  	_ =	swait.ge [sflag:s16], $0x400  }
0x10b: {  	[sflag:s16] =	ssyncset.done $0x0  }
0x10c: {  	[sflag:s16] =	ssyncadd.s32 $0xFFFFFC00  }
0x10d: {  	_ =	swait.ge [sflag:s16], $0x400  }
0x10e: {  	[sflag:s16] =	ssyncset.done $0x0  }
0x10f: {  	[sflag:s16] =	ssyncadd.s32 $0xFFFFFC00  }
0x110: {  	_ =	swait.ge [sflag:s16], $0x400  }
0x111: {  	[sflag:s16] =	ssyncset.done $0x0  }
0x112: {  	[sflag:s16] =	ssyncadd.s32 $0xFFFFFC00  }
0x113: {  	_ =	swait.ge [sflag:s16], $0x400  }
0x114: {  	[sflag:s16] =	ssyncset.done $0x0  }
0x115: {  	[sflag:s16] =	ssyncadd.s32 $0xFFFFFC00  }
0x116: {  	_ =	swait.ge [sflag:s16], $0x400  }
0x117: {  	[sflag:s16] =	ssyncset.done $0x0  }
0x118: {  	[sflag:s16] =	ssyncadd.s32 $0xFFFFFC00  }
0x119: {  	_ =	swait.ge [sflag:s16], $0x400  }
0x11a: {  	[sflag:s16] =	ssyncset.done $0x0  }
0x11b: {  	[sflag:s16] =	ssyncadd.s32 $0xFFFFFC00  }
0x11c: {  	_ =	swait.ge [sflag:s16], $0x400  }
0x11d: {  	[sflag:s16] =	ssyncset.done $0x0  }
0x11e: {  	[sflag:s16] =	ssyncadd.s32 $0xFFFFFC00  }
0x11f: {  	_ =	swait.ge [sflag:s16], $0x400  }
0x120: {  	[sflag:s16] =	ssyncset.done $0x0  }
0x121: {  	[sflag:s16] =	ssyncadd.s32 $0xFFFFFC00  }
0x122: {  	_ =	swait.ge [sflag:s16], $0x400  }
0x123: {  	[sflag:s16] =	ssyncset.done $0x0  }
0x124: {  	[sflag:s16] =	ssyncadd.s32 $0xFFFFFC00  }
0x125: {  	_ =	swait.ge [sflag:s16], $0x400  }
0x126: {  	[sflag:s16] =	ssyncset.done $0x0  }
0x127: {  	[sflag:s16] =	ssyncadd.s32 $0xFFFFFC00  }
0x128: {  	_ =	swait.ge [sflag:s16], $0x400  }
0x129: {  	[sflag:s16] =	ssyncset.done $0x0  }
0x12a: {  	[sflag:s16] =	ssyncadd.s32 $0xFFFFFC00  }
0x12b: {  	[spmem:s3] =	stream.indirect.scatter.add.f32 [tilespmem:s19], [sflag:$0x2], $0x8, s31, s17, $0xb8;
	[tilespmem:$0x1D800] =	vst v63  }
0x12c: {  	s31 =	simm.s32 $0x880  }
0x12d: {  	[spmem:s3] =	stream.indirect.scatter.add.f32 [tilespmem:s21], [sflag:$0x2], $0x8, s31, s17, $0xb8;
	[tilespmem:$0x1D800] =	vst v63  }
0x12e: {  	s19 =	simm.s32 $0x900  }
0x12f: {  	[spmem:s3] =	stream.indirect.scatter.add.f32 [tilespmem:s23], [sflag:$0x2], $0x8, s19, s17, $0xb8;
	[tilespmem:$0x1D800] =	vst v63  }
0x130: {  	s21 =	simm.s32 $0x980  }
0x131: {  	[spmem:s3] =	stream.indirect.scatter.add.f32 [tilespmem:s25], [sflag:$0x2], $0x8, s21, s17, $0xb8;
	[tilespmem:$0x1D800] =	vst v63  }
0x132: {  	s23 =	simm.s32 $0xA00  }
0x133: {  	[spmem:s3] =	stream.indirect.scatter.add.f32 [tilespmem:s28], [sflag:$0x2], $0x8, s23, s17, $0xb8;
	[tilespmem:$0x1D800] =	vst v63  }
0x134: {  	s25 =	simm.s32 $0xA80  }
0x135: {  	[spmem:s3] =	stream.indirect.scatter.add.f32 [tilespmem:s30], [sflag:$0x2], $0x8, s25, s17, $0xb8;
	[tilespmem:$0x1D800] =	vst v63  }
0x136: {  	_ = 	snop  }
0x137: {  	[spmem:s3] =	stream.indirect.scatter.add.f32 [tilespmem:s0], [sflag:$0x2], $0x8, s1, s17, $0xb8;
	[tilespmem:$0x1D800] =	vst v63  }
0x138: {  	_ = 	snop  }
0x139: {  	[spmem:s3] =	stream.indirect.scatter.add.f32 [tilespmem:s8], [sflag:$0x2], $0x8, s10, s17, $0xb8;
	[tilespmem:$0x1D800] =	vst v63  }
0x13a: {  	_ = 	snop  }
0x13b: {  	[spmem:s3] =	stream.indirect.scatter.add.f32 [tilespmem:s11], [sflag:$0x2], $0x8, s14, s17, $0xb8;
	[tilespmem:$0x1D800] =	vst v63  }
0x13c: {  	_ = 	snop  }
0x13d: {  	[spmem:s3] =	stream.indirect.scatter.add.f32 [tilespmem:s12], [sflag:$0x2], $0x8, s6, s17, $0xb8;
	[tilespmem:$0x1D800] =	vst v63  }
0x13e: {  	_ = 	snop  }
0x13f: {  	[spmem:s3] =	stream.indirect.scatter.add.f32 [tilespmem:s13], [sflag:$0x2], $0x8, s5, s17, $0xb8;
	[tilespmem:$0x1D800] =	vst v63  }
0x140: {  	s28 =	rddreg [dreg:$0xc]  }
0x141: {  	[spmem:s3] =	stream.indirect.scatter.add.f32 [tilespmem:s7], [sflag:$0x2], $0x8, s28, s17, $0xb8;
	[tilespmem:$0x1D800] =	vst v63  }
0x142: {  	s29 =	rddreg [dreg:$0xd]  }
0x143: {  	[spmem:s3] =	stream.indirect.scatter.add.f32 [tilespmem:s9], [sflag:$0x2], $0x8, s29, s17, $0xb8;
	[tilespmem:$0x1D800] =	vst v63  }
0x144: {  	s30 =	rddreg [dreg:$0xe]  }
0x145: {  	[spmem:s3] =	stream.indirect.scatter.add.f32 [tilespmem:s20], [sflag:$0x2], $0x8, s30, s17, $0xb8;
	[tilespmem:$0x1D800] =	vst v63  }
0x146: {  	s29 =	rddreg [dreg:$0xf]  }
0x147: {  	[spmem:s3] =	stream.indirect.scatter.add.f32 [tilespmem:s15], [sflag:$0x2], $0x8, s29, s17, $0xb8;
	[tilespmem:$0x1D800] =	vst v63  }
0x148: {  	s31 =	rddreg [dreg:$0x10]  }
0x149: {  	[spmem:s3] =	stream.indirect.scatter.add.f32 [tilespmem:s18], [sflag:$0x2], $0x8, s31, s17, $0xb8;
	[tilespmem:$0x1D800] =	vst v63  }
0x14a: {  	_ =	swait.ge [sflag:s22], $0x400  }
0x14b: {  	[sflag:s22] =	ssyncset.done $0x0  }
0x14c: {  	[sflag:s22] =	ssyncadd.s32 $0xFFFFFC00  }
0x14d: {  	_ =	swait.ge [sflag:s22], $0x400  }
0x14e: {  	[sflag:s22] =	ssyncset.done $0x0  }
0x14f: {  	[sflag:s22] =	ssyncadd.s32 $0xFFFFFC00  }
0x150: {  	_ =	swait.ge [sflag:s22], $0x400  }
0x151: {  	[sflag:s22] =	ssyncset.done $0x0  }
0x152: {  	[sflag:s22] =	ssyncadd.s32 $0xFFFFFC00  }
0x153: {  	_ =	swait.ge [sflag:s22], $0x400  }
0x154: {  	[sflag:s22] =	ssyncset.done $0x0  }
0x155: {  	[sflag:s22] =	ssyncadd.s32 $0xFFFFFC00  }
0x156: {  	_ =	swait.ge [sflag:s22], $0x400  }
0x157: {  	[sflag:s22] =	ssyncset.done $0x0  }
0x158: {  	[sflag:s22] =	ssyncadd.s32 $0xFFFFFC00  }
0x159: {  	_ =	swait.ge [sflag:s22], $0x400  }
0x15a: {  	[sflag:s22] =	ssyncset.done $0x0  }
0x15b: {  	[sflag:s22] =	ssyncadd.s32 $0xFFFFFC00  }
0x15c: {  	_ =	swait.ge [sflag:s22], $0x400  }
0x15d: {  	[sflag:s22] =	ssyncset.done $0x0  }
0x15e: {  	[sflag:s22] =	ssyncadd.s32 $0xFFFFFC00  }
0x15f: {  	_ =	swait.ge [sflag:s22], $0x400  }
0x160: {  	[sflag:s22] =	ssyncset.done $0x0  }
0x161: {  	[sflag:s22] =	ssyncadd.s32 $0xFFFFFC00  }
0x162: {  	_ =	swait.ge [sflag:s22], $0x400  }
0x163: {  	[sflag:s22] =	ssyncset.done $0x0  }
0x164: {  	[sflag:s22] =	ssyncadd.s32 $0xFFFFFC00  }
0x165: {  	_ =	swait.ge [sflag:s22], $0x400  }
0x166: {  	[sflag:s22] =	ssyncset.done $0x0  }
0x167: {  	[sflag:s22] =	ssyncadd.s32 $0xFFFFFC00  }
0x168: {  	_ =	swait.ge [sflag:s22], $0x400  }
0x169: {  	[sflag:s22] =	ssyncset.done $0x0  }
0x16a: {  	[sflag:s22] =	ssyncadd.s32 $0xFFFFFC00  }
0x16b: {  	_ =	swait.ge [sflag:s22], $0x400  }
0x16c: {  	[sflag:s22] =	ssyncset.done $0x0  }
0x16d: {  	[sflag:s22] =	ssyncadd.s32 $0xFFFFFC00  }
0x16e: {  	_ =	swait.ge [sflag:s22], $0x400  }
0x16f: {  	[sflag:s22] =	ssyncset.done $0x0  }
0x170: {  	[sflag:s22] =	ssyncadd.s32 $0xFFFFFC00  }
0x171: {  	_ =	swait.ge [sflag:s22], $0x400  }
0x172: {  	[sflag:s22] =	ssyncset.done $0x0  }
0x173: {  	p0 =	sne.s32 s26, $0x6000;
	[sflag:s22] =	ssyncadd.s32 $0xFFFFFC00  }
.Ltmp0:
0x174: {  	_ =	swait.ge [sflag:s22], $0x400;
	(pc) =	sbr.rel @p0 .LBB2_2-.Ltmp0, $4  }
0x175: {  	[sflag:s22] =	ssyncset.done $0x0  }
0x176: {  	[sflag:s22] =	ssyncadd.s32 $0xFFFFFC00  }
0x177: {  	_ =	swait.ge [sflag:s22], $0x400  }
0x178: {  	s26 =	sadd.s32 $0x100, s26;
	s29 =	rddreg [dreg:$0x6];
	[sflag:s22] =	ssyncset.done $0x0  }
0x179: {  	s2 =	rddreg [dreg:$0x5]  }
0x17a: {  	[sflag:s22] =	ssyncadd.s32 $0xFFFFFC00;
	s26 =	sadd.s32 s24, s29;
	s5 =	simm.s32 $0x0  }
0x17b: {  	[tilespmem:s5], [sflag:$0x1] =	stream.linear.gather [hbm4b:s26+s5], $0x800, $0x38;
	[tilespmem:$0x1D800] =	vst v63  }
0x17c: {  	s2 =	sadd.s32 s24, s2;
	s26 =	simm.s32 $0x800  }
0x17d: {  	[tilespmem:s26], [sflag:$0x1] =	stream.linear.gather [hbm4b:s2+s5], $0x800, $0x38;
	[tilespmem:$0x1D800] =	vst v63  }
0x17e: {  	_ =	swait.ge [sflag:s16], $0x800  }
0x17f: {  	[sflag:s16] =	ssyncset.done $0x0  }
0x180: {  	[sflag:s16] =	ssyncadd.s32 $0xFFFFF800  }
0x181: {  	_ =	swait.ge [sflag:s16], $0x800  }
0x182: {  	[sflag:s16] =	ssyncset.done $0x0  }
0x183: {  	s29 =	simm.s32 $0x1000;
	[sflag:s16] =	ssyncadd.s32 $0xFFFFF800  }
0x184: {  	[tilespmem:s29], [sflag:$0x1] =	stream.indirect.gather [spmem:s4], $0x8, s5, s17, $0xb8;
	[tilespmem:$0x1D800] =	vst v63  }
0x185: {  	s19 =	simm.s32 $0x1400  }
0x186: {  	[tilespmem:s19], [sflag:$0x1] =	stream.indirect.gather [spmem:s4], $0x8, s17, s17, $0xb8;
	[tilespmem:$0x1D800] =	vst v63  }
0x187: {  	s0 =	simm.s32 $0x100;
	s21 =	simm.s32 $0x1800  }
0x188: {  	[tilespmem:s21], [sflag:$0x1] =	stream.indirect.gather [spmem:s4], $0x8, s0, s17, $0xb8;
	[tilespmem:$0x1D800] =	vst v63  }
0x189: {  	s9 =	simm.s32 $0x180;
	s23 =	simm.s32 $0x1C00  }
0x18a: {  	[tilespmem:s23], [sflag:$0x1] =	stream.indirect.gather [spmem:s4], $0x8, s9, s17, $0xb8;
	[tilespmem:$0x1D800] =	vst v63  }
0x18b: {  	s10 =	simm.s32 $0x200;
	s25 =	simm.s32 $0x2000  }
0x18c: {  	[tilespmem:s25], [sflag:$0x1] =	stream.indirect.gather [spmem:s4], $0x8, s10, s17, $0xb8;
	[tilespmem:$0x1D800] =	vst v63  }
0x18d: {  	s11 =	simm.s32 $0x280;
	s28 =	simm.s32 $0x2400  }
0x18e: {  	[tilespmem:s28], [sflag:$0x1] =	stream.indirect.gather [spmem:s4], $0x8, s11, s17, $0xb8;
	[tilespmem:$0x1D800] =	vst v63  }
0x18f: {  	s12 =	simm.s32 $0x300;
	s30 =	simm.s32 $0x2800  }
0x190: {  	[tilespmem:s30], [sflag:$0x1] =	stream.indirect.gather [spmem:s4], $0x8, s12, s17, $0xb8;
	[tilespmem:$0x1D800] =	vst v63  }
0x191: {  	s0 =	simm.s32 $0x2C00;
	s10 =	simm.s32 $0x380  }
0x192: {  	[tilespmem:s0], [sflag:$0x1] =	stream.indirect.gather [spmem:s4], $0x8, s10, s17, $0xb8;
	[tilespmem:$0x1D800] =	vst v63  }
0x193: {  	s1 =	simm.s32 $0x400;
	s8 =	simm.s32 $0x3000  }
0x194: {  	[tilespmem:s8], [sflag:$0x1] =	stream.indirect.gather [spmem:s4], $0x8, s1, s17, $0xb8;
	[tilespmem:$0x1D800] =	vst v63  }
0x195: {  	s13 =	simm.s32 $0x480;
	s11 =	simm.s32 $0x3400  }
0x196: {  	[tilespmem:s11], [sflag:$0x1] =	stream.indirect.gather [spmem:s4], $0x8, s13, s17, $0xb8;
	[tilespmem:$0x1D800] =	vst v63  }
0x197: {  	s6 =	simm.s32 $0x500;
	s31 =	simm.s32 $0x3800  }
0x198: {  	[tilespmem:s31], [sflag:$0x1] =	stream.indirect.gather [spmem:s4], $0x8, s6, s17, $0xb8;
	[tilespmem:$0x1D800] =	vst v63  }
0x199: {  	s7 =	simm.s32 $0x3C00;
	s14 =	rddreg [dreg:$0x7]  }
0x19a: {  	[tilespmem:s7], [sflag:$0x1] =	stream.indirect.gather [spmem:s4], $0x8, s14, s17, $0xb8;
	[tilespmem:$0x1D800] =	vst v63  }
0x19b: {  	s15 =	rddreg [dreg:$0x8];
	s13 =	simm.s32 $0x4000  }
0x19c: {  	[tilespmem:s13], [sflag:$0x1] =	stream.indirect.gather [spmem:s4], $0x8, s15, s17, $0xb8;
	[tilespmem:$0x1D800] =	vst v63  }
0x19d: {  	s18 =	rddreg [dreg:$0x9];
	s14 =	simm.s32 $0x4400  }
0x19e: {  	[tilespmem:s14], [sflag:$0x1] =	stream.indirect.gather [spmem:s4], $0x8, s18, s17, $0xb8;
	[tilespmem:$0x1D800] =	vst v63  }
0x19f: {  	s20 =	rddreg [dreg:$0xa];
	s18 =	simm.s32 $0x4800  }
0x1a0: {  	[tilespmem:s18], [sflag:$0x1] =	stream.indirect.gather [spmem:s4], $0x8, s20, s17, $0xb8;
	[tilespmem:$0x1D800] =	vst v63  }
0x1a1: {  	s1 =	rddreg [dreg:$0xb];
	s20 =	simm.s32 $0x4C00  }
0x1a2: {  	[tilespmem:s20], [sflag:$0x1] =	stream.indirect.gather [spmem:s4], $0x8, s1, s17, $0xb8;
	[tilespmem:$0x1D800] =	vst v63  }
0x1a3: {  	_ =	swait.ge [sflag:s16], $0x400  }
0x1a4: {  	[sflag:s16] =	ssyncset.done $0x0  }
0x1a5: {  	[sflag:s16] =	ssyncadd.s32 $0xFFFFFC00  }
0x1a6: {  	_ =	swait.ge [sflag:s16], $0x400  }
0x1a7: {  	[sflag:s16] =	ssyncset.done $0x0  }
0x1a8: {  	[sflag:s16] =	ssyncadd.s32 $0xFFFFFC00  }
0x1a9: {  	_ =	swait.ge [sflag:s16], $0x400  }
0x1aa: {  	[sflag:s16] =	ssyncset.done $0x0  }
0x1ab: {  	[sflag:s16] =	ssyncadd.s32 $0xFFFFFC00  }
0x1ac: {  	_ =	swait.ge [sflag:s16], $0x400  }
0x1ad: {  	[sflag:s16] =	ssyncset.done $0x0  }
0x1ae: {  	[sflag:s16] =	ssyncadd.s32 $0xFFFFFC00  }
0x1af: {  	_ =	swait.ge [sflag:s16], $0x400  }
0x1b0: {  	[sflag:s16] =	ssyncset.done $0x0  }
0x1b1: {  	[sflag:s16] =	ssyncadd.s32 $0xFFFFFC00  }
0x1b2: {  	_ =	swait.ge [sflag:s16], $0x400  }
0x1b3: {  	[sflag:s16] =	ssyncset.done $0x0  }
0x1b4: {  	[sflag:s16] =	ssyncadd.s32 $0xFFFFFC00  }
0x1b5: {  	_ =	swait.ge [sflag:s16], $0x400  }
0x1b6: {  	[sflag:s16] =	ssyncset.done $0x0  }
0x1b7: {  	[sflag:s16] =	ssyncadd.s32 $0xFFFFFC00  }
0x1b8: {  	_ =	swait.ge [sflag:s16], $0x400  }
0x1b9: {  	[sflag:s16] =	ssyncset.done $0x0  }
0x1ba: {  	[sflag:s16] =	ssyncadd.s32 $0xFFFFFC00  }
0x1bb: {  	_ =	swait.ge [sflag:s16], $0x400  }
0x1bc: {  	[sflag:s16] =	ssyncset.done $0x0  }
0x1bd: {  	[sflag:s16] =	ssyncadd.s32 $0xFFFFFC00  }
0x1be: {  	_ =	swait.ge [sflag:s16], $0x400  }
0x1bf: {  	[sflag:s16] =	ssyncset.done $0x0  }
0x1c0: {  	[sflag:s16] =	ssyncadd.s32 $0xFFFFFC00  }
0x1c1: {  	_ =	swait.ge [sflag:s16], $0x400  }
0x1c2: {  	[sflag:s16] =	ssyncset.done $0x0  }
0x1c3: {  	[sflag:s16] =	ssyncadd.s32 $0xFFFFFC00  }
0x1c4: {  	_ =	swait.ge [sflag:s16], $0x400  }
0x1c5: {  	[sflag:s16] =	ssyncset.done $0x0  }
0x1c6: {  	[sflag:s16] =	ssyncadd.s32 $0xFFFFFC00  }
0x1c7: {  	_ =	swait.ge [sflag:s16], $0x400  }
0x1c8: {  	[sflag:s16] =	ssyncset.done $0x0  }
0x1c9: {  	[sflag:s16] =	ssyncadd.s32 $0xFFFFFC00  }
0x1ca: {  	_ =	swait.ge [sflag:s16], $0x400  }
0x1cb: {  	[sflag:s16] =	ssyncset.done $0x0  }
0x1cc: {  	[sflag:s16] =	ssyncadd.s32 $0xFFFFFC00  }
0x1cd: {  	_ =	swait.ge [sflag:s16], $0x400  }
0x1ce: {  	[sflag:s16] =	ssyncset.done $0x0  }
0x1cf: {  	[sflag:s16] =	ssyncadd.s32 $0xFFFFFC00  }
0x1d0: {  	_ =	swait.ge [sflag:s16], $0x400  }
0x1d1: {  	[sflag:s16] =	ssyncset.done $0x0  }
0x1d2: {  	[sflag:s16] =	ssyncadd.s32 $0xFFFFFC00  }
0x1d3: {  	[spmem:s3] =	stream.indirect.scatter.add.f32 [tilespmem:s29], [sflag:$0x2], $0x8, s26, s17, $0xb8;
	[tilespmem:$0x1D800] =	vst v63  }
0x1d4: {  	s1 =	simm.s32 $0x880  }
0x1d5: {  	[spmem:s3] =	stream.indirect.scatter.add.f32 [tilespmem:s19], [sflag:$0x2], $0x8, s1, s17, $0xb8;
	[tilespmem:$0x1D800] =	vst v63  }
0x1d6: {  	s12 =	simm.s32 $0x900  }
0x1d7: {  	[spmem:s3] =	stream.indirect.scatter.add.f32 [tilespmem:s21], [sflag:$0x2], $0x8, s12, s17, $0xb8;
	[tilespmem:$0x1D800] =	vst v63  }
0x1d8: {  	s15 =	simm.s32 $0x980  }
0x1d9: {  	[spmem:s3] =	stream.indirect.scatter.add.f32 [tilespmem:s23], [sflag:$0x2], $0x8, s15, s17, $0xb8;
	[tilespmem:$0x1D800] =	vst v63  }
0x1da: {  	s9 =	simm.s32 $0xA00  }
0x1db: {  	[spmem:s3] =	stream.indirect.scatter.add.f32 [tilespmem:s25], [sflag:$0x2], $0x8, s9, s17, $0xb8;
	[tilespmem:$0x1D800] =	vst v63  }
0x1dc: {  	s24 =	simm.s32 $0xA80  }
0x1dd: {  	[spmem:s3] =	stream.indirect.scatter.add.f32 [tilespmem:s28], [sflag:$0x2], $0x8, s24, s17, $0xb8;
	[tilespmem:$0x1D800] =	vst v63  }
0x1de: {  	s9 =	simm.s32 $0xB00  }
0x1df: {  	[spmem:s3] =	stream.indirect.scatter.add.f32 [tilespmem:s30], [sflag:$0x2], $0x8, s9, s17, $0xb8;
	[tilespmem:$0x1D800] =	vst v63  }
0x1e0: {  	s24 =	simm.s32 $0xB80  }
0x1e1: {  	[spmem:s3] =	stream.indirect.scatter.add.f32 [tilespmem:s0], [sflag:$0x2], $0x8, s24, s17, $0xb8;
	[tilespmem:$0x1D800] =	vst v63  }
0x1e2: {  	s9 =	simm.s32 $0xC00  }
0x1e3: {  	[spmem:s3] =	stream.indirect.scatter.add.f32 [tilespmem:s8], [sflag:$0x2], $0x8, s9, s17, $0xb8;
	[tilespmem:$0x1D800] =	vst v63  }
0x1e4: {  	s24 =	simm.s32 $0xC80  }
0x1e5: {  	[spmem:s3] =	stream.indirect.scatter.add.f32 [tilespmem:s11], [sflag:$0x2], $0x8, s24, s17, $0xb8;
	[tilespmem:$0x1D800] =	vst v63  }
0x1e6: {  	s9 =	simm.s32 $0xD00  }
0x1e7: {  	[spmem:s3] =	stream.indirect.scatter.add.f32 [tilespmem:s31], [sflag:$0x2], $0x8, s9, s17, $0xb8;
	[tilespmem:$0x1D800] =	vst v63  }
0x1e8: {  	s2 =	rddreg [dreg:$0xc]  }
0x1e9: {  	[spmem:s3] =	stream.indirect.scatter.add.f32 [tilespmem:s7], [sflag:$0x2], $0x8, s2, s17, $0xb8;
	[tilespmem:$0x1D800] =	vst v63  }
0x1ea: {  	s24 =	rddreg [dreg:$0xd]  }
0x1eb: {  	[spmem:s3] =	stream.indirect.scatter.add.f32 [tilespmem:s13], [sflag:$0x2], $0x8, s24, s17, $0xb8;
	[tilespmem:$0x1D800] =	vst v63  }
0x1ec: {  	s7 =	rddreg [dreg:$0xe]  }
0x1ed: {  	[spmem:s3] =	stream.indirect.scatter.add.f32 [tilespmem:s14], [sflag:$0x2], $0x8, s7, s17, $0xb8;
	[tilespmem:$0x1D800] =	vst v63  }
0x1ee: {  	s13 =	rddreg [dreg:$0xf]  }
0x1ef: {  	[spmem:s3] =	stream.indirect.scatter.add.f32 [tilespmem:s18], [sflag:$0x2], $0x8, s13, s17, $0xb8;
	[tilespmem:$0x1D800] =	vst v63  }
0x1f0: {  	s7 =	rddreg [dreg:$0x10]  }
0x1f1: {  	[spmem:s3] =	stream.indirect.scatter.add.f32 [tilespmem:s20], [sflag:$0x2], $0x8, s7, s17, $0xb8;
	[tilespmem:$0x1D800] =	vst v63  }
0x1f2: {  	_ =	swait.ge [sflag:s22], $0x400  }
0x1f3: {  	[sflag:s22] =	ssyncset.done $0x0  }
0x1f4: {  	[sflag:s22] =	ssyncadd.s32 $0xFFFFFC00  }
0x1f5: {  	_ =	swait.ge [sflag:s22], $0x400  }
0x1f6: {  	[sflag:s22] =	ssyncset.done $0x0  }
0x1f7: {  	[sflag:s22] =	ssyncadd.s32 $0xFFFFFC00  }
0x1f8: {  	_ =	swait.ge [sflag:s22], $0x400  }
0x1f9: {  	[sflag:s22] =	ssyncset.done $0x0  }
0x1fa: {  	[sflag:s22] =	ssyncadd.s32 $0xFFFFFC00  }
0x1fb: {  	_ =	swait.ge [sflag:s22], $0x400  }
0x1fc: {  	[sflag:s22] =	ssyncset.done $0x0  }
0x1fd: {  	[sflag:s22] =	ssyncadd.s32 $0xFFFFFC00  }
0x1fe: {  	_ =	swait.ge [sflag:s22], $0x400  }
0x1ff: {  	[sflag:s22] =	ssyncset.done $0x0  }
0x200: {  	[sflag:s22] =	ssyncadd.s32 $0xFFFFFC00  }
0x201: {  	_ =	swait.ge [sflag:s22], $0x400  }
0x202: {  	[sflag:s22] =	ssyncset.done $0x0  }
0x203: {  	[sflag:s22] =	ssyncadd.s32 $0xFFFFFC00  }
0x204: {  	_ =	swait.ge [sflag:s22], $0x400  }
0x205: {  	[sflag:s22] =	ssyncset.done $0x0  }
0x206: {  	[sflag:s22] =	ssyncadd.s32 $0xFFFFFC00  }
0x207: {  	_ =	swait.ge [sflag:s22], $0x400  }
0x208: {  	[sflag:s22] =	ssyncset.done $0x0  }
0x209: {  	[sflag:s22] =	ssyncadd.s32 $0xFFFFFC00  }
0x20a: {  	_ =	swait.ge [sflag:s22], $0x400  }
0x20b: {  	[sflag:s22] =	ssyncset.done $0x0  }
0x20c: {  	[sflag:s22] =	ssyncadd.s32 $0xFFFFFC00  }
0x20d: {  	_ =	swait.ge [sflag:s22], $0x400  }
0x20e: {  	[sflag:s22] =	ssyncset.done $0x0  }
0x20f: {  	[sflag:s22] =	ssyncadd.s32 $0xFFFFFC00  }
0x210: {  	_ =	swait.ge [sflag:s22], $0x400  }
0x211: {  	[sflag:s22] =	ssyncset.done $0x0  }
0x212: {  	[sflag:s22] =	ssyncadd.s32 $0xFFFFFC00  }
0x213: {  	_ =	swait.ge [sflag:s22], $0x400  }
0x214: {  	[sflag:s22] =	ssyncset.done $0x0  }
0x215: {  	[sflag:s22] =	ssyncadd.s32 $0xFFFFFC00  }
0x216: {  	_ =	swait.ge [sflag:s22], $0x400  }
0x217: {  	[sflag:s22] =	ssyncset.done $0x0  }
0x218: {  	[sflag:s22] =	ssyncadd.s32 $0xFFFFFC00  }
0x219: {  	_ =	swait.ge [sflag:s22], $0x400  }
0x21a: {  	[sflag:s22] =	ssyncset.done $0x0  }
0x21b: {  	[sflag:s22] =	ssyncadd.s32 $0xFFFFFC00  }
0x21c: {  	_ =	swait.ge [sflag:s22], $0x400  }
0x21d: {  	[sflag:s22] =	ssyncset.done $0x0  }
0x21e: {  	[sflag:s22] =	ssyncadd.s32 $0xFFFFFC00  }
0x21f: {  	_ =	swait.ge [sflag:s22], $0x400  }
0x220: {  	[sflag:s22] =	ssyncset.done $0x0  }
0x221: {  	s13 =	rddreg [dreg:$0x13];
	[sflag:s22] =	ssyncadd.s32 $0xFFFFFC00  }
0x222: {  	[tilespmem:s5], [sflag:$0x1] =	stream.linear.gather [hbm4b:s13+s5], $0x540, $0x38;
	[tilespmem:$0x1D800] =	vst v63  }
0x223: {  	s14 =	rddreg [dreg:$0x14]  }
0x224: {  	[tilespmem:s26], [sflag:$0x1] =	stream.linear.gather [hbm4b:s14+s5], $0x540, $0x38;
	[tilespmem:$0x1D800] =	vst v63  }
0x225: {  	_ =	swait.ge [sflag:s16], $0x540  }
0x226: {  	[sflag:s16] =	ssyncset.done $0x0  }
0x227: {  	[sflag:s16] =	ssyncadd.s32 $0xFFFFFAC0  }
0x228: {  	_ =	swait.ge [sflag:s16], $0x540  }
0x229: {  	[sflag:s16] =	ssyncset.done $0x0  }
0x22a: {  	[sflag:s16] =	ssyncadd.s32 $0xFFFFFAC0  }
0x22b: {  	[tilespmem:s29], [sflag:$0x1] =	stream.indirect.gather [spmem:s4], $0x8, s5, s17, $0xb8;
	[tilespmem:$0x1D800] =	vst v63  }
0x22c: {  	_ = 	snop  }
0x22d: {  	[tilespmem:s19], [sflag:$0x1] =	stream.indirect.gather [spmem:s4], $0x8, s17, s17, $0xb8;
	[tilespmem:$0x1D800] =	vst v63  }
0x22e: {  	s18 =	simm.s32 $0x100  }
0x22f: {  	[tilespmem:s21], [sflag:$0x1] =	stream.indirect.gather [spmem:s4], $0x8, s18, s17, $0xb8;
	[tilespmem:$0x1D800] =	vst v63  }
0x230: {  	s20 =	simm.s32 $0x180  }
0x231: {  	[tilespmem:s23], [sflag:$0x1] =	stream.indirect.gather [spmem:s4], $0x8, s20, s17, $0xb8;
	[tilespmem:$0x1D800] =	vst v63  }
0x232: {  	s24 =	simm.s32 $0x200  }
0x233: {  	[tilespmem:s25], [sflag:$0x1] =	stream.indirect.gather [spmem:s4], $0x8, s24, s17, $0xb8;
	[tilespmem:$0x1D800] =	vst v63  }
0x234: {  	s5 =	simm.s32 $0x280  }
0x235: {  	[tilespmem:s28], [sflag:$0x1] =	stream.indirect.gather [spmem:s4], $0x8, s5, s17, $0xb8;
	[tilespmem:$0x1D800] =	vst v63  }
0x236: {  	s7 =	simm.s32 $0x300  }
0x237: {  	[tilespmem:s30], [sflag:$0x1] =	stream.indirect.gather [spmem:s4], $0x8, s7, s17, $0xb8;
	[tilespmem:$0x1D800] =	vst v63  }
0x238: {  	_ = 	snop  }
0x239: {  	[tilespmem:s0], [sflag:$0x1] =	stream.indirect.gather [spmem:s4], $0x8, s10, s17, $0xb8;
	[tilespmem:$0x1D800] =	vst v63  }
0x23a: {  	s13 =	simm.s32 $0x400  }
0x23b: {  	[tilespmem:s8], [sflag:$0x1] =	stream.indirect.gather [spmem:s4], $0x8, s13, s17, $0xb8;
	[tilespmem:$0x1D800] =	vst v63  }
0x23c: {  	s14 =	simm.s32 $0x480  }
0x23d: {  	[tilespmem:s11], [sflag:$0x1] =	stream.indirect.gather [spmem:s4], $0x8, s14, s17, $0xb8;
	[tilespmem:$0x1D800] =	vst v63  }
0x23e: {  	s18 =	simm.s32 $0x40  }
0x23f: {  	[tilespmem:s31], [sflag:$0x1] =	stream.indirect.gather [spmem:s4], $0x8, s6, s18, $0xb8;
	[tilespmem:$0x1D800] =	vst v63  }
0x240: {  	_ =	swait.ge [sflag:s16], $0x400  }
0x241: {  	[sflag:s16] =	ssyncset.done $0x0  }
0x242: {  	[sflag:s16] =	ssyncadd.s32 $0xFFFFFC00  }
0x243: {  	_ =	swait.ge [sflag:s16], $0x400  }
0x244: {  	[sflag:s16] =	ssyncset.done $0x0  }
0x245: {  	[sflag:s16] =	ssyncadd.s32 $0xFFFFFC00  }
0x246: {  	_ =	swait.ge [sflag:s16], $0x400  }
0x247: {  	[sflag:s16] =	ssyncset.done $0x0  }
0x248: {  	[sflag:s16] =	ssyncadd.s32 $0xFFFFFC00  }
0x249: {  	_ =	swait.ge [sflag:s16], $0x400  }
0x24a: {  	[sflag:s16] =	ssyncset.done $0x0  }
0x24b: {  	[sflag:s16] =	ssyncadd.s32 $0xFFFFFC00  }
0x24c: {  	_ =	swait.ge [sflag:s16], $0x400  }
0x24d: {  	[sflag:s16] =	ssyncset.done $0x0  }
0x24e: {  	[sflag:s16] =	ssyncadd.s32 $0xFFFFFC00  }
0x24f: {  	_ =	swait.ge [sflag:s16], $0x400  }
0x250: {  	[sflag:s16] =	ssyncset.done $0x0  }
0x251: {  	[sflag:s16] =	ssyncadd.s32 $0xFFFFFC00  }
0x252: {  	_ =	swait.ge [sflag:s16], $0x400  }
0x253: {  	[sflag:s16] =	ssyncset.done $0x0  }
0x254: {  	[sflag:s16] =	ssyncadd.s32 $0xFFFFFC00  }
0x255: {  	_ =	swait.ge [sflag:s16], $0x400  }
0x256: {  	[sflag:s16] =	ssyncset.done $0x0  }
0x257: {  	[sflag:s16] =	ssyncadd.s32 $0xFFFFFC00  }
0x258: {  	_ =	swait.ge [sflag:s16], $0x400  }
0x259: {  	[sflag:s16] =	ssyncset.done $0x0  }
0x25a: {  	[sflag:s16] =	ssyncadd.s32 $0xFFFFFC00  }
0x25b: {  	_ =	swait.ge [sflag:s16], $0x400  }
0x25c: {  	[sflag:s16] =	ssyncset.done $0x0  }
0x25d: {  	[sflag:s16] =	ssyncadd.s32 $0xFFFFFC00  }
0x25e: {  	_ =	swait.ge [sflag:s16], $0x200  }
0x25f: {  	[sflag:s16] =	ssyncset.done $0x0  }
0x260: {  	[sflag:s16] =	ssyncadd.s32 $0xFFFFFE00  }
0x261: {  	[spmem:s3] =	stream.indirect.scatter.add.f32 [tilespmem:s29], [sflag:$0x2], $0x8, s26, s17, $0xb8;
	[tilespmem:$0x1D800] =	vst v63  }
0x262: {  	_ = 	snop  }
0x263: {  	[spmem:s3] =	stream.indirect.scatter.add.f32 [tilespmem:s19], [sflag:$0x2], $0x8, s1, s17, $0xb8;
	[tilespmem:$0x1D800] =	vst v63  }
0x264: {  	_ = 	snop  }
0x265: {  	[spmem:s3] =	stream.indirect.scatter.add.f32 [tilespmem:s21], [sflag:$0x2], $0x8, s12, s17, $0xb8;
	[tilespmem:$0x1D800] =	vst v63  }
0x266: {  	_ = 	snop  }
0x267: {  	[spmem:s3] =	stream.indirect.scatter.add.f32 [tilespmem:s23], [sflag:$0x2], $0x8, s15, s17, $0xb8;
	[tilespmem:$0x1D800] =	vst v63  }
0x268: {  	s20 =	simm.s32 $0xA00  }
0x269: {  	[spmem:s3] =	stream.indirect.scatter.add.f32 [tilespmem:s25], [sflag:$0x2], $0x8, s20, s17, $0xb8;
	[tilespmem:$0x1D800] =	vst v63  }
0x26a: {  	s21 =	simm.s32 $0xA80  }
0x26b: {  	[spmem:s3] =	stream.indirect.scatter.add.f32 [tilespmem:s28], [sflag:$0x2], $0x8, s21, s17, $0xb8;
	[tilespmem:$0x1D800] =	vst v63  }
0x26c: {  	s23 =	simm.s32 $0xB00  }
0x26d: {  	[spmem:s3] =	stream.indirect.scatter.add.f32 [tilespmem:s30], [sflag:$0x2], $0x8, s23, s17, $0xb8;
	[tilespmem:$0x1D800] =	vst v63  }
0x26e: {  	s24 =	simm.s32 $0xB80  }
0x26f: {  	[spmem:s3] =	stream.indirect.scatter.add.f32 [tilespmem:s0], [sflag:$0x2], $0x8, s24, s17, $0xb8;
	[tilespmem:$0x1D800] =	vst v63  }
0x270: {  	s25 =	simm.s32 $0xC00  }
0x271: {  	[spmem:s3] =	stream.indirect.scatter.add.f32 [tilespmem:s8], [sflag:$0x2], $0x8, s25, s17, $0xb8;
	[tilespmem:$0x1D800] =	vst v63  }
0x272: {  	s26 =	simm.s32 $0xC80  }
0x273: {  	[spmem:s3] =	stream.indirect.scatter.add.f32 [tilespmem:s11], [sflag:$0x2], $0x8, s26, s17, $0xb8;
	[tilespmem:$0x1D800] =	vst v63  }
0x274: {  	_ = 	snop  }
0x275: {  	[spmem:s3] =	stream.indirect.scatter.add.f32 [tilespmem:s31], [sflag:$0x2], $0x8, s9, s18, $0xb8;
	[tilespmem:$0x1D800] =	vst v63  }
0x276: {  	_ =	swait.ge [sflag:s22], $0x400  }
0x277: {  	[sflag:s22] =	ssyncset.done $0x0  }
0x278: {  	[sflag:s22] =	ssyncadd.s32 $0xFFFFFC00  }
0x279: {  	_ =	swait.ge [sflag:s22], $0x400  }
0x27a: {  	[sflag:s22] =	ssyncset.done $0x0  }
0x27b: {  	[sflag:s22] =	ssyncadd.s32 $0xFFFFFC00  }
0x27c: {  	_ =	swait.ge [sflag:s22], $0x400  }
0x27d: {  	[sflag:s22] =	ssyncset.done $0x0  }
0x27e: {  	[sflag:s22] =	ssyncadd.s32 $0xFFFFFC00  }
0x27f: {  	_ =	swait.ge [sflag:s22], $0x400  }
0x280: {  	[sflag:s22] =	ssyncset.done $0x0  }
0x281: {  	[sflag:s22] =	ssyncadd.s32 $0xFFFFFC00  }
0x282: {  	_ =	swait.ge [sflag:s22], $0x400  }
0x283: {  	[sflag:s22] =	ssyncset.done $0x0  }
0x284: {  	[sflag:s22] =	ssyncadd.s32 $0xFFFFFC00  }
0x285: {  	_ =	swait.ge [sflag:s22], $0x400  }
0x286: {  	[sflag:s22] =	ssyncset.done $0x0  }
0x287: {  	[sflag:s22] =	ssyncadd.s32 $0xFFFFFC00  }
0x288: {  	_ =	swait.ge [sflag:s22], $0x400  }
0x289: {  	[sflag:s22] =	ssyncset.done $0x0  }
0x28a: {  	[sflag:s22] =	ssyncadd.s32 $0xFFFFFC00  }
0x28b: {  	_ =	swait.ge [sflag:s22], $0x400  }
0x28c: {  	[sflag:s22] =	ssyncset.done $0x0  }
0x28d: {  	[sflag:s22] =	ssyncadd.s32 $0xFFFFFC00  }
0x28e: {  	_ =	swait.ge [sflag:s22], $0x400  }
0x28f: {  	[sflag:s22] =	ssyncset.done $0x0  }
0x290: {  	[sflag:s22] =	ssyncadd.s32 $0xFFFFFC00  }
0x291: {  	_ =	swait.ge [sflag:s22], $0x400  }
0x292: {  	[sflag:s22] =	ssyncset.done $0x0  }
0x293: {  	[sflag:s22] =	ssyncadd.s32 $0xFFFFFC00  }
0x294: {  	_ =	swait.ge [sflag:s22], $0x200  }
0x295: {  	[sflag:s22] =	ssyncset.done $0x0  }
0x296: {  	[sflag:s22] =	ssyncadd.s32 $0xFFFFFE00  }
0x297: {  	[bflag:$0x0] =	sbarrier.arrive $0xFFFF  }
0x298: {  	s24 =	rddreg [dreg:$0x11]  }
0x299: {  	s28 =	rddreg [dreg:$0x15]  }
0x29a: {  	s29 =	simm.s32 $0x3;
	s26 =	rddreg [dreg:$0x17]  }
0x29b: {  	[hbm:s28], [sflag:s24] =	dma.local [spmem:s26], $0x1880  }
0x29c: {  	_ =	swait.ge [sflag:s29], $0x1880  }
0x29d: {  	s30 =	rddreg [dreg:$0x19]  }
0x29e: {  	s31 =	rddreg [dreg:$0x16];
	s0 =	sadd.s32 $0x1, s30  }
0x29f: {  	p0 =	sne.s32 s0, s31  }
.Ltmp1:
0x2a0: {  	_ = 	snop;
	(pc) =	sbr.rel @p0 .LBB2_1-.Ltmp1, $4  }
0x2a1: {  	_ = 	snop  }
0x2a2: {  	s5 =	simm.s32 $0xD00  }
0x2a3: {  	s10 =	simm.s32 $0xB80;
	s14 =	simm.s32 $0xC00;
	[sflag:s29] =	ssyncset.done $0x0  }
0x2a4: {  	s6 =	simm.s32 $0xC80;
	s1 =	simm.s32 $0xB00;
	[sflag:s29] =	ssyncadd.s32 $0xFFFFE780  }
0x2a5: {  	_ =	sfence.sel $0x180000  }
0x2a6: {  	[bflag:$0x0] =	sbarrier.arrive $0xFFFF  }
0x2a7: {  	_ =	strace $0x9000004A  }
0x2a8: {  	s0 =	stileid.u32;
	[bflag:$0x2] =	sbarrier.arrive $0xFFFF  }
0x2a9: {  	p0 =	sne.s32 s0, $0x0;
	s0 =	rddreg [dreg:$0x4]  }
0x2aa: {  	s0 =	sadd.s32 @!p0 $0x100000, s0  }
0x2ab: {  	[sflag:s0] =	ssyncadd.tile.s32 @!p0 $0x1;
	_ =	shalt  }
.Lfunc_end2:
_tile_overlayer_lowered:
.L_overlay_start_2:
0x2ac: {  	(tag) =	ssettag $0x2  }
0x2ad: {  	s0 =	rddreg [dreg:$0x0];
	s2 =	stileid.u32  }
0x2ae: {  	s1 =	rddreg [dreg:$0x1];
	p0 =	sne.s32 s2, $0x0  }
0x2af: {  	s3 =	rddreg [dreg:$0x2];
	[bflag:$0x3] =	sbarrier.arrive $0xFFFF;
	s2 =	simm.s32 @!p0 $0x1C03  }
0x2b0: {  	[timem:s3], [sflag:s2] =	dma.local @!p0 [hbm:s0], s1  }
0x2b1: {  	s0 =	simm.s32 @!p0 $0x3  }
0x2b2: {  	_ =	swait.ge @!p0 [sflag:s0], s1  }
0x2b3: {  	s1 =	ssub.s32 @!p0 $0x0, s1;
	[sflag:s0] =	ssyncset.done @!p0 $0x0  }
0x2b4: {  	[sflag:s0] =	ssyncadd.s32 @!p0 s1  }
0x2b5: {  	[bflag:$0x3] =	sbarrier.arrive $0xFFFF  }
0x2b6: {  	_ =	shalt  }

// kernel: kernel.14.cloned.1.call-start
scs
__scs_entry_jumppad:
0x0: {  	(pc) =	sbr.rel $0x88, $3  }
0x1: {  	(tag) =	ssettag $0x0;
	lr =	simm.s32 $0x1  }
0x2: {  	[smem:$0x3F9B] =	sst lr;
	_ =	strace $0xD0000000  }
0x3: {  	_ = 	snop  }
0x4: {  	_ = 	snop  }
0x5: {  	_ = 	snop  }
0x6: {  	_ = 	snop  }
0x7: {  	_ = 	snop  }
__scs_overlays_trampoline_lowered:
0x8: {  	[smem:$0x3FAA] =	sst s0  }
0x9: {  	[smem:$0x3FAB] =	sst s1  }
0xa: {  	[smem:$0x3FAC] =	sst s2  }
0xb: {  	[smem:$0x3FAD] =	sst s3  }
0xc: {  	[smem:$0x3FAE] =	sst s4  }
0xd: {  	[smem:$0x3FAF] =	sst s5  }
0xe: {  	[smem:$0x3FB0] =	sst s6  }
0xf: {  	[smem:$0x3FB1] =	sst s7  }
0x10: {  	[smem:$0x3FB2] =	sst s8  }
0x11: {  	[smem:$0x3FB3] =	sst s9;
	s0 =	simm.s32 @!p0 $0x0  }
0x12: {  	s1 =	sld [smem:$0x3F99];
	s0 =	simm.s32 @p0 $0x1  }
0x13: {  	[smem:$0x3FB4] =	sst s0;
	s0 =	simm.s32 @!p1 $0x0  }
0x14: {  	s2 =	sld [smem:$0x3F98];
	s0 =	simm.s32 @p1 $0x1  }
0x15: {  	[smem:$0x3FB5] =	sst s0;
	s0 =	simm.s32 @!p2 $0x0  }
0x16: {  	s3 =	sld [smem:$0x3FDB];
	s0 =	simm.s32 @p2 $0x1  }
0x17: {  	s4 =	simm.s32 $0x1BF5;
	[smem:$0x3FB7] =	sst s0  }
0x18: {  	s0 =	sld [smem:$0x3F9A];
	_ =	swait.ge [sflag:s4], $0x0  }
0x19: {  	s7 =	sld [smem:$0x3F9B]  }
0x1a: {  	s8 =	sadd.s32 $0xFFFFE003, lr  }
0x1b: {  	s9 =	sadd.s32 $0xFFFFFEF7, lr;
	s5 =	simm.s32 $0xFFFFFFFF;
	p2 =	slt.u32 s8, $0xFFFFF086  }
0x1c: {  	p1 =	slt.u32 s9, $0xF7A;
	s5 =	simm.s32 @!p2 $0x0  }
0x1d: {  	s5 =	simm.s32 @p1 $0x1;
	p0 =	seq.s32 s7, s2  }
0x1e: {  	s7 =	smul.u32 @!p0 $0xF7A, s2;
	p2 =	seq.s32 @!p0 s5, $0x0  }
0x1f: {  	s9 =	smul.u32 $0xF7A, s1;
	s8 =	simm.s32 @!p0 $0x1BF5;
	p2 =	por !p2, p0  }
0x20: {  	[sflag:s8] =	ssyncset.s32 @!p0 $0xFFFFF086;
	s6 =	sadd.s32 @!p0 s3, s7;
	s7 =	simm.s32 @!p0 $0x108  }
0x21: {  	s3 =	sadd.s32 s3, s9;
	s6 =	sadd.s32 @!p0 $0x88, s6;
	s7 =	simm.s32 @p2 $0x1082  }
0x22: {  	[simem:s7], [sflag:s8] =	dma.local @!p0 [hbm:s6], $0xF7A  }
0x23: {  	s9 =	sor.u32 $0xD0000000, s2;
	s6 =	simm.s32 $0x108;
	_ =	swait.ge @!p0 [sflag:s8], $0x0  }
0x24: {  	s3 =	sadd.s32 $0x88, s3;
	s6 =	simm.s32 @!p1 $0x1082;
	[sflag:s4] =	ssyncset.s32 $0xFFFFF086  }
0x25: {  	[simem:s6], [sflag:s4] =	dma.local [hbm:s3], $0xF7A  }
0x26: {  	[smem:$0x3F9B] =	sst s1;
	(tag) =	ssettag s2;
	_ =	strace s9  }
0x27: {  	s1 =	sld [smem:$0x3FAB]  }
0x28: {  	s2 =	sld [smem:$0x3FAC]  }
0x29: {  	s4 =	sld [smem:$0x3FAE]  }
0x2a: {  	p0 =	seq.s32 s5, $0x0;
	s5 =	sld [smem:$0x3FAF]  }
0x2b: {  	s6 =	sld [smem:$0x3FB0]  }
0x2c: {  	s7 =	sld [smem:$0x3FB1]  }
0x2d: {  	s3 =	simm.s32 $0x108;
	s8 =	sld [smem:$0x3FB2]  }
0x2e: {  	s3 =	simm.s32 @!p0 $0x1082;
	s9 =	sld [smem:$0x3FB3]  }
0x2f: {  	lr =	sadd.s32 s0, s3;
	s0 =	sld [smem:$0x3FAA]  }
0x30: {  	s3 =	sld [smem:$0x3FAD]  }
0x31: {  	[smem:$0x3FB6] =	sst s10  }
0x32: {  	s10 =	sld [smem:$0x3FB4];
	_ =	sdelay $0x3  }
0x33: {  	p0 =	seq.s32 s10, $0x1;
	s10 =	sld [smem:$0x3FB6];
	_ =	sdelay $0x3  }
0x34: {  	[smem:$0x3FB6] =	sst s10  }
0x35: {  	s10 =	sld [smem:$0x3FB5];
	_ =	sdelay $0x3  }
0x36: {  	p1 =	seq.s32 s10, $0x1;
	s10 =	sld [smem:$0x3FB6];
	_ =	sdelay $0x3  }
0x37: {  	[smem:$0x3FB6] =	sst s10  }
0x38: {  	s10 =	sld [smem:$0x3FB7]  }
0x39: {  	_ = 	snop;
	(pc) =	sbr.ind lr, $3  }
0x3a: {  	_ = 	snop  }
0x3b: {  	_ = 	snop  }
0x3c: {  	p2 =	seq.s32 s10, $0x1;
	s10 =	sld [smem:$0x3FB6]  }
0x3d: {  	_ =	shalt  }
0x3e: {  	_ =	shalt  }
0x3f: {  	_ =	shalt  }
0x40: {  	_ =	shalt  }
0x41: {  	_ =	shalt  }
0x42: {  	_ =	shalt  }
0x43: {  	_ =	shalt  }
0x44: {  	_ =	shalt  }
0x45: {  	_ =	shalt  }
0x46: {  	_ =	shalt  }
0x47: {  	_ =	shalt  }
0x48: {  	_ =	shalt  }
0x49: {  	_ =	shalt  }
0x4a: {  	_ =	shalt  }
0x4b: {  	_ =	shalt  }
0x4c: {  	_ =	shalt  }
0x4d: {  	_ =	shalt  }
0x4e: {  	_ =	shalt  }
0x4f: {  	_ =	shalt  }
0x50: {  	_ =	shalt  }
0x51: {  	_ =	shalt  }
0x52: {  	_ =	shalt  }
0x53: {  	_ =	shalt  }
0x54: {  	_ =	shalt  }
0x55: {  	_ =	shalt  }
0x56: {  	_ =	shalt  }
0x57: {  	_ =	shalt  }
0x58: {  	_ =	shalt  }
0x59: {  	_ =	shalt  }
0x5a: {  	_ =	shalt  }
0x5b: {  	_ =	shalt  }
0x5c: {  	_ =	shalt  }
0x5d: {  	_ =	shalt  }
0x5e: {  	_ =	shalt  }
0x5f: {  	_ =	shalt  }
0x60: {  	_ =	shalt  }
0x61: {  	_ =	shalt  }
0x62: {  	_ =	shalt  }
0x63: {  	_ =	shalt  }
0x64: {  	_ =	shalt  }
0x65: {  	_ =	shalt  }
0x66: {  	_ =	shalt  }
0x67: {  	_ =	shalt  }
0x68: {  	_ =	shalt  }
0x69: {  	_ =	shalt  }
0x6a: {  	_ =	shalt  }
0x6b: {  	_ =	shalt  }
0x6c: {  	_ =	shalt  }
0x6d: {  	_ =	shalt  }
0x6e: {  	_ =	shalt  }
0x6f: {  	_ =	shalt  }
0x70: {  	_ =	shalt  }
0x71: {  	_ =	shalt  }
0x72: {  	_ =	shalt  }
0x73: {  	_ =	shalt  }
0x74: {  	_ =	shalt  }
0x75: {  	_ =	shalt  }
0x76: {  	_ =	shalt  }
0x77: {  	_ =	shalt  }
0x78: {  	_ =	shalt  }
0x79: {  	_ =	shalt  }
0x7a: {  	_ =	shalt  }
0x7b: {  	_ =	shalt  }
0x7c: {  	_ =	shalt  }
0x7d: {  	_ =	shalt  }
0x7e: {  	_ =	shalt  }
0x7f: {  	_ =	shalt  }
0x80: {  	_ =	shalt  }
0x81: {  	_ =	shalt  }
0x82: {  	_ =	shalt  }
0x83: {  	_ =	shalt  }
0x84: {  	_ =	shalt  }
0x85: {  	_ =	shalt  }
0x86: {  	_ =	shalt  }
0x87: {  	_ =	shalt  }
.Lfunc_end0:
.L_simem_size_0:
called_computation.2_lowered:
.L_overlay_start_0:
0x88: {  	s2 =	sld [smem:$0x3FD9]  }
0x89: {  	s3 =	sld [smem:$0x3FFE];
	_ =	sdelay $0x1  }
0x8a: {  	s1 =	srdreg.scid  }
0x8b: {  	s0 =	sand.u32 $0x1, s1  }
0x8c: {  	s17 =	sshll.u32 s0, $0xA;
	s2 =	sadd.s32 s3, s2  }
0x8d: {  	s2 =	sadd.s32 s2, s17  }
0x8e: {  	[smem:$0x3FC2] =	sst s2  }
0x8f: {  	_ = 	snop  }
0x90: {  	s2 =	sld [smem:$0x3FD0];
	(tm) =	ssettm $0x1  }
0x91: {  	s18 =	sld [smem:$0x3FFB];
	_ =	sdelay $0x3  }
0x92: {  	_ =	strace s18  }
0x93: {  	s3 =	sld [smem:$0x3FFC];
	_ =	sdelay $0x3  }
0x94: {  	_ =	strace s3  }
0x95: {  	s3 =	sld [smem:$0x3FFD];
	_ =	sdelay $0x3  }
0x96: {  	_ =	strace s3  }
0x97: {  	_ =	strace $0x8FFFFFFF  }
0x98: {  	s19 =	sld [smem:$0x3FDB];
	_ =	sdelay $0x1  }
0x99: {  	s4 =	simm.s32 $_scs_section_size  }
0x9a: {  	s5 =	simm.s32 $_size__tile_overlayer_lowered;
	s6 =	simm.s32 $_tile_overlayer_lowered  }
0x9b: {  	s22 =	simm.s32 $0x1BFF;
	s21 =	sshll.u32 s6, $0x1;
	s3 =	sadd.s32 s4, s19  }
0x9c: {  	s7 =	simm.s32 $0x0;
	s20 =	sshll.u32 s5, $0x1;
	s5 =	sadd.s32 s21, s3  }
0x9d: {  	[timem:s7], [sflag:s22] =	dma.local [hbm:s5], s20  }
0x9e: {  	_ =	swait.ge [sflag:s22], s20  }
0x9f: {  	s4 =	ssub.s32 $0x0, s20;
	[sflag:s22] =	ssyncset.done $0x0  }
0xa0: {  	[sflag:s22] =	ssyncadd.s32 s4;
	_ =	sdelay $0x1  }
0xa1: {  	s23 =	simm.s32 $0x1B8B  }
0xa2: {  	_ =	swait.ge [sflag:s23], $0x1  }
0xa3: {  	[sflag:s23] =	ssyncset.done $0x0  }
0xa4: {  	s25 =	simm.s32 $0x1B8E;
	s24 =	sld [smem:$0x3FFE];
	[sflag:s23] =	ssyncadd.s32 $0xFFFFFFFF  }
0xa5: {  	s26 =	simm.s32 $execute0_lowered;
	[smem:$0x3FD2] =	sst s25  }
0xa6: {  	s5 =	sshll.u32 s26, $0x1;
	_ =	strace $0x8000004C;
	[dreg:$0x1] =	wrdreg $0xFFFFFFFF  }
0xa7: {  	s28 =	simm.s32 $_size_execute0_lowered;
	s3 =	sadd.s32 s3, s5;
	[dreg:$0x0] =	wrdreg $0x0  }
0xa8: {  	s5 =	sshll.u32 s28, $0x1;
	[dreg:$0x2] =	wrdreg s3  }
0xa9: {  	[dreg:$0x3] =	wrdreg s5  }
0xaa: {  	[dreg:$0x4] =	wrdreg $0xC0  }
0xab: {  	_ =	task [dreg:s7], $0x5FFFF  }
0xac: {  	[dreg:$0x1] =	wrdreg $0xFFFFFFFF  }
0xad: {  	[dreg:$0x0] =	wrdreg $0x60  }
0xae: {  	[dreg:$0x2] =	wrdreg s24  }
0xaf: {  	[dreg:$0x3] =	wrdreg s2  }
0xb0: {  	[dreg:$0x4] =	wrdreg $0x114000  }
0xb1: {  	[dreg:$0x5] =	wrdreg $0x50000  }
0xb2: {  	[dreg:$0x6] =	wrdreg $0x9  }
0xb3: {  	_ =	task.clear_ibuf [dreg:s7], $0x7FFFF;
	_ =	strace $0x9000004C  }
0xb4: {  	s29 =	simm.s32 $0x9;
	_ =	strace $0x8000004E  }
0xb5: {  	_ =	swait.ge [sflag:s29], $0x1  }
0xb6: {  	[sflag:s29] =	ssyncadd.s32 $0xFFFFFFFF  }
0xb7: {  	_ =	strace $0x9000004E  }
0xb8: {  	_ =	sfence  }
0xb9: {  	s30 =	sld [smem:$0x0];
	_ =	sdelay $0x2  }
0xba: {  	s31 =	sshll.u32 s1, $0xD;
	s1 =	sshrl.u32 s1, $0x2  }
0xbb: {  	s3 =	sand.u32 $0x4000, s31;
	s1 =	sadd.s32 s1, s30  }
0xbc: {  	s0 =	sor.u32 s3, s0;
	s1 =	sshll.u32 s1, $0x11  }
0xbd: {  	s0 =	sor.u32 s1, s0  }
0xbe: {  	s0 =	sadd.s32 $0x8F2B, s0  }
0xbf: {  	[sflag:s0] =	ssyncadd.remote.s32 $0x1  }
0xc0: {  	_ =	sfence.sel $0xFFFF  }
0xc1: {  	[dreg:$0x0] =	wrdreg $0xFFFFFFFF;
	(pc) =	sbr.abs _section_cstart, $3  }
0xc2: {  	[dreg:$0x1] =	wrdreg $0xFFFFFFFF  }
0xc3: {  	_ =	task.clear_ibuf [dreg:s7], $0x2FFFF;
	_ =	strace $0x9FFFFFFF  }
0xc4: {  	(tm) =	ssettm $0x7FFFFFFF  }
0xc5: {  	_ =	shalt  }
tec
execute0_lowered:
.L_overlay_start_1:
0x0: {  	(tag) =	ssettag $0x1  }
0x1: {  	s0 =	rddreg [dreg:$0x0]  }
0x2: {  	s3 =	rddreg [dreg:$0x2]  }
0x3: {  	s4 =	rddreg [dreg:$0x3];
	s2 =	simm.s32 $0x0;
	s13 =	stileid.u32  }
0x4: {  	s1 =	srdreg.scid;
	s29 =	simm.s32 $0x3;
	s18 =	simm.s32 $0x580  }
0x5: {  	s19 =	simm.s32 $0x600;
	s20 =	simm.s32 $0x680;
	[smem:$0x7FF] =	sst s2  }
0x6: {  	s21 =	simm.s32 $0x700;
	_ =	strace $0x8000004D;
	[dreg:$0x7] =	wrdreg s18  }
0x7: {  	s22 =	simm.s32 $0x780;
	s23 =	simm.s32 $0xD80;
	[dreg:$0x8] =	wrdreg s19  }
0x8: {  	s25 =	simm.s32 $0xE00;
	s28 =	simm.s32 $0xE80;
	[dreg:$0x9] =	wrdreg s20  }
0x9: {  	s30 =	smul.u32 $0xC400, s13;
	s1 =	sand.u32 $0x1, s1;
	[dreg:$0xa] =	wrdreg s21  }
0xa: {  	s7 =	sadd.s32 $0xC5200, s0;
	s8 =	sadd.s32 $0x1C00, s0;
	[dreg:$0xb] =	wrdreg s22  }
0xb: {  	s12 =	sshll.u32 s13, $0x6;
	s6 =	smul.u32 $0xC4000, s1;
	[dreg:$0xc] =	wrdreg s23  }
0xc: {  	s9 =	sshll.u32 s1, $0x4;
	s31 =	ssub.s32 $0x2, s1;
	[dreg:$0xd] =	wrdreg s25  }
0xd: {  	s1 =	smul.u32 $0x30D400, s1;
	s24 =	sor.u32 $0x1C03, s12;
	[dreg:$0xe] =	wrdreg s28  }
0xe: {  	s22 =	simm.s32 $0x2;
	s10 =	sshrl.u32 s30, $0x3;
	s9 =	sor.u32 s13, s9  }
0xf: {  	s11 =	sshrl.u32 s31, $0x1;
	s13 =	smul.u32 $0x30D40, s13;
	s5 =	sadd.s32 s30, s3  }
0x10: {  	s2 =	sadd.s32 s30, s4;
	[dreg:$0x11] =	wrdreg s24;
	s6 =	sadd.s32 s30, s6  }
0x11: {  	s10 =	sadd.s32 s10, s0;
	s9 =	smul.u32 $0x30D40, s9;
	s26 =	sshrl.u32 s5, $0x3  }
0x12: {  	s17 =	sshrl.u32 s2, $0x3;
	s30 =	simm.s32 $0xF00;
	s5 =	simm.s32 $0xD00  }
0x13: {  	s6 =	sshrl.u32 s6, $0x3;
	s1 =	sadd.s32 s13, s1;
	[dreg:$0x18] =	wrdreg s17  }
0x14: {  	s10 =	sadd.s32 $0x310800, s10;
	s17 =	simm.s32 $0x80;
	[dreg:$0xf] =	wrdreg s30  }
0x15: {  	[dreg:$0x17] =	wrdreg s26;
	s0 =	sadd.s32 s6, s0;
	s6 =	ssub.s32 s31, s11  }
0x16: {  	s9 =	sshrl.u32 s9, $0x3;
	[dreg:$0x12] =	wrdreg s10;
	s31 =	simm.s32 $0xF80  }
0x17: {  	s1 =	sshrl.u32 s1, $0x3;
	s0 =	sadd.s32 $0x188800, s0;
	[dreg:$0x10] =	wrdreg s31  }
0x18: {  	s10 =	simm.s32 $0xB80;
	s16 =	smax.u32 s6, $0x1;
	[dreg:$0x15] =	wrdreg s0  }
0x19: {  	s9 =	sadd.s32 $0x6100, s9;
	s15 =	sadd.s32 s1, s7;
	[dreg:$0x16] =	wrdreg s16  }
0x1a: {  	s6 =	simm.s32 $0xC80;
	s14 =	sadd.s32 s7, s9;
	[dreg:$0x6] =	wrdreg s15  }
0x1b: {  	s9 =	sadd.s32 s8, s9;
	s8 =	sadd.s32 s1, s8;
	[dreg:$0x13] =	wrdreg s14  }
0x1c: {  	s16 =	simm.s32 $0x1;
	s1 =	simm.s32 $0xB00;
	[dreg:$0x14] =	wrdreg s9  }
0x1d: {  	s0 =	simm.s32 $0x0;
	[dreg:$0x5] =	wrdreg s8;
	s14 =	simm.s32 $0xC00  }
.LBB2_1:
0x1e: {  	[dreg:$0x19] =	wrdreg s0  }
0x1f: {  	s2 =	rddreg [dreg:$0x1]  }
0x20: {  	[spmem:s26], [sflag:s24] =	dma.local [hbm:s2], $0x1880  }
0x21: {  	_ =	swait.ge [sflag:s29], $0x1880  }
0x22: {  	[sflag:s29] =	ssyncset.done $0x0;
	s0 =	rddreg [dreg:$0x12]  }
0x23: {  	s7 =	rddreg [dreg:$0x18];
	[sflag:s29] =	ssyncadd.s32 $0xFFFFE780  }
0x24: {  	[spmem:s7], [sflag:s24] =	dma.local [hbm:s0], $0x1880  }
0x25: {  	_ =	swait.ge [sflag:s29], $0x1880  }
0x26: {  	[sflag:s29] =	ssyncset.done $0x0  }
0x27: {  	[sflag:s29] =	ssyncadd.s32 $0xFFFFE780  }
0x28: {  	[bflag:$0x0] =	sbarrier.arrive $0xFFFF  }
0x29: {  	s8 =	rddreg [dreg:$0x6]  }
0x2a: {  	s11 =	simm.s32 $0x0;
	s9 =	rddreg [dreg:$0x5];
	s24 =	sadd.s32 $0x0, s8  }
0x2b: {  	[tilespmem:s11], [sflag:$0x1] =	stream.linear.gather [hbm4b:s24+s11], $0x800, $0x38;
	[tilespmem:$0x1D800] =	vst v63  }
0x2c: {  	s2 =	simm.s32 $0x800;
	s12 =	sadd.s32 $0x0, s9  }
0x2d: {  	[tilespmem:s2], [sflag:$0x1] =	stream.linear.gather [hbm4b:s12+s11], $0x800, $0x38;
	[tilespmem:$0x1D800] =	vst v63  }
0x2e: {  	_ =	swait.ge [sflag:s16], $0x800  }
0x2f: {  	[sflag:s16] =	ssyncset.done $0x0  }
0x30: {  	[sflag:s16] =	ssyncadd.s32 $0xFFFFF800  }
0x31: {  	_ =	swait.ge [sflag:s16], $0x800  }
0x32: {  	[sflag:s16] =	ssyncset.done $0x0  }
0x33: {  	s19 =	simm.s32 $0x1000;
	[sflag:s16] =	ssyncadd.s32 $0xFFFFF800  }
0x34: {  	[tilespmem:s19], [sflag:$0x1] =	stream.indirect.gather [spmem:s4], $0x8, s11, s17, $0xb8;
	[tilespmem:$0x1D800] =	vst v63  }
0x35: {  	s21 =	simm.s32 $0x1400  }
0x36: {  	[tilespmem:s21], [sflag:$0x1] =	stream.indirect.gather [spmem:s4], $0x8, s17, s17, $0xb8;
	[tilespmem:$0x1D800] =	vst v63  }
0x37: {  	s23 =	simm.s32 $0x1800;
	s13 =	simm.s32 $0x100  }
0x38: {  	[tilespmem:s23], [sflag:$0x1] =	stream.indirect.gather [spmem:s4], $0x8, s13, s17, $0xb8;
	[tilespmem:$0x1D800] =	vst v63  }
0x39: {  	s25 =	simm.s32 $0x1C00;
	s15 =	simm.s32 $0x180  }
0x3a: {  	[tilespmem:s25], [sflag:$0x1] =	stream.indirect.gather [spmem:s4], $0x8, s15, s17, $0xb8;
	[tilespmem:$0x1D800] =	vst v63  }
0x3b: {  	s28 =	simm.s32 $0x2000;
	s18 =	simm.s32 $0x200  }
0x3c: {  	[tilespmem:s28], [sflag:$0x1] =	stream.indirect.gather [spmem:s4], $0x8, s18, s17, $0xb8;
	[tilespmem:$0x1D800] =	vst v63  }
0x3d: {  	s20 =	simm.s32 $0x280;
	s29 =	simm.s32 $0x2400  }
0x3e: {  	[tilespmem:s29], [sflag:$0x1] =	stream.indirect.gather [spmem:s4], $0x8, s20, s17, $0xb8;
	[tilespmem:$0x1D800] =	vst v63  }
0x3f: {  	s0 =	simm.s32 $0x2800;
	s7 =	simm.s32 $0x300  }
0x40: {  	[tilespmem:s0], [sflag:$0x1] =	stream.indirect.gather [spmem:s4], $0x8, s7, s17, $0xb8;
	[tilespmem:$0x1D800] =	vst v63  }
0x41: {  	s8 =	simm.s32 $0x2C00;
	s24 =	simm.s32 $0x380  }
0x42: {  	[tilespmem:s8], [sflag:$0x1] =	stream.indirect.gather [spmem:s4], $0x8, s24, s17, $0xb8;
	[tilespmem:$0x1D800] =	vst v63  }
0x43: {  	s26 =	simm.s32 $0x400;
	s11 =	simm.s32 $0x3000  }
0x44: {  	[tilespmem:s11], [sflag:$0x1] =	stream.indirect.gather [spmem:s4], $0x8, s26, s17, $0xb8;
	[tilespmem:$0x1D800] =	vst v63  }
0x45: {  	s30 =	simm.s32 $0x480;
	s12 =	simm.s32 $0x3400  }
0x46: {  	[tilespmem:s12], [sflag:$0x1] =	stream.indirect.gather [spmem:s4], $0x8, s30, s17, $0xb8;
	[tilespmem:$0x1D800] =	vst v63  }
0x47: {  	s9 =	simm.s32 $0x500;
	s13 =	simm.s32 $0x3800  }
0x48: {  	[tilespmem:s13], [sflag:$0x1] =	stream.indirect.gather [spmem:s4], $0x8, s9, s17, $0xb8;
	[tilespmem:$0x1D800] =	vst v63  }
0x49: {  	s31 =	rddreg [dreg:$0x7];
	s7 =	simm.s32 $0x3C00  }
0x4a: {  	[tilespmem:s7], [sflag:$0x1] =	stream.indirect.gather [spmem:s4], $0x8, s31, s17, $0xb8;
	[tilespmem:$0x1D800] =	vst v63  }
0x4b: {  	s15 =	rddreg [dreg:$0x8];
	s9 =	simm.s32 $0x4000  }
0x4c: {  	[tilespmem:s9], [sflag:$0x1] =	stream.indirect.gather [spmem:s4], $0x8, s15, s17, $0xb8;
	[tilespmem:$0x1D800] =	vst v63  }
0x4d: {  	s18 =	rddreg [dreg:$0x9];
	s20 =	simm.s32 $0x4400  }
0x4e: {  	[tilespmem:s20], [sflag:$0x1] =	stream.indirect.gather [spmem:s4], $0x8, s18, s17, $0xb8;
	[tilespmem:$0x1D800] =	vst v63  }
0x4f: {  	s30 =	rddreg [dreg:$0xa];
	s15 =	simm.s32 $0x4800  }
0x50: {  	[tilespmem:s15], [sflag:$0x1] =	stream.indirect.gather [spmem:s4], $0x8, s30, s17, $0xb8;
	[tilespmem:$0x1D800] =	vst v63  }
0x51: {  	s31 =	rddreg [dreg:$0xb];
	s18 =	simm.s32 $0x4C00  }
0x52: {  	[tilespmem:s18], [sflag:$0x1] =	stream.indirect.gather [spmem:s4], $0x8, s31, s17, $0xb8;
	[tilespmem:$0x1D800] =	vst v63  }
0x53: {  	_ =	swait.ge [sflag:s16], $0x400  }
0x54: {  	[sflag:s16] =	ssyncset.done $0x0  }
0x55: {  	[sflag:s16] =	ssyncadd.s32 $0xFFFFFC00  }
0x56: {  	_ =	swait.ge [sflag:s16], $0x400  }
0x57: {  	[sflag:s16] =	ssyncset.done $0x0  }
0x58: {  	[sflag:s16] =	ssyncadd.s32 $0xFFFFFC00  }
0x59: {  	_ =	swait.ge [sflag:s16], $0x400  }
0x5a: {  	[sflag:s16] =	ssyncset.done $0x0  }
0x5b: {  	[sflag:s16] =	ssyncadd.s32 $0xFFFFFC00  }
0x5c: {  	_ =	swait.ge [sflag:s16], $0x400  }
0x5d: {  	[sflag:s16] =	ssyncset.done $0x0  }
0x5e: {  	[sflag:s16] =	ssyncadd.s32 $0xFFFFFC00  }
0x5f: {  	_ =	swait.ge [sflag:s16], $0x400  }
0x60: {  	[sflag:s16] =	ssyncset.done $0x0  }
0x61: {  	[sflag:s16] =	ssyncadd.s32 $0xFFFFFC00  }
0x62: {  	_ =	swait.ge [sflag:s16], $0x400  }
0x63: {  	[sflag:s16] =	ssyncset.done $0x0  }
0x64: {  	[sflag:s16] =	ssyncadd.s32 $0xFFFFFC00  }
0x65: {  	_ =	swait.ge [sflag:s16], $0x400  }
0x66: {  	[sflag:s16] =	ssyncset.done $0x0  }
0x67: {  	[sflag:s16] =	ssyncadd.s32 $0xFFFFFC00  }
0x68: {  	_ =	swait.ge [sflag:s16], $0x400  }
0x69: {  	[sflag:s16] =	ssyncset.done $0x0  }
0x6a: {  	[sflag:s16] =	ssyncadd.s32 $0xFFFFFC00  }
0x6b: {  	_ =	swait.ge [sflag:s16], $0x400  }
0x6c: {  	[sflag:s16] =	ssyncset.done $0x0  }
0x6d: {  	[sflag:s16] =	ssyncadd.s32 $0xFFFFFC00  }
0x6e: {  	_ =	swait.ge [sflag:s16], $0x400  }
0x6f: {  	[sflag:s16] =	ssyncset.done $0x0  }
0x70: {  	[sflag:s16] =	ssyncadd.s32 $0xFFFFFC00  }
0x71: {  	_ =	swait.ge [sflag:s16], $0x400  }
0x72: {  	[sflag:s16] =	ssyncset.done $0x0  }
0x73: {  	[sflag:s16] =	ssyncadd.s32 $0xFFFFFC00  }
0x74: {  	_ =	swait.ge [sflag:s16], $0x400  }
0x75: {  	[sflag:s16] =	ssyncset.done $0x0  }
0x76: {  	[sflag:s16] =	ssyncadd.s32 $0xFFFFFC00  }
0x77: {  	_ =	swait.ge [sflag:s16], $0x400  }
0x78: {  	[sflag:s16] =	ssyncset.done $0x0  }
0x79: {  	[sflag:s16] =	ssyncadd.s32 $0xFFFFFC00  }
0x7a: {  	_ =	swait.ge [sflag:s16], $0x400  }
0x7b: {  	[sflag:s16] =	ssyncset.done $0x0  }
0x7c: {  	[sflag:s16] =	ssyncadd.s32 $0xFFFFFC00  }
0x7d: {  	_ =	swait.ge [sflag:s16], $0x400  }
0x7e: {  	[sflag:s16] =	ssyncset.done $0x0  }
0x7f: {  	[sflag:s16] =	ssyncadd.s32 $0xFFFFFC00  }
0x80: {  	_ =	swait.ge [sflag:s16], $0x400  }
0x81: {  	[sflag:s16] =	ssyncset.done $0x0  }
0x82: {  	[sflag:s16] =	ssyncadd.s32 $0xFFFFFC00  }
0x83: {  	[spmem:s3] =	stream.indirect.scatter.add.f32 [tilespmem:s19], [sflag:$0x2], $0x8, s2, s17, $0xb8;
	[tilespmem:$0x1D800] =	vst v63  }
0x84: {  	s26 =	simm.s32 $0x880  }
0x85: {  	[spmem:s3] =	stream.indirect.scatter.add.f32 [tilespmem:s21], [sflag:$0x2], $0x8, s26, s17, $0xb8;
	[tilespmem:$0x1D800] =	vst v63  }
0x86: {  	s30 =	simm.s32 $0x900  }
0x87: {  	[spmem:s3] =	stream.indirect.scatter.add.f32 [tilespmem:s23], [sflag:$0x2], $0x8, s30, s17, $0xb8;
	[tilespmem:$0x1D800] =	vst v63  }
0x88: {  	s31 =	simm.s32 $0x980  }
0x89: {  	[spmem:s3] =	stream.indirect.scatter.add.f32 [tilespmem:s25], [sflag:$0x2], $0x8, s31, s17, $0xb8;
	[tilespmem:$0x1D800] =	vst v63  }
0x8a: {  	s19 =	simm.s32 $0xA00  }
0x8b: {  	[spmem:s3] =	stream.indirect.scatter.add.f32 [tilespmem:s28], [sflag:$0x2], $0x8, s19, s17, $0xb8;
	[tilespmem:$0x1D800] =	vst v63  }
0x8c: {  	s21 =	simm.s32 $0xA80  }
0x8d: {  	[spmem:s3] =	stream.indirect.scatter.add.f32 [tilespmem:s29], [sflag:$0x2], $0x8, s21, s17, $0xb8;
	[tilespmem:$0x1D800] =	vst v63  }
0x8e: {  	_ = 	snop  }
0x8f: {  	[spmem:s3] =	stream.indirect.scatter.add.f32 [tilespmem:s0], [sflag:$0x2], $0x8, s1, s17, $0xb8;
	[tilespmem:$0x1D800] =	vst v63  }
0x90: {  	_ = 	snop  }
0x91: {  	[spmem:s3] =	stream.indirect.scatter.add.f32 [tilespmem:s8], [sflag:$0x2], $0x8, s10, s17, $0xb8;
	[tilespmem:$0x1D800] =	vst v63  }
0x92: {  	_ = 	snop  }
0x93: {  	[spmem:s3] =	stream.indirect.scatter.add.f32 [tilespmem:s11], [sflag:$0x2], $0x8, s14, s17, $0xb8;
	[tilespmem:$0x1D800] =	vst v63  }
0x94: {  	_ = 	snop  }
0x95: {  	[spmem:s3] =	stream.indirect.scatter.add.f32 [tilespmem:s12], [sflag:$0x2], $0x8, s6, s17, $0xb8;
	[tilespmem:$0x1D800] =	vst v63  }
0x96: {  	_ = 	snop  }
0x97: {  	[spmem:s3] =	stream.indirect.scatter.add.f32 [tilespmem:s13], [sflag:$0x2], $0x8, s5, s17, $0xb8;
	[tilespmem:$0x1D800] =	vst v63  }
0x98: {  	s23 =	rddreg [dreg:$0xc]  }
0x99: {  	[spmem:s3] =	stream.indirect.scatter.add.f32 [tilespmem:s7], [sflag:$0x2], $0x8, s23, s17, $0xb8;
	[tilespmem:$0x1D800] =	vst v63  }
0x9a: {  	s25 =	rddreg [dreg:$0xd]  }
0x9b: {  	[spmem:s3] =	stream.indirect.scatter.add.f32 [tilespmem:s9], [sflag:$0x2], $0x8, s25, s17, $0xb8;
	[tilespmem:$0x1D800] =	vst v63  }
0x9c: {  	s28 =	rddreg [dreg:$0xe]  }
0x9d: {  	[spmem:s3] =	stream.indirect.scatter.add.f32 [tilespmem:s20], [sflag:$0x2], $0x8, s28, s17, $0xb8;
	[tilespmem:$0x1D800] =	vst v63  }
0x9e: {  	s30 =	rddreg [dreg:$0xf]  }
0x9f: {  	[spmem:s3] =	stream.indirect.scatter.add.f32 [tilespmem:s15], [sflag:$0x2], $0x8, s30, s17, $0xb8;
	[tilespmem:$0x1D800] =	vst v63  }
0xa0: {  	s31 =	rddreg [dreg:$0x10]  }
0xa1: {  	[spmem:s3] =	stream.indirect.scatter.add.f32 [tilespmem:s18], [sflag:$0x2], $0x8, s31, s17, $0xb8;
	[tilespmem:$0x1D800] =	vst v63  }
0xa2: {  	_ =	swait.ge [sflag:s22], $0x400  }
0xa3: {  	[sflag:s22] =	ssyncset.done $0x0  }
0xa4: {  	[sflag:s22] =	ssyncadd.s32 $0xFFFFFC00  }
0xa5: {  	_ =	swait.ge [sflag:s22], $0x400  }
0xa6: {  	[sflag:s22] =	ssyncset.done $0x0  }
0xa7: {  	[sflag:s22] =	ssyncadd.s32 $0xFFFFFC00  }
0xa8: {  	_ =	swait.ge [sflag:s22], $0x400  }
0xa9: {  	[sflag:s22] =	ssyncset.done $0x0  }
0xaa: {  	[sflag:s22] =	ssyncadd.s32 $0xFFFFFC00  }
0xab: {  	_ =	swait.ge [sflag:s22], $0x400  }
0xac: {  	[sflag:s22] =	ssyncset.done $0x0  }
0xad: {  	[sflag:s22] =	ssyncadd.s32 $0xFFFFFC00  }
0xae: {  	_ =	swait.ge [sflag:s22], $0x400  }
0xaf: {  	[sflag:s22] =	ssyncset.done $0x0  }
0xb0: {  	[sflag:s22] =	ssyncadd.s32 $0xFFFFFC00  }
0xb1: {  	_ =	swait.ge [sflag:s22], $0x400  }
0xb2: {  	[sflag:s22] =	ssyncset.done $0x0  }
0xb3: {  	[sflag:s22] =	ssyncadd.s32 $0xFFFFFC00  }
0xb4: {  	_ =	swait.ge [sflag:s22], $0x400  }
0xb5: {  	[sflag:s22] =	ssyncset.done $0x0  }
0xb6: {  	[sflag:s22] =	ssyncadd.s32 $0xFFFFFC00  }
0xb7: {  	_ =	swait.ge [sflag:s22], $0x400  }
0xb8: {  	[sflag:s22] =	ssyncset.done $0x0  }
0xb9: {  	[sflag:s22] =	ssyncadd.s32 $0xFFFFFC00  }
0xba: {  	_ =	swait.ge [sflag:s22], $0x400  }
0xbb: {  	[sflag:s22] =	ssyncset.done $0x0  }
0xbc: {  	[sflag:s22] =	ssyncadd.s32 $0xFFFFFC00  }
0xbd: {  	_ =	swait.ge [sflag:s22], $0x400  }
0xbe: {  	[sflag:s22] =	ssyncset.done $0x0  }
0xbf: {  	[sflag:s22] =	ssyncadd.s32 $0xFFFFFC00  }
0xc0: {  	_ =	swait.ge [sflag:s22], $0x400  }
0xc1: {  	[sflag:s22] =	ssyncset.done $0x0  }
0xc2: {  	[sflag:s22] =	ssyncadd.s32 $0xFFFFFC00  }
0xc3: {  	_ =	swait.ge [sflag:s22], $0x400  }
0xc4: {  	[sflag:s22] =	ssyncset.done $0x0  }
0xc5: {  	[sflag:s22] =	ssyncadd.s32 $0xFFFFFC00  }
0xc6: {  	_ =	swait.ge [sflag:s22], $0x400  }
0xc7: {  	[sflag:s22] =	ssyncset.done $0x0  }
0xc8: {  	[sflag:s22] =	ssyncadd.s32 $0xFFFFFC00  }
0xc9: {  	_ =	swait.ge [sflag:s22], $0x400  }
0xca: {  	[sflag:s22] =	ssyncset.done $0x0  }
0xcb: {  	[sflag:s22] =	ssyncadd.s32 $0xFFFFFC00  }
0xcc: {  	_ =	swait.ge [sflag:s22], $0x400  }
0xcd: {  	[sflag:s22] =	ssyncset.done $0x0  }
0xce: {  	[sflag:s22] =	ssyncadd.s32 $0xFFFFFC00  }
0xcf: {  	s24 =	simm.s32 $0x100;
	_ =	swait.ge [sflag:s22], $0x400  }
0xd0: {  	s26 =	simm.s32 $0x200;
	s29 =	rddreg [dreg:$0x6];
	[sflag:s22] =	ssyncset.done $0x0  }
.LBB2_2:
0xd1: {  	[sflag:s22] =	ssyncadd.s32 $0xFFFFFC00;
	s31 =	smov.u32 s26  }
0xd2: {  	s2 =	rddreg [dreg:$0x5];
	s29 =	sadd.s32 s24, s29;
	s0 =	simm.s32 $0x0  }
0xd3: {  	[tilespmem:s0], [sflag:$0x1] =	stream.linear.gather [hbm4b:s29+s0], $0x800, $0x38;
	[tilespmem:$0x1D800] =	vst v63  }
0xd4: {  	s2 =	sadd.s32 s24, s2;
	s24 =	smov.u32 s31;
	s31 =	simm.s32 $0x800  }
0xd5: {  	[tilespmem:s31], [sflag:$0x1] =	stream.linear.gather [hbm4b:s2+s0], $0x800, $0x38;
	[tilespmem:$0x1D800] =	vst v63  }
0xd6: {  	_ =	swait.ge [sflag:s16], $0x800  }
0xd7: {  	[sflag:s16] =	ssyncset.done $0x0  }
0xd8: {  	[sflag:s16] =	ssyncadd.s32 $0xFFFFF800  }
0xd9: {  	_ =	swait.ge [sflag:s16], $0x800  }
0xda: {  	[sflag:s16] =	ssyncset.done $0x0  }
0xdb: {  	s19 =	simm.s32 $0x1000;
	[sflag:s16] =	ssyncadd.s32 $0xFFFFF800  }
0xdc: {  	[tilespmem:s19], [sflag:$0x1] =	stream.indirect.gather [spmem:s4], $0x8, s0, s17, $0xb8;
	[tilespmem:$0x1D800] =	vst v63  }
0xdd: {  	s21 =	simm.s32 $0x1400  }
0xde: {  	[tilespmem:s21], [sflag:$0x1] =	stream.indirect.gather [spmem:s4], $0x8, s17, s17, $0xb8;
	[tilespmem:$0x1D800] =	vst v63  }
0xdf: {  	s23 =	simm.s32 $0x1800;
	s30 =	simm.s32 $0x100  }
0xe0: {  	[tilespmem:s23], [sflag:$0x1] =	stream.indirect.gather [spmem:s4], $0x8, s30, s17, $0xb8;
	[tilespmem:$0x1D800] =	vst v63  }
0xe1: {  	s25 =	simm.s32 $0x1C00;
	s2 =	simm.s32 $0x180  }
0xe2: {  	[tilespmem:s25], [sflag:$0x1] =	stream.indirect.gather [spmem:s4], $0x8, s2, s17, $0xb8;
	[tilespmem:$0x1D800] =	vst v63  }
0xe3: {  	s28 =	simm.s32 $0x2000;
	s7 =	simm.s32 $0x200  }
0xe4: {  	[tilespmem:s28], [sflag:$0x1] =	stream.indirect.gather [spmem:s4], $0x8, s7, s17, $0xb8;
	[tilespmem:$0x1D800] =	vst v63  }
0xe5: {  	s8 =	simm.s32 $0x280;
	s30 =	simm.s32 $0x2400  }
0xe6: {  	[tilespmem:s30], [sflag:$0x1] =	stream.indirect.gather [spmem:s4], $0x8, s8, s17, $0xb8;
	[tilespmem:$0x1D800] =	vst v63  }
0xe7: {  	s9 =	simm.s32 $0x300;
	s0 =	simm.s32 $0x2800  }
0xe8: {  	[tilespmem:s0], [sflag:$0x1] =	stream.indirect.gather [spmem:s4], $0x8, s9, s17, $0xb8;
	[tilespmem:$0x1D800] =	vst v63  }
0xe9: {  	s11 =	simm.s32 $0x380;
	s8 =	simm.s32 $0x2C00  }
0xea: {  	[tilespmem:s8], [sflag:$0x1] =	stream.indirect.gather [spmem:s4], $0x8, s11, s17, $0xb8;
	[tilespmem:$0x1D800] =	vst v63  }
0xeb: {  	s12 =	simm.s32 $0x400;
	s11 =	simm.s32 $0x3000  }
0xec: {  	[tilespmem:s11], [sflag:$0x1] =	stream.indirect.gather [spmem:s4], $0x8, s12, s17, $0xb8;
	[tilespmem:$0x1D800] =	vst v63  }
0xed: {  	s13 =	simm.s32 $0x480;
	s12 =	simm.s32 $0x3400  }
0xee: {  	[tilespmem:s12], [sflag:$0x1] =	stream.indirect.gather [spmem:s4], $0x8, s13, s17, $0xb8;
	[tilespmem:$0x1D800] =	vst v63  }
0xef: {  	s7 =	simm.s32 $0x500;
	s13 =	simm.s32 $0x3800  }
0xf0: {  	[tilespmem:s13], [sflag:$0x1] =	stream.indirect.gather [spmem:s4], $0x8, s7, s17, $0xb8;
	[tilespmem:$0x1D800] =	vst v63  }
0xf1: {  	s15 =	rddreg [dreg:$0x7];
	s7 =	simm.s32 $0x3C00  }
0xf2: {  	[tilespmem:s7], [sflag:$0x1] =	stream.indirect.gather [spmem:s4], $0x8, s15, s17, $0xb8;
	[tilespmem:$0x1D800] =	vst v63  }
0xf3: {  	s29 =	rddreg [dreg:$0x8];
	s9 =	simm.s32 $0x4000  }
0xf4: {  	[tilespmem:s9], [sflag:$0x1] =	stream.indirect.gather [spmem:s4], $0x8, s29, s17, $0xb8;
	[tilespmem:$0x1D800] =	vst v63  }
0xf5: {  	s20 =	simm.s32 $0x4400;
	s18 =	rddreg [dreg:$0x9]  }
0xf6: {  	[tilespmem:s20], [sflag:$0x1] =	stream.indirect.gather [spmem:s4], $0x8, s18, s17, $0xb8;
	[tilespmem:$0x1D800] =	vst v63  }
0xf7: {  	s15 =	simm.s32 $0x4800;
	s29 =	rddreg [dreg:$0xa]  }
0xf8: {  	[tilespmem:s15], [sflag:$0x1] =	stream.indirect.gather [spmem:s4], $0x8, s29, s17, $0xb8;
	[tilespmem:$0x1D800] =	vst v63  }
0xf9: {  	s2 =	rddreg [dreg:$0xb];
	s18 =	simm.s32 $0x4C00  }
0xfa: {  	[tilespmem:s18], [sflag:$0x1] =	stream.indirect.gather [spmem:s4], $0x8, s2, s17, $0xb8;
	[tilespmem:$0x1D800] =	vst v63  }
0xfb: {  	_ =	swait.ge [sflag:s16], $0x400  }
0xfc: {  	[sflag:s16] =	ssyncset.done $0x0  }
0xfd: {  	[sflag:s16] =	ssyncadd.s32 $0xFFFFFC00  }
0xfe: {  	_ =	swait.ge [sflag:s16], $0x400  }
0xff: {  	[sflag:s16] =	ssyncset.done $0x0  }
0x100: {  	[sflag:s16] =	ssyncadd.s32 $0xFFFFFC00  }
0x101: {  	_ =	swait.ge [sflag:s16], $0x400  }
0x102: {  	[sflag:s16] =	ssyncset.done $0x0  }
0x103: {  	[sflag:s16] =	ssyncadd.s32 $0xFFFFFC00  }
0x104: {  	_ =	swait.ge [sflag:s16], $0x400  }
0x105: {  	[sflag:s16] =	ssyncset.done $0x0  }
0x106: {  	[sflag:s16] =	ssyncadd.s32 $0xFFFFFC00  }
0x107: {  	_ =	swait.ge [sflag:s16], $0x400  }
0x108: {  	[sflag:s16] =	ssyncset.done $0x0  }
0x109: {  	[sflag:s16] =	ssyncadd.s32 $0xFFFFFC00  }
0x10a: {  	_ =	swait.ge [sflag:s16], $0x400  }
0x10b: {  	[sflag:s16] =	ssyncset.done $0x0  }
0x10c: {  	[sflag:s16] =	ssyncadd.s32 $0xFFFFFC00  }
0x10d: {  	_ =	swait.ge [sflag:s16], $0x400  }
0x10e: {  	[sflag:s16] =	ssyncset.done $0x0  }
0x10f: {  	[sflag:s16] =	ssyncadd.s32 $0xFFFFFC00  }
0x110: {  	_ =	swait.ge [sflag:s16], $0x400  }
0x111: {  	[sflag:s16] =	ssyncset.done $0x0  }
0x112: {  	[sflag:s16] =	ssyncadd.s32 $0xFFFFFC00  }
0x113: {  	_ =	swait.ge [sflag:s16], $0x400  }
0x114: {  	[sflag:s16] =	ssyncset.done $0x0  }
0x115: {  	[sflag:s16] =	ssyncadd.s32 $0xFFFFFC00  }
0x116: {  	_ =	swait.ge [sflag:s16], $0x400  }
0x117: {  	[sflag:s16] =	ssyncset.done $0x0  }
0x118: {  	[sflag:s16] =	ssyncadd.s32 $0xFFFFFC00  }
0x119: {  	_ =	swait.ge [sflag:s16], $0x400  }
0x11a: {  	[sflag:s16] =	ssyncset.done $0x0  }
0x11b: {  	[sflag:s16] =	ssyncadd.s32 $0xFFFFFC00  }
0x11c: {  	_ =	swait.ge [sflag:s16], $0x400  }
0x11d: {  	[sflag:s16] =	ssyncset.done $0x0  }
0x11e: {  	[sflag:s16] =	ssyncadd.s32 $0xFFFFFC00  }
0x11f: {  	_ =	swait.ge [sflag:s16], $0x400  }
0x120: {  	[sflag:s16] =	ssyncset.done $0x0  }
0x121: {  	[sflag:s16] =	ssyncadd.s32 $0xFFFFFC00  }
0x122: {  	_ =	swait.ge [sflag:s16], $0x400  }
0x123: {  	[sflag:s16] =	ssyncset.done $0x0  }
0x124: {  	[sflag:s16] =	ssyncadd.s32 $0xFFFFFC00  }
0x125: {  	_ =	swait.ge [sflag:s16], $0x400  }
0x126: {  	[sflag:s16] =	ssyncset.done $0x0  }
0x127: {  	[sflag:s16] =	ssyncadd.s32 $0xFFFFFC00  }
0x128: {  	_ =	swait.ge [sflag:s16], $0x400  }
0x129: {  	[sflag:s16] =	ssyncset.done $0x0  }
0x12a: {  	[sflag:s16] =	ssyncadd.s32 $0xFFFFFC00  }
0x12b: {  	[spmem:s3] =	stream.indirect.scatter.add.f32 [tilespmem:s19], [sflag:$0x2], $0x8, s31, s17, $0xb8;
	[tilespmem:$0x1D800] =	vst v63  }
0x12c: {  	s31 =	simm.s32 $0x880  }
0x12d: {  	[spmem:s3] =	stream.indirect.scatter.add.f32 [tilespmem:s21], [sflag:$0x2], $0x8, s31, s17, $0xb8;
	[tilespmem:$0x1D800] =	vst v63  }
0x12e: {  	s19 =	simm.s32 $0x900  }
0x12f: {  	[spmem:s3] =	stream.indirect.scatter.add.f32 [tilespmem:s23], [sflag:$0x2], $0x8, s19, s17, $0xb8;
	[tilespmem:$0x1D800] =	vst v63  }
0x130: {  	s21 =	simm.s32 $0x980  }
0x131: {  	[spmem:s3] =	stream.indirect.scatter.add.f32 [tilespmem:s25], [sflag:$0x2], $0x8, s21, s17, $0xb8;
	[tilespmem:$0x1D800] =	vst v63  }
0x132: {  	s23 =	simm.s32 $0xA00  }
0x133: {  	[spmem:s3] =	stream.indirect.scatter.add.f32 [tilespmem:s28], [sflag:$0x2], $0x8, s23, s17, $0xb8;
	[tilespmem:$0x1D800] =	vst v63  }
0x134: {  	s25 =	simm.s32 $0xA80  }
0x135: {  	[spmem:s3] =	stream.indirect.scatter.add.f32 [tilespmem:s30], [sflag:$0x2], $0x8, s25, s17, $0xb8;
	[tilespmem:$0x1D800] =	vst v63  }
0x136: {  	_ = 	snop  }
0x137: {  	[spmem:s3] =	stream.indirect.scatter.add.f32 [tilespmem:s0], [sflag:$0x2], $0x8, s1, s17, $0xb8;
	[tilespmem:$0x1D800] =	vst v63  }
0x138: {  	_ = 	snop  }
0x139: {  	[spmem:s3] =	stream.indirect.scatter.add.f32 [tilespmem:s8], [sflag:$0x2], $0x8, s10, s17, $0xb8;
	[tilespmem:$0x1D800] =	vst v63  }
0x13a: {  	_ = 	snop  }
0x13b: {  	[spmem:s3] =	stream.indirect.scatter.add.f32 [tilespmem:s11], [sflag:$0x2], $0x8, s14, s17, $0xb8;
	[tilespmem:$0x1D800] =	vst v63  }
0x13c: {  	_ = 	snop  }
0x13d: {  	[spmem:s3] =	stream.indirect.scatter.add.f32 [tilespmem:s12], [sflag:$0x2], $0x8, s6, s17, $0xb8;
	[tilespmem:$0x1D800] =	vst v63  }
0x13e: {  	_ = 	snop  }
0x13f: {  	[spmem:s3] =	stream.indirect.scatter.add.f32 [tilespmem:s13], [sflag:$0x2], $0x8, s5, s17, $0xb8;
	[tilespmem:$0x1D800] =	vst v63  }
0x140: {  	s28 =	rddreg [dreg:$0xc]  }
0x141: {  	[spmem:s3] =	stream.indirect.scatter.add.f32 [tilespmem:s7], [sflag:$0x2], $0x8, s28, s17, $0xb8;
	[tilespmem:$0x1D800] =	vst v63  }
0x142: {  	s29 =	rddreg [dreg:$0xd]  }
0x143: {  	[spmem:s3] =	stream.indirect.scatter.add.f32 [tilespmem:s9], [sflag:$0x2], $0x8, s29, s17, $0xb8;
	[tilespmem:$0x1D800] =	vst v63  }
0x144: {  	s30 =	rddreg [dreg:$0xe]  }
0x145: {  	[spmem:s3] =	stream.indirect.scatter.add.f32 [tilespmem:s20], [sflag:$0x2], $0x8, s30, s17, $0xb8;
	[tilespmem:$0x1D800] =	vst v63  }
0x146: {  	s29 =	rddreg [dreg:$0xf]  }
0x147: {  	[spmem:s3] =	stream.indirect.scatter.add.f32 [tilespmem:s15], [sflag:$0x2], $0x8, s29, s17, $0xb8;
	[tilespmem:$0x1D800] =	vst v63  }
0x148: {  	s31 =	rddreg [dreg:$0x10]  }
0x149: {  	[spmem:s3] =	stream.indirect.scatter.add.f32 [tilespmem:s18], [sflag:$0x2], $0x8, s31, s17, $0xb8;
	[tilespmem:$0x1D800] =	vst v63  }
0x14a: {  	_ =	swait.ge [sflag:s22], $0x400  }
0x14b: {  	[sflag:s22] =	ssyncset.done $0x0  }
0x14c: {  	[sflag:s22] =	ssyncadd.s32 $0xFFFFFC00  }
0x14d: {  	_ =	swait.ge [sflag:s22], $0x400  }
0x14e: {  	[sflag:s22] =	ssyncset.done $0x0  }
0x14f: {  	[sflag:s22] =	ssyncadd.s32 $0xFFFFFC00  }
0x150: {  	_ =	swait.ge [sflag:s22], $0x400  }
0x151: {  	[sflag:s22] =	ssyncset.done $0x0  }
0x152: {  	[sflag:s22] =	ssyncadd.s32 $0xFFFFFC00  }
0x153: {  	_ =	swait.ge [sflag:s22], $0x400  }
0x154: {  	[sflag:s22] =	ssyncset.done $0x0  }
0x155: {  	[sflag:s22] =	ssyncadd.s32 $0xFFFFFC00  }
0x156: {  	_ =	swait.ge [sflag:s22], $0x400  }
0x157: {  	[sflag:s22] =	ssyncset.done $0x0  }
0x158: {  	[sflag:s22] =	ssyncadd.s32 $0xFFFFFC00  }
0x159: {  	_ =	swait.ge [sflag:s22], $0x400  }
0x15a: {  	[sflag:s22] =	ssyncset.done $0x0  }
0x15b: {  	[sflag:s22] =	ssyncadd.s32 $0xFFFFFC00  }
0x15c: {  	_ =	swait.ge [sflag:s22], $0x400  }
0x15d: {  	[sflag:s22] =	ssyncset.done $0x0  }
0x15e: {  	[sflag:s22] =	ssyncadd.s32 $0xFFFFFC00  }
0x15f: {  	_ =	swait.ge [sflag:s22], $0x400  }
0x160: {  	[sflag:s22] =	ssyncset.done $0x0  }
0x161: {  	[sflag:s22] =	ssyncadd.s32 $0xFFFFFC00  }
0x162: {  	_ =	swait.ge [sflag:s22], $0x400  }
0x163: {  	[sflag:s22] =	ssyncset.done $0x0  }
0x164: {  	[sflag:s22] =	ssyncadd.s32 $0xFFFFFC00  }
0x165: {  	_ =	swait.ge [sflag:s22], $0x400  }
0x166: {  	[sflag:s22] =	ssyncset.done $0x0  }
0x167: {  	[sflag:s22] =	ssyncadd.s32 $0xFFFFFC00  }
0x168: {  	_ =	swait.ge [sflag:s22], $0x400  }
0x169: {  	[sflag:s22] =	ssyncset.done $0x0  }
0x16a: {  	[sflag:s22] =	ssyncadd.s32 $0xFFFFFC00  }
0x16b: {  	_ =	swait.ge [sflag:s22], $0x400  }
0x16c: {  	[sflag:s22] =	ssyncset.done $0x0  }
0x16d: {  	[sflag:s22] =	ssyncadd.s32 $0xFFFFFC00  }
0x16e: {  	_ =	swait.ge [sflag:s22], $0x400  }
0x16f: {  	[sflag:s22] =	ssyncset.done $0x0  }
0x170: {  	[sflag:s22] =	ssyncadd.s32 $0xFFFFFC00  }
0x171: {  	_ =	swait.ge [sflag:s22], $0x400  }
0x172: {  	[sflag:s22] =	ssyncset.done $0x0  }
0x173: {  	p0 =	sne.s32 s26, $0x6000;
	[sflag:s22] =	ssyncadd.s32 $0xFFFFFC00  }
.Ltmp0:
0x174: {  	_ =	swait.ge [sflag:s22], $0x400;
	(pc) =	sbr.rel @p0 .LBB2_2-.Ltmp0, $4  }
0x175: {  	[sflag:s22] =	ssyncset.done $0x0  }
0x176: {  	[sflag:s22] =	ssyncadd.s32 $0xFFFFFC00  }
0x177: {  	_ =	swait.ge [sflag:s22], $0x400  }
0x178: {  	s26 =	sadd.s32 $0x100, s26;
	s29 =	rddreg [dreg:$0x6];
	[sflag:s22] =	ssyncset.done $0x0  }
0x179: {  	s2 =	rddreg [dreg:$0x5]  }
0x17a: {  	[sflag:s22] =	ssyncadd.s32 $0xFFFFFC00;
	s26 =	sadd.s32 s24, s29;
	s5 =	simm.s32 $0x0  }
0x17b: {  	[tilespmem:s5], [sflag:$0x1] =	stream.linear.gather [hbm4b:s26+s5], $0x800, $0x38;
	[tilespmem:$0x1D800] =	vst v63  }
0x17c: {  	s2 =	sadd.s32 s24, s2;
	s26 =	simm.s32 $0x800  }
0x17d: {  	[tilespmem:s26], [sflag:$0x1] =	stream.linear.gather [hbm4b:s2+s5], $0x800, $0x38;
	[tilespmem:$0x1D800] =	vst v63  }
0x17e: {  	_ =	swait.ge [sflag:s16], $0x800  }
0x17f: {  	[sflag:s16] =	ssyncset.done $0x0  }
0x180: {  	[sflag:s16] =	ssyncadd.s32 $0xFFFFF800  }
0x181: {  	_ =	swait.ge [sflag:s16], $0x800  }
0x182: {  	[sflag:s16] =	ssyncset.done $0x0  }
0x183: {  	s29 =	simm.s32 $0x1000;
	[sflag:s16] =	ssyncadd.s32 $0xFFFFF800  }
0x184: {  	[tilespmem:s29], [sflag:$0x1] =	stream.indirect.gather [spmem:s4], $0x8, s5, s17, $0xb8;
	[tilespmem:$0x1D800] =	vst v63  }
0x185: {  	s19 =	simm.s32 $0x1400  }
0x186: {  	[tilespmem:s19], [sflag:$0x1] =	stream.indirect.gather [spmem:s4], $0x8, s17, s17, $0xb8;
	[tilespmem:$0x1D800] =	vst v63  }
0x187: {  	s0 =	simm.s32 $0x100;
	s21 =	simm.s32 $0x1800  }
0x188: {  	[tilespmem:s21], [sflag:$0x1] =	stream.indirect.gather [spmem:s4], $0x8, s0, s17, $0xb8;
	[tilespmem:$0x1D800] =	vst v63  }
0x189: {  	s9 =	simm.s32 $0x180;
	s23 =	simm.s32 $0x1C00  }
0x18a: {  	[tilespmem:s23], [sflag:$0x1] =	stream.indirect.gather [spmem:s4], $0x8, s9, s17, $0xb8;
	[tilespmem:$0x1D800] =	vst v63  }
0x18b: {  	s10 =	simm.s32 $0x200;
	s25 =	simm.s32 $0x2000  }
0x18c: {  	[tilespmem:s25], [sflag:$0x1] =	stream.indirect.gather [spmem:s4], $0x8, s10, s17, $0xb8;
	[tilespmem:$0x1D800] =	vst v63  }
0x18d: {  	s11 =	simm.s32 $0x280;
	s28 =	simm.s32 $0x2400  }
0x18e: {  	[tilespmem:s28], [sflag:$0x1] =	stream.indirect.gather [spmem:s4], $0x8, s11, s17, $0xb8;
	[tilespmem:$0x1D800] =	vst v63  }
0x18f: {  	s12 =	simm.s32 $0x300;
	s30 =	simm.s32 $0x2800  }
0x190: {  	[tilespmem:s30], [sflag:$0x1] =	stream.indirect.gather [spmem:s4], $0x8, s12, s17, $0xb8;
	[tilespmem:$0x1D800] =	vst v63  }
0x191: {  	s0 =	simm.s32 $0x2C00;
	s10 =	simm.s32 $0x380  }
0x192: {  	[tilespmem:s0], [sflag:$0x1] =	stream.indirect.gather [spmem:s4], $0x8, s10, s17, $0xb8;
	[tilespmem:$0x1D800] =	vst v63  }
0x193: {  	s1 =	simm.s32 $0x400;
	s8 =	simm.s32 $0x3000  }
0x194: {  	[tilespmem:s8], [sflag:$0x1] =	stream.indirect.gather [spmem:s4], $0x8, s1, s17, $0xb8;
	[tilespmem:$0x1D800] =	vst v63  }
0x195: {  	s13 =	simm.s32 $0x480;
	s11 =	simm.s32 $0x3400  }
0x196: {  	[tilespmem:s11], [sflag:$0x1] =	stream.indirect.gather [spmem:s4], $0x8, s13, s17, $0xb8;
	[tilespmem:$0x1D800] =	vst v63  }
0x197: {  	s6 =	simm.s32 $0x500;
	s31 =	simm.s32 $0x3800  }
0x198: {  	[tilespmem:s31], [sflag:$0x1] =	stream.indirect.gather [spmem:s4], $0x8, s6, s17, $0xb8;
	[tilespmem:$0x1D800] =	vst v63  }
0x199: {  	s7 =	simm.s32 $0x3C00;
	s14 =	rddreg [dreg:$0x7]  }
0x19a: {  	[tilespmem:s7], [sflag:$0x1] =	stream.indirect.gather [spmem:s4], $0x8, s14, s17, $0xb8;
	[tilespmem:$0x1D800] =	vst v63  }
0x19b: {  	s15 =	rddreg [dreg:$0x8];
	s13 =	simm.s32 $0x4000  }
0x19c: {  	[tilespmem:s13], [sflag:$0x1] =	stream.indirect.gather [spmem:s4], $0x8, s15, s17, $0xb8;
	[tilespmem:$0x1D800] =	vst v63  }
0x19d: {  	s18 =	rddreg [dreg:$0x9];
	s14 =	simm.s32 $0x4400  }
0x19e: {  	[tilespmem:s14], [sflag:$0x1] =	stream.indirect.gather [spmem:s4], $0x8, s18, s17, $0xb8;
	[tilespmem:$0x1D800] =	vst v63  }
0x19f: {  	s20 =	rddreg [dreg:$0xa];
	s18 =	simm.s32 $0x4800  }
0x1a0: {  	[tilespmem:s18], [sflag:$0x1] =	stream.indirect.gather [spmem:s4], $0x8, s20, s17, $0xb8;
	[tilespmem:$0x1D800] =	vst v63  }
0x1a1: {  	s1 =	rddreg [dreg:$0xb];
	s20 =	simm.s32 $0x4C00  }
0x1a2: {  	[tilespmem:s20], [sflag:$0x1] =	stream.indirect.gather [spmem:s4], $0x8, s1, s17, $0xb8;
	[tilespmem:$0x1D800] =	vst v63  }
0x1a3: {  	_ =	swait.ge [sflag:s16], $0x400  }
0x1a4: {  	[sflag:s16] =	ssyncset.done $0x0  }
0x1a5: {  	[sflag:s16] =	ssyncadd.s32 $0xFFFFFC00  }
0x1a6: {  	_ =	swait.ge [sflag:s16], $0x400  }
0x1a7: {  	[sflag:s16] =	ssyncset.done $0x0  }
0x1a8: {  	[sflag:s16] =	ssyncadd.s32 $0xFFFFFC00  }
0x1a9: {  	_ =	swait.ge [sflag:s16], $0x400  }
0x1aa: {  	[sflag:s16] =	ssyncset.done $0x0  }
0x1ab: {  	[sflag:s16] =	ssyncadd.s32 $0xFFFFFC00  }
0x1ac: {  	_ =	swait.ge [sflag:s16], $0x400  }
0x1ad: {  	[sflag:s16] =	ssyncset.done $0x0  }
0x1ae: {  	[sflag:s16] =	ssyncadd.s32 $0xFFFFFC00  }
0x1af: {  	_ =	swait.ge [sflag:s16], $0x400  }
0x1b0: {  	[sflag:s16] =	ssyncset.done $0x0  }
0x1b1: {  	[sflag:s16] =	ssyncadd.s32 $0xFFFFFC00  }
0x1b2: {  	_ =	swait.ge [sflag:s16], $0x400  }
0x1b3: {  	[sflag:s16] =	ssyncset.done $0x0  }
0x1b4: {  	[sflag:s16] =	ssyncadd.s32 $0xFFFFFC00  }
0x1b5: {  	_ =	swait.ge [sflag:s16], $0x400  }
0x1b6: {  	[sflag:s16] =	ssyncset.done $0x0  }
0x1b7: {  	[sflag:s16] =	ssyncadd.s32 $0xFFFFFC00  }
0x1b8: {  	_ =	swait.ge [sflag:s16], $0x400  }
0x1b9: {  	[sflag:s16] =	ssyncset.done $0x0  }
0x1ba: {  	[sflag:s16] =	ssyncadd.s32 $0xFFFFFC00  }
0x1bb: {  	_ =	swait.ge [sflag:s16], $0x400  }
0x1bc: {  	[sflag:s16] =	ssyncset.done $0x0  }
0x1bd: {  	[sflag:s16] =	ssyncadd.s32 $0xFFFFFC00  }
0x1be: {  	_ =	swait.ge [sflag:s16], $0x400  }
0x1bf: {  	[sflag:s16] =	ssyncset.done $0x0  }
0x1c0: {  	[sflag:s16] =	ssyncadd.s32 $0xFFFFFC00  }
0x1c1: {  	_ =	swait.ge [sflag:s16], $0x400  }
0x1c2: {  	[sflag:s16] =	ssyncset.done $0x0  }
0x1c3: {  	[sflag:s16] =	ssyncadd.s32 $0xFFFFFC00  }
0x1c4: {  	_ =	swait.ge [sflag:s16], $0x400  }
0x1c5: {  	[sflag:s16] =	ssyncset.done $0x0  }
0x1c6: {  	[sflag:s16] =	ssyncadd.s32 $0xFFFFFC00  }
0x1c7: {  	_ =	swait.ge [sflag:s16], $0x400  }
0x1c8: {  	[sflag:s16] =	ssyncset.done $0x0  }
0x1c9: {  	[sflag:s16] =	ssyncadd.s32 $0xFFFFFC00  }
0x1ca: {  	_ =	swait.ge [sflag:s16], $0x400  }
0x1cb: {  	[sflag:s16] =	ssyncset.done $0x0  }
0x1cc: {  	[sflag:s16] =	ssyncadd.s32 $0xFFFFFC00  }
0x1cd: {  	_ =	swait.ge [sflag:s16], $0x400  }
0x1ce: {  	[sflag:s16] =	ssyncset.done $0x0  }
0x1cf: {  	[sflag:s16] =	ssyncadd.s32 $0xFFFFFC00  }
0x1d0: {  	_ =	swait.ge [sflag:s16], $0x400  }
0x1d1: {  	[sflag:s16] =	ssyncset.done $0x0  }
0x1d2: {  	[sflag:s16] =	ssyncadd.s32 $0xFFFFFC00  }
0x1d3: {  	[spmem:s3] =	stream.indirect.scatter.add.f32 [tilespmem:s29], [sflag:$0x2], $0x8, s26, s17, $0xb8;
	[tilespmem:$0x1D800] =	vst v63  }
0x1d4: {  	s1 =	simm.s32 $0x880  }
0x1d5: {  	[spmem:s3] =	stream.indirect.scatter.add.f32 [tilespmem:s19], [sflag:$0x2], $0x8, s1, s17, $0xb8;
	[tilespmem:$0x1D800] =	vst v63  }
0x1d6: {  	s12 =	simm.s32 $0x900  }
0x1d7: {  	[spmem:s3] =	stream.indirect.scatter.add.f32 [tilespmem:s21], [sflag:$0x2], $0x8, s12, s17, $0xb8;
	[tilespmem:$0x1D800] =	vst v63  }
0x1d8: {  	s15 =	simm.s32 $0x980  }
0x1d9: {  	[spmem:s3] =	stream.indirect.scatter.add.f32 [tilespmem:s23], [sflag:$0x2], $0x8, s15, s17, $0xb8;
	[tilespmem:$0x1D800] =	vst v63  }
0x1da: {  	s9 =	simm.s32 $0xA00  }
0x1db: {  	[spmem:s3] =	stream.indirect.scatter.add.f32 [tilespmem:s25], [sflag:$0x2], $0x8, s9, s17, $0xb8;
	[tilespmem:$0x1D800] =	vst v63  }
0x1dc: {  	s24 =	simm.s32 $0xA80  }
0x1dd: {  	[spmem:s3] =	stream.indirect.scatter.add.f32 [tilespmem:s28], [sflag:$0x2], $0x8, s24, s17, $0xb8;
	[tilespmem:$0x1D800] =	vst v63  }
0x1de: {  	s9 =	simm.s32 $0xB00  }
0x1df: {  	[spmem:s3] =	stream.indirect.scatter.add.f32 [tilespmem:s30], [sflag:$0x2], $0x8, s9, s17, $0xb8;
	[tilespmem:$0x1D800] =	vst v63  }
0x1e0: {  	s24 =	simm.s32 $0xB80  }
0x1e1: {  	[spmem:s3] =	stream.indirect.scatter.add.f32 [tilespmem:s0], [sflag:$0x2], $0x8, s24, s17, $0xb8;
	[tilespmem:$0x1D800] =	vst v63  }
0x1e2: {  	s9 =	simm.s32 $0xC00  }
0x1e3: {  	[spmem:s3] =	stream.indirect.scatter.add.f32 [tilespmem:s8], [sflag:$0x2], $0x8, s9, s17, $0xb8;
	[tilespmem:$0x1D800] =	vst v63  }
0x1e4: {  	s24 =	simm.s32 $0xC80  }
0x1e5: {  	[spmem:s3] =	stream.indirect.scatter.add.f32 [tilespmem:s11], [sflag:$0x2], $0x8, s24, s17, $0xb8;
	[tilespmem:$0x1D800] =	vst v63  }
0x1e6: {  	s9 =	simm.s32 $0xD00  }
0x1e7: {  	[spmem:s3] =	stream.indirect.scatter.add.f32 [tilespmem:s31], [sflag:$0x2], $0x8, s9, s17, $0xb8;
	[tilespmem:$0x1D800] =	vst v63  }
0x1e8: {  	s2 =	rddreg [dreg:$0xc]  }
0x1e9: {  	[spmem:s3] =	stream.indirect.scatter.add.f32 [tilespmem:s7], [sflag:$0x2], $0x8, s2, s17, $0xb8;
	[tilespmem:$0x1D800] =	vst v63  }
0x1ea: {  	s24 =	rddreg [dreg:$0xd]  }
0x1eb: {  	[spmem:s3] =	stream.indirect.scatter.add.f32 [tilespmem:s13], [sflag:$0x2], $0x8, s24, s17, $0xb8;
	[tilespmem:$0x1D800] =	vst v63  }
0x1ec: {  	s7 =	rddreg [dreg:$0xe]  }
0x1ed: {  	[spmem:s3] =	stream.indirect.scatter.add.f32 [tilespmem:s14], [sflag:$0x2], $0x8, s7, s17, $0xb8;
	[tilespmem:$0x1D800] =	vst v63  }
0x1ee: {  	s13 =	rddreg [dreg:$0xf]  }
0x1ef: {  	[spmem:s3] =	stream.indirect.scatter.add.f32 [tilespmem:s18], [sflag:$0x2], $0x8, s13, s17, $0xb8;
	[tilespmem:$0x1D800] =	vst v63  }
0x1f0: {  	s7 =	rddreg [dreg:$0x10]  }
0x1f1: {  	[spmem:s3] =	stream.indirect.scatter.add.f32 [tilespmem:s20], [sflag:$0x2], $0x8, s7, s17, $0xb8;
	[tilespmem:$0x1D800] =	vst v63  }
0x1f2: {  	_ =	swait.ge [sflag:s22], $0x400  }
0x1f3: {  	[sflag:s22] =	ssyncset.done $0x0  }
0x1f4: {  	[sflag:s22] =	ssyncadd.s32 $0xFFFFFC00  }
0x1f5: {  	_ =	swait.ge [sflag:s22], $0x400  }
0x1f6: {  	[sflag:s22] =	ssyncset.done $0x0  }
0x1f7: {  	[sflag:s22] =	ssyncadd.s32 $0xFFFFFC00  }
0x1f8: {  	_ =	swait.ge [sflag:s22], $0x400  }
0x1f9: {  	[sflag:s22] =	ssyncset.done $0x0  }
0x1fa: {  	[sflag:s22] =	ssyncadd.s32 $0xFFFFFC00  }
0x1fb: {  	_ =	swait.ge [sflag:s22], $0x400  }
0x1fc: {  	[sflag:s22] =	ssyncset.done $0x0  }
0x1fd: {  	[sflag:s22] =	ssyncadd.s32 $0xFFFFFC00  }
0x1fe: {  	_ =	swait.ge [sflag:s22], $0x400  }
0x1ff: {  	[sflag:s22] =	ssyncset.done $0x0  }
0x200: {  	[sflag:s22] =	ssyncadd.s32 $0xFFFFFC00  }
0x201: {  	_ =	swait.ge [sflag:s22], $0x400  }
0x202: {  	[sflag:s22] =	ssyncset.done $0x0  }
0x203: {  	[sflag:s22] =	ssyncadd.s32 $0xFFFFFC00  }
0x204: {  	_ =	swait.ge [sflag:s22], $0x400  }
0x205: {  	[sflag:s22] =	ssyncset.done $0x0  }
0x206: {  	[sflag:s22] =	ssyncadd.s32 $0xFFFFFC00  }
0x207: {  	_ =	swait.ge [sflag:s22], $0x400  }
0x208: {  	[sflag:s22] =	ssyncset.done $0x0  }
0x209: {  	[sflag:s22] =	ssyncadd.s32 $0xFFFFFC00  }
0x20a: {  	_ =	swait.ge [sflag:s22], $0x400  }
0x20b: {  	[sflag:s22] =	ssyncset.done $0x0  }
0x20c: {  	[sflag:s22] =	ssyncadd.s32 $0xFFFFFC00  }
0x20d: {  	_ =	swait.ge [sflag:s22], $0x400  }
0x20e: {  	[sflag:s22] =	ssyncset.done $0x0  }
0x20f: {  	[sflag:s22] =	ssyncadd.s32 $0xFFFFFC00  }
0x210: {  	_ =	swait.ge [sflag:s22], $0x400  }
0x211: {  	[sflag:s22] =	ssyncset.done $0x0  }
0x212: {  	[sflag:s22] =	ssyncadd.s32 $0xFFFFFC00  }
0x213: {  	_ =	swait.ge [sflag:s22], $0x400  }
0x214: {  	[sflag:s22] =	ssyncset.done $0x0  }
0x215: {  	[sflag:s22] =	ssyncadd.s32 $0xFFFFFC00  }
0x216: {  	_ =	swait.ge [sflag:s22], $0x400  }
0x217: {  	[sflag:s22] =	ssyncset.done $0x0  }
0x218: {  	[sflag:s22] =	ssyncadd.s32 $0xFFFFFC00  }
0x219: {  	_ =	swait.ge [sflag:s22], $0x400  }
0x21a: {  	[sflag:s22] =	ssyncset.done $0x0  }
0x21b: {  	[sflag:s22] =	ssyncadd.s32 $0xFFFFFC00  }
0x21c: {  	_ =	swait.ge [sflag:s22], $0x400  }
0x21d: {  	[sflag:s22] =	ssyncset.done $0x0  }
0x21e: {  	[sflag:s22] =	ssyncadd.s32 $0xFFFFFC00  }
0x21f: {  	_ =	swait.ge [sflag:s22], $0x400  }
0x220: {  	[sflag:s22] =	ssyncset.done $0x0  }
0x221: {  	s13 =	rddreg [dreg:$0x13];
	[sflag:s22] =	ssyncadd.s32 $0xFFFFFC00  }
0x222: {  	[tilespmem:s5], [sflag:$0x1] =	stream.linear.gather [hbm4b:s13+s5], $0x540, $0x38;
	[tilespmem:$0x1D800] =	vst v63  }
0x223: {  	s14 =	rddreg [dreg:$0x14]  }
0x224: {  	[tilespmem:s26], [sflag:$0x1] =	stream.linear.gather [hbm4b:s14+s5], $0x540, $0x38;
	[tilespmem:$0x1D800] =	vst v63  }
0x225: {  	_ =	swait.ge [sflag:s16], $0x540  }
0x226: {  	[sflag:s16] =	ssyncset.done $0x0  }
0x227: {  	[sflag:s16] =	ssyncadd.s32 $0xFFFFFAC0  }
0x228: {  	_ =	swait.ge [sflag:s16], $0x540  }
0x229: {  	[sflag:s16] =	ssyncset.done $0x0  }
0x22a: {  	[sflag:s16] =	ssyncadd.s32 $0xFFFFFAC0  }
0x22b: {  	[tilespmem:s29], [sflag:$0x1] =	stream.indirect.gather [spmem:s4], $0x8, s5, s17, $0xb8;
	[tilespmem:$0x1D800] =	vst v63  }
0x22c: {  	_ = 	snop  }
0x22d: {  	[tilespmem:s19], [sflag:$0x1] =	stream.indirect.gather [spmem:s4], $0x8, s17, s17, $0xb8;
	[tilespmem:$0x1D800] =	vst v63  }
0x22e: {  	s18 =	simm.s32 $0x100  }
0x22f: {  	[tilespmem:s21], [sflag:$0x1] =	stream.indirect.gather [spmem:s4], $0x8, s18, s17, $0xb8;
	[tilespmem:$0x1D800] =	vst v63  }
0x230: {  	s20 =	simm.s32 $0x180  }
0x231: {  	[tilespmem:s23], [sflag:$0x1] =	stream.indirect.gather [spmem:s4], $0x8, s20, s17, $0xb8;
	[tilespmem:$0x1D800] =	vst v63  }
0x232: {  	s24 =	simm.s32 $0x200  }
0x233: {  	[tilespmem:s25], [sflag:$0x1] =	stream.indirect.gather [spmem:s4], $0x8, s24, s17, $0xb8;
	[tilespmem:$0x1D800] =	vst v63  }
0x234: {  	s5 =	simm.s32 $0x280  }
0x235: {  	[tilespmem:s28], [sflag:$0x1] =	stream.indirect.gather [spmem:s4], $0x8, s5, s17, $0xb8;
	[tilespmem:$0x1D800] =	vst v63  }
0x236: {  	s7 =	simm.s32 $0x300  }
0x237: {  	[tilespmem:s30], [sflag:$0x1] =	stream.indirect.gather [spmem:s4], $0x8, s7, s17, $0xb8;
	[tilespmem:$0x1D800] =	vst v63  }
0x238: {  	_ = 	snop  }
0x239: {  	[tilespmem:s0], [sflag:$0x1] =	stream.indirect.gather [spmem:s4], $0x8, s10, s17, $0xb8;
	[tilespmem:$0x1D800] =	vst v63  }
0x23a: {  	s13 =	simm.s32 $0x400  }
0x23b: {  	[tilespmem:s8], [sflag:$0x1] =	stream.indirect.gather [spmem:s4], $0x8, s13, s17, $0xb8;
	[tilespmem:$0x1D800] =	vst v63  }
0x23c: {  	s14 =	simm.s32 $0x480  }
0x23d: {  	[tilespmem:s11], [sflag:$0x1] =	stream.indirect.gather [spmem:s4], $0x8, s14, s17, $0xb8;
	[tilespmem:$0x1D800] =	vst v63  }
0x23e: {  	s18 =	simm.s32 $0x40  }
0x23f: {  	[tilespmem:s31], [sflag:$0x1] =	stream.indirect.gather [spmem:s4], $0x8, s6, s18, $0xb8;
	[tilespmem:$0x1D800] =	vst v63  }
0x240: {  	_ =	swait.ge [sflag:s16], $0x400  }
0x241: {  	[sflag:s16] =	ssyncset.done $0x0  }
0x242: {  	[sflag:s16] =	ssyncadd.s32 $0xFFFFFC00  }
0x243: {  	_ =	swait.ge [sflag:s16], $0x400  }
0x244: {  	[sflag:s16] =	ssyncset.done $0x0  }
0x245: {  	[sflag:s16] =	ssyncadd.s32 $0xFFFFFC00  }
0x246: {  	_ =	swait.ge [sflag:s16], $0x400  }
0x247: {  	[sflag:s16] =	ssyncset.done $0x0  }
0x248: {  	[sflag:s16] =	ssyncadd.s32 $0xFFFFFC00  }
0x249: {  	_ =	swait.ge [sflag:s16], $0x400  }
0x24a: {  	[sflag:s16] =	ssyncset.done $0x0  }
0x24b: {  	[sflag:s16] =	ssyncadd.s32 $0xFFFFFC00  }
0x24c: {  	_ =	swait.ge [sflag:s16], $0x400  }
0x24d: {  	[sflag:s16] =	ssyncset.done $0x0  }
0x24e: {  	[sflag:s16] =	ssyncadd.s32 $0xFFFFFC00  }
0x24f: {  	_ =	swait.ge [sflag:s16], $0x400  }
0x250: {  	[sflag:s16] =	ssyncset.done $0x0  }
0x251: {  	[sflag:s16] =	ssyncadd.s32 $0xFFFFFC00  }
0x252: {  	_ =	swait.ge [sflag:s16], $0x400  }
0x253: {  	[sflag:s16] =	ssyncset.done $0x0  }
0x254: {  	[sflag:s16] =	ssyncadd.s32 $0xFFFFFC00  }
0x255: {  	_ =	swait.ge [sflag:s16], $0x400  }
0x256: {  	[sflag:s16] =	ssyncset.done $0x0  }
0x257: {  	[sflag:s16] =	ssyncadd.s32 $0xFFFFFC00  }
0x258: {  	_ =	swait.ge [sflag:s16], $0x400  }
0x259: {  	[sflag:s16] =	ssyncset.done $0x0  }
0x25a: {  	[sflag:s16] =	ssyncadd.s32 $0xFFFFFC00  }
0x25b: {  	_ =	swait.ge [sflag:s16], $0x400  }
0x25c: {  	[sflag:s16] =	ssyncset.done $0x0  }
0x25d: {  	[sflag:s16] =	ssyncadd.s32 $0xFFFFFC00  }
0x25e: {  	_ =	swait.ge [sflag:s16], $0x200  }
0x25f: {  	[sflag:s16] =	ssyncset.done $0x0  }
0x260: {  	[sflag:s16] =	ssyncadd.s32 $0xFFFFFE00  }
0x261: {  	[spmem:s3] =	stream.indirect.scatter.add.f32 [tilespmem:s29], [sflag:$0x2], $0x8, s26, s17, $0xb8;
	[tilespmem:$0x1D800] =	vst v63  }
0x262: {  	_ = 	snop  }
0x263: {  	[spmem:s3] =	stream.indirect.scatter.add.f32 [tilespmem:s19], [sflag:$0x2], $0x8, s1, s17, $0xb8;
	[tilespmem:$0x1D800] =	vst v63  }
0x264: {  	_ = 	snop  }
0x265: {  	[spmem:s3] =	stream.indirect.scatter.add.f32 [tilespmem:s21], [sflag:$0x2], $0x8, s12, s17, $0xb8;
	[tilespmem:$0x1D800] =	vst v63  }
0x266: {  	_ = 	snop  }
0x267: {  	[spmem:s3] =	stream.indirect.scatter.add.f32 [tilespmem:s23], [sflag:$0x2], $0x8, s15, s17, $0xb8;
	[tilespmem:$0x1D800] =	vst v63  }
0x268: {  	s20 =	simm.s32 $0xA00  }
0x269: {  	[spmem:s3] =	stream.indirect.scatter.add.f32 [tilespmem:s25], [sflag:$0x2], $0x8, s20, s17, $0xb8;
	[tilespmem:$0x1D800] =	vst v63  }
0x26a: {  	s21 =	simm.s32 $0xA80  }
0x26b: {  	[spmem:s3] =	stream.indirect.scatter.add.f32 [tilespmem:s28], [sflag:$0x2], $0x8, s21, s17, $0xb8;
	[tilespmem:$0x1D800] =	vst v63  }
0x26c: {  	s23 =	simm.s32 $0xB00  }
0x26d: {  	[spmem:s3] =	stream.indirect.scatter.add.f32 [tilespmem:s30], [sflag:$0x2], $0x8, s23, s17, $0xb8;
	[tilespmem:$0x1D800] =	vst v63  }
0x26e: {  	s24 =	simm.s32 $0xB80  }
0x26f: {  	[spmem:s3] =	stream.indirect.scatter.add.f32 [tilespmem:s0], [sflag:$0x2], $0x8, s24, s17, $0xb8;
	[tilespmem:$0x1D800] =	vst v63  }
0x270: {  	s25 =	simm.s32 $0xC00  }
0x271: {  	[spmem:s3] =	stream.indirect.scatter.add.f32 [tilespmem:s8], [sflag:$0x2], $0x8, s25, s17, $0xb8;
	[tilespmem:$0x1D800] =	vst v63  }
0x272: {  	s26 =	simm.s32 $0xC80  }
0x273: {  	[spmem:s3] =	stream.indirect.scatter.add.f32 [tilespmem:s11], [sflag:$0x2], $0x8, s26, s17, $0xb8;
	[tilespmem:$0x1D800] =	vst v63  }
0x274: {  	_ = 	snop  }
0x275: {  	[spmem:s3] =	stream.indirect.scatter.add.f32 [tilespmem:s31], [sflag:$0x2], $0x8, s9, s18, $0xb8;
	[tilespmem:$0x1D800] =	vst v63  }
0x276: {  	_ =	swait.ge [sflag:s22], $0x400  }
0x277: {  	[sflag:s22] =	ssyncset.done $0x0  }
0x278: {  	[sflag:s22] =	ssyncadd.s32 $0xFFFFFC00  }
0x279: {  	_ =	swait.ge [sflag:s22], $0x400  }
0x27a: {  	[sflag:s22] =	ssyncset.done $0x0  }
0x27b: {  	[sflag:s22] =	ssyncadd.s32 $0xFFFFFC00  }
0x27c: {  	_ =	swait.ge [sflag:s22], $0x400  }
0x27d: {  	[sflag:s22] =	ssyncset.done $0x0  }
0x27e: {  	[sflag:s22] =	ssyncadd.s32 $0xFFFFFC00  }
0x27f: {  	_ =	swait.ge [sflag:s22], $0x400  }
0x280: {  	[sflag:s22] =	ssyncset.done $0x0  }
0x281: {  	[sflag:s22] =	ssyncadd.s32 $0xFFFFFC00  }
0x282: {  	_ =	swait.ge [sflag:s22], $0x400  }
0x283: {  	[sflag:s22] =	ssyncset.done $0x0  }
0x284: {  	[sflag:s22] =	ssyncadd.s32 $0xFFFFFC00  }
0x285: {  	_ =	swait.ge [sflag:s22], $0x400  }
0x286: {  	[sflag:s22] =	ssyncset.done $0x0  }
0x287: {  	[sflag:s22] =	ssyncadd.s32 $0xFFFFFC00  }
0x288: {  	_ =	swait.ge [sflag:s22], $0x400  }
0x289: {  	[sflag:s22] =	ssyncset.done $0x0  }
0x28a: {  	[sflag:s22] =	ssyncadd.s32 $0xFFFFFC00  }
0x28b: {  	_ =	swait.ge [sflag:s22], $0x400  }
0x28c: {  	[sflag:s22] =	ssyncset.done $0x0  }
0x28d: {  	[sflag:s22] =	ssyncadd.s32 $0xFFFFFC00  }
0x28e: {  	_ =	swait.ge [sflag:s22], $0x400  }
0x28f: {  	[sflag:s22] =	ssyncset.done $0x0  }
0x290: {  	[sflag:s22] =	ssyncadd.s32 $0xFFFFFC00  }
0x291: {  	_ =	swait.ge [sflag:s22], $0x400  }
0x292: {  	[sflag:s22] =	ssyncset.done $0x0  }
0x293: {  	[sflag:s22] =	ssyncadd.s32 $0xFFFFFC00  }
0x294: {  	_ =	swait.ge [sflag:s22], $0x200  }
0x295: {  	[sflag:s22] =	ssyncset.done $0x0  }
0x296: {  	[sflag:s22] =	ssyncadd.s32 $0xFFFFFE00  }
0x297: {  	[bflag:$0x0] =	sbarrier.arrive $0xFFFF  }
0x298: {  	s24 =	rddreg [dreg:$0x11]  }
0x299: {  	s28 =	rddreg [dreg:$0x15]  }
0x29a: {  	s29 =	simm.s32 $0x3;
	s26 =	rddreg [dreg:$0x17]  }
0x29b: {  	[hbm:s28], [sflag:s24] =	dma.local [spmem:s26], $0x1880  }
0x29c: {  	_ =	swait.ge [sflag:s29], $0x1880  }
0x29d: {  	s30 =	rddreg [dreg:$0x19]  }
0x29e: {  	s31 =	rddreg [dreg:$0x16];
	s0 =	sadd.s32 $0x1, s30  }
0x29f: {  	p0 =	sne.s32 s0, s31  }
.Ltmp1:
0x2a0: {  	_ = 	snop;
	(pc) =	sbr.rel @p0 .LBB2_1-.Ltmp1, $4  }
0x2a1: {  	_ = 	snop  }
0x2a2: {  	s5 =	simm.s32 $0xD00  }
0x2a3: {  	s10 =	simm.s32 $0xB80;
	s14 =	simm.s32 $0xC00;
	[sflag:s29] =	ssyncset.done $0x0  }
0x2a4: {  	s6 =	simm.s32 $0xC80;
	s1 =	simm.s32 $0xB00;
	[sflag:s29] =	ssyncadd.s32 $0xFFFFE780  }
0x2a5: {  	_ =	sfence.sel $0x180000  }
0x2a6: {  	[bflag:$0x0] =	sbarrier.arrive $0xFFFF  }
0x2a7: {  	_ =	strace $0x9000004D  }
0x2a8: {  	s0 =	stileid.u32;
	[bflag:$0x2] =	sbarrier.arrive $0xFFFF  }
0x2a9: {  	p0 =	sne.s32 s0, $0x0;
	s0 =	rddreg [dreg:$0x4]  }
0x2aa: {  	s0 =	sadd.s32 @!p0 $0x100000, s0  }
0x2ab: {  	[sflag:s0] =	ssyncadd.tile.s32 @!p0 $0x1;
	_ =	shalt  }
.Lfunc_end2:
_tile_overlayer_lowered:
.L_overlay_start_2:
0x2ac: {  	(tag) =	ssettag $0x2  }
0x2ad: {  	s0 =	rddreg [dreg:$0x0];
	s2 =	stileid.u32  }
0x2ae: {  	s1 =	rddreg [dreg:$0x1];
	p0 =	sne.s32 s2, $0x0  }
0x2af: {  	s3 =	rddreg [dreg:$0x2];
	[bflag:$0x3] =	sbarrier.arrive $0xFFFF;
	s2 =	simm.s32 @!p0 $0x1C03  }
0x2b0: {  	[timem:s3], [sflag:s2] =	dma.local @!p0 [hbm:s0], s1  }
0x2b1: {  	s0 =	simm.s32 @!p0 $0x3  }
0x2b2: {  	_ =	swait.ge @!p0 [sflag:s0], s1  }
0x2b3: {  	s1 =	ssub.s32 @!p0 $0x0, s1;
	[sflag:s0] =	ssyncset.done @!p0 $0x0  }
0x2b4: {  	[sflag:s0] =	ssyncadd.s32 @!p0 s1  }
0x2b5: {  	[bflag:$0x3] =	sbarrier.arrive $0xFFFF  }
0x2b6: {  	_ =	shalt  }

// kernel: kernel.8.cloned.1.call-start
scs
__scs_entry_jumppad:
0x0: {  	(pc) =	sbr.rel $0x88, $3  }
0x1: {  	(tag) =	ssettag $0x0;
	lr =	simm.s32 $0x1  }
0x2: {  	[smem:$0x3F9B] =	sst lr;
	_ =	strace $0xD0000000  }
0x3: {  	_ = 	snop  }
0x4: {  	_ = 	snop  }
0x5: {  	_ = 	snop  }
0x6: {  	_ = 	snop  }
0x7: {  	_ = 	snop  }
__scs_overlays_trampoline_lowered:
0x8: {  	[smem:$0x3FAA] =	sst s0  }
0x9: {  	[smem:$0x3FAB] =	sst s1  }
0xa: {  	[smem:$0x3FAC] =	sst s2  }
0xb: {  	[smem:$0x3FAD] =	sst s3  }
0xc: {  	[smem:$0x3FAE] =	sst s4  }
0xd: {  	[smem:$0x3FAF] =	sst s5  }
0xe: {  	[smem:$0x3FB0] =	sst s6  }
0xf: {  	[smem:$0x3FB1] =	sst s7  }
0x10: {  	[smem:$0x3FB2] =	sst s8  }
0x11: {  	[smem:$0x3FB3] =	sst s9;
	s0 =	simm.s32 @!p0 $0x0  }
0x12: {  	s1 =	sld [smem:$0x3F99];
	s0 =	simm.s32 @p0 $0x1  }
0x13: {  	[smem:$0x3FB4] =	sst s0;
	s0 =	simm.s32 @!p1 $0x0  }
0x14: {  	s2 =	sld [smem:$0x3F98];
	s0 =	simm.s32 @p1 $0x1  }
0x15: {  	[smem:$0x3FB5] =	sst s0;
	s0 =	simm.s32 @!p2 $0x0  }
0x16: {  	s3 =	sld [smem:$0x3FDB];
	s0 =	simm.s32 @p2 $0x1  }
0x17: {  	s4 =	simm.s32 $0x1BF5;
	[smem:$0x3FB7] =	sst s0  }
0x18: {  	s0 =	sld [smem:$0x3F9A];
	_ =	swait.ge [sflag:s4], $0x0  }
0x19: {  	s7 =	sld [smem:$0x3F9B]  }
0x1a: {  	s8 =	sadd.s32 $0xFFFFE003, lr  }
0x1b: {  	s9 =	sadd.s32 $0xFFFFFEF7, lr;
	s5 =	simm.s32 $0xFFFFFFFF;
	p2 =	slt.u32 s8, $0xFFFFF086  }
0x1c: {  	p1 =	slt.u32 s9, $0xF7A;
	s5 =	simm.s32 @!p2 $0x0  }
0x1d: {  	s5 =	simm.s32 @p1 $0x1;
	p0 =	seq.s32 s7, s2  }
0x1e: {  	s7 =	smul.u32 @!p0 $0xF7A, s2;
	p2 =	seq.s32 @!p0 s5, $0x0  }
0x1f: {  	s9 =	smul.u32 $0xF7A, s1;
	s8 =	simm.s32 @!p0 $0x1BF5;
	p2 =	por !p2, p0  }
0x20: {  	[sflag:s8] =	ssyncset.s32 @!p0 $0xFFFFF086;
	s6 =	sadd.s32 @!p0 s3, s7;
	s7 =	simm.s32 @!p0 $0x108  }
0x21: {  	s3 =	sadd.s32 s3, s9;
	s6 =	sadd.s32 @!p0 $0x88, s6;
	s7 =	simm.s32 @p2 $0x1082  }
0x22: {  	[simem:s7], [sflag:s8] =	dma.local @!p0 [hbm:s6], $0xF7A  }
0x23: {  	s9 =	sor.u32 $0xD0000000, s2;
	s6 =	simm.s32 $0x108;
	_ =	swait.ge @!p0 [sflag:s8], $0x0  }
0x24: {  	s3 =	sadd.s32 $0x88, s3;
	s6 =	simm.s32 @!p1 $0x1082;
	[sflag:s4] =	ssyncset.s32 $0xFFFFF086  }
0x25: {  	[simem:s6], [sflag:s4] =	dma.local [hbm:s3], $0xF7A  }
0x26: {  	[smem:$0x3F9B] =	sst s1;
	(tag) =	ssettag s2;
	_ =	strace s9  }
0x27: {  	s1 =	sld [smem:$0x3FAB]  }
0x28: {  	s2 =	sld [smem:$0x3FAC]  }
0x29: {  	s4 =	sld [smem:$0x3FAE]  }
0x2a: {  	p0 =	seq.s32 s5, $0x0;
	s5 =	sld [smem:$0x3FAF]  }
0x2b: {  	s6 =	sld [smem:$0x3FB0]  }
0x2c: {  	s7 =	sld [smem:$0x3FB1]  }
0x2d: {  	s3 =	simm.s32 $0x108;
	s8 =	sld [smem:$0x3FB2]  }
0x2e: {  	s3 =	simm.s32 @!p0 $0x1082;
	s9 =	sld [smem:$0x3FB3]  }
0x2f: {  	lr =	sadd.s32 s0, s3;
	s0 =	sld [smem:$0x3FAA]  }
0x30: {  	s3 =	sld [smem:$0x3FAD]  }
0x31: {  	[smem:$0x3FB6] =	sst s10  }
0x32: {  	s10 =	sld [smem:$0x3FB4];
	_ =	sdelay $0x3  }
0x33: {  	p0 =	seq.s32 s10, $0x1;
	s10 =	sld [smem:$0x3FB6];
	_ =	sdelay $0x3  }
0x34: {  	[smem:$0x3FB6] =	sst s10  }
0x35: {  	s10 =	sld [smem:$0x3FB5];
	_ =	sdelay $0x3  }
0x36: {  	p1 =	seq.s32 s10, $0x1;
	s10 =	sld [smem:$0x3FB6];
	_ =	sdelay $0x3  }
0x37: {  	[smem:$0x3FB6] =	sst s10  }
0x38: {  	s10 =	sld [smem:$0x3FB7]  }
0x39: {  	_ = 	snop;
	(pc) =	sbr.ind lr, $3  }
0x3a: {  	_ = 	snop  }
0x3b: {  	_ = 	snop  }
0x3c: {  	p2 =	seq.s32 s10, $0x1;
	s10 =	sld [smem:$0x3FB6]  }
0x3d: {  	_ =	shalt  }
0x3e: {  	_ =	shalt  }
0x3f: {  	_ =	shalt  }
0x40: {  	_ =	shalt  }
0x41: {  	_ =	shalt  }
0x42: {  	_ =	shalt  }
0x43: {  	_ =	shalt  }
0x44: {  	_ =	shalt  }
0x45: {  	_ =	shalt  }
0x46: {  	_ =	shalt  }
0x47: {  	_ =	shalt  }
0x48: {  	_ =	shalt  }
0x49: {  	_ =	shalt  }
0x4a: {  	_ =	shalt  }
0x4b: {  	_ =	shalt  }
0x4c: {  	_ =	shalt  }
0x4d: {  	_ =	shalt  }
0x4e: {  	_ =	shalt  }
0x4f: {  	_ =	shalt  }
0x50: {  	_ =	shalt  }
0x51: {  	_ =	shalt  }
0x52: {  	_ =	shalt  }
0x53: {  	_ =	shalt  }
0x54: {  	_ =	shalt  }
0x55: {  	_ =	shalt  }
0x56: {  	_ =	shalt  }
0x57: {  	_ =	shalt  }
0x58: {  	_ =	shalt  }
0x59: {  	_ =	shalt  }
0x5a: {  	_ =	shalt  }
0x5b: {  	_ =	shalt  }
0x5c: {  	_ =	shalt  }
0x5d: {  	_ =	shalt  }
0x5e: {  	_ =	shalt  }
0x5f: {  	_ =	shalt  }
0x60: {  	_ =	shalt  }
0x61: {  	_ =	shalt  }
0x62: {  	_ =	shalt  }
0x63: {  	_ =	shalt  }
0x64: {  	_ =	shalt  }
0x65: {  	_ =	shalt  }
0x66: {  	_ =	shalt  }
0x67: {  	_ =	shalt  }
0x68: {  	_ =	shalt  }
0x69: {  	_ =	shalt  }
0x6a: {  	_ =	shalt  }
0x6b: {  	_ =	shalt  }
0x6c: {  	_ =	shalt  }
0x6d: {  	_ =	shalt  }
0x6e: {  	_ =	shalt  }
0x6f: {  	_ =	shalt  }
0x70: {  	_ =	shalt  }
0x71: {  	_ =	shalt  }
0x72: {  	_ =	shalt  }
0x73: {  	_ =	shalt  }
0x74: {  	_ =	shalt  }
0x75: {  	_ =	shalt  }
0x76: {  	_ =	shalt  }
0x77: {  	_ =	shalt  }
0x78: {  	_ =	shalt  }
0x79: {  	_ =	shalt  }
0x7a: {  	_ =	shalt  }
0x7b: {  	_ =	shalt  }
0x7c: {  	_ =	shalt  }
0x7d: {  	_ =	shalt  }
0x7e: {  	_ =	shalt  }
0x7f: {  	_ =	shalt  }
0x80: {  	_ =	shalt  }
0x81: {  	_ =	shalt  }
0x82: {  	_ =	shalt  }
0x83: {  	_ =	shalt  }
0x84: {  	_ =	shalt  }
0x85: {  	_ =	shalt  }
0x86: {  	_ =	shalt  }
0x87: {  	_ =	shalt  }
.Lfunc_end0:
.L_simem_size_0:
called_computation_lowered:
.L_overlay_start_0:
0x88: {  	s2 =	sld [smem:$0x3FD9]  }
0x89: {  	s3 =	sld [smem:$0x3FFE];
	_ =	sdelay $0x1  }
0x8a: {  	s1 =	srdreg.scid  }
0x8b: {  	s0 =	sand.u32 $0x1, s1  }
0x8c: {  	s17 =	sshll.u32 s0, $0xA;
	s2 =	sadd.s32 s3, s2  }
0x8d: {  	s2 =	sadd.s32 s2, s17  }
0x8e: {  	[smem:$0x3FC2] =	sst s2  }
0x8f: {  	_ = 	snop  }
0x90: {  	s2 =	sld [smem:$0x3FD0];
	(tm) =	ssettm $0x1  }
0x91: {  	s18 =	sld [smem:$0x3FFB];
	_ =	sdelay $0x3  }
0x92: {  	_ =	strace s18  }
0x93: {  	s3 =	sld [smem:$0x3FFC];
	_ =	sdelay $0x3  }
0x94: {  	_ =	strace s3  }
0x95: {  	s3 =	sld [smem:$0x3FFD];
	_ =	sdelay $0x3  }
0x96: {  	_ =	strace s3  }
0x97: {  	_ =	strace $0x8FFFFFFF  }
0x98: {  	s19 =	sld [smem:$0x3FDB];
	_ =	sdelay $0x1  }
0x99: {  	s4 =	simm.s32 $_scs_section_size  }
0x9a: {  	s5 =	simm.s32 $_size__tile_overlayer_lowered;
	s6 =	simm.s32 $_tile_overlayer_lowered  }
0x9b: {  	s22 =	simm.s32 $0x1BFF;
	s21 =	sshll.u32 s6, $0x1;
	s3 =	sadd.s32 s4, s19  }
0x9c: {  	s7 =	simm.s32 $0x0;
	s20 =	sshll.u32 s5, $0x1;
	s5 =	sadd.s32 s21, s3  }
0x9d: {  	[timem:s7], [sflag:s22] =	dma.local [hbm:s5], s20  }
0x9e: {  	_ =	swait.ge [sflag:s22], s20  }
0x9f: {  	s4 =	ssub.s32 $0x0, s20;
	[sflag:s22] =	ssyncset.done $0x0  }
0xa0: {  	[sflag:s22] =	ssyncadd.s32 s4;
	_ =	sdelay $0x1  }
0xa1: {  	s23 =	simm.s32 $0x1B8B  }
0xa2: {  	_ =	swait.ge [sflag:s23], $0x1  }
0xa3: {  	[sflag:s23] =	ssyncset.done $0x0  }
0xa4: {  	s25 =	simm.s32 $0x1B8E;
	s24 =	sld [smem:$0x3FFE];
	[sflag:s23] =	ssyncadd.s32 $0xFFFFFFFF  }
0xa5: {  	s26 =	simm.s32 $execute0_lowered;
	[smem:$0x3FD2] =	sst s25  }
0xa6: {  	s5 =	sshll.u32 s26, $0x1;
	_ =	strace $0x80000046;
	[dreg:$0x1] =	wrdreg $0xFFFFFFFF  }
0xa7: {  	s28 =	simm.s32 $_size_execute0_lowered;
	s3 =	sadd.s32 s3, s5;
	[dreg:$0x0] =	wrdreg $0x0  }
0xa8: {  	s5 =	sshll.u32 s28, $0x1;
	[dreg:$0x2] =	wrdreg s3  }
0xa9: {  	[dreg:$0x3] =	wrdreg s5  }
0xaa: {  	[dreg:$0x4] =	wrdreg $0xC0  }
0xab: {  	_ =	task [dreg:s7], $0x5FFFF  }
0xac: {  	[dreg:$0x1] =	wrdreg $0xFFFFFFFF  }
0xad: {  	[dreg:$0x0] =	wrdreg $0x60  }
0xae: {  	[dreg:$0x2] =	wrdreg s24  }
0xaf: {  	[dreg:$0x3] =	wrdreg s2  }
0xb0: {  	[dreg:$0x4] =	wrdreg $0x8800  }
0xb1: {  	[dreg:$0x5] =	wrdreg $0x9  }
0xb2: {  	_ =	task.clear_ibuf [dreg:s7], $0x6FFFF;
	_ =	strace $0x90000046  }
0xb3: {  	s29 =	simm.s32 $0x9;
	_ =	strace $0x80000048  }
0xb4: {  	_ =	swait.ge [sflag:s29], $0x1  }
0xb5: {  	[sflag:s29] =	ssyncadd.s32 $0xFFFFFFFF  }
0xb6: {  	_ =	strace $0x90000048  }
0xb7: {  	_ =	sfence  }
0xb8: {  	s30 =	sld [smem:$0x0];
	_ =	sdelay $0x2  }
0xb9: {  	s31 =	sshll.u32 s1, $0xD;
	s1 =	sshrl.u32 s1, $0x2  }
0xba: {  	s3 =	sand.u32 $0x4000, s31;
	s1 =	sadd.s32 s1, s30  }
0xbb: {  	s0 =	sor.u32 s3, s0;
	s1 =	sshll.u32 s1, $0x11  }
0xbc: {  	s0 =	sor.u32 s1, s0  }
0xbd: {  	s0 =	sadd.s32 $0x8F2B, s0  }
0xbe: {  	[sflag:s0] =	ssyncadd.remote.s32 $0x1  }
0xbf: {  	_ =	sfence.sel $0xFFFF  }
0xc0: {  	[dreg:$0x0] =	wrdreg $0xFFFFFFFF;
	(pc) =	sbr.abs _section_cstart, $3  }
0xc1: {  	[dreg:$0x1] =	wrdreg $0xFFFFFFFF  }
0xc2: {  	_ =	task.clear_ibuf [dreg:s7], $0x2FFFF;
	_ =	strace $0x9FFFFFFF  }
0xc3: {  	(tm) =	ssettm $0x7FFFFFFF  }
tec
execute0_lowered:
.L_overlay_start_1:
0x0: {  	(tag) =	ssettag $0x1  }
0x1: {  	s0 =	rddreg [dreg:$0x0]  }
0x2: {  	s3 =	rddreg [dreg:$0x2]  }
0x3: {  	s1 =	srdreg.scid;
	s12 =	stileid.u32  }
0x4: {  	s4 =	simm.s32 $0x0;
	s13 =	simm.s32 $0x800;
	s14 =	simm.s32 $0x80  }
0x5: {  	s15 =	simm.s32 $0x100;
	s16 =	simm.s32 $0x180;
	s17 =	simm.s32 $0x200  }
0x6: {  	s18 =	simm.s32 $0x280;
	s19 =	simm.s32 $0x300;
	s20 =	simm.s32 $0x380  }
0x7: {  	s21 =	simm.s32 $0x400;
	s22 =	simm.s32 $0x480;
	s28 =	simm.s32 $0x700  }
0x8: {  	s29 =	simm.s32 $0x780;
	s30 =	simm.s32 $0x1;
	s1 =	sand.u32 $0x1, s1  }
0x9: {  	s2 =	smul.u32 $0x1880, s12;
	[smem:$0x7FF] =	sst s4;
	s10 =	sadd.s32 $0x1C00, s0  }
0xa: {  	s23 =	sadd.s32 $0x188800, s0;
	s9 =	smul.u32 $0x30D40, s12;
	s26 =	sshll.u32 s12, $0x6  }
0xb: {  	s6 =	smul.u32 $0x18800, s1;
	s5 =	sshll.u32 s1, $0x4;
	_ =	strace $0x80000047  }
0xc: {  	[dreg:$0x4] =	wrdreg s23;
	s8 =	ssub.s32 $0x2, s1;
	s1 =	smul.u32 $0x30D400, s1  }
0xd: {  	s23 =	simm.s32 $0x500;
	s7 =	sor.u32 s12, s5;
	s24 =	sshrl.u32 s8, $0x1  }
0xe: {  	s12 =	simm.s32 $0x2;
	s6 =	sadd.s32 s2, s6;
	s7 =	smul.u32 $0x30D40, s7  }
0xf: {  	s11 =	ssub.s32 s8, s24;
	s2 =	sadd.s32 s2, s3;
	s1 =	sadd.s32 s9, s1  }
0x10: {  	s24 =	simm.s32 $0x580;
	s6 =	sshrl.u32 s6, $0x3;
	s1 =	sshrl.u32 s1, $0x3  }
0x11: {  	s9 =	smax.u32 s11, $0x1;
	s11 =	sshrl.u32 s2, $0x3;
	s0 =	sadd.s32 s6, s0  }
0x12: {  	s25 =	sshrl.u32 s7, $0x3;
	s6 =	sor.u32 $0x1C02, s26;
	s26 =	simm.s32 $0x680  }
0x13: {  	s31 =	sadd.s32 s10, s25;
	s8 =	sadd.s32 $0x188A00, s0;
	s10 =	sadd.s32 s1, s10  }
0x14: {  	s25 =	simm.s32 $0x600;
	s0 =	simm.s32 $0x0;
	s7 =	sadd.s32 $0x6100, s31  }
.LBB2_1:
0x15: {  	s1 =	rddreg [dreg:$0x1]  }
0x16: {  	[spmem:s11], [sflag:s6] =	dma.local [hbm:s1], $0x310  }
0x17: {  	_ =	swait.ge [sflag:s12], $0x310  }
0x18: {  	[sflag:s12] =	ssyncset.done $0x0  }
0x19: {  	s5 =	rddreg [dreg:$0x4];
	[sflag:s12] =	ssyncadd.s32 $0xFFFFFCF0  }
0x1a: {  	[tilespmem:s13], [sflag:$0x2] =	stream.linear.gather [hbm4b:s5+s4], $0x80, $0x38;
	[tilespmem:$0x2100] =	vst v63  }
0x1b: {  	_ =	swait.ge [sflag:s12], $0x80  }
0x1c: {  	[sflag:s12] =	ssyncset.done $0x0  }
0x1d: {  	[sflag:s12] =	ssyncadd.s32 $0xFFFFFF80  }
0x1e: {  	s31 =	sadd.s32 $0x0, s10;
	[bflag:$0x0] =	sbarrier.arrive $0xFFFF  }
0x1f: {  	[tilespmem:s4], [sflag:$0x2] =	stream.linear.gather [hbm4b:s31+s4], $0x800, $0x38;
	[tilespmem:$0x2100] =	vst v63  }
0x20: {  	_ =	swait.ge [sflag:s12], $0x800  }
0x21: {  	[sflag:s12] =	ssyncset.done $0x0  }
0x22: {  	[sflag:s12] =	ssyncadd.s32 $0xFFFFF800  }
0x23: {  	[spmem:s3] =	stream.indirect.scatter.add.f32 [tilespmem:s13], [sflag:$0x1], $0x1, s4, s14, $0xb8;
	[tilespmem:$0x2100] =	vst v63  }
0x24: {  	_ = 	snop  }
0x25: {  	[spmem:s3] =	stream.indirect.scatter.add.f32 [tilespmem:s13], [sflag:$0x1], $0x1, s14, s14, $0xb8;
	[tilespmem:$0x2100] =	vst v63  }
0x26: {  	_ = 	snop  }
0x27: {  	[spmem:s3] =	stream.indirect.scatter.add.f32 [tilespmem:s13], [sflag:$0x1], $0x1, s15, s14, $0xb8;
	[tilespmem:$0x2100] =	vst v63  }
0x28: {  	_ = 	snop  }
0x29: {  	[spmem:s3] =	stream.indirect.scatter.add.f32 [tilespmem:s13], [sflag:$0x1], $0x1, s16, s14, $0xb8;
	[tilespmem:$0x2100] =	vst v63  }
0x2a: {  	_ = 	snop  }
0x2b: {  	[spmem:s3] =	stream.indirect.scatter.add.f32 [tilespmem:s13], [sflag:$0x1], $0x1, s17, s14, $0xb8;
	[tilespmem:$0x2100] =	vst v63  }
0x2c: {  	_ = 	snop  }
0x2d: {  	[spmem:s3] =	stream.indirect.scatter.add.f32 [tilespmem:s13], [sflag:$0x1], $0x1, s18, s14, $0xb8;
	[tilespmem:$0x2100] =	vst v63  }
0x2e: {  	_ = 	snop  }
0x2f: {  	[spmem:s3] =	stream.indirect.scatter.add.f32 [tilespmem:s13], [sflag:$0x1], $0x1, s19, s14, $0xb8;
	[tilespmem:$0x2100] =	vst v63  }
0x30: {  	_ = 	snop  }
0x31: {  	[spmem:s3] =	stream.indirect.scatter.add.f32 [tilespmem:s13], [sflag:$0x1], $0x1, s20, s14, $0xb8;
	[tilespmem:$0x2100] =	vst v63  }
0x32: {  	_ = 	snop  }
0x33: {  	[spmem:s3] =	stream.indirect.scatter.add.f32 [tilespmem:s13], [sflag:$0x1], $0x1, s21, s14, $0xb8;
	[tilespmem:$0x2100] =	vst v63  }
0x34: {  	_ = 	snop  }
0x35: {  	[spmem:s3] =	stream.indirect.scatter.add.f32 [tilespmem:s13], [sflag:$0x1], $0x1, s22, s14, $0xb8;
	[tilespmem:$0x2100] =	vst v63  }
0x36: {  	_ = 	snop  }
0x37: {  	[spmem:s3] =	stream.indirect.scatter.add.f32 [tilespmem:s13], [sflag:$0x1], $0x1, s23, s14, $0xb8;
	[tilespmem:$0x2100] =	vst v63  }
0x38: {  	_ = 	snop  }
0x39: {  	[spmem:s3] =	stream.indirect.scatter.add.f32 [tilespmem:s13], [sflag:$0x1], $0x1, s24, s14, $0xb8;
	[tilespmem:$0x2100] =	vst v63  }
0x3a: {  	_ = 	snop  }
0x3b: {  	[spmem:s3] =	stream.indirect.scatter.add.f32 [tilespmem:s13], [sflag:$0x1], $0x1, s25, s14, $0xb8;
	[tilespmem:$0x2100] =	vst v63  }
0x3c: {  	_ = 	snop  }
0x3d: {  	[spmem:s3] =	stream.indirect.scatter.add.f32 [tilespmem:s13], [sflag:$0x1], $0x1, s26, s14, $0xb8;
	[tilespmem:$0x2100] =	vst v63  }
0x3e: {  	_ = 	snop  }
0x3f: {  	[spmem:s3] =	stream.indirect.scatter.add.f32 [tilespmem:s13], [sflag:$0x1], $0x1, s28, s14, $0xb8;
	[tilespmem:$0x2100] =	vst v63  }
0x40: {  	_ = 	snop  }
0x41: {  	[spmem:s3] =	stream.indirect.scatter.add.f32 [tilespmem:s13], [sflag:$0x1], $0x1, s29, s14, $0xb8;
	[tilespmem:$0x2100] =	vst v63  }
0x42: {  	_ =	swait.ge [sflag:s30], $0x80  }
0x43: {  	[sflag:s30] =	ssyncset.done $0x0  }
0x44: {  	[sflag:s30] =	ssyncadd.s32 $0xFFFFFF80  }
0x45: {  	_ =	swait.ge [sflag:s30], $0x80  }
0x46: {  	[sflag:s30] =	ssyncset.done $0x0  }
0x47: {  	[sflag:s30] =	ssyncadd.s32 $0xFFFFFF80  }
0x48: {  	_ =	swait.ge [sflag:s30], $0x80  }
0x49: {  	[sflag:s30] =	ssyncset.done $0x0  }
0x4a: {  	[sflag:s30] =	ssyncadd.s32 $0xFFFFFF80  }
0x4b: {  	_ =	swait.ge [sflag:s30], $0x80  }
0x4c: {  	[sflag:s30] =	ssyncset.done $0x0  }
0x4d: {  	[sflag:s30] =	ssyncadd.s32 $0xFFFFFF80  }
0x4e: {  	_ =	swait.ge [sflag:s30], $0x80  }
0x4f: {  	[sflag:s30] =	ssyncset.done $0x0  }
0x50: {  	[sflag:s30] =	ssyncadd.s32 $0xFFFFFF80  }
0x51: {  	_ =	swait.ge [sflag:s30], $0x80  }
0x52: {  	[sflag:s30] =	ssyncset.done $0x0  }
0x53: {  	[sflag:s30] =	ssyncadd.s32 $0xFFFFFF80  }
0x54: {  	_ =	swait.ge [sflag:s30], $0x80  }
0x55: {  	[sflag:s30] =	ssyncset.done $0x0  }
0x56: {  	[sflag:s30] =	ssyncadd.s32 $0xFFFFFF80  }
0x57: {  	_ =	swait.ge [sflag:s30], $0x80  }
0x58: {  	[sflag:s30] =	ssyncset.done $0x0  }
0x59: {  	[sflag:s30] =	ssyncadd.s32 $0xFFFFFF80  }
0x5a: {  	_ =	swait.ge [sflag:s30], $0x80  }
0x5b: {  	[sflag:s30] =	ssyncset.done $0x0  }
0x5c: {  	[sflag:s30] =	ssyncadd.s32 $0xFFFFFF80  }
0x5d: {  	_ =	swait.ge [sflag:s30], $0x80  }
0x5e: {  	[sflag:s30] =	ssyncset.done $0x0  }
0x5f: {  	[sflag:s30] =	ssyncadd.s32 $0xFFFFFF80  }
0x60: {  	_ =	swait.ge [sflag:s30], $0x80  }
0x61: {  	[sflag:s30] =	ssyncset.done $0x0  }
0x62: {  	[sflag:s30] =	ssyncadd.s32 $0xFFFFFF80  }
0x63: {  	_ =	swait.ge [sflag:s30], $0x80  }
0x64: {  	[sflag:s30] =	ssyncset.done $0x0  }
0x65: {  	[sflag:s30] =	ssyncadd.s32 $0xFFFFFF80  }
0x66: {  	_ =	swait.ge [sflag:s30], $0x80  }
0x67: {  	[sflag:s30] =	ssyncset.done $0x0  }
0x68: {  	[sflag:s30] =	ssyncadd.s32 $0xFFFFFF80  }
0x69: {  	_ =	swait.ge [sflag:s30], $0x80  }
0x6a: {  	[sflag:s30] =	ssyncset.done $0x0  }
0x6b: {  	[sflag:s30] =	ssyncadd.s32 $0xFFFFFF80  }
0x6c: {  	_ =	swait.ge [sflag:s30], $0x80  }
0x6d: {  	[sflag:s30] =	ssyncset.done $0x0  }
0x6e: {  	[sflag:s30] =	ssyncadd.s32 $0xFFFFFF80  }
0x6f: {  	_ =	swait.ge [sflag:s30], $0x80  }
0x70: {  	s2 =	simm.s32 $0x200;
	s1 =	simm.s32 $0x100;
	[sflag:s30] =	ssyncset.done $0x0  }
.LBB2_2:
0x71: {  	s5 =	sadd.s32 s1, s10  }
0x72: {  	[sflag:s30] =	ssyncadd.s32 $0xFFFFFF80;
	s1 =	smov.u32 s2;
	s31 =	sadd.s32 $0x100, s2  }
0x73: {  	[tilespmem:s4], [sflag:$0x2] =	stream.linear.gather [hbm4b:s5+s4], $0x800, $0x38;
	[tilespmem:$0x2100] =	vst v63  }
0x74: {  	p0 =	sne.s32 s2, $0x6000;
	_ =	swait.ge [sflag:s12], $0x800  }
0x75: {  	[sflag:s12] =	ssyncset.done $0x0  }
0x76: {  	[sflag:s12] =	ssyncadd.s32 $0xFFFFF800  }
0x77: {  	[spmem:s3] =	stream.indirect.scatter.add.f32 [tilespmem:s13], [sflag:$0x1], $0x1, s4, s14, $0xb8;
	[tilespmem:$0x2100] =	vst v63  }
0x78: {  	_ = 	snop  }
0x79: {  	[spmem:s3] =	stream.indirect.scatter.add.f32 [tilespmem:s13], [sflag:$0x1], $0x1, s14, s14, $0xb8;
	[tilespmem:$0x2100] =	vst v63  }
0x7a: {  	_ = 	snop  }
0x7b: {  	[spmem:s3] =	stream.indirect.scatter.add.f32 [tilespmem:s13], [sflag:$0x1], $0x1, s15, s14, $0xb8;
	[tilespmem:$0x2100] =	vst v63  }
0x7c: {  	_ = 	snop  }
0x7d: {  	[spmem:s3] =	stream.indirect.scatter.add.f32 [tilespmem:s13], [sflag:$0x1], $0x1, s16, s14, $0xb8;
	[tilespmem:$0x2100] =	vst v63  }
0x7e: {  	_ = 	snop  }
0x7f: {  	[spmem:s3] =	stream.indirect.scatter.add.f32 [tilespmem:s13], [sflag:$0x1], $0x1, s17, s14, $0xb8;
	[tilespmem:$0x2100] =	vst v63  }
0x80: {  	_ = 	snop  }
0x81: {  	[spmem:s3] =	stream.indirect.scatter.add.f32 [tilespmem:s13], [sflag:$0x1], $0x1, s18, s14, $0xb8;
	[tilespmem:$0x2100] =	vst v63  }
0x82: {  	_ = 	snop  }
0x83: {  	[spmem:s3] =	stream.indirect.scatter.add.f32 [tilespmem:s13], [sflag:$0x1], $0x1, s19, s14, $0xb8;
	[tilespmem:$0x2100] =	vst v63  }
0x84: {  	_ = 	snop  }
0x85: {  	[spmem:s3] =	stream.indirect.scatter.add.f32 [tilespmem:s13], [sflag:$0x1], $0x1, s20, s14, $0xb8;
	[tilespmem:$0x2100] =	vst v63  }
0x86: {  	_ = 	snop  }
0x87: {  	[spmem:s3] =	stream.indirect.scatter.add.f32 [tilespmem:s13], [sflag:$0x1], $0x1, s21, s14, $0xb8;
	[tilespmem:$0x2100] =	vst v63  }
0x88: {  	_ = 	snop  }
0x89: {  	[spmem:s3] =	stream.indirect.scatter.add.f32 [tilespmem:s13], [sflag:$0x1], $0x1, s22, s14, $0xb8;
	[tilespmem:$0x2100] =	vst v63  }
0x8a: {  	_ = 	snop  }
0x8b: {  	[spmem:s3] =	stream.indirect.scatter.add.f32 [tilespmem:s13], [sflag:$0x1], $0x1, s23, s14, $0xb8;
	[tilespmem:$0x2100] =	vst v63  }
0x8c: {  	_ = 	snop  }
0x8d: {  	[spmem:s3] =	stream.indirect.scatter.add.f32 [tilespmem:s13], [sflag:$0x1], $0x1, s24, s14, $0xb8;
	[tilespmem:$0x2100] =	vst v63  }
0x8e: {  	_ = 	snop  }
0x8f: {  	[spmem:s3] =	stream.indirect.scatter.add.f32 [tilespmem:s13], [sflag:$0x1], $0x1, s25, s14, $0xb8;
	[tilespmem:$0x2100] =	vst v63  }
0x90: {  	_ = 	snop  }
0x91: {  	[spmem:s3] =	stream.indirect.scatter.add.f32 [tilespmem:s13], [sflag:$0x1], $0x1, s26, s14, $0xb8;
	[tilespmem:$0x2100] =	vst v63  }
0x92: {  	_ = 	snop  }
0x93: {  	[spmem:s3] =	stream.indirect.scatter.add.f32 [tilespmem:s13], [sflag:$0x1], $0x1, s28, s14, $0xb8;
	[tilespmem:$0x2100] =	vst v63  }
0x94: {  	_ = 	snop  }
0x95: {  	[spmem:s3] =	stream.indirect.scatter.add.f32 [tilespmem:s13], [sflag:$0x1], $0x1, s29, s14, $0xb8;
	[tilespmem:$0x2100] =	vst v63  }
0x96: {  	_ =	swait.ge [sflag:s30], $0x80  }
0x97: {  	[sflag:s30] =	ssyncset.done $0x0  }
0x98: {  	[sflag:s30] =	ssyncadd.s32 $0xFFFFFF80  }
0x99: {  	_ =	swait.ge [sflag:s30], $0x80  }
0x9a: {  	[sflag:s30] =	ssyncset.done $0x0  }
0x9b: {  	[sflag:s30] =	ssyncadd.s32 $0xFFFFFF80  }
0x9c: {  	_ =	swait.ge [sflag:s30], $0x80  }
0x9d: {  	[sflag:s30] =	ssyncset.done $0x0  }
0x9e: {  	[sflag:s30] =	ssyncadd.s32 $0xFFFFFF80  }
0x9f: {  	_ =	swait.ge [sflag:s30], $0x80  }
0xa0: {  	[sflag:s30] =	ssyncset.done $0x0  }
0xa1: {  	[sflag:s30] =	ssyncadd.s32 $0xFFFFFF80  }
0xa2: {  	_ =	swait.ge [sflag:s30], $0x80  }
0xa3: {  	[sflag:s30] =	ssyncset.done $0x0  }
0xa4: {  	[sflag:s30] =	ssyncadd.s32 $0xFFFFFF80  }
0xa5: {  	_ =	swait.ge [sflag:s30], $0x80  }
0xa6: {  	[sflag:s30] =	ssyncset.done $0x0  }
0xa7: {  	[sflag:s30] =	ssyncadd.s32 $0xFFFFFF80  }
0xa8: {  	_ =	swait.ge [sflag:s30], $0x80  }
0xa9: {  	[sflag:s30] =	ssyncset.done $0x0  }
0xaa: {  	[sflag:s30] =	ssyncadd.s32 $0xFFFFFF80  }
0xab: {  	_ =	swait.ge [sflag:s30], $0x80  }
0xac: {  	[sflag:s30] =	ssyncset.done $0x0  }
0xad: {  	[sflag:s30] =	ssyncadd.s32 $0xFFFFFF80  }
0xae: {  	_ =	swait.ge [sflag:s30], $0x80  }
0xaf: {  	[sflag:s30] =	ssyncset.done $0x0  }
0xb0: {  	[sflag:s30] =	ssyncadd.s32 $0xFFFFFF80  }
0xb1: {  	_ =	swait.ge [sflag:s30], $0x80  }
0xb2: {  	[sflag:s30] =	ssyncset.done $0x0  }
0xb3: {  	[sflag:s30] =	ssyncadd.s32 $0xFFFFFF80  }
0xb4: {  	_ =	swait.ge [sflag:s30], $0x80  }
0xb5: {  	[sflag:s30] =	ssyncset.done $0x0  }
0xb6: {  	[sflag:s30] =	ssyncadd.s32 $0xFFFFFF80  }
0xb7: {  	_ =	swait.ge [sflag:s30], $0x80  }
0xb8: {  	[sflag:s30] =	ssyncset.done $0x0  }
0xb9: {  	[sflag:s30] =	ssyncadd.s32 $0xFFFFFF80  }
0xba: {  	_ =	swait.ge [sflag:s30], $0x80  }
0xbb: {  	[sflag:s30] =	ssyncset.done $0x0  }
0xbc: {  	[sflag:s30] =	ssyncadd.s32 $0xFFFFFF80  }
0xbd: {  	_ =	swait.ge [sflag:s30], $0x80  }
0xbe: {  	[sflag:s30] =	ssyncset.done $0x0  }
0xbf: {  	[sflag:s30] =	ssyncadd.s32 $0xFFFFFF80  }
.Ltmp0:
0xc0: {  	_ =	swait.ge [sflag:s30], $0x80;
	(pc) =	sbr.rel @p0 .LBB2_2-.Ltmp0, $4  }
0xc1: {  	[sflag:s30] =	ssyncset.done $0x0  }
0xc2: {  	[sflag:s30] =	ssyncadd.s32 $0xFFFFFF80  }
0xc3: {  	_ =	swait.ge [sflag:s30], $0x80  }
0xc4: {  	s2 =	smov.u32 s31;
	[sflag:s30] =	ssyncset.done $0x0  }
0xc5: {  	s1 =	sadd.s32 s1, s10;
	[sflag:s30] =	ssyncadd.s32 $0xFFFFFF80  }
0xc6: {  	[tilespmem:s4], [sflag:$0x2] =	stream.linear.gather [hbm4b:s1+s4], $0x800, $0x38;
	[tilespmem:$0x2100] =	vst v63  }
0xc7: {  	_ =	swait.ge [sflag:s12], $0x800  }
0xc8: {  	[sflag:s12] =	ssyncset.done $0x0  }
0xc9: {  	[sflag:s12] =	ssyncadd.s32 $0xFFFFF800  }
0xca: {  	[spmem:s3] =	stream.indirect.scatter.add.f32 [tilespmem:s13], [sflag:$0x1], $0x1, s4, s14, $0xb8;
	[tilespmem:$0x2100] =	vst v63  }
0xcb: {  	_ = 	snop  }
0xcc: {  	[spmem:s3] =	stream.indirect.scatter.add.f32 [tilespmem:s13], [sflag:$0x1], $0x1, s14, s14, $0xb8;
	[tilespmem:$0x2100] =	vst v63  }
0xcd: {  	_ = 	snop  }
0xce: {  	[spmem:s3] =	stream.indirect.scatter.add.f32 [tilespmem:s13], [sflag:$0x1], $0x1, s15, s14, $0xb8;
	[tilespmem:$0x2100] =	vst v63  }
0xcf: {  	_ = 	snop  }
0xd0: {  	[spmem:s3] =	stream.indirect.scatter.add.f32 [tilespmem:s13], [sflag:$0x1], $0x1, s16, s14, $0xb8;
	[tilespmem:$0x2100] =	vst v63  }
0xd1: {  	_ = 	snop  }
0xd2: {  	[spmem:s3] =	stream.indirect.scatter.add.f32 [tilespmem:s13], [sflag:$0x1], $0x1, s17, s14, $0xb8;
	[tilespmem:$0x2100] =	vst v63  }
0xd3: {  	_ = 	snop  }
0xd4: {  	[spmem:s3] =	stream.indirect.scatter.add.f32 [tilespmem:s13], [sflag:$0x1], $0x1, s18, s14, $0xb8;
	[tilespmem:$0x2100] =	vst v63  }
0xd5: {  	_ = 	snop  }
0xd6: {  	[spmem:s3] =	stream.indirect.scatter.add.f32 [tilespmem:s13], [sflag:$0x1], $0x1, s19, s14, $0xb8;
	[tilespmem:$0x2100] =	vst v63  }
0xd7: {  	_ = 	snop  }
0xd8: {  	[spmem:s3] =	stream.indirect.scatter.add.f32 [tilespmem:s13], [sflag:$0x1], $0x1, s20, s14, $0xb8;
	[tilespmem:$0x2100] =	vst v63  }
0xd9: {  	_ = 	snop  }
0xda: {  	[spmem:s3] =	stream.indirect.scatter.add.f32 [tilespmem:s13], [sflag:$0x1], $0x1, s21, s14, $0xb8;
	[tilespmem:$0x2100] =	vst v63  }
0xdb: {  	_ = 	snop  }
0xdc: {  	[spmem:s3] =	stream.indirect.scatter.add.f32 [tilespmem:s13], [sflag:$0x1], $0x1, s22, s14, $0xb8;
	[tilespmem:$0x2100] =	vst v63  }
0xdd: {  	_ = 	snop  }
0xde: {  	[spmem:s3] =	stream.indirect.scatter.add.f32 [tilespmem:s13], [sflag:$0x1], $0x1, s23, s14, $0xb8;
	[tilespmem:$0x2100] =	vst v63  }
0xdf: {  	_ = 	snop  }
0xe0: {  	[spmem:s3] =	stream.indirect.scatter.add.f32 [tilespmem:s13], [sflag:$0x1], $0x1, s24, s14, $0xb8;
	[tilespmem:$0x2100] =	vst v63  }
0xe1: {  	_ = 	snop  }
0xe2: {  	[spmem:s3] =	stream.indirect.scatter.add.f32 [tilespmem:s13], [sflag:$0x1], $0x1, s25, s14, $0xb8;
	[tilespmem:$0x2100] =	vst v63  }
0xe3: {  	_ = 	snop  }
0xe4: {  	[spmem:s3] =	stream.indirect.scatter.add.f32 [tilespmem:s13], [sflag:$0x1], $0x1, s26, s14, $0xb8;
	[tilespmem:$0x2100] =	vst v63  }
0xe5: {  	_ = 	snop  }
0xe6: {  	[spmem:s3] =	stream.indirect.scatter.add.f32 [tilespmem:s13], [sflag:$0x1], $0x1, s28, s14, $0xb8;
	[tilespmem:$0x2100] =	vst v63  }
0xe7: {  	_ = 	snop  }
0xe8: {  	[spmem:s3] =	stream.indirect.scatter.add.f32 [tilespmem:s13], [sflag:$0x1], $0x1, s29, s14, $0xb8;
	[tilespmem:$0x2100] =	vst v63  }
0xe9: {  	_ =	swait.ge [sflag:s30], $0x80  }
0xea: {  	[sflag:s30] =	ssyncset.done $0x0  }
0xeb: {  	[sflag:s30] =	ssyncadd.s32 $0xFFFFFF80  }
0xec: {  	_ =	swait.ge [sflag:s30], $0x80  }
0xed: {  	[sflag:s30] =	ssyncset.done $0x0  }
0xee: {  	[sflag:s30] =	ssyncadd.s32 $0xFFFFFF80  }
0xef: {  	_ =	swait.ge [sflag:s30], $0x80  }
0xf0: {  	[sflag:s30] =	ssyncset.done $0x0  }
0xf1: {  	[sflag:s30] =	ssyncadd.s32 $0xFFFFFF80  }
0xf2: {  	_ =	swait.ge [sflag:s30], $0x80  }
0xf3: {  	[sflag:s30] =	ssyncset.done $0x0  }
0xf4: {  	[sflag:s30] =	ssyncadd.s32 $0xFFFFFF80  }
0xf5: {  	_ =	swait.ge [sflag:s30], $0x80  }
0xf6: {  	[sflag:s30] =	ssyncset.done $0x0  }
0xf7: {  	[sflag:s30] =	ssyncadd.s32 $0xFFFFFF80  }
0xf8: {  	_ =	swait.ge [sflag:s30], $0x80  }
0xf9: {  	[sflag:s30] =	ssyncset.done $0x0  }
0xfa: {  	[sflag:s30] =	ssyncadd.s32 $0xFFFFFF80  }
0xfb: {  	_ =	swait.ge [sflag:s30], $0x80  }
0xfc: {  	[sflag:s30] =	ssyncset.done $0x0  }
0xfd: {  	[sflag:s30] =	ssyncadd.s32 $0xFFFFFF80  }
0xfe: {  	_ =	swait.ge [sflag:s30], $0x80  }
0xff: {  	[sflag:s30] =	ssyncset.done $0x0  }
0x100: {  	[sflag:s30] =	ssyncadd.s32 $0xFFFFFF80  }
0x101: {  	_ =	swait.ge [sflag:s30], $0x80  }
0x102: {  	[sflag:s30] =	ssyncset.done $0x0  }
0x103: {  	[sflag:s30] =	ssyncadd.s32 $0xFFFFFF80  }
0x104: {  	_ =	swait.ge [sflag:s30], $0x80  }
0x105: {  	[sflag:s30] =	ssyncset.done $0x0  }
0x106: {  	[sflag:s30] =	ssyncadd.s32 $0xFFFFFF80  }
0x107: {  	_ =	swait.ge [sflag:s30], $0x80  }
0x108: {  	[sflag:s30] =	ssyncset.done $0x0  }
0x109: {  	[sflag:s30] =	ssyncadd.s32 $0xFFFFFF80  }
0x10a: {  	_ =	swait.ge [sflag:s30], $0x80  }
0x10b: {  	[sflag:s30] =	ssyncset.done $0x0  }
0x10c: {  	[sflag:s30] =	ssyncadd.s32 $0xFFFFFF80  }
0x10d: {  	_ =	swait.ge [sflag:s30], $0x80  }
0x10e: {  	[sflag:s30] =	ssyncset.done $0x0  }
0x10f: {  	[sflag:s30] =	ssyncadd.s32 $0xFFFFFF80  }
0x110: {  	_ =	swait.ge [sflag:s30], $0x80  }
0x111: {  	[sflag:s30] =	ssyncset.done $0x0  }
0x112: {  	[sflag:s30] =	ssyncadd.s32 $0xFFFFFF80  }
0x113: {  	_ =	swait.ge [sflag:s30], $0x80  }
0x114: {  	[sflag:s30] =	ssyncset.done $0x0  }
0x115: {  	[sflag:s30] =	ssyncadd.s32 $0xFFFFFF80  }
0x116: {  	_ =	swait.ge [sflag:s30], $0x80  }
0x117: {  	[sflag:s30] =	ssyncset.done $0x0  }
0x118: {  	[sflag:s30] =	ssyncadd.s32 $0xFFFFFF80  }
0x119: {  	[tilespmem:s4], [sflag:$0x2] =	stream.linear.gather [hbm4b:s7+s4], $0x540, $0x38;
	[tilespmem:$0x2100] =	vst v63  }
0x11a: {  	_ =	swait.ge [sflag:s12], $0x540  }
0x11b: {  	[sflag:s12] =	ssyncset.done $0x0  }
0x11c: {  	[sflag:s12] =	ssyncadd.s32 $0xFFFFFAC0  }
0x11d: {  	[spmem:s3] =	stream.indirect.scatter.add.f32 [tilespmem:s13], [sflag:$0x1], $0x1, s4, s14, $0xb8;
	[tilespmem:$0x2100] =	vst v63  }
0x11e: {  	_ = 	snop  }
0x11f: {  	[spmem:s3] =	stream.indirect.scatter.add.f32 [tilespmem:s13], [sflag:$0x1], $0x1, s14, s14, $0xb8;
	[tilespmem:$0x2100] =	vst v63  }
0x120: {  	_ = 	snop  }
0x121: {  	[spmem:s3] =	stream.indirect.scatter.add.f32 [tilespmem:s13], [sflag:$0x1], $0x1, s15, s14, $0xb8;
	[tilespmem:$0x2100] =	vst v63  }
0x122: {  	_ = 	snop  }
0x123: {  	[spmem:s3] =	stream.indirect.scatter.add.f32 [tilespmem:s13], [sflag:$0x1], $0x1, s16, s14, $0xb8;
	[tilespmem:$0x2100] =	vst v63  }
0x124: {  	_ = 	snop  }
0x125: {  	[spmem:s3] =	stream.indirect.scatter.add.f32 [tilespmem:s13], [sflag:$0x1], $0x1, s17, s14, $0xb8;
	[tilespmem:$0x2100] =	vst v63  }
0x126: {  	_ = 	snop  }
0x127: {  	[spmem:s3] =	stream.indirect.scatter.add.f32 [tilespmem:s13], [sflag:$0x1], $0x1, s18, s14, $0xb8;
	[tilespmem:$0x2100] =	vst v63  }
0x128: {  	_ = 	snop  }
0x129: {  	[spmem:s3] =	stream.indirect.scatter.add.f32 [tilespmem:s13], [sflag:$0x1], $0x1, s19, s14, $0xb8;
	[tilespmem:$0x2100] =	vst v63  }
0x12a: {  	_ = 	snop  }
0x12b: {  	[spmem:s3] =	stream.indirect.scatter.add.f32 [tilespmem:s13], [sflag:$0x1], $0x1, s20, s14, $0xb8;
	[tilespmem:$0x2100] =	vst v63  }
0x12c: {  	_ = 	snop  }
0x12d: {  	[spmem:s3] =	stream.indirect.scatter.add.f32 [tilespmem:s13], [sflag:$0x1], $0x1, s21, s14, $0xb8;
	[tilespmem:$0x2100] =	vst v63  }
0x12e: {  	_ = 	snop  }
0x12f: {  	[spmem:s3] =	stream.indirect.scatter.add.f32 [tilespmem:s13], [sflag:$0x1], $0x1, s22, s14, $0xb8;
	[tilespmem:$0x2100] =	vst v63  }
0x130: {  	s31 =	simm.s32 $0x40  }
0x131: {  	[spmem:s3] =	stream.indirect.scatter.add.f32 [tilespmem:s13], [sflag:$0x1], $0x1, s23, s31, $0xb8;
	[tilespmem:$0x2100] =	vst v63  }
0x132: {  	_ =	swait.ge [sflag:s30], $0x80  }
0x133: {  	[sflag:s30] =	ssyncset.done $0x0  }
0x134: {  	[sflag:s30] =	ssyncadd.s32 $0xFFFFFF80  }
0x135: {  	_ =	swait.ge [sflag:s30], $0x80  }
0x136: {  	[sflag:s30] =	ssyncset.done $0x0  }
0x137: {  	[sflag:s30] =	ssyncadd.s32 $0xFFFFFF80  }
0x138: {  	_ =	swait.ge [sflag:s30], $0x80  }
0x139: {  	[sflag:s30] =	ssyncset.done $0x0  }
0x13a: {  	[sflag:s30] =	ssyncadd.s32 $0xFFFFFF80  }
0x13b: {  	_ =	swait.ge [sflag:s30], $0x80  }
0x13c: {  	[sflag:s30] =	ssyncset.done $0x0  }
0x13d: {  	[sflag:s30] =	ssyncadd.s32 $0xFFFFFF80  }
0x13e: {  	_ =	swait.ge [sflag:s30], $0x80  }
0x13f: {  	[sflag:s30] =	ssyncset.done $0x0  }
0x140: {  	[sflag:s30] =	ssyncadd.s32 $0xFFFFFF80  }
0x141: {  	_ =	swait.ge [sflag:s30], $0x80  }
0x142: {  	[sflag:s30] =	ssyncset.done $0x0  }
0x143: {  	[sflag:s30] =	ssyncadd.s32 $0xFFFFFF80  }
0x144: {  	_ =	swait.ge [sflag:s30], $0x80  }
0x145: {  	[sflag:s30] =	ssyncset.done $0x0  }
0x146: {  	[sflag:s30] =	ssyncadd.s32 $0xFFFFFF80  }
0x147: {  	_ =	swait.ge [sflag:s30], $0x80  }
0x148: {  	[sflag:s30] =	ssyncset.done $0x0  }
0x149: {  	[sflag:s30] =	ssyncadd.s32 $0xFFFFFF80  }
0x14a: {  	_ =	swait.ge [sflag:s30], $0x80  }
0x14b: {  	[sflag:s30] =	ssyncset.done $0x0  }
0x14c: {  	[sflag:s30] =	ssyncadd.s32 $0xFFFFFF80  }
0x14d: {  	_ =	swait.ge [sflag:s30], $0x80  }
0x14e: {  	[sflag:s30] =	ssyncset.done $0x0  }
0x14f: {  	[sflag:s30] =	ssyncadd.s32 $0xFFFFFF80  }
0x150: {  	_ =	swait.ge [sflag:s30], $0x40  }
0x151: {  	s0 =	sadd.s32 $0x1, s0;
	[sflag:s30] =	ssyncset.done $0x0  }
0x152: {  	p0 =	sne.s32 s0, s9;
	[sflag:s30] =	ssyncadd.s32 $0xFFFFFFC0  }
.Ltmp1:
0x153: {  	[bflag:$0x0] =	sbarrier.arrive $0xFFFF;
	(pc) =	sbr.rel @p0 .LBB2_1-.Ltmp1, $4  }
0x154: {  	[hbm:s8], [sflag:s6] =	dma.local [spmem:s11], $0x310  }
0x155: {  	_ =	swait.ge [sflag:s12], $0x310  }
0x156: {  	[sflag:s12] =	ssyncset.done $0x0  }
0x157: {  	[sflag:s12] =	ssyncadd.s32 $0xFFFFFCF0  }
0x158: {  	_ =	sfence.sel $0x180000  }
0x159: {  	[bflag:$0x0] =	sbarrier.arrive $0xFFFF  }
0x15a: {  	_ =	strace $0x90000047  }
0x15b: {  	s0 =	stileid.u32;
	[bflag:$0x2] =	sbarrier.arrive $0xFFFF  }
0x15c: {  	p0 =	sne.s32 s0, $0x0;
	s0 =	rddreg [dreg:$0x3]  }
0x15d: {  	s0 =	sadd.s32 @!p0 $0x100000, s0  }
0x15e: {  	[sflag:s0] =	ssyncadd.tile.s32 @!p0 $0x1;
	_ =	shalt  }
.Lfunc_end2:
_tile_overlayer_lowered:
.L_overlay_start_2:
0x15f: {  	(tag) =	ssettag $0x2  }
0x160: {  	s0 =	rddreg [dreg:$0x0];
	s2 =	stileid.u32  }
0x161: {  	s1 =	rddreg [dreg:$0x1];
	p0 =	sne.s32 s2, $0x0  }
0x162: {  	s3 =	rddreg [dreg:$0x2];
	[bflag:$0x3] =	sbarrier.arrive $0xFFFF;
	s2 =	simm.s32 @!p0 $0x1C02  }
0x163: {  	[timem:s3], [sflag:s2] =	dma.local @!p0 [hbm:s0], s1  }
0x164: {  	s0 =	simm.s32 @!p0 $0x2  }
0x165: {  	_ =	swait.ge @!p0 [sflag:s0], s1  }
0x166: {  	s1 =	ssub.s32 @!p0 $0x0, s1;
	[sflag:s0] =	ssyncset.done @!p0 $0x0  }
0x167: {  	[sflag:s0] =	ssyncadd.s32 @!p0 s1  }
0x168: {  	[bflag:$0x3] =	sbarrier.arrive $0xFFFF  }
0x169: {  	_ =	shalt  }

</sc_bundles>
